<compile_context>
chip_gen: v7x
topology: tpu7x:2x2x1
jax: 0.10.2.dev20260603
libtpu: 0.0.44.dev20260713+nightly
codegen_flags: <defaults>
</compile_context>

<pallas_src>
import jax
import jax.numpy as jnp
from jax import lax
from jax.experimental import pallas as pl
from jax.experimental.pallas import tpu as pltpu
from jax.experimental.pallas import tpu_sc as plsc

VOCAB = 100000
DIM = 768
SEQ = 2048
BATCH = 4

NC = 2
NS = 16
LANES = 16
NW = NC * NS
POSB = SEQ // NW
CHUNK = 8
NGRP = POSB // CHUNK
DSLICES = DIM // LANES


def _body(ids_hbm, vocab_hbm, pos_hbm, out_hbm, idx_v, pos_v,
          r00, r01, r02, r10, r11, r12, r20, r21, r22, r30, r31, r32,
          psem, isem,
          gs00, gs01, gs02, gs10, gs11, gs12, gs20, gs21, gs22,
          gs30, gs31, gs32,
          os00, os01, os02, os10, os11, os12, os20, os21, os22,
          os30, os31, os32):
    rows = [[r00, r01, r02], [r10, r11, r12], [r20, r21, r22],
            [r30, r31, r32]]
    gsem = [[gs00, gs01, gs02], [gs10, gs11, gs12], [gs20, gs21, gs22],
            [gs30, gs31, gs32]]
    osem = [[os00, os01, os02], [os10, os11, os12], [os20, os21, os22],
            [os30, os31, os32]]

    c_i = lax.axis_index("c")
    s_i = lax.axis_index("s")
    wid = s_i * NC + c_i
    pos_base = wid * POSB

    pload = pltpu.async_copy(pos_hbm.at[pl.ds(pos_base, POSB)], pos_v, psem)
    iloads = [pltpu.async_copy(ids_hbm.at[b, pl.ds(pos_base, POSB)],
                               idx_v.at[b], isem) for b in range(BATCH)]
    for il in iloads:
        il.wait()

    g, o = {}, {}

    def gathers(h):
        par = h % 3
        for b in range(BATCH):
            g[(b, h)] = pltpu.async_copy(
                vocab_hbm.at[idx_v.at[b, pl.ds(h * CHUNK, CHUNK)]],
                rows[b][par], gsem[b][par])

    def outs(h):
        par = h % 3
        for b in range(BATCH):
            o[(b, h)] = pltpu.async_copy(
                rows[b][par],
                out_hbm.at[pl.ds(b * SEQ + pos_base + h * CHUNK, CHUNK)],
                osem[b][par])

    gathers(0)
    gathers(1)
    pload.wait()
    for h in range(NGRP):
        par = h % 3
        if h + 2 < NGRP:
            if h >= 1:
                for b in range(BATCH):
                    o[(b, h - 1)].wait()
            gathers(h + 2)
        for b in range(BATCH):
            g[(b, h)].wait()

        def add_group(par=par, h=h):
            @plsc.parallel_loop(0, CHUNK)
            def _row(r):
                rbufs = [rows[b][par].at[r] for b in range(BATCH)]
                pr = pos_v.at[h * CHUNK + r]
                @plsc.parallel_loop(0, DIM, step=LANES, unroll=8)
                def _slice(dd):
                    sl = pl.ds(dd, LANES)
                    pv = pr[sl]
                    for b in range(BATCH):
                        rbufs[b][sl] = rbufs[b][sl] + pv

        add_group()
        outs(h)
    for b in range(BATCH):
        o[(b, NGRP - 3)].wait()
        o[(b, NGRP - 2)].wait()
        o[(b, NGRP - 1)].wait()


@jax.jit
def kernel(input_ids, vocab_W, pos_W):
    ids = input_ids.astype(jnp.int32)
    mesh = plsc.VectorSubcoreMesh(core_axis_name="c", subcore_axis_name="s")
    run = pl.kernel(
        _body,
        out_type=jax.ShapeDtypeStruct((BATCH * SEQ, DIM), jnp.float32),
        mesh=mesh,
        scratch_types=(
            [pltpu.VMEM((BATCH, POSB), jnp.int32),
             pltpu.VMEM((POSB, DIM), jnp.float32)]
            + [pltpu.VMEM((CHUNK, DIM), jnp.float32)
               for _ in range(3 * BATCH)]
            + [pltpu.SemaphoreType.DMA for _ in range(2 + 6 * BATCH)]
        ),
    )
    out = run(ids, vocab_W, pos_W)
    return out.reshape(BATCH, SEQ, DIM)

# --- scband reference (transcript-rebuilt; emitter-appended) ---
"""Pipeline reference for scband-gptembedding-7911329759268 (READ-ONLY COPY).

The authoritative reference and input builder live on the scoring server;
editing this copy changes nothing except your own understanding.
"""

import jax, jax.numpy as jnp
import numpy as np

VOCAB = 100000
DIM = 768
SEQ = 2048
BATCH = 4

def setup_inputs(seed: int = 0) -> dict:
    key = jax.random.key(seed)
    k1, k2, k3 = jax.random.split(key, 3)
    input_ids = jax.random.randint(k1, (BATCH, SEQ), 0, VOCAB, dtype=jnp.int64 if jax.config.jax_enable_x64 else jnp.int32)
    # xavier_normal for embeddings: std = sqrt(2/(fan_in+fan_out))
    std_v = float(np.sqrt(2.0 / (VOCAB + DIM)))
    std_p = float(np.sqrt(2.0 / (SEQ + DIM)))
    vocab_W = jax.random.normal(k2, (VOCAB, DIM), dtype=jnp.float32) * std_v
    pos_W = jax.random.normal(k3, (SEQ, DIM), dtype=jnp.float32) * std_p
    return {"input_ids": input_ids, "vocab_W": vocab_W, "pos_W": pos_W}

def reference(input_ids, vocab_W, pos_W):
    word_embeddings = jnp.take(vocab_W, input_ids, axis=0)  # [B, S, D]
    position_ids = jnp.broadcast_to(jnp.arange(SEQ)[None, :], (input_ids.shape[0], SEQ))
    pos_embeddings = jnp.take(pos_W, position_ids, axis=0)  # [B, S, D]
    embeddings = word_embeddings + pos_embeddings
    return embeddings

if __name__ == "__main__":
    import jax
    _d = setup_inputs()
    print(jax.jit(kernel)(*tuple(_d.values())))

</pallas_src>

<mosaic_0001>
#map = affine_map<(d0, d1) -> (0, 0)>
module attributes {stable_mosaic.version = 14 : i64} {
  func.func @_body(%arg0: i32, %arg1: i32, %arg2: memref<4x2048xi32, #tpu.memory_space<hbm>>, %arg3: memref<100000x768xf32, #tpu.memory_space<hbm>>, %arg4: memref<2048x768xf32, #tpu.memory_space<hbm>>, %arg5: memref<8192x768xf32, #tpu.memory_space<hbm>>, %arg6: memref<4x64xi32, #tpu.memory_space<vmem>>, %arg7: memref<64x768xf32, #tpu.memory_space<vmem>>, %arg8: memref<8x768xf32, #tpu.memory_space<vmem>>, %arg9: memref<8x768xf32, #tpu.memory_space<vmem>>, %arg10: memref<8x768xf32, #tpu.memory_space<vmem>>, %arg11: memref<8x768xf32, #tpu.memory_space<vmem>>, %arg12: memref<8x768xf32, #tpu.memory_space<vmem>>, %arg13: memref<8x768xf32, #tpu.memory_space<vmem>>, %arg14: memref<8x768xf32, #tpu.memory_space<vmem>>, %arg15: memref<8x768xf32, #tpu.memory_space<vmem>>, %arg16: memref<8x768xf32, #tpu.memory_space<vmem>>, %arg17: memref<8x768xf32, #tpu.memory_space<vmem>>, %arg18: memref<8x768xf32, #tpu.memory_space<vmem>>, %arg19: memref<8x768xf32, #tpu.memory_space<vmem>>, %arg20: memref<!tpu.dma_semaphore, #tpu.memory_space<semaphore_mem>>, %arg21: memref<!tpu.dma_semaphore, #tpu.memory_space<semaphore_mem>>, %arg22: memref<!tpu.dma_semaphore, #tpu.memory_space<semaphore_mem>>, %arg23: memref<!tpu.dma_semaphore, #tpu.memory_space<semaphore_mem>>, %arg24: memref<!tpu.dma_semaphore, #tpu.memory_space<semaphore_mem>>, %arg25: memref<!tpu.dma_semaphore, #tpu.memory_space<semaphore_mem>>, %arg26: memref<!tpu.dma_semaphore, #tpu.memory_space<semaphore_mem>>, %arg27: memref<!tpu.dma_semaphore, #tpu.memory_space<semaphore_mem>>, %arg28: memref<!tpu.dma_semaphore, #tpu.memory_space<semaphore_mem>>, %arg29: memref<!tpu.dma_semaphore, #tpu.memory_space<semaphore_mem>>, %arg30: memref<!tpu.dma_semaphore, #tpu.memory_space<semaphore_mem>>, %arg31: memref<!tpu.dma_semaphore, #tpu.memory_space<semaphore_mem>>, %arg32: memref<!tpu.dma_semaphore, #tpu.memory_space<semaphore_mem>>, %arg33: memref<!tpu.dma_semaphore, #tpu.memory_space<semaphore_mem>>, %arg34: memref<!tpu.dma_semaphore, #tpu.memory_space<semaphore_mem>>, %arg35: memref<!tpu.dma_semaphore, #tpu.memory_space<semaphore_mem>>, %arg36: memref<!tpu.dma_semaphore, #tpu.memory_space<semaphore_mem>>, %arg37: memref<!tpu.dma_semaphore, #tpu.memory_space<semaphore_mem>>, %arg38: memref<!tpu.dma_semaphore, #tpu.memory_space<semaphore_mem>>, %arg39: memref<!tpu.dma_semaphore, #tpu.memory_space<semaphore_mem>>, %arg40: memref<!tpu.dma_semaphore, #tpu.memory_space<semaphore_mem>>, %arg41: memref<!tpu.dma_semaphore, #tpu.memory_space<semaphore_mem>>, %arg42: memref<!tpu.dma_semaphore, #tpu.memory_space<semaphore_mem>>, %arg43: memref<!tpu.dma_semaphore, #tpu.memory_space<semaphore_mem>>, %arg44: memref<!tpu.dma_semaphore, #tpu.memory_space<semaphore_mem>>, %arg45: memref<!tpu.dma_semaphore, #tpu.memory_space<semaphore_mem>>) attributes {dimension_semantics = [#tpu.dimension_semantics<core_parallel>, #tpu.dimension_semantics<subcore_parallel>], iteration_bounds = array<i64: 2, 16>, scalar_prefetch = 0 : i64, scratch_operands = 40 : i64, tpu.core_type = #tpu.core_type<sc_vector_subcore>, window_params = [{transform_indices = #map}, {transform_indices = #map}, {transform_indices = #map}, {transform_indices = #map}]} {
    %mul3A = arith.constant 2 : i32
    %mul3A_0 = arith.muli %arg1, %mul3A : i32
    %add3A = arith.addi %mul3A_0, %arg0 : i32
    %mul3A_1 = arith.constant 64 : i32
    %mul3A_2 = arith.muli %add3A, %mul3A_1 : i32
    %dma_start3A = arith.constant 0 : i32
    %dma_start3A_3 = tpu.memref_slice %arg4[%mul3A_2, %dma_start3A] : memref<2048x768xf32, #tpu.memory_space<hbm>> -> memref<64x768xf32, #tpu.memory_space<hbm>>
    %dma_start3A_4 = arith.constant 0 : i32
    %dma_start3A_5 = tpu.memref_slice %arg4[%mul3A_2, %dma_start3A_4] : memref<2048x768xf32, #tpu.memory_space<hbm>> -> memref<64x768xf32, #tpu.memory_space<hbm>>
    tpu.enqueue_dma source(%dma_start3A_5 : memref<64x768xf32, #tpu.memory_space<hbm>>) target(%arg7 : memref<64x768xf32, #tpu.memory_space<vmem>>) target_semaphore(%arg20 : memref<!tpu.dma_semaphore, #tpu.memory_space<semaphore_mem>>)
    %dma_start3A_6 = arith.constant 0 : i32
    %dma_start3A_7 = arith.constant 0 : i32
    %dma_start3A_8 = arith.constant 0 : i32
    %dma_start3A_9 = tpu.memref_slice %arg6[%dma_start3A_7, %dma_start3A_8] : memref<4x64xi32, #tpu.memory_space<vmem>> -> memref<1x64xi32, #tpu.memory_space<vmem>>
    %dma_start3A_10 = tpu.memref_squeeze %dma_start3A_9 : memref<1x64xi32, #tpu.memory_space<vmem>> -> memref<64xi32, #tpu.memory_space<vmem>>
    %dma_start3A_11 = tpu.memref_slice %arg2[%dma_start3A_6, %mul3A_2] : memref<4x2048xi32, #tpu.memory_space<hbm>> -> memref<1x64xi32, #tpu.memory_space<hbm>>
    %dma_start3A_12 = tpu.memref_squeeze %dma_start3A_11 : memref<1x64xi32, #tpu.memory_space<hbm>> -> memref<64xi32, #tpu.memory_space<hbm>>
    %dma_start3A_13 = arith.constant 0 : i32
    %dma_start3A_14 = tpu.memref_slice %arg6[%dma_start3A_7, %dma_start3A_13] : memref<4x64xi32, #tpu.memory_space<vmem>> -> memref<1x64xi32, #tpu.memory_space<vmem>>
    %dma_start3A_15 = tpu.memref_squeeze %dma_start3A_14 : memref<1x64xi32, #tpu.memory_space<vmem>> -> memref<64xi32, #tpu.memory_space<vmem>>
    %dma_start3A_16 = tpu.memref_slice %arg2[%dma_start3A_6, %mul3A_2] : memref<4x2048xi32, #tpu.memory_space<hbm>> -> memref<1x64xi32, #tpu.memory_space<hbm>>
    %dma_start3A_17 = tpu.memref_squeeze %dma_start3A_16 : memref<1x64xi32, #tpu.memory_space<hbm>> -> memref<64xi32, #tpu.memory_space<hbm>>
    tpu.enqueue_dma source(%dma_start3A_17 : memref<64xi32, #tpu.memory_space<hbm>>) target(%dma_start3A_15 : memref<64xi32, #tpu.memory_space<vmem>>) target_semaphore(%arg21 : memref<!tpu.dma_semaphore, #tpu.memory_space<semaphore_mem>>)
    %dma_start3A_18 = arith.constant 1 : i32
    %dma_start3A_19 = arith.constant 1 : i32
    %dma_start3A_20 = arith.constant 0 : i32
    %dma_start3A_21 = tpu.memref_slice %arg6[%dma_start3A_19, %dma_start3A_20] : memref<4x64xi32, #tpu.memory_space<vmem>> -> memref<1x64xi32, #tpu.memory_space<vmem>>
    %dma_start3A_22 = tpu.memref_squeeze %dma_start3A_21 : memref<1x64xi32, #tpu.memory_space<vmem>> -> memref<64xi32, #tpu.memory_space<vmem>>
    %dma_start3A_23 = tpu.memref_slice %arg2[%dma_start3A_18, %mul3A_2] : memref<4x2048xi32, #tpu.memory_space<hbm>> -> memref<1x64xi32, #tpu.memory_space<hbm>>
    %dma_start3A_24 = tpu.memref_squeeze %dma_start3A_23 : memref<1x64xi32, #tpu.memory_space<hbm>> -> memref<64xi32, #tpu.memory_space<hbm>>
    %dma_start3A_25 = arith.constant 0 : i32
    %dma_start3A_26 = tpu.memref_slice %arg6[%dma_start3A_19, %dma_start3A_25] : memref<4x64xi32, #tpu.memory_space<vmem>> -> memref<1x64xi32, #tpu.memory_space<vmem>>
    %dma_start3A_27 = tpu.memref_squeeze %dma_start3A_26 : memref<1x64xi32, #tpu.memory_space<vmem>> -> memref<64xi32, #tpu.memory_space<vmem>>
    %dma_start3A_28 = tpu.memref_slice %arg2[%dma_start3A_18, %mul3A_2] : memref<4x2048xi32, #tpu.memory_space<hbm>> -> memref<1x64xi32, #tpu.memory_space<hbm>>
    %dma_start3A_29 = tpu.memref_squeeze %dma_start3A_28 : memref<1x64xi32, #tpu.memory_space<hbm>> -> memref<64xi32, #tpu.memory_space<hbm>>
    tpu.enqueue_dma source(%dma_start3A_29 : memref<64xi32, #tpu.memory_space<hbm>>) target(%dma_start3A_27 : memref<64xi32, #tpu.memory_space<vmem>>) target_semaphore(%arg21 : memref<!tpu.dma_semaphore, #tpu.memory_space<semaphore_mem>>)
    %dma_start3A_30 = arith.constant 2 : i32
    %dma_start3A_31 = arith.constant 2 : i32
    %dma_start3A_32 = arith.constant 0 : i32
    %dma_start3A_33 = tpu.memref_slice %arg6[%dma_start3A_31, %dma_start3A_32] : memref<4x64xi32, #tpu.memory_space<vmem>> -> memref<1x64xi32, #tpu.memory_space<vmem>>
    %dma_start3A_34 = tpu.memref_squeeze %dma_start3A_33 : memref<1x64xi32, #tpu.memory_space<vmem>> -> memref<64xi32, #tpu.memory_space<vmem>>
    %dma_start3A_35 = tpu.memref_slice %arg2[%dma_start3A_30, %mul3A_2] : memref<4x2048xi32, #tpu.memory_space<hbm>> -> memref<1x64xi32, #tpu.memory_space<hbm>>
    %dma_start3A_36 = tpu.memref_squeeze %dma_start3A_35 : memref<1x64xi32, #tpu.memory_space<hbm>> -> memref<64xi32, #tpu.memory_space<hbm>>
    %dma_start3A_37 = arith.constant 0 : i32
    %dma_start3A_38 = tpu.memref_slice %arg6[%dma_start3A_31, %dma_start3A_37] : memref<4x64xi32, #tpu.memory_space<vmem>> -> memref<1x64xi32, #tpu.memory_space<vmem>>
    %dma_start3A_39 = tpu.memref_squeeze %dma_start3A_38 : memref<1x64xi32, #tpu.memory_space<vmem>> -> memref<64xi32, #tpu.memory_space<vmem>>
    %dma_start3A_40 = tpu.memref_slice %arg2[%dma_start3A_30, %mul3A_2] : memref<4x2048xi32, #tpu.memory_space<hbm>> -> memref<1x64xi32, #tpu.memory_space<hbm>>
    %dma_start3A_41 = tpu.memref_squeeze %dma_start3A_40 : memref<1x64xi32, #tpu.memory_space<hbm>> -> memref<64xi32, #tpu.memory_space<hbm>>
    tpu.enqueue_dma source(%dma_start3A_41 : memref<64xi32, #tpu.memory_space<hbm>>) target(%dma_start3A_39 : memref<64xi32, #tpu.memory_space<vmem>>) target_semaphore(%arg21 : memref<!tpu.dma_semaphore, #tpu.memory_space<semaphore_mem>>)
    %dma_start3A_42 = arith.constant 3 : i32
    %dma_start3A_43 = arith.constant 3 : i32
    %dma_start3A_44 = arith.constant 0 : i32
    %dma_start3A_45 = tpu.memref_slice %arg6[%dma_start3A_43, %dma_start3A_44] : memref<4x64xi32, #tpu.memory_space<vmem>> -> memref<1x64xi32, #tpu.memory_space<vmem>>
    %dma_start3A_46 = tpu.memref_squeeze %dma_start3A_45 : memref<1x64xi32, #tpu.memory_space<vmem>> -> memref<64xi32, #tpu.memory_space<vmem>>
    %dma_start3A_47 = tpu.memref_slice %arg2[%dma_start3A_42, %mul3A_2] : memref<4x2048xi32, #tpu.memory_space<hbm>> -> memref<1x64xi32, #tpu.memory_space<hbm>>
    %dma_start3A_48 = tpu.memref_squeeze %dma_start3A_47 : memref<1x64xi32, #tpu.memory_space<hbm>> -> memref<64xi32, #tpu.memory_space<hbm>>
    %dma_start3A_49 = arith.constant 0 : i32
    %dma_start3A_50 = tpu.memref_slice %arg6[%dma_start3A_43, %dma_start3A_49] : memref<4x64xi32, #tpu.memory_space<vmem>> -> memref<1x64xi32, #tpu.memory_space<vmem>>
    %dma_start3A_51 = tpu.memref_squeeze %dma_start3A_50 : memref<1x64xi32, #tpu.memory_space<vmem>> -> memref<64xi32, #tpu.memory_space<vmem>>
    %dma_start3A_52 = tpu.memref_slice %arg2[%dma_start3A_42, %mul3A_2] : memref<4x2048xi32, #tpu.memory_space<hbm>> -> memref<1x64xi32, #tpu.memory_space<hbm>>
    %dma_start3A_53 = tpu.memref_squeeze %dma_start3A_52 : memref<1x64xi32, #tpu.memory_space<hbm>> -> memref<64xi32, #tpu.memory_space<hbm>>
    tpu.enqueue_dma source(%dma_start3A_53 : memref<64xi32, #tpu.memory_space<hbm>>) target(%dma_start3A_51 : memref<64xi32, #tpu.memory_space<vmem>>) target_semaphore(%arg21 : memref<!tpu.dma_semaphore, #tpu.memory_space<semaphore_mem>>)
    %dma_wait3A = arith.constant 0 : i32
    %dma_wait3A_54 = arith.constant 0 : i32
    %dma_wait3A_55 = arith.constant 0 : i32
    %dma_wait3A_56 = tpu.memref_slice %arg6[%dma_wait3A_54, %dma_wait3A_55] : memref<4x64xi32, #tpu.memory_space<vmem>> -> memref<1x64xi32, #tpu.memory_space<vmem>>
    %dma_wait3A_57 = tpu.memref_squeeze %dma_wait3A_56 : memref<1x64xi32, #tpu.memory_space<vmem>> -> memref<64xi32, #tpu.memory_space<vmem>>
    %dma_wait3A_58 = tpu.memref_slice %arg2[%dma_wait3A, %mul3A_2] : memref<4x2048xi32, #tpu.memory_space<hbm>> -> memref<1x64xi32, #tpu.memory_space<hbm>>
    %dma_wait3A_59 = tpu.memref_squeeze %dma_wait3A_58 : memref<1x64xi32, #tpu.memory_space<hbm>> -> memref<64xi32, #tpu.memory_space<hbm>>
    %dma_wait3A_60 = arith.constant 0 : i32
    %dma_wait3A_61 = tpu.memref_slice %arg6[%dma_wait3A_54, %dma_wait3A_60] : memref<4x64xi32, #tpu.memory_space<vmem>> -> memref<1x64xi32, #tpu.memory_space<vmem>>
    %dma_wait3A_62 = tpu.memref_squeeze %dma_wait3A_61 : memref<1x64xi32, #tpu.memory_space<vmem>> -> memref<64xi32, #tpu.memory_space<vmem>>
    %dma_wait3A_63 = tpu.memref_slice %arg2[%dma_wait3A, %mul3A_2] : memref<4x2048xi32, #tpu.memory_space<hbm>> -> memref<1x64xi32, #tpu.memory_space<hbm>>
    %dma_wait3A_64 = tpu.memref_squeeze %dma_wait3A_63 : memref<1x64xi32, #tpu.memory_space<hbm>> -> memref<64xi32, #tpu.memory_space<hbm>>
    tpu.wait_dma2 semaphore(%arg21 : memref<!tpu.dma_semaphore, #tpu.memory_space<semaphore_mem>>) src(%dma_wait3A_64 : memref<64xi32, #tpu.memory_space<hbm>>) dst(%dma_wait3A_62 : memref<64xi32, #tpu.memory_space<vmem>>)
    %dma_wait3A_65 = arith.constant 1 : i32
    %dma_wait3A_66 = arith.constant 1 : i32
    %dma_wait3A_67 = arith.constant 0 : i32
    %dma_wait3A_68 = tpu.memref_slice %arg6[%dma_wait3A_66, %dma_wait3A_67] : memref<4x64xi32, #tpu.memory_space<vmem>> -> memref<1x64xi32, #tpu.memory_space<vmem>>
    %dma_wait3A_69 = tpu.memref_squeeze %dma_wait3A_68 : memref<1x64xi32, #tpu.memory_space<vmem>> -> memref<64xi32, #tpu.memory_space<vmem>>
    %dma_wait3A_70 = tpu.memref_slice %arg2[%dma_wait3A_65, %mul3A_2] : memref<4x2048xi32, #tpu.memory_space<hbm>> -> memref<1x64xi32, #tpu.memory_space<hbm>>
    %dma_wait3A_71 = tpu.memref_squeeze %dma_wait3A_70 : memref<1x64xi32, #tpu.memory_space<hbm>> -> memref<64xi32, #tpu.memory_space<hbm>>
    %dma_wait3A_72 = arith.constant 0 : i32
    %dma_wait3A_73 = tpu.memref_slice %arg6[%dma_wait3A_66, %dma_wait3A_72] : memref<4x64xi32, #tpu.memory_space<vmem>> -> memref<1x64xi32, #tpu.memory_space<vmem>>
    %dma_wait3A_74 = tpu.memref_squeeze %dma_wait3A_73 : memref<1x64xi32, #tpu.memory_space<vmem>> -> memref<64xi32, #tpu.memory_space<vmem>>
    %dma_wait3A_75 = tpu.memref_slice %arg2[%dma_wait3A_65, %mul3A_2] : memref<4x2048xi32, #tpu.memory_space<hbm>> -> memref<1x64xi32, #tpu.memory_space<hbm>>
    %dma_wait3A_76 = tpu.memref_squeeze %dma_wait3A_75 : memref<1x64xi32, #tpu.memory_space<hbm>> -> memref<64xi32, #tpu.memory_space<hbm>>
    tpu.wait_dma2 semaphore(%arg21 : memref<!tpu.dma_semaphore, #tpu.memory_space<semaphore_mem>>) src(%dma_wait3A_76 : memref<64xi32, #tpu.memory_space<hbm>>) dst(%dma_wait3A_74 : memref<64xi32, #tpu.memory_space<vmem>>)
    %dma_wait3A_77 = arith.constant 2 : i32
    %dma_wait3A_78 = arith.constant 2 : i32
    %dma_wait3A_79 = arith.constant 0 : i32
    %dma_wait3A_80 = tpu.memref_slice %arg6[%dma_wait3A_78, %dma_wait3A_79] : memref<4x64xi32, #tpu.memory_space<vmem>> -> memref<1x64xi32, #tpu.memory_space<vmem>>
    %dma_wait3A_81 = tpu.memref_squeeze %dma_wait3A_80 : memref<1x64xi32, #tpu.memory_space<vmem>> -> memref<64xi32, #tpu.memory_space<vmem>>
    %dma_wait3A_82 = tpu.memref_slice %arg2[%dma_wait3A_77, %mul3A_2] : memref<4x2048xi32, #tpu.memory_space<hbm>> -> memref<1x64xi32, #tpu.memory_space<hbm>>
    %dma_wait3A_83 = tpu.memref_squeeze %dma_wait3A_82 : memref<1x64xi32, #tpu.memory_space<hbm>> -> memref<64xi32, #tpu.memory_space<hbm>>
    %dma_wait3A_84 = arith.constant 0 : i32
    %dma_wait3A_85 = tpu.memref_slice %arg6[%dma_wait3A_78, %dma_wait3A_84] : memref<4x64xi32, #tpu.memory_space<vmem>> -> memref<1x64xi32, #tpu.memory_space<vmem>>
    %dma_wait3A_86 = tpu.memref_squeeze %dma_wait3A_85 : memref<1x64xi32, #tpu.memory_space<vmem>> -> memref<64xi32, #tpu.memory_space<vmem>>
    %dma_wait3A_87 = tpu.memref_slice %arg2[%dma_wait3A_77, %mul3A_2] : memref<4x2048xi32, #tpu.memory_space<hbm>> -> memref<1x64xi32, #tpu.memory_space<hbm>>
    %dma_wait3A_88 = tpu.memref_squeeze %dma_wait3A_87 : memref<1x64xi32, #tpu.memory_space<hbm>> -> memref<64xi32, #tpu.memory_space<hbm>>
    tpu.wait_dma2 semaphore(%arg21 : memref<!tpu.dma_semaphore, #tpu.memory_space<semaphore_mem>>) src(%dma_wait3A_88 : memref<64xi32, #tpu.memory_space<hbm>>) dst(%dma_wait3A_86 : memref<64xi32, #tpu.memory_space<vmem>>)
    %dma_wait3A_89 = arith.constant 3 : i32
    %dma_wait3A_90 = arith.constant 3 : i32
    %dma_wait3A_91 = arith.constant 0 : i32
    %dma_wait3A_92 = tpu.memref_slice %arg6[%dma_wait3A_90, %dma_wait3A_91] : memref<4x64xi32, #tpu.memory_space<vmem>> -> memref<1x64xi32, #tpu.memory_space<vmem>>
    %dma_wait3A_93 = tpu.memref_squeeze %dma_wait3A_92 : memref<1x64xi32, #tpu.memory_space<vmem>> -> memref<64xi32, #tpu.memory_space<vmem>>
    %dma_wait3A_94 = tpu.memref_slice %arg2[%dma_wait3A_89, %mul3A_2] : memref<4x2048xi32, #tpu.memory_space<hbm>> -> memref<1x64xi32, #tpu.memory_space<hbm>>
    %dma_wait3A_95 = tpu.memref_squeeze %dma_wait3A_94 : memref<1x64xi32, #tpu.memory_space<hbm>> -> memref<64xi32, #tpu.memory_space<hbm>>
    %dma_wait3A_96 = arith.constant 0 : i32
    %dma_wait3A_97 = tpu.memref_slice %arg6[%dma_wait3A_90, %dma_wait3A_96] : memref<4x64xi32, #tpu.memory_space<vmem>> -> memref<1x64xi32, #tpu.memory_space<vmem>>
    %dma_wait3A_98 = tpu.memref_squeeze %dma_wait3A_97 : memref<1x64xi32, #tpu.memory_space<vmem>> -> memref<64xi32, #tpu.memory_space<vmem>>
    %dma_wait3A_99 = tpu.memref_slice %arg2[%dma_wait3A_89, %mul3A_2] : memref<4x2048xi32, #tpu.memory_space<hbm>> -> memref<1x64xi32, #tpu.memory_space<hbm>>
    %dma_wait3A_100 = tpu.memref_squeeze %dma_wait3A_99 : memref<1x64xi32, #tpu.memory_space<hbm>> -> memref<64xi32, #tpu.memory_space<hbm>>
    tpu.wait_dma2 semaphore(%arg21 : memref<!tpu.dma_semaphore, #tpu.memory_space<semaphore_mem>>) src(%dma_wait3A_100 : memref<64xi32, #tpu.memory_space<hbm>>) dst(%dma_wait3A_98 : memref<64xi32, #tpu.memory_space<vmem>>)
    %dma_start3A_101 = arith.constant 0 : i32
    %dma_start3A_102 = arith.constant 0 : i32
    %dma_start3A_103 = tpu.memref_slice %arg6[%dma_start3A_101, %dma_start3A_102] : memref<4x64xi32, #tpu.memory_space<vmem>> -> memref<1x8xi32, #tpu.memory_space<vmem>>
    %dma_start3A_104 = tpu.memref_squeeze %dma_start3A_103 : memref<1x8xi32, #tpu.memory_space<vmem>> -> memref<8xi32, #tpu.memory_space<vmem>>
    %dma_start3A_105 = arith.constant 0 : i32
    %dma_start3A_106 = arith.constant 0 : i32
    %dma_start3A_107 = tpu.memref_slice %arg3[%dma_start3A_105, %dma_start3A_106] : memref<100000x768xf32, #tpu.memory_space<hbm>> -> memref<100000x768xf32, #tpu.memory_space<hbm>>
    tpu.enqueue_indirect_dma source(%dma_start3A_107 : memref<100000x768xf32, #tpu.memory_space<hbm>>) target(%arg8 : memref<8x768xf32, #tpu.memory_space<vmem>>) offsets(%dma_start3A_104 : memref<8xi32, #tpu.memory_space<vmem>>) semaphore(%arg22 : memref<!tpu.dma_semaphore, #tpu.memory_space<semaphore_mem>>)
    %dma_start3A_108 = arith.constant 1 : i32
    %dma_start3A_109 = arith.constant 0 : i32
    %dma_start3A_110 = tpu.memref_slice %arg6[%dma_start3A_108, %dma_start3A_109] : memref<4x64xi32, #tpu.memory_space<vmem>> -> memref<1x8xi32, #tpu.memory_space<vmem>>
    %dma_start3A_111 = tpu.memref_squeeze %dma_start3A_110 : memref<1x8xi32, #tpu.memory_space<vmem>> -> memref<8xi32, #tpu.memory_space<vmem>>
    %dma_start3A_112 = arith.constant 0 : i32
    %dma_start3A_113 = arith.constant 0 : i32
    %dma_start3A_114 = tpu.memref_slice %arg3[%dma_start3A_112, %dma_start3A_113] : memref<100000x768xf32, #tpu.memory_space<hbm>> -> memref<100000x768xf32, #tpu.memory_space<hbm>>
    tpu.enqueue_indirect_dma source(%dma_start3A_114 : memref<100000x768xf32, #tpu.memory_space<hbm>>) target(%arg11 : memref<8x768xf32, #tpu.memory_space<vmem>>) offsets(%dma_start3A_111 : memref<8xi32, #tpu.memory_space<vmem>>) semaphore(%arg25 : memref<!tpu.dma_semaphore, #tpu.memory_space<semaphore_mem>>)
    %dma_start3A_115 = arith.constant 2 : i32
    %dma_start3A_116 = arith.constant 0 : i32
    %dma_start3A_117 = tpu.memref_slice %arg6[%dma_start3A_115, %dma_start3A_116] : memref<4x64xi32, #tpu.memory_space<vmem>> -> memref<1x8xi32, #tpu.memory_space<vmem>>
    %dma_start3A_118 = tpu.memref_squeeze %dma_start3A_117 : memref<1x8xi32, #tpu.memory_space<vmem>> -> memref<8xi32, #tpu.memory_space<vmem>>
    %dma_start3A_119 = arith.constant 0 : i32
    %dma_start3A_120 = arith.constant 0 : i32
    %dma_start3A_121 = tpu.memref_slice %arg3[%dma_start3A_119, %dma_start3A_120] : memref<100000x768xf32, #tpu.memory_space<hbm>> -> memref<100000x768xf32, #tpu.memory_space<hbm>>
    tpu.enqueue_indirect_dma source(%dma_start3A_121 : memref<100000x768xf32, #tpu.memory_space<hbm>>) target(%arg14 : memref<8x768xf32, #tpu.memory_space<vmem>>) offsets(%dma_start3A_118 : memref<8xi32, #tpu.memory_space<vmem>>) semaphore(%arg28 : memref<!tpu.dma_semaphore, #tpu.memory_space<semaphore_mem>>)
    %dma_start3A_122 = arith.constant 3 : i32
    %dma_start3A_123 = arith.constant 0 : i32
    %dma_start3A_124 = tpu.memref_slice %arg6[%dma_start3A_122, %dma_start3A_123] : memref<4x64xi32, #tpu.memory_space<vmem>> -> memref<1x8xi32, #tpu.memory_space<vmem>>
    %dma_start3A_125 = tpu.memref_squeeze %dma_start3A_124 : memref<1x8xi32, #tpu.memory_space<vmem>> -> memref<8xi32, #tpu.memory_space<vmem>>
    %dma_start3A_126 = arith.constant 0 : i32
    %dma_start3A_127 = arith.constant 0 : i32
    %dma_start3A_128 = tpu.memref_slice %arg3[%dma_start3A_126, %dma_start3A_127] : memref<100000x768xf32, #tpu.memory_space<hbm>> -> memref<100000x768xf32, #tpu.memory_space<hbm>>
    tpu.enqueue_indirect_dma source(%dma_start3A_128 : memref<100000x768xf32, #tpu.memory_space<hbm>>) target(%arg17 : memref<8x768xf32, #tpu.memory_space<vmem>>) offsets(%dma_start3A_125 : memref<8xi32, #tpu.memory_space<vmem>>) semaphore(%arg31 : memref<!tpu.dma_semaphore, #tpu.memory_space<semaphore_mem>>)
    %dma_start3A_129 = arith.constant 0 : i32
    %dma_start3A_130 = arith.constant 8 : i32
    %dma_start3A_131 = tpu.memref_slice %arg6[%dma_start3A_129, %dma_start3A_130] : memref<4x64xi32, #tpu.memory_space<vmem>> -> memref<1x8xi32, #tpu.memory_space<vmem>>
    %dma_start3A_132 = tpu.memref_squeeze %dma_start3A_131 : memref<1x8xi32, #tpu.memory_space<vmem>> -> memref<8xi32, #tpu.memory_space<vmem>>
    %dma_start3A_133 = arith.constant 0 : i32
    %dma_start3A_134 = arith.constant 0 : i32
    %dma_start3A_135 = tpu.memref_slice %arg3[%dma_start3A_133, %dma_start3A_134] : memref<100000x768xf32, #tpu.memory_space<hbm>> -> memref<100000x768xf32, #tpu.memory_space<hbm>>
    tpu.enqueue_indirect_dma source(%dma_start3A_135 : memref<100000x768xf32, #tpu.memory_space<hbm>>) target(%arg9 : memref<8x768xf32, #tpu.memory_space<vmem>>) offsets(%dma_start3A_132 : memref<8xi32, #tpu.memory_space<vmem>>) semaphore(%arg23 : memref<!tpu.dma_semaphore, #tpu.memory_space<semaphore_mem>>)
    %dma_start3A_136 = arith.constant 1 : i32
    %dma_start3A_137 = arith.constant 8 : i32
    %dma_start3A_138 = tpu.memref_slice %arg6[%dma_start3A_136, %dma_start3A_137] : memref<4x64xi32, #tpu.memory_space<vmem>> -> memref<1x8xi32, #tpu.memory_space<vmem>>
    %dma_start3A_139 = tpu.memref_squeeze %dma_start3A_138 : memref<1x8xi32, #tpu.memory_space<vmem>> -> memref<8xi32, #tpu.memory_space<vmem>>
    %dma_start3A_140 = arith.constant 0 : i32
    %dma_start3A_141 = arith.constant 0 : i32
    %dma_start3A_142 = tpu.memref_slice %arg3[%dma_start3A_140, %dma_start3A_141] : memref<100000x768xf32, #tpu.memory_space<hbm>> -> memref<100000x768xf32, #tpu.memory_space<hbm>>
    tpu.enqueue_indirect_dma source(%dma_start3A_142 : memref<100000x768xf32, #tpu.memory_space<hbm>>) target(%arg12 : memref<8x768xf32, #tpu.memory_space<vmem>>) offsets(%dma_start3A_139 : memref<8xi32, #tpu.memory_space<vmem>>) semaphore(%arg26 : memref<!tpu.dma_semaphore, #tpu.memory_space<semaphore_mem>>)
    %dma_start3A_143 = arith.constant 2 : i32
    %dma_start3A_144 = arith.constant 8 : i32
    %dma_start3A_145 = tpu.memref_slice %arg6[%dma_start3A_143, %dma_start3A_144] : memref<4x64xi32, #tpu.memory_space<vmem>> -> memref<1x8xi32, #tpu.memory_space<vmem>>
    %dma_start3A_146 = tpu.memref_squeeze %dma_start3A_145 : memref<1x8xi32, #tpu.memory_space<vmem>> -> memref<8xi32, #tpu.memory_space<vmem>>
    %dma_start3A_147 = arith.constant 0 : i32
    %dma_start3A_148 = arith.constant 0 : i32
    %dma_start3A_149 = tpu.memref_slice %arg3[%dma_start3A_147, %dma_start3A_148] : memref<100000x768xf32, #tpu.memory_space<hbm>> -> memref<100000x768xf32, #tpu.memory_space<hbm>>
    tpu.enqueue_indirect_dma source(%dma_start3A_149 : memref<100000x768xf32, #tpu.memory_space<hbm>>) target(%arg15 : memref<8x768xf32, #tpu.memory_space<vmem>>) offsets(%dma_start3A_146 : memref<8xi32, #tpu.memory_space<vmem>>) semaphore(%arg29 : memref<!tpu.dma_semaphore, #tpu.memory_space<semaphore_mem>>)
    %dma_start3A_150 = arith.constant 3 : i32
    %dma_start3A_151 = arith.constant 8 : i32
    %dma_start3A_152 = tpu.memref_slice %arg6[%dma_start3A_150, %dma_start3A_151] : memref<4x64xi32, #tpu.memory_space<vmem>> -> memref<1x8xi32, #tpu.memory_space<vmem>>
    %dma_start3A_153 = tpu.memref_squeeze %dma_start3A_152 : memref<1x8xi32, #tpu.memory_space<vmem>> -> memref<8xi32, #tpu.memory_space<vmem>>
    %dma_start3A_154 = arith.constant 0 : i32
    %dma_start3A_155 = arith.constant 0 : i32
    %dma_start3A_156 = tpu.memref_slice %arg3[%dma_start3A_154, %dma_start3A_155] : memref<100000x768xf32, #tpu.memory_space<hbm>> -> memref<100000x768xf32, #tpu.memory_space<hbm>>
    tpu.enqueue_indirect_dma source(%dma_start3A_156 : memref<100000x768xf32, #tpu.memory_space<hbm>>) target(%arg18 : memref<8x768xf32, #tpu.memory_space<vmem>>) offsets(%dma_start3A_153 : memref<8xi32, #tpu.memory_space<vmem>>) semaphore(%arg32 : memref<!tpu.dma_semaphore, #tpu.memory_space<semaphore_mem>>)
    %dma_wait3A_157 = arith.constant 0 : i32
    %dma_wait3A_158 = tpu.memref_slice %arg4[%mul3A_2, %dma_wait3A_157] : memref<2048x768xf32, #tpu.memory_space<hbm>> -> memref<64x768xf32, #tpu.memory_space<hbm>>
    %dma_wait3A_159 = arith.constant 0 : i32
    %dma_wait3A_160 = tpu.memref_slice %arg4[%mul3A_2, %dma_wait3A_159] : memref<2048x768xf32, #tpu.memory_space<hbm>> -> memref<64x768xf32, #tpu.memory_space<hbm>>
    tpu.wait_dma2 semaphore(%arg20 : memref<!tpu.dma_semaphore, #tpu.memory_space<semaphore_mem>>) src(%dma_wait3A_160 : memref<64x768xf32, #tpu.memory_space<hbm>>) dst(%arg7 : memref<64x768xf32, #tpu.memory_space<vmem>>)
    %dma_start3A_161 = arith.constant 0 : i32
    %dma_start3A_162 = arith.constant 16 : i32
    %dma_start3A_163 = tpu.memref_slice %arg6[%dma_start3A_161, %dma_start3A_162] : memref<4x64xi32, #tpu.memory_space<vmem>> -> memref<1x8xi32, #tpu.memory_space<vmem>>
    %dma_start3A_164 = tpu.memref_squeeze %dma_start3A_163 : memref<1x8xi32, #tpu.memory_space<vmem>> -> memref<8xi32, #tpu.memory_space<vmem>>
    %dma_start3A_165 = arith.constant 0 : i32
    %dma_start3A_166 = arith.constant 0 : i32
    %dma_start3A_167 = tpu.memref_slice %arg3[%dma_start3A_165, %dma_start3A_166] : memref<100000x768xf32, #tpu.memory_space<hbm>> -> memref<100000x768xf32, #tpu.memory_space<hbm>>
    tpu.enqueue_indirect_dma source(%dma_start3A_167 : memref<100000x768xf32, #tpu.memory_space<hbm>>) target(%arg10 : memref<8x768xf32, #tpu.memory_space<vmem>>) offsets(%dma_start3A_164 : memref<8xi32, #tpu.memory_space<vmem>>) semaphore(%arg24 : memref<!tpu.dma_semaphore, #tpu.memory_space<semaphore_mem>>)
    %dma_start3A_168 = arith.constant 1 : i32
    %dma_start3A_169 = arith.constant 16 : i32
    %dma_start3A_170 = tpu.memref_slice %arg6[%dma_start3A_168, %dma_start3A_169] : memref<4x64xi32, #tpu.memory_space<vmem>> -> memref<1x8xi32, #tpu.memory_space<vmem>>
    %dma_start3A_171 = tpu.memref_squeeze %dma_start3A_170 : memref<1x8xi32, #tpu.memory_space<vmem>> -> memref<8xi32, #tpu.memory_space<vmem>>
    %dma_start3A_172 = arith.constant 0 : i32
    %dma_start3A_173 = arith.constant 0 : i32
    %dma_start3A_174 = tpu.memref_slice %arg3[%dma_start3A_172, %dma_start3A_173] : memref<100000x768xf32, #tpu.memory_space<hbm>> -> memref<100000x768xf32, #tpu.memory_space<hbm>>
    tpu.enqueue_indirect_dma source(%dma_start3A_174 : memref<100000x768xf32, #tpu.memory_space<hbm>>) target(%arg13 : memref<8x768xf32, #tpu.memory_space<vmem>>) offsets(%dma_start3A_171 : memref<8xi32, #tpu.memory_space<vmem>>) semaphore(%arg27 : memref<!tpu.dma_semaphore, #tpu.memory_space<semaphore_mem>>)
    %dma_start3A_175 = arith.constant 2 : i32
    %dma_start3A_176 = arith.constant 16 : i32
    %dma_start3A_177 = tpu.memref_slice %arg6[%dma_start3A_175, %dma_start3A_176] : memref<4x64xi32, #tpu.memory_space<vmem>> -> memref<1x8xi32, #tpu.memory_space<vmem>>
    %dma_start3A_178 = tpu.memref_squeeze %dma_start3A_177 : memref<1x8xi32, #tpu.memory_space<vmem>> -> memref<8xi32, #tpu.memory_space<vmem>>
    %dma_start3A_179 = arith.constant 0 : i32
    %dma_start3A_180 = arith.constant 0 : i32
    %dma_start3A_181 = tpu.memref_slice %arg3[%dma_start3A_179, %dma_start3A_180] : memref<100000x768xf32, #tpu.memory_space<hbm>> -> memref<100000x768xf32, #tpu.memory_space<hbm>>
    tpu.enqueue_indirect_dma source(%dma_start3A_181 : memref<100000x768xf32, #tpu.memory_space<hbm>>) target(%arg16 : memref<8x768xf32, #tpu.memory_space<vmem>>) offsets(%dma_start3A_178 : memref<8xi32, #tpu.memory_space<vmem>>) semaphore(%arg30 : memref<!tpu.dma_semaphore, #tpu.memory_space<semaphore_mem>>)
    %dma_start3A_182 = arith.constant 3 : i32
    %dma_start3A_183 = arith.constant 16 : i32
    %dma_start3A_184 = tpu.memref_slice %arg6[%dma_start3A_182, %dma_start3A_183] : memref<4x64xi32, #tpu.memory_space<vmem>> -> memref<1x8xi32, #tpu.memory_space<vmem>>
    %dma_start3A_185 = tpu.memref_squeeze %dma_start3A_184 : memref<1x8xi32, #tpu.memory_space<vmem>> -> memref<8xi32, #tpu.memory_space<vmem>>
    %dma_start3A_186 = arith.constant 0 : i32
    %dma_start3A_187 = arith.constant 0 : i32
    %dma_start3A_188 = tpu.memref_slice %arg3[%dma_start3A_186, %dma_start3A_187] : memref<100000x768xf32, #tpu.memory_space<hbm>> -> memref<100000x768xf32, #tpu.memory_space<hbm>>
    tpu.enqueue_indirect_dma source(%dma_start3A_188 : memref<100000x768xf32, #tpu.memory_space<hbm>>) target(%arg19 : memref<8x768xf32, #tpu.memory_space<vmem>>) offsets(%dma_start3A_185 : memref<8xi32, #tpu.memory_space<vmem>>) semaphore(%arg33 : memref<!tpu.dma_semaphore, #tpu.memory_space<semaphore_mem>>)
    %dma_wait3A_189 = arith.constant 0 : i32
    %dma_wait3A_190 = arith.constant 0 : i32
    %dma_wait3A_191 = tpu.memref_slice %arg6[%dma_wait3A_189, %dma_wait3A_190] : memref<4x64xi32, #tpu.memory_space<vmem>> -> memref<1x8xi32, #tpu.memory_space<vmem>>
    %dma_wait3A_192 = tpu.memref_squeeze %dma_wait3A_191 : memref<1x8xi32, #tpu.memory_space<vmem>> -> memref<8xi32, #tpu.memory_space<vmem>>
    %dma_wait3A_193 = arith.constant 0 : i32
    %dma_wait3A_194 = arith.constant 0 : i32
    %dma_wait3A_195 = tpu.memref_slice %arg3[%dma_wait3A_193, %dma_wait3A_194] : memref<100000x768xf32, #tpu.memory_space<hbm>> -> memref<100000x768xf32, #tpu.memory_space<hbm>>
    tpu.wait_indirect_dma semaphore(%arg22 : memref<!tpu.dma_semaphore, #tpu.memory_space<semaphore_mem>>) src(%dma_wait3A_195 : memref<100000x768xf32, #tpu.memory_space<hbm>>) dst(%arg8 : memref<8x768xf32, #tpu.memory_space<vmem>>)
    %dma_wait3A_196 = arith.constant 1 : i32
    %dma_wait3A_197 = arith.constant 0 : i32
    %dma_wait3A_198 = tpu.memref_slice %arg6[%dma_wait3A_196, %dma_wait3A_197] : memref<4x64xi32, #tpu.memory_space<vmem>> -> memref<1x8xi32, #tpu.memory_space<vmem>>
    %dma_wait3A_199 = tpu.memref_squeeze %dma_wait3A_198 : memref<1x8xi32, #tpu.memory_space<vmem>> -> memref<8xi32, #tpu.memory_space<vmem>>
    %dma_wait3A_200 = arith.constant 0 : i32
    %dma_wait3A_201 = arith.constant 0 : i32
    %dma_wait3A_202 = tpu.memref_slice %arg3[%dma_wait3A_200, %dma_wait3A_201] : memref<100000x768xf32, #tpu.memory_space<hbm>> -> memref<100000x768xf32, #tpu.memory_space<hbm>>
    tpu.wait_indirect_dma semaphore(%arg25 : memref<!tpu.dma_semaphore, #tpu.memory_space<semaphore_mem>>) src(%dma_wait3A_202 : memref<100000x768xf32, #tpu.memory_space<hbm>>) dst(%arg11 : memref<8x768xf32, #tpu.memory_space<vmem>>)
    %dma_wait3A_203 = arith.constant 2 : i32
    %dma_wait3A_204 = arith.constant 0 : i32
    %dma_wait3A_205 = tpu.memref_slice %arg6[%dma_wait3A_203, %dma_wait3A_204] : memref<4x64xi32, #tpu.memory_space<vmem>> -> memref<1x8xi32, #tpu.memory_space<vmem>>
    %dma_wait3A_206 = tpu.memref_squeeze %dma_wait3A_205 : memref<1x8xi32, #tpu.memory_space<vmem>> -> memref<8xi32, #tpu.memory_space<vmem>>
    %dma_wait3A_207 = arith.constant 0 : i32
    %dma_wait3A_208 = arith.constant 0 : i32
    %dma_wait3A_209 = tpu.memref_slice %arg3[%dma_wait3A_207, %dma_wait3A_208] : memref<100000x768xf32, #tpu.memory_space<hbm>> -> memref<100000x768xf32, #tpu.memory_space<hbm>>
    tpu.wait_indirect_dma semaphore(%arg28 : memref<!tpu.dma_semaphore, #tpu.memory_space<semaphore_mem>>) src(%dma_wait3A_209 : memref<100000x768xf32, #tpu.memory_space<hbm>>) dst(%arg14 : memref<8x768xf32, #tpu.memory_space<vmem>>)
    %dma_wait3A_210 = arith.constant 3 : i32
    %dma_wait3A_211 = arith.constant 0 : i32
    %dma_wait3A_212 = tpu.memref_slice %arg6[%dma_wait3A_210, %dma_wait3A_211] : memref<4x64xi32, #tpu.memory_space<vmem>> -> memref<1x8xi32, #tpu.memory_space<vmem>>
    %dma_wait3A_213 = tpu.memref_squeeze %dma_wait3A_212 : memref<1x8xi32, #tpu.memory_space<vmem>> -> memref<8xi32, #tpu.memory_space<vmem>>
    %dma_wait3A_214 = arith.constant 0 : i32
    %dma_wait3A_215 = arith.constant 0 : i32
    %dma_wait3A_216 = tpu.memref_slice %arg3[%dma_wait3A_214, %dma_wait3A_215] : memref<100000x768xf32, #tpu.memory_space<hbm>> -> memref<100000x768xf32, #tpu.memory_space<hbm>>
    tpu.wait_indirect_dma semaphore(%arg31 : memref<!tpu.dma_semaphore, #tpu.memory_space<semaphore_mem>>) src(%dma_wait3A_216 : memref<100000x768xf32, #tpu.memory_space<hbm>>) dst(%arg17 : memref<8x768xf32, #tpu.memory_space<vmem>>)
    %parallel_loop3A = arith.constant 0 : i32
    %parallel_loop3A_217 = arith.constant 8 : i32
    %parallel_loop3A_218 = arith.constant 1 : i32
    scf.for %parallel_loop3A_960 = %parallel_loop3A to %parallel_loop3A_217 step %parallel_loop3A_218  : i32 {
      %parallel_loop3A_961 = arith.constant 0 : i32
      %parallel_loop3A_962 = arith.addi %parallel_loop3A_961, %parallel_loop3A_960 : i32
      %parallel_loop3A_963 = arith.constant 0 : i32
      %parallel_loop3A_964 = arith.constant 768 : i32
      %parallel_loop3A_965 = arith.constant 16 : i32
      scf.for %parallel_loop3A_966 = %parallel_loop3A_963 to %parallel_loop3A_964 step %parallel_loop3A_965  : i32 {
        %parallel_loop3A_967 = arith.constant 0 : i32
        %parallel_loop3A_968 = tpu.memref_slice %arg7[%parallel_loop3A_962, %parallel_loop3A_967] : memref<64x768xf32, #tpu.memory_space<vmem>> -> memref<1x768xf32, #tpu.memory_space<vmem>>
        %parallel_loop3A_969 = tpu.memref_squeeze %parallel_loop3A_968 : memref<1x768xf32, #tpu.memory_space<vmem>> -> memref<768xf32, #tpu.memory_space<vmem>>
        %parallel_loop3A_970 = arith.index_cast %parallel_loop3A_966 : i32 to index
        %parallel_loop3A_971 = tpu.vector_load %parallel_loop3A_969[%parallel_loop3A_970] {strides = array<i32>} : memref<768xf32, #tpu.memory_space<vmem>>, vector<16xf32>,
        %parallel_loop3A_972 = vector.shape_cast %parallel_loop3A_971 : vector<16xf32> to vector<16xf32>
        %parallel_loop3A_973 = arith.constant 0 : i32
        %parallel_loop3A_974 = tpu.memref_slice %arg8[%parallel_loop3A_960, %parallel_loop3A_973] : memref<8x768xf32, #tpu.memory_space<vmem>> -> memref<1x768xf32, #tpu.memory_space<vmem>>
        %parallel_loop3A_975 = tpu.memref_squeeze %parallel_loop3A_974 : memref<1x768xf32, #tpu.memory_space<vmem>> -> memref<768xf32, #tpu.memory_space<vmem>>
        %parallel_loop3A_976 = arith.index_cast %parallel_loop3A_966 : i32 to index
        %parallel_loop3A_977 = tpu.vector_load %parallel_loop3A_975[%parallel_loop3A_976] {strides = array<i32>} : memref<768xf32, #tpu.memory_space<vmem>>, vector<16xf32>,
        %parallel_loop3A_978 = vector.shape_cast %parallel_loop3A_977 : vector<16xf32> to vector<16xf32>
        %parallel_loop3A_979 = arith.addf %parallel_loop3A_978, %parallel_loop3A_972 : vector<16xf32>
        %parallel_loop3A_980 = arith.constant 0 : i32
        %parallel_loop3A_981 = tpu.memref_slice %arg8[%parallel_loop3A_960, %parallel_loop3A_980] : memref<8x768xf32, #tpu.memory_space<vmem>> -> memref<1x768xf32, #tpu.memory_space<vmem>>
        %parallel_loop3A_982 = tpu.memref_squeeze %parallel_loop3A_981 : memref<1x768xf32, #tpu.memory_space<vmem>> -> memref<768xf32, #tpu.memory_space<vmem>>
        %parallel_loop3A_983 = arith.index_cast %parallel_loop3A_966 : i32 to index
        %parallel_loop3A_984 = tpu.vector_load %parallel_loop3A_982[%parallel_loop3A_983] {strides = array<i32>} : memref<768xf32, #tpu.memory_space<vmem>>, vector<16xf32>,
        %parallel_loop3A_985 = vector.shape_cast %parallel_loop3A_984 : vector<16xf32> to vector<16xf32>
        %parallel_loop3A_986 = vector.shape_cast %parallel_loop3A_979 : vector<16xf32> to vector<16xf32>
        tpu.vector_store %parallel_loop3A_982[%parallel_loop3A_983], %parallel_loop3A_986 {strides = array<i32>} : memref<768xf32, #tpu.memory_space<vmem>>, vector<16xf32>,
        %parallel_loop3A_987 = arith.constant 0 : i32
        %parallel_loop3A_988 = tpu.memref_slice %arg11[%parallel_loop3A_960, %parallel_loop3A_987] : memref<8x768xf32, #tpu.memory_space<vmem>> -> memref<1x768xf32, #tpu.memory_space<vmem>>
        %parallel_loop3A_989 = tpu.memref_squeeze %parallel_loop3A_988 : memref<1x768xf32, #tpu.memory_space<vmem>> -> memref<768xf32, #tpu.memory_space<vmem>>
        %parallel_loop3A_990 = arith.index_cast %parallel_loop3A_966 : i32 to index
        %parallel_loop3A_991 = tpu.vector_load %parallel_loop3A_989[%parallel_loop3A_990] {strides = array<i32>} : memref<768xf32, #tpu.memory_space<vmem>>, vector<16xf32>,
        %parallel_loop3A_992 = vector.shape_cast %parallel_loop3A_991 : vector<16xf32> to vector<16xf32>
        %parallel_loop3A_993 = arith.addf %parallel_loop3A_992, %parallel_loop3A_972 : vector<16xf32>
        %parallel_loop3A_994 = arith.constant 0 : i32
        %parallel_loop3A_995 = tpu.memref_slice %arg11[%parallel_loop3A_960, %parallel_loop3A_994] : memref<8x768xf32, #tpu.memory_space<vmem>> -> memref<1x768xf32, #tpu.memory_space<vmem>>
        %parallel_loop3A_996 = tpu.memref_squeeze %parallel_loop3A_995 : memref<1x768xf32, #tpu.memory_space<vmem>> -> memref<768xf32, #tpu.memory_space<vmem>>
        %parallel_loop3A_997 = arith.index_cast %parallel_loop3A_966 : i32 to index
        %parallel_loop3A_998 = tpu.vector_load %parallel_loop3A_996[%parallel_loop3A_997] {strides = array<i32>} : memref<768xf32, #tpu.memory_space<vmem>>, vector<16xf32>,
        %parallel_loop3A_999 = vector.shape_cast %parallel_loop3A_998 : vector<16xf32> to vector<16xf32>
        %parallel_loop3A_1000 = vector.shape_cast %parallel_loop3A_993 : vector<16xf32> to vector<16xf32>
        tpu.vector_store %parallel_loop3A_996[%parallel_loop3A_997], %parallel_loop3A_1000 {strides = array<i32>} : memref<768xf32, #tpu.memory_space<vmem>>, vector<16xf32>,
        %parallel_loop3A_1001 = arith.constant 0 : i32
        %parallel_loop3A_1002 = tpu.memref_slice %arg14[%parallel_loop3A_960, %parallel_loop3A_1001] : memref<8x768xf32, #tpu.memory_space<vmem>> -> memref<1x768xf32, #tpu.memory_space<vmem>>
        %parallel_loop3A_1003 = tpu.memref_squeeze %parallel_loop3A_1002 : memref<1x768xf32, #tpu.memory_space<vmem>> -> memref<768xf32, #tpu.memory_space<vmem>>
        %parallel_loop3A_1004 = arith.index_cast %parallel_loop3A_966 : i32 to index
        %parallel_loop3A_1005 = tpu.vector_load %parallel_loop3A_1003[%parallel_loop3A_1004] {strides = array<i32>} : memref<768xf32, #tpu.memory_space<vmem>>, vector<16xf32>,
        %parallel_loop3A_1006 = vector.shape_cast %parallel_loop3A_1005 : vector<16xf32> to vector<16xf32>
        %parallel_loop3A_1007 = arith.addf %parallel_loop3A_1006, %parallel_loop3A_972 : vector<16xf32>
        %parallel_loop3A_1008 = arith.constant 0 : i32
        %parallel_loop3A_1009 = tpu.memref_slice %arg14[%parallel_loop3A_960, %parallel_loop3A_1008] : memref<8x768xf32, #tpu.memory_space<vmem>> -> memref<1x768xf32, #tpu.memory_space<vmem>>
        %parallel_loop3A_1010 = tpu.memref_squeeze %parallel_loop3A_1009 : memref<1x768xf32, #tpu.memory_space<vmem>> -> memref<768xf32, #tpu.memory_space<vmem>>
        %parallel_loop3A_1011 = arith.index_cast %parallel_loop3A_966 : i32 to index
        %parallel_loop3A_1012 = tpu.vector_load %parallel_loop3A_1010[%parallel_loop3A_1011] {strides = array<i32>} : memref<768xf32, #tpu.memory_space<vmem>>, vector<16xf32>,
        %parallel_loop3A_1013 = vector.shape_cast %parallel_loop3A_1012 : vector<16xf32> to vector<16xf32>
        %parallel_loop3A_1014 = vector.shape_cast %parallel_loop3A_1007 : vector<16xf32> to vector<16xf32>
        tpu.vector_store %parallel_loop3A_1010[%parallel_loop3A_1011], %parallel_loop3A_1014 {strides = array<i32>} : memref<768xf32, #tpu.memory_space<vmem>>, vector<16xf32>,
        %parallel_loop3A_1015 = arith.constant 0 : i32
        %parallel_loop3A_1016 = tpu.memref_slice %arg17[%parallel_loop3A_960, %parallel_loop3A_1015] : memref<8x768xf32, #tpu.memory_space<vmem>> -> memref<1x768xf32, #tpu.memory_space<vmem>>
        %parallel_loop3A_1017 = tpu.memref_squeeze %parallel_loop3A_1016 : memref<1x768xf32, #tpu.memory_space<vmem>> -> memref<768xf32, #tpu.memory_space<vmem>>
        %parallel_loop3A_1018 = arith.index_cast %parallel_loop3A_966 : i32 to index
        %parallel_loop3A_1019 = tpu.vector_load %parallel_loop3A_1017[%parallel_loop3A_1018] {strides = array<i32>} : memref<768xf32, #tpu.memory_space<vmem>>, vector<16xf32>,
        %parallel_loop3A_1020 = vector.shape_cast %parallel_loop3A_1019 : vector<16xf32> to vector<16xf32>
        %parallel_loop3A_1021 = arith.addf %parallel_loop3A_1020, %parallel_loop3A_972 : vector<16xf32>
        %parallel_loop3A_1022 = arith.constant 0 : i32
        %parallel_loop3A_1023 = tpu.memref_slice %arg17[%parallel_loop3A_960, %parallel_loop3A_1022] : memref<8x768xf32, #tpu.memory_space<vmem>> -> memref<1x768xf32, #tpu.memory_space<vmem>>
        %parallel_loop3A_1024 = tpu.memref_squeeze %parallel_loop3A_1023 : memref<1x768xf32, #tpu.memory_space<vmem>> -> memref<768xf32, #tpu.memory_space<vmem>>
        %parallel_loop3A_1025 = arith.index_cast %parallel_loop3A_966 : i32 to index
        %parallel_loop3A_1026 = tpu.vector_load %parallel_loop3A_1024[%parallel_loop3A_1025] {strides = array<i32>} : memref<768xf32, #tpu.memory_space<vmem>>, vector<16xf32>,
        %parallel_loop3A_1027 = vector.shape_cast %parallel_loop3A_1026 : vector<16xf32> to vector<16xf32>
        %parallel_loop3A_1028 = vector.shape_cast %parallel_loop3A_1021 : vector<16xf32> to vector<16xf32>
        tpu.vector_store %parallel_loop3A_1024[%parallel_loop3A_1025], %parallel_loop3A_1028 {strides = array<i32>} : memref<768xf32, #tpu.memory_space<vmem>>, vector<16xf32>,
      } {sc.loop_unroll_factor = 8 : i64, sc.parallel_access}
    } {sc.loop_unroll_factor = 1 : i64, sc.parallel_access}
    %add3A_219 = arith.constant 0 : i32
    %add3A_220 = arith.addi %add3A_219, %mul3A_2 : i32
    %add3A_221 = arith.constant 0 : i32
    %add3A_222 = arith.addi %add3A_220, %add3A_221 : i32
    %dma_start3A_223 = arith.constant 0 : i32
    %dma_start3A_224 = tpu.memref_slice %arg5[%add3A_222, %dma_start3A_223] : memref<8192x768xf32, #tpu.memory_space<hbm>> -> memref<8x768xf32, #tpu.memory_space<hbm>>
    %dma_start3A_225 = arith.constant 0 : i32
    %dma_start3A_226 = tpu.memref_slice %arg5[%add3A_222, %dma_start3A_225] : memref<8192x768xf32, #tpu.memory_space<hbm>> -> memref<8x768xf32, #tpu.memory_space<hbm>>
    tpu.enqueue_dma source(%arg8 : memref<8x768xf32, #tpu.memory_space<vmem>>) target(%dma_start3A_226 : memref<8x768xf32, #tpu.memory_space<hbm>>) target_semaphore(%arg34 : memref<!tpu.dma_semaphore, #tpu.memory_space<semaphore_mem>>)
    %add3A_227 = arith.constant 2048 : i32
    %add3A_228 = arith.addi %add3A_227, %mul3A_2 : i32
    %add3A_229 = arith.constant 0 : i32
    %add3A_230 = arith.addi %add3A_228, %add3A_229 : i32
    %dma_start3A_231 = arith.constant 0 : i32
    %dma_start3A_232 = tpu.memref_slice %arg5[%add3A_230, %dma_start3A_231] : memref<8192x768xf32, #tpu.memory_space<hbm>> -> memref<8x768xf32, #tpu.memory_space<hbm>>
    %dma_start3A_233 = arith.constant 0 : i32
    %dma_start3A_234 = tpu.memref_slice %arg5[%add3A_230, %dma_start3A_233] : memref<8192x768xf32, #tpu.memory_space<hbm>> -> memref<8x768xf32, #tpu.memory_space<hbm>>
    tpu.enqueue_dma source(%arg11 : memref<8x768xf32, #tpu.memory_space<vmem>>) target(%dma_start3A_234 : memref<8x768xf32, #tpu.memory_space<hbm>>) target_semaphore(%arg37 : memref<!tpu.dma_semaphore, #tpu.memory_space<semaphore_mem>>)
    %add3A_235 = arith.constant 4096 : i32
    %add3A_236 = arith.addi %add3A_235, %mul3A_2 : i32
    %add3A_237 = arith.constant 0 : i32
    %add3A_238 = arith.addi %add3A_236, %add3A_237 : i32
    %dma_start3A_239 = arith.constant 0 : i32
    %dma_start3A_240 = tpu.memref_slice %arg5[%add3A_238, %dma_start3A_239] : memref<8192x768xf32, #tpu.memory_space<hbm>> -> memref<8x768xf32, #tpu.memory_space<hbm>>
    %dma_start3A_241 = arith.constant 0 : i32
    %dma_start3A_242 = tpu.memref_slice %arg5[%add3A_238, %dma_start3A_241] : memref<8192x768xf32, #tpu.memory_space<hbm>> -> memref<8x768xf32, #tpu.memory_space<hbm>>
    tpu.enqueue_dma source(%arg14 : memref<8x768xf32, #tpu.memory_space<vmem>>) target(%dma_start3A_242 : memref<8x768xf32, #tpu.memory_space<hbm>>) target_semaphore(%arg40 : memref<!tpu.dma_semaphore, #tpu.memory_space<semaphore_mem>>)
    %add3A_243 = arith.constant 6144 : i32
    %add3A_244 = arith.addi %add3A_243, %mul3A_2 : i32
    %add3A_245 = arith.constant 0 : i32
    %add3A_246 = arith.addi %add3A_244, %add3A_245 : i32
    %dma_start3A_247 = arith.constant 0 : i32
    %dma_start3A_248 = tpu.memref_slice %arg5[%add3A_246, %dma_start3A_247] : memref<8192x768xf32, #tpu.memory_space<hbm>> -> memref<8x768xf32, #tpu.memory_space<hbm>>
    %dma_start3A_249 = arith.constant 0 : i32
    %dma_start3A_250 = tpu.memref_slice %arg5[%add3A_246, %dma_start3A_249] : memref<8192x768xf32, #tpu.memory_space<hbm>> -> memref<8x768xf32, #tpu.memory_space<hbm>>
    tpu.enqueue_dma source(%arg17 : memref<8x768xf32, #tpu.memory_space<vmem>>) target(%dma_start3A_250 : memref<8x768xf32, #tpu.memory_space<hbm>>) target_semaphore(%arg43 : memref<!tpu.dma_semaphore, #tpu.memory_space<semaphore_mem>>)
    %dma_wait3A_251 = arith.constant 0 : i32
    %dma_wait3A_252 = tpu.memref_slice %arg5[%add3A_222, %dma_wait3A_251] : memref<8192x768xf32, #tpu.memory_space<hbm>> -> memref<8x768xf32, #tpu.memory_space<hbm>>
    %dma_wait3A_253 = arith.constant 0 : i32
    %dma_wait3A_254 = tpu.memref_slice %arg5[%add3A_222, %dma_wait3A_253] : memref<8192x768xf32, #tpu.memory_space<hbm>> -> memref<8x768xf32, #tpu.memory_space<hbm>>
    tpu.wait_dma2 semaphore(%arg34 : memref<!tpu.dma_semaphore, #tpu.memory_space<semaphore_mem>>) src(%arg8 : memref<8x768xf32, #tpu.memory_space<vmem>>) dst(%dma_wait3A_254 : memref<8x768xf32, #tpu.memory_space<hbm>>)
    %dma_wait3A_255 = arith.constant 0 : i32
    %dma_wait3A_256 = tpu.memref_slice %arg5[%add3A_230, %dma_wait3A_255] : memref<8192x768xf32, #tpu.memory_space<hbm>> -> memref<8x768xf32, #tpu.memory_space<hbm>>
    %dma_wait3A_257 = arith.constant 0 : i32
    %dma_wait3A_258 = tpu.memref_slice %arg5[%add3A_230, %dma_wait3A_257] : memref<8192x768xf32, #tpu.memory_space<hbm>> -> memref<8x768xf32, #tpu.memory_space<hbm>>
    tpu.wait_dma2 semaphore(%arg37 : memref<!tpu.dma_semaphore, #tpu.memory_space<semaphore_mem>>) src(%arg11 : memref<8x768xf32, #tpu.memory_space<vmem>>) dst(%dma_wait3A_258 : memref<8x768xf32, #tpu.memory_space<hbm>>)
    %dma_wait3A_259 = arith.constant 0 : i32
    %dma_wait3A_260 = tpu.memref_slice %arg5[%add3A_238, %dma_wait3A_259] : memref<8192x768xf32, #tpu.memory_space<hbm>> -> memref<8x768xf32, #tpu.memory_space<hbm>>
    %dma_wait3A_261 = arith.constant 0 : i32
    %dma_wait3A_262 = tpu.memref_slice %arg5[%add3A_238, %dma_wait3A_261] : memref<8192x768xf32, #tpu.memory_space<hbm>> -> memref<8x768xf32, #tpu.memory_space<hbm>>
    tpu.wait_dma2 semaphore(%arg40 : memref<!tpu.dma_semaphore, #tpu.memory_space<semaphore_mem>>) src(%arg14 : memref<8x768xf32, #tpu.memory_space<vmem>>) dst(%dma_wait3A_262 : memref<8x768xf32, #tpu.memory_space<hbm>>)
    %dma_wait3A_263 = arith.constant 0 : i32
    %dma_wait3A_264 = tpu.memref_slice %arg5[%add3A_246, %dma_wait3A_263] : memref<8192x768xf32, #tpu.memory_space<hbm>> -> memref<8x768xf32, #tpu.memory_space<hbm>>
    %dma_wait3A_265 = arith.constant 0 : i32
    %dma_wait3A_266 = tpu.memref_slice %arg5[%add3A_246, %dma_wait3A_265] : memref<8192x768xf32, #tpu.memory_space<hbm>> -> memref<8x768xf32, #tpu.memory_space<hbm>>
    tpu.wait_dma2 semaphore(%arg43 : memref<!tpu.dma_semaphore, #tpu.memory_space<semaphore_mem>>) src(%arg17 : memref<8x768xf32, #tpu.memory_space<vmem>>) dst(%dma_wait3A_266 : memref<8x768xf32, #tpu.memory_space<hbm>>)
    %dma_start3A_267 = arith.constant 0 : i32
    %dma_start3A_268 = arith.constant 24 : i32
    %dma_start3A_269 = tpu.memref_slice %arg6[%dma_start3A_267, %dma_start3A_268] : memref<4x64xi32, #tpu.memory_space<vmem>> -> memref<1x8xi32, #tpu.memory_space<vmem>>
    %dma_start3A_270 = tpu.memref_squeeze %dma_start3A_269 : memref<1x8xi32, #tpu.memory_space<vmem>> -> memref<8xi32, #tpu.memory_space<vmem>>
    %dma_start3A_271 = arith.constant 0 : i32
    %dma_start3A_272 = arith.constant 0 : i32
    %dma_start3A_273 = tpu.memref_slice %arg3[%dma_start3A_271, %dma_start3A_272] : memref<100000x768xf32, #tpu.memory_space<hbm>> -> memref<100000x768xf32, #tpu.memory_space<hbm>>
    tpu.enqueue_indirect_dma source(%dma_start3A_273 : memref<100000x768xf32, #tpu.memory_space<hbm>>) target(%arg8 : memref<8x768xf32, #tpu.memory_space<vmem>>) offsets(%dma_start3A_270 : memref<8xi32, #tpu.memory_space<vmem>>) semaphore(%arg22 : memref<!tpu.dma_semaphore, #tpu.memory_space<semaphore_mem>>)
    %dma_start3A_274 = arith.constant 1 : i32
    %dma_start3A_275 = arith.constant 24 : i32
    %dma_start3A_276 = tpu.memref_slice %arg6[%dma_start3A_274, %dma_start3A_275] : memref<4x64xi32, #tpu.memory_space<vmem>> -> memref<1x8xi32, #tpu.memory_space<vmem>>
    %dma_start3A_277 = tpu.memref_squeeze %dma_start3A_276 : memref<1x8xi32, #tpu.memory_space<vmem>> -> memref<8xi32, #tpu.memory_space<vmem>>
    %dma_start3A_278 = arith.constant 0 : i32
    %dma_start3A_279 = arith.constant 0 : i32
    %dma_start3A_280 = tpu.memref_slice %arg3[%dma_start3A_278, %dma_start3A_279] : memref<100000x768xf32, #tpu.memory_space<hbm>> -> memref<100000x768xf32, #tpu.memory_space<hbm>>
    tpu.enqueue_indirect_dma source(%dma_start3A_280 : memref<100000x768xf32, #tpu.memory_space<hbm>>) target(%arg11 : memref<8x768xf32, #tpu.memory_space<vmem>>) offsets(%dma_start3A_277 : memref<8xi32, #tpu.memory_space<vmem>>) semaphore(%arg25 : memref<!tpu.dma_semaphore, #tpu.memory_space<semaphore_mem>>)
    %dma_start3A_281 = arith.constant 2 : i32
    %dma_start3A_282 = arith.constant 24 : i32
    %dma_start3A_283 = tpu.memref_slice %arg6[%dma_start3A_281, %dma_start3A_282] : memref<4x64xi32, #tpu.memory_space<vmem>> -> memref<1x8xi32, #tpu.memory_space<vmem>>
    %dma_start3A_284 = tpu.memref_squeeze %dma_start3A_283 : memref<1x8xi32, #tpu.memory_space<vmem>> -> memref<8xi32, #tpu.memory_space<vmem>>
    %dma_start3A_285 = arith.constant 0 : i32
    %dma_start3A_286 = arith.constant 0 : i32
    %dma_start3A_287 = tpu.memref_slice %arg3[%dma_start3A_285, %dma_start3A_286] : memref<100000x768xf32, #tpu.memory_space<hbm>> -> memref<100000x768xf32, #tpu.memory_space<hbm>>
    tpu.enqueue_indirect_dma source(%dma_start3A_287 : memref<100000x768xf32, #tpu.memory_space<hbm>>) target(%arg14 : memref<8x768xf32, #tpu.memory_space<vmem>>) offsets(%dma_start3A_284 : memref<8xi32, #tpu.memory_space<vmem>>) semaphore(%arg28 : memref<!tpu.dma_semaphore, #tpu.memory_space<semaphore_mem>>)
    %dma_start3A_288 = arith.constant 3 : i32
    %dma_start3A_289 = arith.constant 24 : i32
    %dma_start3A_290 = tpu.memref_slice %arg6[%dma_start3A_288, %dma_start3A_289] : memref<4x64xi32, #tpu.memory_space<vmem>> -> memref<1x8xi32, #tpu.memory_space<vmem>>
    %dma_start3A_291 = tpu.memref_squeeze %dma_start3A_290 : memref<1x8xi32, #tpu.memory_space<vmem>> -> memref<8xi32, #tpu.memory_space<vmem>>
    %dma_start3A_292 = arith.constant 0 : i32
    %dma_start3A_293 = arith.constant 0 : i32
    %dma_start3A_294 = tpu.memref_slice %arg3[%dma_start3A_292, %dma_start3A_293] : memref<100000x768xf32, #tpu.memory_space<hbm>> -> memref<100000x768xf32, #tpu.memory_space<hbm>>
    tpu.enqueue_indirect_dma source(%dma_start3A_294 : memref<100000x768xf32, #tpu.memory_space<hbm>>) target(%arg17 : memref<8x768xf32, #tpu.memory_space<vmem>>) offsets(%dma_start3A_291 : memref<8xi32, #tpu.memory_space<vmem>>) semaphore(%arg31 : memref<!tpu.dma_semaphore, #tpu.memory_space<semaphore_mem>>)
    %dma_wait3A_295 = arith.constant 0 : i32
    %dma_wait3A_296 = arith.constant 8 : i32
    %dma_wait3A_297 = tpu.memref_slice %arg6[%dma_wait3A_295, %dma_wait3A_296] : memref<4x64xi32, #tpu.memory_space<vmem>> -> memref<1x8xi32, #tpu.memory_space<vmem>>
    %dma_wait3A_298 = tpu.memref_squeeze %dma_wait3A_297 : memref<1x8xi32, #tpu.memory_space<vmem>> -> memref<8xi32, #tpu.memory_space<vmem>>
    %dma_wait3A_299 = arith.constant 0 : i32
    %dma_wait3A_300 = arith.constant 0 : i32
    %dma_wait3A_301 = tpu.memref_slice %arg3[%dma_wait3A_299, %dma_wait3A_300] : memref<100000x768xf32, #tpu.memory_space<hbm>> -> memref<100000x768xf32, #tpu.memory_space<hbm>>
    tpu.wait_indirect_dma semaphore(%arg23 : memref<!tpu.dma_semaphore, #tpu.memory_space<semaphore_mem>>) src(%dma_wait3A_301 : memref<100000x768xf32, #tpu.memory_space<hbm>>) dst(%arg9 : memref<8x768xf32, #tpu.memory_space<vmem>>)
    %dma_wait3A_302 = arith.constant 1 : i32
    %dma_wait3A_303 = arith.constant 8 : i32
    %dma_wait3A_304 = tpu.memref_slice %arg6[%dma_wait3A_302, %dma_wait3A_303] : memref<4x64xi32, #tpu.memory_space<vmem>> -> memref<1x8xi32, #tpu.memory_space<vmem>>
    %dma_wait3A_305 = tpu.memref_squeeze %dma_wait3A_304 : memref<1x8xi32, #tpu.memory_space<vmem>> -> memref<8xi32, #tpu.memory_space<vmem>>
    %dma_wait3A_306 = arith.constant 0 : i32
    %dma_wait3A_307 = arith.constant 0 : i32
    %dma_wait3A_308 = tpu.memref_slice %arg3[%dma_wait3A_306, %dma_wait3A_307] : memref<100000x768xf32, #tpu.memory_space<hbm>> -> memref<100000x768xf32, #tpu.memory_space<hbm>>
    tpu.wait_indirect_dma semaphore(%arg26 : memref<!tpu.dma_semaphore, #tpu.memory_space<semaphore_mem>>) src(%dma_wait3A_308 : memref<100000x768xf32, #tpu.memory_space<hbm>>) dst(%arg12 : memref<8x768xf32, #tpu.memory_space<vmem>>)
    %dma_wait3A_309 = arith.constant 2 : i32
    %dma_wait3A_310 = arith.constant 8 : i32
    %dma_wait3A_311 = tpu.memref_slice %arg6[%dma_wait3A_309, %dma_wait3A_310] : memref<4x64xi32, #tpu.memory_space<vmem>> -> memref<1x8xi32, #tpu.memory_space<vmem>>
    %dma_wait3A_312 = tpu.memref_squeeze %dma_wait3A_311 : memref<1x8xi32, #tpu.memory_space<vmem>> -> memref<8xi32, #tpu.memory_space<vmem>>
    %dma_wait3A_313 = arith.constant 0 : i32
    %dma_wait3A_314 = arith.constant 0 : i32
    %dma_wait3A_315 = tpu.memref_slice %arg3[%dma_wait3A_313, %dma_wait3A_314] : memref<100000x768xf32, #tpu.memory_space<hbm>> -> memref<100000x768xf32, #tpu.memory_space<hbm>>
    tpu.wait_indirect_dma semaphore(%arg29 : memref<!tpu.dma_semaphore, #tpu.memory_space<semaphore_mem>>) src(%dma_wait3A_315 : memref<100000x768xf32, #tpu.memory_space<hbm>>) dst(%arg15 : memref<8x768xf32, #tpu.memory_space<vmem>>)
    %dma_wait3A_316 = arith.constant 3 : i32
    %dma_wait3A_317 = arith.constant 8 : i32
    %dma_wait3A_318 = tpu.memref_slice %arg6[%dma_wait3A_316, %dma_wait3A_317] : memref<4x64xi32, #tpu.memory_space<vmem>> -> memref<1x8xi32, #tpu.memory_space<vmem>>
    %dma_wait3A_319 = tpu.memref_squeeze %dma_wait3A_318 : memref<1x8xi32, #tpu.memory_space<vmem>> -> memref<8xi32, #tpu.memory_space<vmem>>
    %dma_wait3A_320 = arith.constant 0 : i32
    %dma_wait3A_321 = arith.constant 0 : i32
    %dma_wait3A_322 = tpu.memref_slice %arg3[%dma_wait3A_320, %dma_wait3A_321] : memref<100000x768xf32, #tpu.memory_space<hbm>> -> memref<100000x768xf32, #tpu.memory_space<hbm>>
    tpu.wait_indirect_dma semaphore(%arg32 : memref<!tpu.dma_semaphore, #tpu.memory_space<semaphore_mem>>) src(%dma_wait3A_322 : memref<100000x768xf32, #tpu.memory_space<hbm>>) dst(%arg18 : memref<8x768xf32, #tpu.memory_space<vmem>>)
    %parallel_loop3A_323 = arith.constant 0 : i32
    %parallel_loop3A_324 = arith.constant 8 : i32
    %parallel_loop3A_325 = arith.constant 1 : i32
    scf.for %parallel_loop3A_960 = %parallel_loop3A_323 to %parallel_loop3A_324 step %parallel_loop3A_325  : i32 {
      %parallel_loop3A_961 = arith.constant 8 : i32
      %parallel_loop3A_962 = arith.addi %parallel_loop3A_961, %parallel_loop3A_960 : i32
      %parallel_loop3A_963 = arith.constant 0 : i32
      %parallel_loop3A_964 = arith.constant 768 : i32
      %parallel_loop3A_965 = arith.constant 16 : i32
      scf.for %parallel_loop3A_966 = %parallel_loop3A_963 to %parallel_loop3A_964 step %parallel_loop3A_965  : i32 {
        %parallel_loop3A_967 = arith.constant 0 : i32
        %parallel_loop3A_968 = tpu.memref_slice %arg7[%parallel_loop3A_962, %parallel_loop3A_967] : memref<64x768xf32, #tpu.memory_space<vmem>> -> memref<1x768xf32, #tpu.memory_space<vmem>>
        %parallel_loop3A_969 = tpu.memref_squeeze %parallel_loop3A_968 : memref<1x768xf32, #tpu.memory_space<vmem>> -> memref<768xf32, #tpu.memory_space<vmem>>
        %parallel_loop3A_970 = arith.index_cast %parallel_loop3A_966 : i32 to index
        %parallel_loop3A_971 = tpu.vector_load %parallel_loop3A_969[%parallel_loop3A_970] {strides = array<i32>} : memref<768xf32, #tpu.memory_space<vmem>>, vector<16xf32>,
        %parallel_loop3A_972 = vector.shape_cast %parallel_loop3A_971 : vector<16xf32> to vector<16xf32>
        %parallel_loop3A_973 = arith.constant 0 : i32
        %parallel_loop3A_974 = tpu.memref_slice %arg9[%parallel_loop3A_960, %parallel_loop3A_973] : memref<8x768xf32, #tpu.memory_space<vmem>> -> memref<1x768xf32, #tpu.memory_space<vmem>>
        %parallel_loop3A_975 = tpu.memref_squeeze %parallel_loop3A_974 : memref<1x768xf32, #tpu.memory_space<vmem>> -> memref<768xf32, #tpu.memory_space<vmem>>
        %parallel_loop3A_976 = arith.index_cast %parallel_loop3A_966 : i32 to index
        %parallel_loop3A_977 = tpu.vector_load %parallel_loop3A_975[%parallel_loop3A_976] {strides = array<i32>} : memref<768xf32, #tpu.memory_space<vmem>>, vector<16xf32>,
        %parallel_loop3A_978 = vector.shape_cast %parallel_loop3A_977 : vector<16xf32> to vector<16xf32>
        %parallel_loop3A_979 = arith.addf %parallel_loop3A_978, %parallel_loop3A_972 : vector<16xf32>
        %parallel_loop3A_980 = arith.constant 0 : i32
        %parallel_loop3A_981 = tpu.memref_slice %arg9[%parallel_loop3A_960, %parallel_loop3A_980] : memref<8x768xf32, #tpu.memory_space<vmem>> -> memref<1x768xf32, #tpu.memory_space<vmem>>
        %parallel_loop3A_982 = tpu.memref_squeeze %parallel_loop3A_981 : memref<1x768xf32, #tpu.memory_space<vmem>> -> memref<768xf32, #tpu.memory_space<vmem>>
        %parallel_loop3A_983 = arith.index_cast %parallel_loop3A_966 : i32 to index
        %parallel_loop3A_984 = tpu.vector_load %parallel_loop3A_982[%parallel_loop3A_983] {strides = array<i32>} : memref<768xf32, #tpu.memory_space<vmem>>, vector<16xf32>,
        %parallel_loop3A_985 = vector.shape_cast %parallel_loop3A_984 : vector<16xf32> to vector<16xf32>
        %parallel_loop3A_986 = vector.shape_cast %parallel_loop3A_979 : vector<16xf32> to vector<16xf32>
        tpu.vector_store %parallel_loop3A_982[%parallel_loop3A_983], %parallel_loop3A_986 {strides = array<i32>} : memref<768xf32, #tpu.memory_space<vmem>>, vector<16xf32>,
        %parallel_loop3A_987 = arith.constant 0 : i32
        %parallel_loop3A_988 = tpu.memref_slice %arg12[%parallel_loop3A_960, %parallel_loop3A_987] : memref<8x768xf32, #tpu.memory_space<vmem>> -> memref<1x768xf32, #tpu.memory_space<vmem>>
        %parallel_loop3A_989 = tpu.memref_squeeze %parallel_loop3A_988 : memref<1x768xf32, #tpu.memory_space<vmem>> -> memref<768xf32, #tpu.memory_space<vmem>>
        %parallel_loop3A_990 = arith.index_cast %parallel_loop3A_966 : i32 to index
        %parallel_loop3A_991 = tpu.vector_load %parallel_loop3A_989[%parallel_loop3A_990] {strides = array<i32>} : memref<768xf32, #tpu.memory_space<vmem>>, vector<16xf32>,
        %parallel_loop3A_992 = vector.shape_cast %parallel_loop3A_991 : vector<16xf32> to vector<16xf32>
        %parallel_loop3A_993 = arith.addf %parallel_loop3A_992, %parallel_loop3A_972 : vector<16xf32>
        %parallel_loop3A_994 = arith.constant 0 : i32
        %parallel_loop3A_995 = tpu.memref_slice %arg12[%parallel_loop3A_960, %parallel_loop3A_994] : memref<8x768xf32, #tpu.memory_space<vmem>> -> memref<1x768xf32, #tpu.memory_space<vmem>>
        %parallel_loop3A_996 = tpu.memref_squeeze %parallel_loop3A_995 : memref<1x768xf32, #tpu.memory_space<vmem>> -> memref<768xf32, #tpu.memory_space<vmem>>
        %parallel_loop3A_997 = arith.index_cast %parallel_loop3A_966 : i32 to index
        %parallel_loop3A_998 = tpu.vector_load %parallel_loop3A_996[%parallel_loop3A_997] {strides = array<i32>} : memref<768xf32, #tpu.memory_space<vmem>>, vector<16xf32>,
        %parallel_loop3A_999 = vector.shape_cast %parallel_loop3A_998 : vector<16xf32> to vector<16xf32>
        %parallel_loop3A_1000 = vector.shape_cast %parallel_loop3A_993 : vector<16xf32> to vector<16xf32>
        tpu.vector_store %parallel_loop3A_996[%parallel_loop3A_997], %parallel_loop3A_1000 {strides = array<i32>} : memref<768xf32, #tpu.memory_space<vmem>>, vector<16xf32>,
        %parallel_loop3A_1001 = arith.constant 0 : i32
        %parallel_loop3A_1002 = tpu.memref_slice %arg15[%parallel_loop3A_960, %parallel_loop3A_1001] : memref<8x768xf32, #tpu.memory_space<vmem>> -> memref<1x768xf32, #tpu.memory_space<vmem>>
        %parallel_loop3A_1003 = tpu.memref_squeeze %parallel_loop3A_1002 : memref<1x768xf32, #tpu.memory_space<vmem>> -> memref<768xf32, #tpu.memory_space<vmem>>
        %parallel_loop3A_1004 = arith.index_cast %parallel_loop3A_966 : i32 to index
        %parallel_loop3A_1005 = tpu.vector_load %parallel_loop3A_1003[%parallel_loop3A_1004] {strides = array<i32>} : memref<768xf32, #tpu.memory_space<vmem>>, vector<16xf32>,
        %parallel_loop3A_1006 = vector.shape_cast %parallel_loop3A_1005 : vector<16xf32> to vector<16xf32>
        %parallel_loop3A_1007 = arith.addf %parallel_loop3A_1006, %parallel_loop3A_972 : vector<16xf32>
        %parallel_loop3A_1008 = arith.constant 0 : i32
        %parallel_loop3A_1009 = tpu.memref_slice %arg15[%parallel_loop3A_960, %parallel_loop3A_1008] : memref<8x768xf32, #tpu.memory_space<vmem>> -> memref<1x768xf32, #tpu.memory_space<vmem>>
        %parallel_loop3A_1010 = tpu.memref_squeeze %parallel_loop3A_1009 : memref<1x768xf32, #tpu.memory_space<vmem>> -> memref<768xf32, #tpu.memory_space<vmem>>
        %parallel_loop3A_1011 = arith.index_cast %parallel_loop3A_966 : i32 to index
        %parallel_loop3A_1012 = tpu.vector_load %parallel_loop3A_1010[%parallel_loop3A_1011] {strides = array<i32>} : memref<768xf32, #tpu.memory_space<vmem>>, vector<16xf32>,
        %parallel_loop3A_1013 = vector.shape_cast %parallel_loop3A_1012 : vector<16xf32> to vector<16xf32>
        %parallel_loop3A_1014 = vector.shape_cast %parallel_loop3A_1007 : vector<16xf32> to vector<16xf32>
        tpu.vector_store %parallel_loop3A_1010[%parallel_loop3A_1011], %parallel_loop3A_1014 {strides = array<i32>} : memref<768xf32, #tpu.memory_space<vmem>>, vector<16xf32>,
        %parallel_loop3A_1015 = arith.constant 0 : i32
        %parallel_loop3A_1016 = tpu.memref_slice %arg18[%parallel_loop3A_960, %parallel_loop3A_1015] : memref<8x768xf32, #tpu.memory_space<vmem>> -> memref<1x768xf32, #tpu.memory_space<vmem>>
        %parallel_loop3A_1017 = tpu.memref_squeeze %parallel_loop3A_1016 : memref<1x768xf32, #tpu.memory_space<vmem>> -> memref<768xf32, #tpu.memory_space<vmem>>
        %parallel_loop3A_1018 = arith.index_cast %parallel_loop3A_966 : i32 to index
        %parallel_loop3A_1019 = tpu.vector_load %parallel_loop3A_1017[%parallel_loop3A_1018] {strides = array<i32>} : memref<768xf32, #tpu.memory_space<vmem>>, vector<16xf32>,
        %parallel_loop3A_1020 = vector.shape_cast %parallel_loop3A_1019 : vector<16xf32> to vector<16xf32>
        %parallel_loop3A_1021 = arith.addf %parallel_loop3A_1020, %parallel_loop3A_972 : vector<16xf32>
        %parallel_loop3A_1022 = arith.constant 0 : i32
        %parallel_loop3A_1023 = tpu.memref_slice %arg18[%parallel_loop3A_960, %parallel_loop3A_1022] : memref<8x768xf32, #tpu.memory_space<vmem>> -> memref<1x768xf32, #tpu.memory_space<vmem>>
        %parallel_loop3A_1024 = tpu.memref_squeeze %parallel_loop3A_1023 : memref<1x768xf32, #tpu.memory_space<vmem>> -> memref<768xf32, #tpu.memory_space<vmem>>
        %parallel_loop3A_1025 = arith.index_cast %parallel_loop3A_966 : i32 to index
        %parallel_loop3A_1026 = tpu.vector_load %parallel_loop3A_1024[%parallel_loop3A_1025] {strides = array<i32>} : memref<768xf32, #tpu.memory_space<vmem>>, vector<16xf32>,
        %parallel_loop3A_1027 = vector.shape_cast %parallel_loop3A_1026 : vector<16xf32> to vector<16xf32>
        %parallel_loop3A_1028 = vector.shape_cast %parallel_loop3A_1021 : vector<16xf32> to vector<16xf32>
        tpu.vector_store %parallel_loop3A_1024[%parallel_loop3A_1025], %parallel_loop3A_1028 {strides = array<i32>} : memref<768xf32, #tpu.memory_space<vmem>>, vector<16xf32>,
      } {sc.loop_unroll_factor = 8 : i64, sc.parallel_access}
    } {sc.loop_unroll_factor = 1 : i64, sc.parallel_access}
    %add3A_326 = arith.constant 0 : i32
    %add3A_327 = arith.addi %add3A_326, %mul3A_2 : i32
    %add3A_328 = arith.constant 8 : i32
    %add3A_329 = arith.addi %add3A_327, %add3A_328 : i32
    %dma_start3A_330 = arith.constant 0 : i32
    %dma_start3A_331 = tpu.memref_slice %arg5[%add3A_329, %dma_start3A_330] : memref<8192x768xf32, #tpu.memory_space<hbm>> -> memref<8x768xf32, #tpu.memory_space<hbm>>
    %dma_start3A_332 = arith.constant 0 : i32
    %dma_start3A_333 = tpu.memref_slice %arg5[%add3A_329, %dma_start3A_332] : memref<8192x768xf32, #tpu.memory_space<hbm>> -> memref<8x768xf32, #tpu.memory_space<hbm>>
    tpu.enqueue_dma source(%arg9 : memref<8x768xf32, #tpu.memory_space<vmem>>) target(%dma_start3A_333 : memref<8x768xf32, #tpu.memory_space<hbm>>) target_semaphore(%arg35 : memref<!tpu.dma_semaphore, #tpu.memory_space<semaphore_mem>>)
    %add3A_334 = arith.constant 2048 : i32
    %add3A_335 = arith.addi %add3A_334, %mul3A_2 : i32
    %add3A_336 = arith.constant 8 : i32
    %add3A_337 = arith.addi %add3A_335, %add3A_336 : i32
    %dma_start3A_338 = arith.constant 0 : i32
    %dma_start3A_339 = tpu.memref_slice %arg5[%add3A_337, %dma_start3A_338] : memref<8192x768xf32, #tpu.memory_space<hbm>> -> memref<8x768xf32, #tpu.memory_space<hbm>>
    %dma_start3A_340 = arith.constant 0 : i32
    %dma_start3A_341 = tpu.memref_slice %arg5[%add3A_337, %dma_start3A_340] : memref<8192x768xf32, #tpu.memory_space<hbm>> -> memref<8x768xf32, #tpu.memory_space<hbm>>
    tpu.enqueue_dma source(%arg12 : memref<8x768xf32, #tpu.memory_space<vmem>>) target(%dma_start3A_341 : memref<8x768xf32, #tpu.memory_space<hbm>>) target_semaphore(%arg38 : memref<!tpu.dma_semaphore, #tpu.memory_space<semaphore_mem>>)
    %add3A_342 = arith.constant 4096 : i32
    %add3A_343 = arith.addi %add3A_342, %mul3A_2 : i32
    %add3A_344 = arith.constant 8 : i32
    %add3A_345 = arith.addi %add3A_343, %add3A_344 : i32
    %dma_start3A_346 = arith.constant 0 : i32
    %dma_start3A_347 = tpu.memref_slice %arg5[%add3A_345, %dma_start3A_346] : memref<8192x768xf32, #tpu.memory_space<hbm>> -> memref<8x768xf32, #tpu.memory_space<hbm>>
    %dma_start3A_348 = arith.constant 0 : i32
    %dma_start3A_349 = tpu.memref_slice %arg5[%add3A_345, %dma_start3A_348] : memref<8192x768xf32, #tpu.memory_space<hbm>> -> memref<8x768xf32, #tpu.memory_space<hbm>>
    tpu.enqueue_dma source(%arg15 : memref<8x768xf32, #tpu.memory_space<vmem>>) target(%dma_start3A_349 : memref<8x768xf32, #tpu.memory_space<hbm>>) target_semaphore(%arg41 : memref<!tpu.dma_semaphore, #tpu.memory_space<semaphore_mem>>)
    %add3A_350 = arith.constant 6144 : i32
    %add3A_351 = arith.addi %add3A_350, %mul3A_2 : i32
    %add3A_352 = arith.constant 8 : i32
    %add3A_353 = arith.addi %add3A_351, %add3A_352 : i32
    %dma_start3A_354 = arith.constant 0 : i32
    %dma_start3A_355 = tpu.memref_slice %arg5[%add3A_353, %dma_start3A_354] : memref<8192x768xf32, #tpu.memory_space<hbm>> -> memref<8x768xf32, #tpu.memory_space<hbm>>
    %dma_start3A_356 = arith.constant 0 : i32
    %dma_start3A_357 = tpu.memref_slice %arg5[%add3A_353, %dma_start3A_356] : memref<8192x768xf32, #tpu.memory_space<hbm>> -> memref<8x768xf32, #tpu.memory_space<hbm>>
    tpu.enqueue_dma source(%arg18 : memref<8x768xf32, #tpu.memory_space<vmem>>) target(%dma_start3A_357 : memref<8x768xf32, #tpu.memory_space<hbm>>) target_semaphore(%arg44 : memref<!tpu.dma_semaphore, #tpu.memory_space<semaphore_mem>>)
    %dma_wait3A_358 = arith.constant 0 : i32
    %dma_wait3A_359 = tpu.memref_slice %arg5[%add3A_329, %dma_wait3A_358] : memref<8192x768xf32, #tpu.memory_space<hbm>> -> memref<8x768xf32, #tpu.memory_space<hbm>>
    %dma_wait3A_360 = arith.constant 0 : i32
    %dma_wait3A_361 = tpu.memref_slice %arg5[%add3A_329, %dma_wait3A_360] : memref<8192x768xf32, #tpu.memory_space<hbm>> -> memref<8x768xf32, #tpu.memory_space<hbm>>
    tpu.wait_dma2 semaphore(%arg35 : memref<!tpu.dma_semaphore, #tpu.memory_space<semaphore_mem>>) src(%arg9 : memref<8x768xf32, #tpu.memory_space<vmem>>) dst(%dma_wait3A_361 : memref<8x768xf32, #tpu.memory_space<hbm>>)
    %dma_wait3A_362 = arith.constant 0 : i32
    %dma_wait3A_363 = tpu.memref_slice %arg5[%add3A_337, %dma_wait3A_362] : memref<8192x768xf32, #tpu.memory_space<hbm>> -> memref<8x768xf32, #tpu.memory_space<hbm>>
    %dma_wait3A_364 = arith.constant 0 : i32
    %dma_wait3A_365 = tpu.memref_slice %arg5[%add3A_337, %dma_wait3A_364] : memref<8192x768xf32, #tpu.memory_space<hbm>> -> memref<8x768xf32, #tpu.memory_space<hbm>>
    tpu.wait_dma2 semaphore(%arg38 : memref<!tpu.dma_semaphore, #tpu.memory_space<semaphore_mem>>) src(%arg12 : memref<8x768xf32, #tpu.memory_space<vmem>>) dst(%dma_wait3A_365 : memref<8x768xf32, #tpu.memory_space<hbm>>)
    %dma_wait3A_366 = arith.constant 0 : i32
    %dma_wait3A_367 = tpu.memref_slice %arg5[%add3A_345, %dma_wait3A_366] : memref<8192x768xf32, #tpu.memory_space<hbm>> -> memref<8x768xf32, #tpu.memory_space<hbm>>
    %dma_wait3A_368 = arith.constant 0 : i32
    %dma_wait3A_369 = tpu.memref_slice %arg5[%add3A_345, %dma_wait3A_368] : memref<8192x768xf32, #tpu.memory_space<hbm>> -> memref<8x768xf32, #tpu.memory_space<hbm>>
    tpu.wait_dma2 semaphore(%arg41 : memref<!tpu.dma_semaphore, #tpu.memory_space<semaphore_mem>>) src(%arg15 : memref<8x768xf32, #tpu.memory_space<vmem>>) dst(%dma_wait3A_369 : memref<8x768xf32, #tpu.memory_space<hbm>>)
    %dma_wait3A_370 = arith.constant 0 : i32
    %dma_wait3A_371 = tpu.memref_slice %arg5[%add3A_353, %dma_wait3A_370] : memref<8192x768xf32, #tpu.memory_space<hbm>> -> memref<8x768xf32, #tpu.memory_space<hbm>>
    %dma_wait3A_372 = arith.constant 0 : i32
    %dma_wait3A_373 = tpu.memref_slice %arg5[%add3A_353, %dma_wait3A_372] : memref<8192x768xf32, #tpu.memory_space<hbm>> -> memref<8x768xf32, #tpu.memory_space<hbm>>
    tpu.wait_dma2 semaphore(%arg44 : memref<!tpu.dma_semaphore, #tpu.memory_space<semaphore_mem>>) src(%arg18 : memref<8x768xf32, #tpu.memory_space<vmem>>) dst(%dma_wait3A_373 : memref<8x768xf32, #tpu.memory_space<hbm>>)
    %dma_start3A_374 = arith.constant 0 : i32
    %dma_start3A_375 = arith.constant 32 : i32
    %dma_start3A_376 = tpu.memref_slice %arg6[%dma_start3A_374, %dma_start3A_375] : memref<4x64xi32, #tpu.memory_space<vmem>> -> memref<1x8xi32, #tpu.memory_space<vmem>>
    %dma_start3A_377 = tpu.memref_squeeze %dma_start3A_376 : memref<1x8xi32, #tpu.memory_space<vmem>> -> memref<8xi32, #tpu.memory_space<vmem>>
    %dma_start3A_378 = arith.constant 0 : i32
    %dma_start3A_379 = arith.constant 0 : i32
    %dma_start3A_380 = tpu.memref_slice %arg3[%dma_start3A_378, %dma_start3A_379] : memref<100000x768xf32, #tpu.memory_space<hbm>> -> memref<100000x768xf32, #tpu.memory_space<hbm>>
    tpu.enqueue_indirect_dma source(%dma_start3A_380 : memref<100000x768xf32, #tpu.memory_space<hbm>>) target(%arg9 : memref<8x768xf32, #tpu.memory_space<vmem>>) offsets(%dma_start3A_377 : memref<8xi32, #tpu.memory_space<vmem>>) semaphore(%arg23 : memref<!tpu.dma_semaphore, #tpu.memory_space<semaphore_mem>>)
    %dma_start3A_381 = arith.constant 1 : i32
    %dma_start3A_382 = arith.constant 32 : i32
    %dma_start3A_383 = tpu.memref_slice %arg6[%dma_start3A_381, %dma_start3A_382] : memref<4x64xi32, #tpu.memory_space<vmem>> -> memref<1x8xi32, #tpu.memory_space<vmem>>
    %dma_start3A_384 = tpu.memref_squeeze %dma_start3A_383 : memref<1x8xi32, #tpu.memory_space<vmem>> -> memref<8xi32, #tpu.memory_space<vmem>>
    %dma_start3A_385 = arith.constant 0 : i32
    %dma_start3A_386 = arith.constant 0 : i32
    %dma_start3A_387 = tpu.memref_slice %arg3[%dma_start3A_385, %dma_start3A_386] : memref<100000x768xf32, #tpu.memory_space<hbm>> -> memref<100000x768xf32, #tpu.memory_space<hbm>>
    tpu.enqueue_indirect_dma source(%dma_start3A_387 : memref<100000x768xf32, #tpu.memory_space<hbm>>) target(%arg12 : memref<8x768xf32, #tpu.memory_space<vmem>>) offsets(%dma_start3A_384 : memref<8xi32, #tpu.memory_space<vmem>>) semaphore(%arg26 : memref<!tpu.dma_semaphore, #tpu.memory_space<semaphore_mem>>)
    %dma_start3A_388 = arith.constant 2 : i32
    %dma_start3A_389 = arith.constant 32 : i32
    %dma_start3A_390 = tpu.memref_slice %arg6[%dma_start3A_388, %dma_start3A_389] : memref<4x64xi32, #tpu.memory_space<vmem>> -> memref<1x8xi32, #tpu.memory_space<vmem>>
    %dma_start3A_391 = tpu.memref_squeeze %dma_start3A_390 : memref<1x8xi32, #tpu.memory_space<vmem>> -> memref<8xi32, #tpu.memory_space<vmem>>
    %dma_start3A_392 = arith.constant 0 : i32
    %dma_start3A_393 = arith.constant 0 : i32
    %dma_start3A_394 = tpu.memref_slice %arg3[%dma_start3A_392, %dma_start3A_393] : memref<100000x768xf32, #tpu.memory_space<hbm>> -> memref<100000x768xf32, #tpu.memory_space<hbm>>
    tpu.enqueue_indirect_dma source(%dma_start3A_394 : memref<100000x768xf32, #tpu.memory_space<hbm>>) target(%arg15 : memref<8x768xf32, #tpu.memory_space<vmem>>) offsets(%dma_start3A_391 : memref<8xi32, #tpu.memory_space<vmem>>) semaphore(%arg29 : memref<!tpu.dma_semaphore, #tpu.memory_space<semaphore_mem>>)
    %dma_start3A_395 = arith.constant 3 : i32
    %dma_start3A_396 = arith.constant 32 : i32
    %dma_start3A_397 = tpu.memref_slice %arg6[%dma_start3A_395, %dma_start3A_396] : memref<4x64xi32, #tpu.memory_space<vmem>> -> memref<1x8xi32, #tpu.memory_space<vmem>>
    %dma_start3A_398 = tpu.memref_squeeze %dma_start3A_397 : memref<1x8xi32, #tpu.memory_space<vmem>> -> memref<8xi32, #tpu.memory_space<vmem>>
    %dma_start3A_399 = arith.constant 0 : i32
    %dma_start3A_400 = arith.constant 0 : i32
    %dma_start3A_401 = tpu.memref_slice %arg3[%dma_start3A_399, %dma_start3A_400] : memref<100000x768xf32, #tpu.memory_space<hbm>> -> memref<100000x768xf32, #tpu.memory_space<hbm>>
    tpu.enqueue_indirect_dma source(%dma_start3A_401 : memref<100000x768xf32, #tpu.memory_space<hbm>>) target(%arg18 : memref<8x768xf32, #tpu.memory_space<vmem>>) offsets(%dma_start3A_398 : memref<8xi32, #tpu.memory_space<vmem>>) semaphore(%arg32 : memref<!tpu.dma_semaphore, #tpu.memory_space<semaphore_mem>>)
    %dma_wait3A_402 = arith.constant 0 : i32
    %dma_wait3A_403 = arith.constant 16 : i32
    %dma_wait3A_404 = tpu.memref_slice %arg6[%dma_wait3A_402, %dma_wait3A_403] : memref<4x64xi32, #tpu.memory_space<vmem>> -> memref<1x8xi32, #tpu.memory_space<vmem>>
    %dma_wait3A_405 = tpu.memref_squeeze %dma_wait3A_404 : memref<1x8xi32, #tpu.memory_space<vmem>> -> memref<8xi32, #tpu.memory_space<vmem>>
    %dma_wait3A_406 = arith.constant 0 : i32
    %dma_wait3A_407 = arith.constant 0 : i32
    %dma_wait3A_408 = tpu.memref_slice %arg3[%dma_wait3A_406, %dma_wait3A_407] : memref<100000x768xf32, #tpu.memory_space<hbm>> -> memref<100000x768xf32, #tpu.memory_space<hbm>>
    tpu.wait_indirect_dma semaphore(%arg24 : memref<!tpu.dma_semaphore, #tpu.memory_space<semaphore_mem>>) src(%dma_wait3A_408 : memref<100000x768xf32, #tpu.memory_space<hbm>>) dst(%arg10 : memref<8x768xf32, #tpu.memory_space<vmem>>)
    %dma_wait3A_409 = arith.constant 1 : i32
    %dma_wait3A_410 = arith.constant 16 : i32
    %dma_wait3A_411 = tpu.memref_slice %arg6[%dma_wait3A_409, %dma_wait3A_410] : memref<4x64xi32, #tpu.memory_space<vmem>> -> memref<1x8xi32, #tpu.memory_space<vmem>>
    %dma_wait3A_412 = tpu.memref_squeeze %dma_wait3A_411 : memref<1x8xi32, #tpu.memory_space<vmem>> -> memref<8xi32, #tpu.memory_space<vmem>>
    %dma_wait3A_413 = arith.constant 0 : i32
    %dma_wait3A_414 = arith.constant 0 : i32
    %dma_wait3A_415 = tpu.memref_slice %arg3[%dma_wait3A_413, %dma_wait3A_414] : memref<100000x768xf32, #tpu.memory_space<hbm>> -> memref<100000x768xf32, #tpu.memory_space<hbm>>
    tpu.wait_indirect_dma semaphore(%arg27 : memref<!tpu.dma_semaphore, #tpu.memory_space<semaphore_mem>>) src(%dma_wait3A_415 : memref<100000x768xf32, #tpu.memory_space<hbm>>) dst(%arg13 : memref<8x768xf32, #tpu.memory_space<vmem>>)
    %dma_wait3A_416 = arith.constant 2 : i32
    %dma_wait3A_417 = arith.constant 16 : i32
    %dma_wait3A_418 = tpu.memref_slice %arg6[%dma_wait3A_416, %dma_wait3A_417] : memref<4x64xi32, #tpu.memory_space<vmem>> -> memref<1x8xi32, #tpu.memory_space<vmem>>
    %dma_wait3A_419 = tpu.memref_squeeze %dma_wait3A_418 : memref<1x8xi32, #tpu.memory_space<vmem>> -> memref<8xi32, #tpu.memory_space<vmem>>
    %dma_wait3A_420 = arith.constant 0 : i32
    %dma_wait3A_421 = arith.constant 0 : i32
    %dma_wait3A_422 = tpu.memref_slice %arg3[%dma_wait3A_420, %dma_wait3A_421] : memref<100000x768xf32, #tpu.memory_space<hbm>> -> memref<100000x768xf32, #tpu.memory_space<hbm>>
    tpu.wait_indirect_dma semaphore(%arg30 : memref<!tpu.dma_semaphore, #tpu.memory_space<semaphore_mem>>) src(%dma_wait3A_422 : memref<100000x768xf32, #tpu.memory_space<hbm>>) dst(%arg16 : memref<8x768xf32, #tpu.memory_space<vmem>>)
    %dma_wait3A_423 = arith.constant 3 : i32
    %dma_wait3A_424 = arith.constant 16 : i32
    %dma_wait3A_425 = tpu.memref_slice %arg6[%dma_wait3A_423, %dma_wait3A_424] : memref<4x64xi32, #tpu.memory_space<vmem>> -> memref<1x8xi32, #tpu.memory_space<vmem>>
    %dma_wait3A_426 = tpu.memref_squeeze %dma_wait3A_425 : memref<1x8xi32, #tpu.memory_space<vmem>> -> memref<8xi32, #tpu.memory_space<vmem>>
    %dma_wait3A_427 = arith.constant 0 : i32
    %dma_wait3A_428 = arith.constant 0 : i32
    %dma_wait3A_429 = tpu.memref_slice %arg3[%dma_wait3A_427, %dma_wait3A_428] : memref<100000x768xf32, #tpu.memory_space<hbm>> -> memref<100000x768xf32, #tpu.memory_space<hbm>>
    tpu.wait_indirect_dma semaphore(%arg33 : memref<!tpu.dma_semaphore, #tpu.memory_space<semaphore_mem>>) src(%dma_wait3A_429 : memref<100000x768xf32, #tpu.memory_space<hbm>>) dst(%arg19 : memref<8x768xf32, #tpu.memory_space<vmem>>)
    %parallel_loop3A_430 = arith.constant 0 : i32
    %parallel_loop3A_431 = arith.constant 8 : i32
    %parallel_loop3A_432 = arith.constant 1 : i32
    scf.for %parallel_loop3A_960 = %parallel_loop3A_430 to %parallel_loop3A_431 step %parallel_loop3A_432  : i32 {
      %parallel_loop3A_961 = arith.constant 16 : i32
      %parallel_loop3A_962 = arith.addi %parallel_loop3A_961, %parallel_loop3A_960 : i32
      %parallel_loop3A_963 = arith.constant 0 : i32
      %parallel_loop3A_964 = arith.constant 768 : i32
      %parallel_loop3A_965 = arith.constant 16 : i32
      scf.for %parallel_loop3A_966 = %parallel_loop3A_963 to %parallel_loop3A_964 step %parallel_loop3A_965  : i32 {
        %parallel_loop3A_967 = arith.constant 0 : i32
        %parallel_loop3A_968 = tpu.memref_slice %arg7[%parallel_loop3A_962, %parallel_loop3A_967] : memref<64x768xf32, #tpu.memory_space<vmem>> -> memref<1x768xf32, #tpu.memory_space<vmem>>
        %parallel_loop3A_969 = tpu.memref_squeeze %parallel_loop3A_968 : memref<1x768xf32, #tpu.memory_space<vmem>> -> memref<768xf32, #tpu.memory_space<vmem>>
        %parallel_loop3A_970 = arith.index_cast %parallel_loop3A_966 : i32 to index
        %parallel_loop3A_971 = tpu.vector_load %parallel_loop3A_969[%parallel_loop3A_970] {strides = array<i32>} : memref<768xf32, #tpu.memory_space<vmem>>, vector<16xf32>,
        %parallel_loop3A_972 = vector.shape_cast %parallel_loop3A_971 : vector<16xf32> to vector<16xf32>
        %parallel_loop3A_973 = arith.constant 0 : i32
        %parallel_loop3A_974 = tpu.memref_slice %arg10[%parallel_loop3A_960, %parallel_loop3A_973] : memref<8x768xf32, #tpu.memory_space<vmem>> -> memref<1x768xf32, #tpu.memory_space<vmem>>
        %parallel_loop3A_975 = tpu.memref_squeeze %parallel_loop3A_974 : memref<1x768xf32, #tpu.memory_space<vmem>> -> memref<768xf32, #tpu.memory_space<vmem>>
        %parallel_loop3A_976 = arith.index_cast %parallel_loop3A_966 : i32 to index
        %parallel_loop3A_977 = tpu.vector_load %parallel_loop3A_975[%parallel_loop3A_976] {strides = array<i32>} : memref<768xf32, #tpu.memory_space<vmem>>, vector<16xf32>,
        %parallel_loop3A_978 = vector.shape_cast %parallel_loop3A_977 : vector<16xf32> to vector<16xf32>
        %parallel_loop3A_979 = arith.addf %parallel_loop3A_978, %parallel_loop3A_972 : vector<16xf32>
        %parallel_loop3A_980 = arith.constant 0 : i32
        %parallel_loop3A_981 = tpu.memref_slice %arg10[%parallel_loop3A_960, %parallel_loop3A_980] : memref<8x768xf32, #tpu.memory_space<vmem>> -> memref<1x768xf32, #tpu.memory_space<vmem>>
        %parallel_loop3A_982 = tpu.memref_squeeze %parallel_loop3A_981 : memref<1x768xf32, #tpu.memory_space<vmem>> -> memref<768xf32, #tpu.memory_space<vmem>>
        %parallel_loop3A_983 = arith.index_cast %parallel_loop3A_966 : i32 to index
        %parallel_loop3A_984 = tpu.vector_load %parallel_loop3A_982[%parallel_loop3A_983] {strides = array<i32>} : memref<768xf32, #tpu.memory_space<vmem>>, vector<16xf32>,
        %parallel_loop3A_985 = vector.shape_cast %parallel_loop3A_984 : vector<16xf32> to vector<16xf32>
        %parallel_loop3A_986 = vector.shape_cast %parallel_loop3A_979 : vector<16xf32> to vector<16xf32>
        tpu.vector_store %parallel_loop3A_982[%parallel_loop3A_983], %parallel_loop3A_986 {strides = array<i32>} : memref<768xf32, #tpu.memory_space<vmem>>, vector<16xf32>,
        %parallel_loop3A_987 = arith.constant 0 : i32
        %parallel_loop3A_988 = tpu.memref_slice %arg13[%parallel_loop3A_960, %parallel_loop3A_987] : memref<8x768xf32, #tpu.memory_space<vmem>> -> memref<1x768xf32, #tpu.memory_space<vmem>>
        %parallel_loop3A_989 = tpu.memref_squeeze %parallel_loop3A_988 : memref<1x768xf32, #tpu.memory_space<vmem>> -> memref<768xf32, #tpu.memory_space<vmem>>
        %parallel_loop3A_990 = arith.index_cast %parallel_loop3A_966 : i32 to index
        %parallel_loop3A_991 = tpu.vector_load %parallel_loop3A_989[%parallel_loop3A_990] {strides = array<i32>} : memref<768xf32, #tpu.memory_space<vmem>>, vector<16xf32>,
        %parallel_loop3A_992 = vector.shape_cast %parallel_loop3A_991 : vector<16xf32> to vector<16xf32>
        %parallel_loop3A_993 = arith.addf %parallel_loop3A_992, %parallel_loop3A_972 : vector<16xf32>
        %parallel_loop3A_994 = arith.constant 0 : i32
        %parallel_loop3A_995 = tpu.memref_slice %arg13[%parallel_loop3A_960, %parallel_loop3A_994] : memref<8x768xf32, #tpu.memory_space<vmem>> -> memref<1x768xf32, #tpu.memory_space<vmem>>
        %parallel_loop3A_996 = tpu.memref_squeeze %parallel_loop3A_995 : memref<1x768xf32, #tpu.memory_space<vmem>> -> memref<768xf32, #tpu.memory_space<vmem>>
        %parallel_loop3A_997 = arith.index_cast %parallel_loop3A_966 : i32 to index
        %parallel_loop3A_998 = tpu.vector_load %parallel_loop3A_996[%parallel_loop3A_997] {strides = array<i32>} : memref<768xf32, #tpu.memory_space<vmem>>, vector<16xf32>,
        %parallel_loop3A_999 = vector.shape_cast %parallel_loop3A_998 : vector<16xf32> to vector<16xf32>
        %parallel_loop3A_1000 = vector.shape_cast %parallel_loop3A_993 : vector<16xf32> to vector<16xf32>
        tpu.vector_store %parallel_loop3A_996[%parallel_loop3A_997], %parallel_loop3A_1000 {strides = array<i32>} : memref<768xf32, #tpu.memory_space<vmem>>, vector<16xf32>,
        %parallel_loop3A_1001 = arith.constant 0 : i32
        %parallel_loop3A_1002 = tpu.memref_slice %arg16[%parallel_loop3A_960, %parallel_loop3A_1001] : memref<8x768xf32, #tpu.memory_space<vmem>> -> memref<1x768xf32, #tpu.memory_space<vmem>>
        %parallel_loop3A_1003 = tpu.memref_squeeze %parallel_loop3A_1002 : memref<1x768xf32, #tpu.memory_space<vmem>> -> memref<768xf32, #tpu.memory_space<vmem>>
        %parallel_loop3A_1004 = arith.index_cast %parallel_loop3A_966 : i32 to index
        %parallel_loop3A_1005 = tpu.vector_load %parallel_loop3A_1003[%parallel_loop3A_1004] {strides = array<i32>} : memref<768xf32, #tpu.memory_space<vmem>>, vector<16xf32>,
        %parallel_loop3A_1006 = vector.shape_cast %parallel_loop3A_1005 : vector<16xf32> to vector<16xf32>
        %parallel_loop3A_1007 = arith.addf %parallel_loop3A_1006, %parallel_loop3A_972 : vector<16xf32>
        %parallel_loop3A_1008 = arith.constant 0 : i32
        %parallel_loop3A_1009 = tpu.memref_slice %arg16[%parallel_loop3A_960, %parallel_loop3A_1008] : memref<8x768xf32, #tpu.memory_space<vmem>> -> memref<1x768xf32, #tpu.memory_space<vmem>>
        %parallel_loop3A_1010 = tpu.memref_squeeze %parallel_loop3A_1009 : memref<1x768xf32, #tpu.memory_space<vmem>> -> memref<768xf32, #tpu.memory_space<vmem>>
        %parallel_loop3A_1011 = arith.index_cast %parallel_loop3A_966 : i32 to index
        %parallel_loop3A_1012 = tpu.vector_load %parallel_loop3A_1010[%parallel_loop3A_1011] {strides = array<i32>} : memref<768xf32, #tpu.memory_space<vmem>>, vector<16xf32>,
        %parallel_loop3A_1013 = vector.shape_cast %parallel_loop3A_1012 : vector<16xf32> to vector<16xf32>
        %parallel_loop3A_1014 = vector.shape_cast %parallel_loop3A_1007 : vector<16xf32> to vector<16xf32>
        tpu.vector_store %parallel_loop3A_1010[%parallel_loop3A_1011], %parallel_loop3A_1014 {strides = array<i32>} : memref<768xf32, #tpu.memory_space<vmem>>, vector<16xf32>,
        %parallel_loop3A_1015 = arith.constant 0 : i32
        %parallel_loop3A_1016 = tpu.memref_slice %arg19[%parallel_loop3A_960, %parallel_loop3A_1015] : memref<8x768xf32, #tpu.memory_space<vmem>> -> memref<1x768xf32, #tpu.memory_space<vmem>>
        %parallel_loop3A_1017 = tpu.memref_squeeze %parallel_loop3A_1016 : memref<1x768xf32, #tpu.memory_space<vmem>> -> memref<768xf32, #tpu.memory_space<vmem>>
        %parallel_loop3A_1018 = arith.index_cast %parallel_loop3A_966 : i32 to index
        %parallel_loop3A_1019 = tpu.vector_load %parallel_loop3A_1017[%parallel_loop3A_1018] {strides = array<i32>} : memref<768xf32, #tpu.memory_space<vmem>>, vector<16xf32>,
        %parallel_loop3A_1020 = vector.shape_cast %parallel_loop3A_1019 : vector<16xf32> to vector<16xf32>
        %parallel_loop3A_1021 = arith.addf %parallel_loop3A_1020, %parallel_loop3A_972 : vector<16xf32>
        %parallel_loop3A_1022 = arith.constant 0 : i32
        %parallel_loop3A_1023 = tpu.memref_slice %arg19[%parallel_loop3A_960, %parallel_loop3A_1022] : memref<8x768xf32, #tpu.memory_space<vmem>> -> memref<1x768xf32, #tpu.memory_space<vmem>>
        %parallel_loop3A_1024 = tpu.memref_squeeze %parallel_loop3A_1023 : memref<1x768xf32, #tpu.memory_space<vmem>> -> memref<768xf32, #tpu.memory_space<vmem>>
        %parallel_loop3A_1025 = arith.index_cast %parallel_loop3A_966 : i32 to index
        %parallel_loop3A_1026 = tpu.vector_load %parallel_loop3A_1024[%parallel_loop3A_1025] {strides = array<i32>} : memref<768xf32, #tpu.memory_space<vmem>>, vector<16xf32>,
        %parallel_loop3A_1027 = vector.shape_cast %parallel_loop3A_1026 : vector<16xf32> to vector<16xf32>
        %parallel_loop3A_1028 = vector.shape_cast %parallel_loop3A_1021 : vector<16xf32> to vector<16xf32>
        tpu.vector_store %parallel_loop3A_1024[%parallel_loop3A_1025], %parallel_loop3A_1028 {strides = array<i32>} : memref<768xf32, #tpu.memory_space<vmem>>, vector<16xf32>,
      } {sc.loop_unroll_factor = 8 : i64, sc.parallel_access}
    } {sc.loop_unroll_factor = 1 : i64, sc.parallel_access}
    %add3A_433 = arith.constant 0 : i32
    %add3A_434 = arith.addi %add3A_433, %mul3A_2 : i32
    %add3A_435 = arith.constant 16 : i32
    %add3A_436 = arith.addi %add3A_434, %add3A_435 : i32
    %dma_start3A_437 = arith.constant 0 : i32
    %dma_start3A_438 = tpu.memref_slice %arg5[%add3A_436, %dma_start3A_437] : memref<8192x768xf32, #tpu.memory_space<hbm>> -> memref<8x768xf32, #tpu.memory_space<hbm>>
    %dma_start3A_439 = arith.constant 0 : i32
    %dma_start3A_440 = tpu.memref_slice %arg5[%add3A_436, %dma_start3A_439] : memref<8192x768xf32, #tpu.memory_space<hbm>> -> memref<8x768xf32, #tpu.memory_space<hbm>>
    tpu.enqueue_dma source(%arg10 : memref<8x768xf32, #tpu.memory_space<vmem>>) target(%dma_start3A_440 : memref<8x768xf32, #tpu.memory_space<hbm>>) target_semaphore(%arg36 : memref<!tpu.dma_semaphore, #tpu.memory_space<semaphore_mem>>)
    %add3A_441 = arith.constant 2048 : i32
    %add3A_442 = arith.addi %add3A_441, %mul3A_2 : i32
    %add3A_443 = arith.constant 16 : i32
    %add3A_444 = arith.addi %add3A_442, %add3A_443 : i32
    %dma_start3A_445 = arith.constant 0 : i32
    %dma_start3A_446 = tpu.memref_slice %arg5[%add3A_444, %dma_start3A_445] : memref<8192x768xf32, #tpu.memory_space<hbm>> -> memref<8x768xf32, #tpu.memory_space<hbm>>
    %dma_start3A_447 = arith.constant 0 : i32
    %dma_start3A_448 = tpu.memref_slice %arg5[%add3A_444, %dma_start3A_447] : memref<8192x768xf32, #tpu.memory_space<hbm>> -> memref<8x768xf32, #tpu.memory_space<hbm>>
    tpu.enqueue_dma source(%arg13 : memref<8x768xf32, #tpu.memory_space<vmem>>) target(%dma_start3A_448 : memref<8x768xf32, #tpu.memory_space<hbm>>) target_semaphore(%arg39 : memref<!tpu.dma_semaphore, #tpu.memory_space<semaphore_mem>>)
    %add3A_449 = arith.constant 4096 : i32
    %add3A_450 = arith.addi %add3A_449, %mul3A_2 : i32
    %add3A_451 = arith.constant 16 : i32
    %add3A_452 = arith.addi %add3A_450, %add3A_451 : i32
    %dma_start3A_453 = arith.constant 0 : i32
    %dma_start3A_454 = tpu.memref_slice %arg5[%add3A_452, %dma_start3A_453] : memref<8192x768xf32, #tpu.memory_space<hbm>> -> memref<8x768xf32, #tpu.memory_space<hbm>>
    %dma_start3A_455 = arith.constant 0 : i32
    %dma_start3A_456 = tpu.memref_slice %arg5[%add3A_452, %dma_start3A_455] : memref<8192x768xf32, #tpu.memory_space<hbm>> -> memref<8x768xf32, #tpu.memory_space<hbm>>
    tpu.enqueue_dma source(%arg16 : memref<8x768xf32, #tpu.memory_space<vmem>>) target(%dma_start3A_456 : memref<8x768xf32, #tpu.memory_space<hbm>>) target_semaphore(%arg42 : memref<!tpu.dma_semaphore, #tpu.memory_space<semaphore_mem>>)
    %add3A_457 = arith.constant 6144 : i32
    %add3A_458 = arith.addi %add3A_457, %mul3A_2 : i32
    %add3A_459 = arith.constant 16 : i32
    %add3A_460 = arith.addi %add3A_458, %add3A_459 : i32
    %dma_start3A_461 = arith.constant 0 : i32
    %dma_start3A_462 = tpu.memref_slice %arg5[%add3A_460, %dma_start3A_461] : memref<8192x768xf32, #tpu.memory_space<hbm>> -> memref<8x768xf32, #tpu.memory_space<hbm>>
    %dma_start3A_463 = arith.constant 0 : i32
    %dma_start3A_464 = tpu.memref_slice %arg5[%add3A_460, %dma_start3A_463] : memref<8192x768xf32, #tpu.memory_space<hbm>> -> memref<8x768xf32, #tpu.memory_space<hbm>>
    tpu.enqueue_dma source(%arg19 : memref<8x768xf32, #tpu.memory_space<vmem>>) target(%dma_start3A_464 : memref<8x768xf32, #tpu.memory_space<hbm>>) target_semaphore(%arg45 : memref<!tpu.dma_semaphore, #tpu.memory_space<semaphore_mem>>)
    %dma_wait3A_465 = arith.constant 0 : i32
    %dma_wait3A_466 = tpu.memref_slice %arg5[%add3A_436, %dma_wait3A_465] : memref<8192x768xf32, #tpu.memory_space<hbm>> -> memref<8x768xf32, #tpu.memory_space<hbm>>
    %dma_wait3A_467 = arith.constant 0 : i32
    %dma_wait3A_468 = tpu.memref_slice %arg5[%add3A_436, %dma_wait3A_467] : memref<8192x768xf32, #tpu.memory_space<hbm>> -> memref<8x768xf32, #tpu.memory_space<hbm>>
    tpu.wait_dma2 semaphore(%arg36 : memref<!tpu.dma_semaphore, #tpu.memory_space<semaphore_mem>>) src(%arg10 : memref<8x768xf32, #tpu.memory_space<vmem>>) dst(%dma_wait3A_468 : memref<8x768xf32, #tpu.memory_space<hbm>>)
    %dma_wait3A_469 = arith.constant 0 : i32
    %dma_wait3A_470 = tpu.memref_slice %arg5[%add3A_444, %dma_wait3A_469] : memref<8192x768xf32, #tpu.memory_space<hbm>> -> memref<8x768xf32, #tpu.memory_space<hbm>>
    %dma_wait3A_471 = arith.constant 0 : i32
    %dma_wait3A_472 = tpu.memref_slice %arg5[%add3A_444, %dma_wait3A_471] : memref<8192x768xf32, #tpu.memory_space<hbm>> -> memref<8x768xf32, #tpu.memory_space<hbm>>
    tpu.wait_dma2 semaphore(%arg39 : memref<!tpu.dma_semaphore, #tpu.memory_space<semaphore_mem>>) src(%arg13 : memref<8x768xf32, #tpu.memory_space<vmem>>) dst(%dma_wait3A_472 : memref<8x768xf32, #tpu.memory_space<hbm>>)
    %dma_wait3A_473 = arith.constant 0 : i32
    %dma_wait3A_474 = tpu.memref_slice %arg5[%add3A_452, %dma_wait3A_473] : memref<8192x768xf32, #tpu.memory_space<hbm>> -> memref<8x768xf32, #tpu.memory_space<hbm>>
    %dma_wait3A_475 = arith.constant 0 : i32
    %dma_wait3A_476 = tpu.memref_slice %arg5[%add3A_452, %dma_wait3A_475] : memref<8192x768xf32, #tpu.memory_space<hbm>> -> memref<8x768xf32, #tpu.memory_space<hbm>>
    tpu.wait_dma2 semaphore(%arg42 : memref<!tpu.dma_semaphore, #tpu.memory_space<semaphore_mem>>) src(%arg16 : memref<8x768xf32, #tpu.memory_space<vmem>>) dst(%dma_wait3A_476 : memref<8x768xf32, #tpu.memory_space<hbm>>)
    %dma_wait3A_477 = arith.constant 0 : i32
    %dma_wait3A_478 = tpu.memref_slice %arg5[%add3A_460, %dma_wait3A_477] : memref<8192x768xf32, #tpu.memory_space<hbm>> -> memref<8x768xf32, #tpu.memory_space<hbm>>
    %dma_wait3A_479 = arith.constant 0 : i32
    %dma_wait3A_480 = tpu.memref_slice %arg5[%add3A_460, %dma_wait3A_479] : memref<8192x768xf32, #tpu.memory_space<hbm>> -> memref<8x768xf32, #tpu.memory_space<hbm>>
    tpu.wait_dma2 semaphore(%arg45 : memref<!tpu.dma_semaphore, #tpu.memory_space<semaphore_mem>>) src(%arg19 : memref<8x768xf32, #tpu.memory_space<vmem>>) dst(%dma_wait3A_480 : memref<8x768xf32, #tpu.memory_space<hbm>>)
    %dma_start3A_481 = arith.constant 0 : i32
    %dma_start3A_482 = arith.constant 40 : i32
    %dma_start3A_483 = tpu.memref_slice %arg6[%dma_start3A_481, %dma_start3A_482] : memref<4x64xi32, #tpu.memory_space<vmem>> -> memref<1x8xi32, #tpu.memory_space<vmem>>
    %dma_start3A_484 = tpu.memref_squeeze %dma_start3A_483 : memref<1x8xi32, #tpu.memory_space<vmem>> -> memref<8xi32, #tpu.memory_space<vmem>>
    %dma_start3A_485 = arith.constant 0 : i32
    %dma_start3A_486 = arith.constant 0 : i32
    %dma_start3A_487 = tpu.memref_slice %arg3[%dma_start3A_485, %dma_start3A_486] : memref<100000x768xf32, #tpu.memory_space<hbm>> -> memref<100000x768xf32, #tpu.memory_space<hbm>>
    tpu.enqueue_indirect_dma source(%dma_start3A_487 : memref<100000x768xf32, #tpu.memory_space<hbm>>) target(%arg10 : memref<8x768xf32, #tpu.memory_space<vmem>>) offsets(%dma_start3A_484 : memref<8xi32, #tpu.memory_space<vmem>>) semaphore(%arg24 : memref<!tpu.dma_semaphore, #tpu.memory_space<semaphore_mem>>)
    %dma_start3A_488 = arith.constant 1 : i32
    %dma_start3A_489 = arith.constant 40 : i32
    %dma_start3A_490 = tpu.memref_slice %arg6[%dma_start3A_488, %dma_start3A_489] : memref<4x64xi32, #tpu.memory_space<vmem>> -> memref<1x8xi32, #tpu.memory_space<vmem>>
    %dma_start3A_491 = tpu.memref_squeeze %dma_start3A_490 : memref<1x8xi32, #tpu.memory_space<vmem>> -> memref<8xi32, #tpu.memory_space<vmem>>
    %dma_start3A_492 = arith.constant 0 : i32
    %dma_start3A_493 = arith.constant 0 : i32
    %dma_start3A_494 = tpu.memref_slice %arg3[%dma_start3A_492, %dma_start3A_493] : memref<100000x768xf32, #tpu.memory_space<hbm>> -> memref<100000x768xf32, #tpu.memory_space<hbm>>
    tpu.enqueue_indirect_dma source(%dma_start3A_494 : memref<100000x768xf32, #tpu.memory_space<hbm>>) target(%arg13 : memref<8x768xf32, #tpu.memory_space<vmem>>) offsets(%dma_start3A_491 : memref<8xi32, #tpu.memory_space<vmem>>) semaphore(%arg27 : memref<!tpu.dma_semaphore, #tpu.memory_space<semaphore_mem>>)
    %dma_start3A_495 = arith.constant 2 : i32
    %dma_start3A_496 = arith.constant 40 : i32
    %dma_start3A_497 = tpu.memref_slice %arg6[%dma_start3A_495, %dma_start3A_496] : memref<4x64xi32, #tpu.memory_space<vmem>> -> memref<1x8xi32, #tpu.memory_space<vmem>>
    %dma_start3A_498 = tpu.memref_squeeze %dma_start3A_497 : memref<1x8xi32, #tpu.memory_space<vmem>> -> memref<8xi32, #tpu.memory_space<vmem>>
    %dma_start3A_499 = arith.constant 0 : i32
    %dma_start3A_500 = arith.constant 0 : i32
    %dma_start3A_501 = tpu.memref_slice %arg3[%dma_start3A_499, %dma_start3A_500] : memref<100000x768xf32, #tpu.memory_space<hbm>> -> memref<100000x768xf32, #tpu.memory_space<hbm>>
    tpu.enqueue_indirect_dma source(%dma_start3A_501 : memref<100000x768xf32, #tpu.memory_space<hbm>>) target(%arg16 : memref<8x768xf32, #tpu.memory_space<vmem>>) offsets(%dma_start3A_498 : memref<8xi32, #tpu.memory_space<vmem>>) semaphore(%arg30 : memref<!tpu.dma_semaphore, #tpu.memory_space<semaphore_mem>>)
    %dma_start3A_502 = arith.constant 3 : i32
    %dma_start3A_503 = arith.constant 40 : i32
    %dma_start3A_504 = tpu.memref_slice %arg6[%dma_start3A_502, %dma_start3A_503] : memref<4x64xi32, #tpu.memory_space<vmem>> -> memref<1x8xi32, #tpu.memory_space<vmem>>
    %dma_start3A_505 = tpu.memref_squeeze %dma_start3A_504 : memref<1x8xi32, #tpu.memory_space<vmem>> -> memref<8xi32, #tpu.memory_space<vmem>>
    %dma_start3A_506 = arith.constant 0 : i32
    %dma_start3A_507 = arith.constant 0 : i32
    %dma_start3A_508 = tpu.memref_slice %arg3[%dma_start3A_506, %dma_start3A_507] : memref<100000x768xf32, #tpu.memory_space<hbm>> -> memref<100000x768xf32, #tpu.memory_space<hbm>>
    tpu.enqueue_indirect_dma source(%dma_start3A_508 : memref<100000x768xf32, #tpu.memory_space<hbm>>) target(%arg19 : memref<8x768xf32, #tpu.memory_space<vmem>>) offsets(%dma_start3A_505 : memref<8xi32, #tpu.memory_space<vmem>>) semaphore(%arg33 : memref<!tpu.dma_semaphore, #tpu.memory_space<semaphore_mem>>)
    %dma_wait3A_509 = arith.constant 0 : i32
    %dma_wait3A_510 = arith.constant 24 : i32
    %dma_wait3A_511 = tpu.memref_slice %arg6[%dma_wait3A_509, %dma_wait3A_510] : memref<4x64xi32, #tpu.memory_space<vmem>> -> memref<1x8xi32, #tpu.memory_space<vmem>>
    %dma_wait3A_512 = tpu.memref_squeeze %dma_wait3A_511 : memref<1x8xi32, #tpu.memory_space<vmem>> -> memref<8xi32, #tpu.memory_space<vmem>>
    %dma_wait3A_513 = arith.constant 0 : i32
    %dma_wait3A_514 = arith.constant 0 : i32
    %dma_wait3A_515 = tpu.memref_slice %arg3[%dma_wait3A_513, %dma_wait3A_514] : memref<100000x768xf32, #tpu.memory_space<hbm>> -> memref<100000x768xf32, #tpu.memory_space<hbm>>
    tpu.wait_indirect_dma semaphore(%arg22 : memref<!tpu.dma_semaphore, #tpu.memory_space<semaphore_mem>>) src(%dma_wait3A_515 : memref<100000x768xf32, #tpu.memory_space<hbm>>) dst(%arg8 : memref<8x768xf32, #tpu.memory_space<vmem>>)
    %dma_wait3A_516 = arith.constant 1 : i32
    %dma_wait3A_517 = arith.constant 24 : i32
    %dma_wait3A_518 = tpu.memref_slice %arg6[%dma_wait3A_516, %dma_wait3A_517] : memref<4x64xi32, #tpu.memory_space<vmem>> -> memref<1x8xi32, #tpu.memory_space<vmem>>
    %dma_wait3A_519 = tpu.memref_squeeze %dma_wait3A_518 : memref<1x8xi32, #tpu.memory_space<vmem>> -> memref<8xi32, #tpu.memory_space<vmem>>
    %dma_wait3A_520 = arith.constant 0 : i32
    %dma_wait3A_521 = arith.constant 0 : i32
    %dma_wait3A_522 = tpu.memref_slice %arg3[%dma_wait3A_520, %dma_wait3A_521] : memref<100000x768xf32, #tpu.memory_space<hbm>> -> memref<100000x768xf32, #tpu.memory_space<hbm>>
    tpu.wait_indirect_dma semaphore(%arg25 : memref<!tpu.dma_semaphore, #tpu.memory_space<semaphore_mem>>) src(%dma_wait3A_522 : memref<100000x768xf32, #tpu.memory_space<hbm>>) dst(%arg11 : memref<8x768xf32, #tpu.memory_space<vmem>>)
    %dma_wait3A_523 = arith.constant 2 : i32
    %dma_wait3A_524 = arith.constant 24 : i32
    %dma_wait3A_525 = tpu.memref_slice %arg6[%dma_wait3A_523, %dma_wait3A_524] : memref<4x64xi32, #tpu.memory_space<vmem>> -> memref<1x8xi32, #tpu.memory_space<vmem>>
    %dma_wait3A_526 = tpu.memref_squeeze %dma_wait3A_525 : memref<1x8xi32, #tpu.memory_space<vmem>> -> memref<8xi32, #tpu.memory_space<vmem>>
    %dma_wait3A_527 = arith.constant 0 : i32
    %dma_wait3A_528 = arith.constant 0 : i32
    %dma_wait3A_529 = tpu.memref_slice %arg3[%dma_wait3A_527, %dma_wait3A_528] : memref<100000x768xf32, #tpu.memory_space<hbm>> -> memref<100000x768xf32, #tpu.memory_space<hbm>>
    tpu.wait_indirect_dma semaphore(%arg28 : memref<!tpu.dma_semaphore, #tpu.memory_space<semaphore_mem>>) src(%dma_wait3A_529 : memref<100000x768xf32, #tpu.memory_space<hbm>>) dst(%arg14 : memref<8x768xf32, #tpu.memory_space<vmem>>)
    %dma_wait3A_530 = arith.constant 3 : i32
    %dma_wait3A_531 = arith.constant 24 : i32
    %dma_wait3A_532 = tpu.memref_slice %arg6[%dma_wait3A_530, %dma_wait3A_531] : memref<4x64xi32, #tpu.memory_space<vmem>> -> memref<1x8xi32, #tpu.memory_space<vmem>>
    %dma_wait3A_533 = tpu.memref_squeeze %dma_wait3A_532 : memref<1x8xi32, #tpu.memory_space<vmem>> -> memref<8xi32, #tpu.memory_space<vmem>>
    %dma_wait3A_534 = arith.constant 0 : i32
    %dma_wait3A_535 = arith.constant 0 : i32
    %dma_wait3A_536 = tpu.memref_slice %arg3[%dma_wait3A_534, %dma_wait3A_535] : memref<100000x768xf32, #tpu.memory_space<hbm>> -> memref<100000x768xf32, #tpu.memory_space<hbm>>
    tpu.wait_indirect_dma semaphore(%arg31 : memref<!tpu.dma_semaphore, #tpu.memory_space<semaphore_mem>>) src(%dma_wait3A_536 : memref<100000x768xf32, #tpu.memory_space<hbm>>) dst(%arg17 : memref<8x768xf32, #tpu.memory_space<vmem>>)
    %parallel_loop3A_537 = arith.constant 0 : i32
    %parallel_loop3A_538 = arith.constant 8 : i32
    %parallel_loop3A_539 = arith.constant 1 : i32
    scf.for %parallel_loop3A_960 = %parallel_loop3A_537 to %parallel_loop3A_538 step %parallel_loop3A_539  : i32 {
      %parallel_loop3A_961 = arith.constant 24 : i32
      %parallel_loop3A_962 = arith.addi %parallel_loop3A_961, %parallel_loop3A_960 : i32
      %parallel_loop3A_963 = arith.constant 0 : i32
      %parallel_loop3A_964 = arith.constant 768 : i32
      %parallel_loop3A_965 = arith.constant 16 : i32
      scf.for %parallel_loop3A_966 = %parallel_loop3A_963 to %parallel_loop3A_964 step %parallel_loop3A_965  : i32 {
        %parallel_loop3A_967 = arith.constant 0 : i32
        %parallel_loop3A_968 = tpu.memref_slice %arg7[%parallel_loop3A_962, %parallel_loop3A_967] : memref<64x768xf32, #tpu.memory_space<vmem>> -> memref<1x768xf32, #tpu.memory_space<vmem>>
        %parallel_loop3A_969 = tpu.memref_squeeze %parallel_loop3A_968 : memref<1x768xf32, #tpu.memory_space<vmem>> -> memref<768xf32, #tpu.memory_space<vmem>>
        %parallel_loop3A_970 = arith.index_cast %parallel_loop3A_966 : i32 to index
        %parallel_loop3A_971 = tpu.vector_load %parallel_loop3A_969[%parallel_loop3A_970] {strides = array<i32>} : memref<768xf32, #tpu.memory_space<vmem>>, vector<16xf32>,
        %parallel_loop3A_972 = vector.shape_cast %parallel_loop3A_971 : vector<16xf32> to vector<16xf32>
        %parallel_loop3A_973 = arith.constant 0 : i32
        %parallel_loop3A_974 = tpu.memref_slice %arg8[%parallel_loop3A_960, %parallel_loop3A_973] : memref<8x768xf32, #tpu.memory_space<vmem>> -> memref<1x768xf32, #tpu.memory_space<vmem>>
        %parallel_loop3A_975 = tpu.memref_squeeze %parallel_loop3A_974 : memref<1x768xf32, #tpu.memory_space<vmem>> -> memref<768xf32, #tpu.memory_space<vmem>>
        %parallel_loop3A_976 = arith.index_cast %parallel_loop3A_966 : i32 to index
        %parallel_loop3A_977 = tpu.vector_load %parallel_loop3A_975[%parallel_loop3A_976] {strides = array<i32>} : memref<768xf32, #tpu.memory_space<vmem>>, vector<16xf32>,
        %parallel_loop3A_978 = vector.shape_cast %parallel_loop3A_977 : vector<16xf32> to vector<16xf32>
        %parallel_loop3A_979 = arith.addf %parallel_loop3A_978, %parallel_loop3A_972 : vector<16xf32>
        %parallel_loop3A_980 = arith.constant 0 : i32
        %parallel_loop3A_981 = tpu.memref_slice %arg8[%parallel_loop3A_960, %parallel_loop3A_980] : memref<8x768xf32, #tpu.memory_space<vmem>> -> memref<1x768xf32, #tpu.memory_space<vmem>>
        %parallel_loop3A_982 = tpu.memref_squeeze %parallel_loop3A_981 : memref<1x768xf32, #tpu.memory_space<vmem>> -> memref<768xf32, #tpu.memory_space<vmem>>
        %parallel_loop3A_983 = arith.index_cast %parallel_loop3A_966 : i32 to index
        %parallel_loop3A_984 = tpu.vector_load %parallel_loop3A_982[%parallel_loop3A_983] {strides = array<i32>} : memref<768xf32, #tpu.memory_space<vmem>>, vector<16xf32>,
        %parallel_loop3A_985 = vector.shape_cast %parallel_loop3A_984 : vector<16xf32> to vector<16xf32>
        %parallel_loop3A_986 = vector.shape_cast %parallel_loop3A_979 : vector<16xf32> to vector<16xf32>
        tpu.vector_store %parallel_loop3A_982[%parallel_loop3A_983], %parallel_loop3A_986 {strides = array<i32>} : memref<768xf32, #tpu.memory_space<vmem>>, vector<16xf32>,
        %parallel_loop3A_987 = arith.constant 0 : i32
        %parallel_loop3A_988 = tpu.memref_slice %arg11[%parallel_loop3A_960, %parallel_loop3A_987] : memref<8x768xf32, #tpu.memory_space<vmem>> -> memref<1x768xf32, #tpu.memory_space<vmem>>
        %parallel_loop3A_989 = tpu.memref_squeeze %parallel_loop3A_988 : memref<1x768xf32, #tpu.memory_space<vmem>> -> memref<768xf32, #tpu.memory_space<vmem>>
        %parallel_loop3A_990 = arith.index_cast %parallel_loop3A_966 : i32 to index
        %parallel_loop3A_991 = tpu.vector_load %parallel_loop3A_989[%parallel_loop3A_990] {strides = array<i32>} : memref<768xf32, #tpu.memory_space<vmem>>, vector<16xf32>,
        %parallel_loop3A_992 = vector.shape_cast %parallel_loop3A_991 : vector<16xf32> to vector<16xf32>
        %parallel_loop3A_993 = arith.addf %parallel_loop3A_992, %parallel_loop3A_972 : vector<16xf32>
        %parallel_loop3A_994 = arith.constant 0 : i32
        %parallel_loop3A_995 = tpu.memref_slice %arg11[%parallel_loop3A_960, %parallel_loop3A_994] : memref<8x768xf32, #tpu.memory_space<vmem>> -> memref<1x768xf32, #tpu.memory_space<vmem>>
        %parallel_loop3A_996 = tpu.memref_squeeze %parallel_loop3A_995 : memref<1x768xf32, #tpu.memory_space<vmem>> -> memref<768xf32, #tpu.memory_space<vmem>>
        %parallel_loop3A_997 = arith.index_cast %parallel_loop3A_966 : i32 to index
        %parallel_loop3A_998 = tpu.vector_load %parallel_loop3A_996[%parallel_loop3A_997] {strides = array<i32>} : memref<768xf32, #tpu.memory_space<vmem>>, vector<16xf32>,
        %parallel_loop3A_999 = vector.shape_cast %parallel_loop3A_998 : vector<16xf32> to vector<16xf32>
        %parallel_loop3A_1000 = vector.shape_cast %parallel_loop3A_993 : vector<16xf32> to vector<16xf32>
        tpu.vector_store %parallel_loop3A_996[%parallel_loop3A_997], %parallel_loop3A_1000 {strides = array<i32>} : memref<768xf32, #tpu.memory_space<vmem>>, vector<16xf32>,
        %parallel_loop3A_1001 = arith.constant 0 : i32
        %parallel_loop3A_1002 = tpu.memref_slice %arg14[%parallel_loop3A_960, %parallel_loop3A_1001] : memref<8x768xf32, #tpu.memory_space<vmem>> -> memref<1x768xf32, #tpu.memory_space<vmem>>
        %parallel_loop3A_1003 = tpu.memref_squeeze %parallel_loop3A_1002 : memref<1x768xf32, #tpu.memory_space<vmem>> -> memref<768xf32, #tpu.memory_space<vmem>>
        %parallel_loop3A_1004 = arith.index_cast %parallel_loop3A_966 : i32 to index
        %parallel_loop3A_1005 = tpu.vector_load %parallel_loop3A_1003[%parallel_loop3A_1004] {strides = array<i32>} : memref<768xf32, #tpu.memory_space<vmem>>, vector<16xf32>,
        %parallel_loop3A_1006 = vector.shape_cast %parallel_loop3A_1005 : vector<16xf32> to vector<16xf32>
        %parallel_loop3A_1007 = arith.addf %parallel_loop3A_1006, %parallel_loop3A_972 : vector<16xf32>
        %parallel_loop3A_1008 = arith.constant 0 : i32
        %parallel_loop3A_1009 = tpu.memref_slice %arg14[%parallel_loop3A_960, %parallel_loop3A_1008] : memref<8x768xf32, #tpu.memory_space<vmem>> -> memref<1x768xf32, #tpu.memory_space<vmem>>
        %parallel_loop3A_1010 = tpu.memref_squeeze %parallel_loop3A_1009 : memref<1x768xf32, #tpu.memory_space<vmem>> -> memref<768xf32, #tpu.memory_space<vmem>>
        %parallel_loop3A_1011 = arith.index_cast %parallel_loop3A_966 : i32 to index
        %parallel_loop3A_1012 = tpu.vector_load %parallel_loop3A_1010[%parallel_loop3A_1011] {strides = array<i32>} : memref<768xf32, #tpu.memory_space<vmem>>, vector<16xf32>,
        %parallel_loop3A_1013 = vector.shape_cast %parallel_loop3A_1012 : vector<16xf32> to vector<16xf32>
        %parallel_loop3A_1014 = vector.shape_cast %parallel_loop3A_1007 : vector<16xf32> to vector<16xf32>
        tpu.vector_store %parallel_loop3A_1010[%parallel_loop3A_1011], %parallel_loop3A_1014 {strides = array<i32>} : memref<768xf32, #tpu.memory_space<vmem>>, vector<16xf32>,
        %parallel_loop3A_1015 = arith.constant 0 : i32
        %parallel_loop3A_1016 = tpu.memref_slice %arg17[%parallel_loop3A_960, %parallel_loop3A_1015] : memref<8x768xf32, #tpu.memory_space<vmem>> -> memref<1x768xf32, #tpu.memory_space<vmem>>
        %parallel_loop3A_1017 = tpu.memref_squeeze %parallel_loop3A_1016 : memref<1x768xf32, #tpu.memory_space<vmem>> -> memref<768xf32, #tpu.memory_space<vmem>>
        %parallel_loop3A_1018 = arith.index_cast %parallel_loop3A_966 : i32 to index
        %parallel_loop3A_1019 = tpu.vector_load %parallel_loop3A_1017[%parallel_loop3A_1018] {strides = array<i32>} : memref<768xf32, #tpu.memory_space<vmem>>, vector<16xf32>,
        %parallel_loop3A_1020 = vector.shape_cast %parallel_loop3A_1019 : vector<16xf32> to vector<16xf32>
        %parallel_loop3A_1021 = arith.addf %parallel_loop3A_1020, %parallel_loop3A_972 : vector<16xf32>
        %parallel_loop3A_1022 = arith.constant 0 : i32
        %parallel_loop3A_1023 = tpu.memref_slice %arg17[%parallel_loop3A_960, %parallel_loop3A_1022] : memref<8x768xf32, #tpu.memory_space<vmem>> -> memref<1x768xf32, #tpu.memory_space<vmem>>
        %parallel_loop3A_1024 = tpu.memref_squeeze %parallel_loop3A_1023 : memref<1x768xf32, #tpu.memory_space<vmem>> -> memref<768xf32, #tpu.memory_space<vmem>>
        %parallel_loop3A_1025 = arith.index_cast %parallel_loop3A_966 : i32 to index
        %parallel_loop3A_1026 = tpu.vector_load %parallel_loop3A_1024[%parallel_loop3A_1025] {strides = array<i32>} : memref<768xf32, #tpu.memory_space<vmem>>, vector<16xf32>,
        %parallel_loop3A_1027 = vector.shape_cast %parallel_loop3A_1026 : vector<16xf32> to vector<16xf32>
        %parallel_loop3A_1028 = vector.shape_cast %parallel_loop3A_1021 : vector<16xf32> to vector<16xf32>
        tpu.vector_store %parallel_loop3A_1024[%parallel_loop3A_1025], %parallel_loop3A_1028 {strides = array<i32>} : memref<768xf32, #tpu.memory_space<vmem>>, vector<16xf32>,
      } {sc.loop_unroll_factor = 8 : i64, sc.parallel_access}
    } {sc.loop_unroll_factor = 1 : i64, sc.parallel_access}
    %add3A_540 = arith.constant 0 : i32
    %add3A_541 = arith.addi %add3A_540, %mul3A_2 : i32
    %add3A_542 = arith.constant 24 : i32
    %add3A_543 = arith.addi %add3A_541, %add3A_542 : i32
    %dma_start3A_544 = arith.constant 0 : i32
    %dma_start3A_545 = tpu.memref_slice %arg5[%add3A_543, %dma_start3A_544] : memref<8192x768xf32, #tpu.memory_space<hbm>> -> memref<8x768xf32, #tpu.memory_space<hbm>>
    %dma_start3A_546 = arith.constant 0 : i32
    %dma_start3A_547 = tpu.memref_slice %arg5[%add3A_543, %dma_start3A_546] : memref<8192x768xf32, #tpu.memory_space<hbm>> -> memref<8x768xf32, #tpu.memory_space<hbm>>
    tpu.enqueue_dma source(%arg8 : memref<8x768xf32, #tpu.memory_space<vmem>>) target(%dma_start3A_547 : memref<8x768xf32, #tpu.memory_space<hbm>>) target_semaphore(%arg34 : memref<!tpu.dma_semaphore, #tpu.memory_space<semaphore_mem>>)
    %add3A_548 = arith.constant 2048 : i32
    %add3A_549 = arith.addi %add3A_548, %mul3A_2 : i32
    %add3A_550 = arith.constant 24 : i32
    %add3A_551 = arith.addi %add3A_549, %add3A_550 : i32
    %dma_start3A_552 = arith.constant 0 : i32
    %dma_start3A_553 = tpu.memref_slice %arg5[%add3A_551, %dma_start3A_552] : memref<8192x768xf32, #tpu.memory_space<hbm>> -> memref<8x768xf32, #tpu.memory_space<hbm>>
    %dma_start3A_554 = arith.constant 0 : i32
    %dma_start3A_555 = tpu.memref_slice %arg5[%add3A_551, %dma_start3A_554] : memref<8192x768xf32, #tpu.memory_space<hbm>> -> memref<8x768xf32, #tpu.memory_space<hbm>>
    tpu.enqueue_dma source(%arg11 : memref<8x768xf32, #tpu.memory_space<vmem>>) target(%dma_start3A_555 : memref<8x768xf32, #tpu.memory_space<hbm>>) target_semaphore(%arg37 : memref<!tpu.dma_semaphore, #tpu.memory_space<semaphore_mem>>)
    %add3A_556 = arith.constant 4096 : i32
    %add3A_557 = arith.addi %add3A_556, %mul3A_2 : i32
    %add3A_558 = arith.constant 24 : i32
    %add3A_559 = arith.addi %add3A_557, %add3A_558 : i32
    %dma_start3A_560 = arith.constant 0 : i32
    %dma_start3A_561 = tpu.memref_slice %arg5[%add3A_559, %dma_start3A_560] : memref<8192x768xf32, #tpu.memory_space<hbm>> -> memref<8x768xf32, #tpu.memory_space<hbm>>
    %dma_start3A_562 = arith.constant 0 : i32
    %dma_start3A_563 = tpu.memref_slice %arg5[%add3A_559, %dma_start3A_562] : memref<8192x768xf32, #tpu.memory_space<hbm>> -> memref<8x768xf32, #tpu.memory_space<hbm>>
    tpu.enqueue_dma source(%arg14 : memref<8x768xf32, #tpu.memory_space<vmem>>) target(%dma_start3A_563 : memref<8x768xf32, #tpu.memory_space<hbm>>) target_semaphore(%arg40 : memref<!tpu.dma_semaphore, #tpu.memory_space<semaphore_mem>>)
    %add3A_564 = arith.constant 6144 : i32
    %add3A_565 = arith.addi %add3A_564, %mul3A_2 : i32
    %add3A_566 = arith.constant 24 : i32
    %add3A_567 = arith.addi %add3A_565, %add3A_566 : i32
    %dma_start3A_568 = arith.constant 0 : i32
    %dma_start3A_569 = tpu.memref_slice %arg5[%add3A_567, %dma_start3A_568] : memref<8192x768xf32, #tpu.memory_space<hbm>> -> memref<8x768xf32, #tpu.memory_space<hbm>>
    %dma_start3A_570 = arith.constant 0 : i32
    %dma_start3A_571 = tpu.memref_slice %arg5[%add3A_567, %dma_start3A_570] : memref<8192x768xf32, #tpu.memory_space<hbm>> -> memref<8x768xf32, #tpu.memory_space<hbm>>
    tpu.enqueue_dma source(%arg17 : memref<8x768xf32, #tpu.memory_space<vmem>>) target(%dma_start3A_571 : memref<8x768xf32, #tpu.memory_space<hbm>>) target_semaphore(%arg43 : memref<!tpu.dma_semaphore, #tpu.memory_space<semaphore_mem>>)
    %dma_wait3A_572 = arith.constant 0 : i32
    %dma_wait3A_573 = tpu.memref_slice %arg5[%add3A_543, %dma_wait3A_572] : memref<8192x768xf32, #tpu.memory_space<hbm>> -> memref<8x768xf32, #tpu.memory_space<hbm>>
    %dma_wait3A_574 = arith.constant 0 : i32
    %dma_wait3A_575 = tpu.memref_slice %arg5[%add3A_543, %dma_wait3A_574] : memref<8192x768xf32, #tpu.memory_space<hbm>> -> memref<8x768xf32, #tpu.memory_space<hbm>>
    tpu.wait_dma2 semaphore(%arg34 : memref<!tpu.dma_semaphore, #tpu.memory_space<semaphore_mem>>) src(%arg8 : memref<8x768xf32, #tpu.memory_space<vmem>>) dst(%dma_wait3A_575 : memref<8x768xf32, #tpu.memory_space<hbm>>)
    %dma_wait3A_576 = arith.constant 0 : i32
    %dma_wait3A_577 = tpu.memref_slice %arg5[%add3A_551, %dma_wait3A_576] : memref<8192x768xf32, #tpu.memory_space<hbm>> -> memref<8x768xf32, #tpu.memory_space<hbm>>
    %dma_wait3A_578 = arith.constant 0 : i32
    %dma_wait3A_579 = tpu.memref_slice %arg5[%add3A_551, %dma_wait3A_578] : memref<8192x768xf32, #tpu.memory_space<hbm>> -> memref<8x768xf32, #tpu.memory_space<hbm>>
    tpu.wait_dma2 semaphore(%arg37 : memref<!tpu.dma_semaphore, #tpu.memory_space<semaphore_mem>>) src(%arg11 : memref<8x768xf32, #tpu.memory_space<vmem>>) dst(%dma_wait3A_579 : memref<8x768xf32, #tpu.memory_space<hbm>>)
    %dma_wait3A_580 = arith.constant 0 : i32
    %dma_wait3A_581 = tpu.memref_slice %arg5[%add3A_559, %dma_wait3A_580] : memref<8192x768xf32, #tpu.memory_space<hbm>> -> memref<8x768xf32, #tpu.memory_space<hbm>>
    %dma_wait3A_582 = arith.constant 0 : i32
    %dma_wait3A_583 = tpu.memref_slice %arg5[%add3A_559, %dma_wait3A_582] : memref<8192x768xf32, #tpu.memory_space<hbm>> -> memref<8x768xf32, #tpu.memory_space<hbm>>
    tpu.wait_dma2 semaphore(%arg40 : memref<!tpu.dma_semaphore, #tpu.memory_space<semaphore_mem>>) src(%arg14 : memref<8x768xf32, #tpu.memory_space<vmem>>) dst(%dma_wait3A_583 : memref<8x768xf32, #tpu.memory_space<hbm>>)
    %dma_wait3A_584 = arith.constant 0 : i32
    %dma_wait3A_585 = tpu.memref_slice %arg5[%add3A_567, %dma_wait3A_584] : memref<8192x768xf32, #tpu.memory_space<hbm>> -> memref<8x768xf32, #tpu.memory_space<hbm>>
    %dma_wait3A_586 = arith.constant 0 : i32
    %dma_wait3A_587 = tpu.memref_slice %arg5[%add3A_567, %dma_wait3A_586] : memref<8192x768xf32, #tpu.memory_space<hbm>> -> memref<8x768xf32, #tpu.memory_space<hbm>>
    tpu.wait_dma2 semaphore(%arg43 : memref<!tpu.dma_semaphore, #tpu.memory_space<semaphore_mem>>) src(%arg17 : memref<8x768xf32, #tpu.memory_space<vmem>>) dst(%dma_wait3A_587 : memref<8x768xf32, #tpu.memory_space<hbm>>)
    %dma_start3A_588 = arith.constant 0 : i32
    %dma_start3A_589 = arith.constant 48 : i32
    %dma_start3A_590 = tpu.memref_slice %arg6[%dma_start3A_588, %dma_start3A_589] : memref<4x64xi32, #tpu.memory_space<vmem>> -> memref<1x8xi32, #tpu.memory_space<vmem>>
    %dma_start3A_591 = tpu.memref_squeeze %dma_start3A_590 : memref<1x8xi32, #tpu.memory_space<vmem>> -> memref<8xi32, #tpu.memory_space<vmem>>
    %dma_start3A_592 = arith.constant 0 : i32
    %dma_start3A_593 = arith.constant 0 : i32
    %dma_start3A_594 = tpu.memref_slice %arg3[%dma_start3A_592, %dma_start3A_593] : memref<100000x768xf32, #tpu.memory_space<hbm>> -> memref<100000x768xf32, #tpu.memory_space<hbm>>
    tpu.enqueue_indirect_dma source(%dma_start3A_594 : memref<100000x768xf32, #tpu.memory_space<hbm>>) target(%arg8 : memref<8x768xf32, #tpu.memory_space<vmem>>) offsets(%dma_start3A_591 : memref<8xi32, #tpu.memory_space<vmem>>) semaphore(%arg22 : memref<!tpu.dma_semaphore, #tpu.memory_space<semaphore_mem>>)
    %dma_start3A_595 = arith.constant 1 : i32
    %dma_start3A_596 = arith.constant 48 : i32
    %dma_start3A_597 = tpu.memref_slice %arg6[%dma_start3A_595, %dma_start3A_596] : memref<4x64xi32, #tpu.memory_space<vmem>> -> memref<1x8xi32, #tpu.memory_space<vmem>>
    %dma_start3A_598 = tpu.memref_squeeze %dma_start3A_597 : memref<1x8xi32, #tpu.memory_space<vmem>> -> memref<8xi32, #tpu.memory_space<vmem>>
    %dma_start3A_599 = arith.constant 0 : i32
    %dma_start3A_600 = arith.constant 0 : i32
    %dma_start3A_601 = tpu.memref_slice %arg3[%dma_start3A_599, %dma_start3A_600] : memref<100000x768xf32, #tpu.memory_space<hbm>> -> memref<100000x768xf32, #tpu.memory_space<hbm>>
    tpu.enqueue_indirect_dma source(%dma_start3A_601 : memref<100000x768xf32, #tpu.memory_space<hbm>>) target(%arg11 : memref<8x768xf32, #tpu.memory_space<vmem>>) offsets(%dma_start3A_598 : memref<8xi32, #tpu.memory_space<vmem>>) semaphore(%arg25 : memref<!tpu.dma_semaphore, #tpu.memory_space<semaphore_mem>>)
    %dma_start3A_602 = arith.constant 2 : i32
    %dma_start3A_603 = arith.constant 48 : i32
    %dma_start3A_604 = tpu.memref_slice %arg6[%dma_start3A_602, %dma_start3A_603] : memref<4x64xi32, #tpu.memory_space<vmem>> -> memref<1x8xi32, #tpu.memory_space<vmem>>
    %dma_start3A_605 = tpu.memref_squeeze %dma_start3A_604 : memref<1x8xi32, #tpu.memory_space<vmem>> -> memref<8xi32, #tpu.memory_space<vmem>>
    %dma_start3A_606 = arith.constant 0 : i32
    %dma_start3A_607 = arith.constant 0 : i32
    %dma_start3A_608 = tpu.memref_slice %arg3[%dma_start3A_606, %dma_start3A_607] : memref<100000x768xf32, #tpu.memory_space<hbm>> -> memref<100000x768xf32, #tpu.memory_space<hbm>>
    tpu.enqueue_indirect_dma source(%dma_start3A_608 : memref<100000x768xf32, #tpu.memory_space<hbm>>) target(%arg14 : memref<8x768xf32, #tpu.memory_space<vmem>>) offsets(%dma_start3A_605 : memref<8xi32, #tpu.memory_space<vmem>>) semaphore(%arg28 : memref<!tpu.dma_semaphore, #tpu.memory_space<semaphore_mem>>)
    %dma_start3A_609 = arith.constant 3 : i32
    %dma_start3A_610 = arith.constant 48 : i32
    %dma_start3A_611 = tpu.memref_slice %arg6[%dma_start3A_609, %dma_start3A_610] : memref<4x64xi32, #tpu.memory_space<vmem>> -> memref<1x8xi32, #tpu.memory_space<vmem>>
    %dma_start3A_612 = tpu.memref_squeeze %dma_start3A_611 : memref<1x8xi32, #tpu.memory_space<vmem>> -> memref<8xi32, #tpu.memory_space<vmem>>
    %dma_start3A_613 = arith.constant 0 : i32
    %dma_start3A_614 = arith.constant 0 : i32
    %dma_start3A_615 = tpu.memref_slice %arg3[%dma_start3A_613, %dma_start3A_614] : memref<100000x768xf32, #tpu.memory_space<hbm>> -> memref<100000x768xf32, #tpu.memory_space<hbm>>
    tpu.enqueue_indirect_dma source(%dma_start3A_615 : memref<100000x768xf32, #tpu.memory_space<hbm>>) target(%arg17 : memref<8x768xf32, #tpu.memory_space<vmem>>) offsets(%dma_start3A_612 : memref<8xi32, #tpu.memory_space<vmem>>) semaphore(%arg31 : memref<!tpu.dma_semaphore, #tpu.memory_space<semaphore_mem>>)
    %dma_wait3A_616 = arith.constant 0 : i32
    %dma_wait3A_617 = arith.constant 32 : i32
    %dma_wait3A_618 = tpu.memref_slice %arg6[%dma_wait3A_616, %dma_wait3A_617] : memref<4x64xi32, #tpu.memory_space<vmem>> -> memref<1x8xi32, #tpu.memory_space<vmem>>
    %dma_wait3A_619 = tpu.memref_squeeze %dma_wait3A_618 : memref<1x8xi32, #tpu.memory_space<vmem>> -> memref<8xi32, #tpu.memory_space<vmem>>
    %dma_wait3A_620 = arith.constant 0 : i32
    %dma_wait3A_621 = arith.constant 0 : i32
    %dma_wait3A_622 = tpu.memref_slice %arg3[%dma_wait3A_620, %dma_wait3A_621] : memref<100000x768xf32, #tpu.memory_space<hbm>> -> memref<100000x768xf32, #tpu.memory_space<hbm>>
    tpu.wait_indirect_dma semaphore(%arg23 : memref<!tpu.dma_semaphore, #tpu.memory_space<semaphore_mem>>) src(%dma_wait3A_622 : memref<100000x768xf32, #tpu.memory_space<hbm>>) dst(%arg9 : memref<8x768xf32, #tpu.memory_space<vmem>>)
    %dma_wait3A_623 = arith.constant 1 : i32
    %dma_wait3A_624 = arith.constant 32 : i32
    %dma_wait3A_625 = tpu.memref_slice %arg6[%dma_wait3A_623, %dma_wait3A_624] : memref<4x64xi32, #tpu.memory_space<vmem>> -> memref<1x8xi32, #tpu.memory_space<vmem>>
    %dma_wait3A_626 = tpu.memref_squeeze %dma_wait3A_625 : memref<1x8xi32, #tpu.memory_space<vmem>> -> memref<8xi32, #tpu.memory_space<vmem>>
    %dma_wait3A_627 = arith.constant 0 : i32
    %dma_wait3A_628 = arith.constant 0 : i32
    %dma_wait3A_629 = tpu.memref_slice %arg3[%dma_wait3A_627, %dma_wait3A_628] : memref<100000x768xf32, #tpu.memory_space<hbm>> -> memref<100000x768xf32, #tpu.memory_space<hbm>>
    tpu.wait_indirect_dma semaphore(%arg26 : memref<!tpu.dma_semaphore, #tpu.memory_space<semaphore_mem>>) src(%dma_wait3A_629 : memref<100000x768xf32, #tpu.memory_space<hbm>>) dst(%arg12 : memref<8x768xf32, #tpu.memory_space<vmem>>)
    %dma_wait3A_630 = arith.constant 2 : i32
    %dma_wait3A_631 = arith.constant 32 : i32
    %dma_wait3A_632 = tpu.memref_slice %arg6[%dma_wait3A_630, %dma_wait3A_631] : memref<4x64xi32, #tpu.memory_space<vmem>> -> memref<1x8xi32, #tpu.memory_space<vmem>>
    %dma_wait3A_633 = tpu.memref_squeeze %dma_wait3A_632 : memref<1x8xi32, #tpu.memory_space<vmem>> -> memref<8xi32, #tpu.memory_space<vmem>>
    %dma_wait3A_634 = arith.constant 0 : i32
    %dma_wait3A_635 = arith.constant 0 : i32
    %dma_wait3A_636 = tpu.memref_slice %arg3[%dma_wait3A_634, %dma_wait3A_635] : memref<100000x768xf32, #tpu.memory_space<hbm>> -> memref<100000x768xf32, #tpu.memory_space<hbm>>
    tpu.wait_indirect_dma semaphore(%arg29 : memref<!tpu.dma_semaphore, #tpu.memory_space<semaphore_mem>>) src(%dma_wait3A_636 : memref<100000x768xf32, #tpu.memory_space<hbm>>) dst(%arg15 : memref<8x768xf32, #tpu.memory_space<vmem>>)
    %dma_wait3A_637 = arith.constant 3 : i32
    %dma_wait3A_638 = arith.constant 32 : i32
    %dma_wait3A_639 = tpu.memref_slice %arg6[%dma_wait3A_637, %dma_wait3A_638] : memref<4x64xi32, #tpu.memory_space<vmem>> -> memref<1x8xi32, #tpu.memory_space<vmem>>
    %dma_wait3A_640 = tpu.memref_squeeze %dma_wait3A_639 : memref<1x8xi32, #tpu.memory_space<vmem>> -> memref<8xi32, #tpu.memory_space<vmem>>
    %dma_wait3A_641 = arith.constant 0 : i32
    %dma_wait3A_642 = arith.constant 0 : i32
    %dma_wait3A_643 = tpu.memref_slice %arg3[%dma_wait3A_641, %dma_wait3A_642] : memref<100000x768xf32, #tpu.memory_space<hbm>> -> memref<100000x768xf32, #tpu.memory_space<hbm>>
    tpu.wait_indirect_dma semaphore(%arg32 : memref<!tpu.dma_semaphore, #tpu.memory_space<semaphore_mem>>) src(%dma_wait3A_643 : memref<100000x768xf32, #tpu.memory_space<hbm>>) dst(%arg18 : memref<8x768xf32, #tpu.memory_space<vmem>>)
    %parallel_loop3A_644 = arith.constant 0 : i32
    %parallel_loop3A_645 = arith.constant 8 : i32
    %parallel_loop3A_646 = arith.constant 1 : i32
    scf.for %parallel_loop3A_960 = %parallel_loop3A_644 to %parallel_loop3A_645 step %parallel_loop3A_646  : i32 {
      %parallel_loop3A_961 = arith.constant 32 : i32
      %parallel_loop3A_962 = arith.addi %parallel_loop3A_961, %parallel_loop3A_960 : i32
      %parallel_loop3A_963 = arith.constant 0 : i32
      %parallel_loop3A_964 = arith.constant 768 : i32
      %parallel_loop3A_965 = arith.constant 16 : i32
      scf.for %parallel_loop3A_966 = %parallel_loop3A_963 to %parallel_loop3A_964 step %parallel_loop3A_965  : i32 {
        %parallel_loop3A_967 = arith.constant 0 : i32
        %parallel_loop3A_968 = tpu.memref_slice %arg7[%parallel_loop3A_962, %parallel_loop3A_967] : memref<64x768xf32, #tpu.memory_space<vmem>> -> memref<1x768xf32, #tpu.memory_space<vmem>>
        %parallel_loop3A_969 = tpu.memref_squeeze %parallel_loop3A_968 : memref<1x768xf32, #tpu.memory_space<vmem>> -> memref<768xf32, #tpu.memory_space<vmem>>
        %parallel_loop3A_970 = arith.index_cast %parallel_loop3A_966 : i32 to index
        %parallel_loop3A_971 = tpu.vector_load %parallel_loop3A_969[%parallel_loop3A_970] {strides = array<i32>} : memref<768xf32, #tpu.memory_space<vmem>>, vector<16xf32>,
        %parallel_loop3A_972 = vector.shape_cast %parallel_loop3A_971 : vector<16xf32> to vector<16xf32>
        %parallel_loop3A_973 = arith.constant 0 : i32
        %parallel_loop3A_974 = tpu.memref_slice %arg9[%parallel_loop3A_960, %parallel_loop3A_973] : memref<8x768xf32, #tpu.memory_space<vmem>> -> memref<1x768xf32, #tpu.memory_space<vmem>>
        %parallel_loop3A_975 = tpu.memref_squeeze %parallel_loop3A_974 : memref<1x768xf32, #tpu.memory_space<vmem>> -> memref<768xf32, #tpu.memory_space<vmem>>
        %parallel_loop3A_976 = arith.index_cast %parallel_loop3A_966 : i32 to index
        %parallel_loop3A_977 = tpu.vector_load %parallel_loop3A_975[%parallel_loop3A_976] {strides = array<i32>} : memref<768xf32, #tpu.memory_space<vmem>>, vector<16xf32>,
        %parallel_loop3A_978 = vector.shape_cast %parallel_loop3A_977 : vector<16xf32> to vector<16xf32>
        %parallel_loop3A_979 = arith.addf %parallel_loop3A_978, %parallel_loop3A_972 : vector<16xf32>
        %parallel_loop3A_980 = arith.constant 0 : i32
        %parallel_loop3A_981 = tpu.memref_slice %arg9[%parallel_loop3A_960, %parallel_loop3A_980] : memref<8x768xf32, #tpu.memory_space<vmem>> -> memref<1x768xf32, #tpu.memory_space<vmem>>
        %parallel_loop3A_982 = tpu.memref_squeeze %parallel_loop3A_981 : memref<1x768xf32, #tpu.memory_space<vmem>> -> memref<768xf32, #tpu.memory_space<vmem>>
        %parallel_loop3A_983 = arith.index_cast %parallel_loop3A_966 : i32 to index
        %parallel_loop3A_984 = tpu.vector_load %parallel_loop3A_982[%parallel_loop3A_983] {strides = array<i32>} : memref<768xf32, #tpu.memory_space<vmem>>, vector<16xf32>,
        %parallel_loop3A_985 = vector.shape_cast %parallel_loop3A_984 : vector<16xf32> to vector<16xf32>
        %parallel_loop3A_986 = vector.shape_cast %parallel_loop3A_979 : vector<16xf32> to vector<16xf32>
        tpu.vector_store %parallel_loop3A_982[%parallel_loop3A_983], %parallel_loop3A_986 {strides = array<i32>} : memref<768xf32, #tpu.memory_space<vmem>>, vector<16xf32>,
        %parallel_loop3A_987 = arith.constant 0 : i32
        %parallel_loop3A_988 = tpu.memref_slice %arg12[%parallel_loop3A_960, %parallel_loop3A_987] : memref<8x768xf32, #tpu.memory_space<vmem>> -> memref<1x768xf32, #tpu.memory_space<vmem>>
        %parallel_loop3A_989 = tpu.memref_squeeze %parallel_loop3A_988 : memref<1x768xf32, #tpu.memory_space<vmem>> -> memref<768xf32, #tpu.memory_space<vmem>>
        %parallel_loop3A_990 = arith.index_cast %parallel_loop3A_966 : i32 to index
        %parallel_loop3A_991 = tpu.vector_load %parallel_loop3A_989[%parallel_loop3A_990] {strides = array<i32>} : memref<768xf32, #tpu.memory_space<vmem>>, vector<16xf32>,
        %parallel_loop3A_992 = vector.shape_cast %parallel_loop3A_991 : vector<16xf32> to vector<16xf32>
        %parallel_loop3A_993 = arith.addf %parallel_loop3A_992, %parallel_loop3A_972 : vector<16xf32>
        %parallel_loop3A_994 = arith.constant 0 : i32
        %parallel_loop3A_995 = tpu.memref_slice %arg12[%parallel_loop3A_960, %parallel_loop3A_994] : memref<8x768xf32, #tpu.memory_space<vmem>> -> memref<1x768xf32, #tpu.memory_space<vmem>>
        %parallel_loop3A_996 = tpu.memref_squeeze %parallel_loop3A_995 : memref<1x768xf32, #tpu.memory_space<vmem>> -> memref<768xf32, #tpu.memory_space<vmem>>
        %parallel_loop3A_997 = arith.index_cast %parallel_loop3A_966 : i32 to index
        %parallel_loop3A_998 = tpu.vector_load %parallel_loop3A_996[%parallel_loop3A_997] {strides = array<i32>} : memref<768xf32, #tpu.memory_space<vmem>>, vector<16xf32>,
        %parallel_loop3A_999 = vector.shape_cast %parallel_loop3A_998 : vector<16xf32> to vector<16xf32>
        %parallel_loop3A_1000 = vector.shape_cast %parallel_loop3A_993 : vector<16xf32> to vector<16xf32>
        tpu.vector_store %parallel_loop3A_996[%parallel_loop3A_997], %parallel_loop3A_1000 {strides = array<i32>} : memref<768xf32, #tpu.memory_space<vmem>>, vector<16xf32>,
        %parallel_loop3A_1001 = arith.constant 0 : i32
        %parallel_loop3A_1002 = tpu.memref_slice %arg15[%parallel_loop3A_960, %parallel_loop3A_1001] : memref<8x768xf32, #tpu.memory_space<vmem>> -> memref<1x768xf32, #tpu.memory_space<vmem>>
        %parallel_loop3A_1003 = tpu.memref_squeeze %parallel_loop3A_1002 : memref<1x768xf32, #tpu.memory_space<vmem>> -> memref<768xf32, #tpu.memory_space<vmem>>
        %parallel_loop3A_1004 = arith.index_cast %parallel_loop3A_966 : i32 to index
        %parallel_loop3A_1005 = tpu.vector_load %parallel_loop3A_1003[%parallel_loop3A_1004] {strides = array<i32>} : memref<768xf32, #tpu.memory_space<vmem>>, vector<16xf32>,
        %parallel_loop3A_1006 = vector.shape_cast %parallel_loop3A_1005 : vector<16xf32> to vector<16xf32>
        %parallel_loop3A_1007 = arith.addf %parallel_loop3A_1006, %parallel_loop3A_972 : vector<16xf32>
        %parallel_loop3A_1008 = arith.constant 0 : i32
        %parallel_loop3A_1009 = tpu.memref_slice %arg15[%parallel_loop3A_960, %parallel_loop3A_1008] : memref<8x768xf32, #tpu.memory_space<vmem>> -> memref<1x768xf32, #tpu.memory_space<vmem>>
        %parallel_loop3A_1010 = tpu.memref_squeeze %parallel_loop3A_1009 : memref<1x768xf32, #tpu.memory_space<vmem>> -> memref<768xf32, #tpu.memory_space<vmem>>
        %parallel_loop3A_1011 = arith.index_cast %parallel_loop3A_966 : i32 to index
        %parallel_loop3A_1012 = tpu.vector_load %parallel_loop3A_1010[%parallel_loop3A_1011] {strides = array<i32>} : memref<768xf32, #tpu.memory_space<vmem>>, vector<16xf32>,
        %parallel_loop3A_1013 = vector.shape_cast %parallel_loop3A_1012 : vector<16xf32> to vector<16xf32>
        %parallel_loop3A_1014 = vector.shape_cast %parallel_loop3A_1007 : vector<16xf32> to vector<16xf32>
        tpu.vector_store %parallel_loop3A_1010[%parallel_loop3A_1011], %parallel_loop3A_1014 {strides = array<i32>} : memref<768xf32, #tpu.memory_space<vmem>>, vector<16xf32>,
        %parallel_loop3A_1015 = arith.constant 0 : i32
        %parallel_loop3A_1016 = tpu.memref_slice %arg18[%parallel_loop3A_960, %parallel_loop3A_1015] : memref<8x768xf32, #tpu.memory_space<vmem>> -> memref<1x768xf32, #tpu.memory_space<vmem>>
        %parallel_loop3A_1017 = tpu.memref_squeeze %parallel_loop3A_1016 : memref<1x768xf32, #tpu.memory_space<vmem>> -> memref<768xf32, #tpu.memory_space<vmem>>
        %parallel_loop3A_1018 = arith.index_cast %parallel_loop3A_966 : i32 to index
        %parallel_loop3A_1019 = tpu.vector_load %parallel_loop3A_1017[%parallel_loop3A_1018] {strides = array<i32>} : memref<768xf32, #tpu.memory_space<vmem>>, vector<16xf32>,
        %parallel_loop3A_1020 = vector.shape_cast %parallel_loop3A_1019 : vector<16xf32> to vector<16xf32>
        %parallel_loop3A_1021 = arith.addf %parallel_loop3A_1020, %parallel_loop3A_972 : vector<16xf32>
        %parallel_loop3A_1022 = arith.constant 0 : i32
        %parallel_loop3A_1023 = tpu.memref_slice %arg18[%parallel_loop3A_960, %parallel_loop3A_1022] : memref<8x768xf32, #tpu.memory_space<vmem>> -> memref<1x768xf32, #tpu.memory_space<vmem>>
        %parallel_loop3A_1024 = tpu.memref_squeeze %parallel_loop3A_1023 : memref<1x768xf32, #tpu.memory_space<vmem>> -> memref<768xf32, #tpu.memory_space<vmem>>
        %parallel_loop3A_1025 = arith.index_cast %parallel_loop3A_966 : i32 to index
        %parallel_loop3A_1026 = tpu.vector_load %parallel_loop3A_1024[%parallel_loop3A_1025] {strides = array<i32>} : memref<768xf32, #tpu.memory_space<vmem>>, vector<16xf32>,
        %parallel_loop3A_1027 = vector.shape_cast %parallel_loop3A_1026 : vector<16xf32> to vector<16xf32>
        %parallel_loop3A_1028 = vector.shape_cast %parallel_loop3A_1021 : vector<16xf32> to vector<16xf32>
        tpu.vector_store %parallel_loop3A_1024[%parallel_loop3A_1025], %parallel_loop3A_1028 {strides = array<i32>} : memref<768xf32, #tpu.memory_space<vmem>>, vector<16xf32>,
      } {sc.loop_unroll_factor = 8 : i64, sc.parallel_access}
    } {sc.loop_unroll_factor = 1 : i64, sc.parallel_access}
    %add3A_647 = arith.constant 0 : i32
    %add3A_648 = arith.addi %add3A_647, %mul3A_2 : i32
    %add3A_649 = arith.constant 32 : i32
    %add3A_650 = arith.addi %add3A_648, %add3A_649 : i32
    %dma_start3A_651 = arith.constant 0 : i32
    %dma_start3A_652 = tpu.memref_slice %arg5[%add3A_650, %dma_start3A_651] : memref<8192x768xf32, #tpu.memory_space<hbm>> -> memref<8x768xf32, #tpu.memory_space<hbm>>
    %dma_start3A_653 = arith.constant 0 : i32
    %dma_start3A_654 = tpu.memref_slice %arg5[%add3A_650, %dma_start3A_653] : memref<8192x768xf32, #tpu.memory_space<hbm>> -> memref<8x768xf32, #tpu.memory_space<hbm>>
    tpu.enqueue_dma source(%arg9 : memref<8x768xf32, #tpu.memory_space<vmem>>) target(%dma_start3A_654 : memref<8x768xf32, #tpu.memory_space<hbm>>) target_semaphore(%arg35 : memref<!tpu.dma_semaphore, #tpu.memory_space<semaphore_mem>>)
    %add3A_655 = arith.constant 2048 : i32
    %add3A_656 = arith.addi %add3A_655, %mul3A_2 : i32
    %add3A_657 = arith.constant 32 : i32
    %add3A_658 = arith.addi %add3A_656, %add3A_657 : i32
    %dma_start3A_659 = arith.constant 0 : i32
    %dma_start3A_660 = tpu.memref_slice %arg5[%add3A_658, %dma_start3A_659] : memref<8192x768xf32, #tpu.memory_space<hbm>> -> memref<8x768xf32, #tpu.memory_space<hbm>>
    %dma_start3A_661 = arith.constant 0 : i32
    %dma_start3A_662 = tpu.memref_slice %arg5[%add3A_658, %dma_start3A_661] : memref<8192x768xf32, #tpu.memory_space<hbm>> -> memref<8x768xf32, #tpu.memory_space<hbm>>
    tpu.enqueue_dma source(%arg12 : memref<8x768xf32, #tpu.memory_space<vmem>>) target(%dma_start3A_662 : memref<8x768xf32, #tpu.memory_space<hbm>>) target_semaphore(%arg38 : memref<!tpu.dma_semaphore, #tpu.memory_space<semaphore_mem>>)
    %add3A_663 = arith.constant 4096 : i32
    %add3A_664 = arith.addi %add3A_663, %mul3A_2 : i32
    %add3A_665 = arith.constant 32 : i32
    %add3A_666 = arith.addi %add3A_664, %add3A_665 : i32
    %dma_start3A_667 = arith.constant 0 : i32
    %dma_start3A_668 = tpu.memref_slice %arg5[%add3A_666, %dma_start3A_667] : memref<8192x768xf32, #tpu.memory_space<hbm>> -> memref<8x768xf32, #tpu.memory_space<hbm>>
    %dma_start3A_669 = arith.constant 0 : i32
    %dma_start3A_670 = tpu.memref_slice %arg5[%add3A_666, %dma_start3A_669] : memref<8192x768xf32, #tpu.memory_space<hbm>> -> memref<8x768xf32, #tpu.memory_space<hbm>>
    tpu.enqueue_dma source(%arg15 : memref<8x768xf32, #tpu.memory_space<vmem>>) target(%dma_start3A_670 : memref<8x768xf32, #tpu.memory_space<hbm>>) target_semaphore(%arg41 : memref<!tpu.dma_semaphore, #tpu.memory_space<semaphore_mem>>)
    %add3A_671 = arith.constant 6144 : i32
    %add3A_672 = arith.addi %add3A_671, %mul3A_2 : i32
    %add3A_673 = arith.constant 32 : i32
    %add3A_674 = arith.addi %add3A_672, %add3A_673 : i32
    %dma_start3A_675 = arith.constant 0 : i32
    %dma_start3A_676 = tpu.memref_slice %arg5[%add3A_674, %dma_start3A_675] : memref<8192x768xf32, #tpu.memory_space<hbm>> -> memref<8x768xf32, #tpu.memory_space<hbm>>
    %dma_start3A_677 = arith.constant 0 : i32
    %dma_start3A_678 = tpu.memref_slice %arg5[%add3A_674, %dma_start3A_677] : memref<8192x768xf32, #tpu.memory_space<hbm>> -> memref<8x768xf32, #tpu.memory_space<hbm>>
    tpu.enqueue_dma source(%arg18 : memref<8x768xf32, #tpu.memory_space<vmem>>) target(%dma_start3A_678 : memref<8x768xf32, #tpu.memory_space<hbm>>) target_semaphore(%arg44 : memref<!tpu.dma_semaphore, #tpu.memory_space<semaphore_mem>>)
    %dma_wait3A_679 = arith.constant 0 : i32
    %dma_wait3A_680 = tpu.memref_slice %arg5[%add3A_650, %dma_wait3A_679] : memref<8192x768xf32, #tpu.memory_space<hbm>> -> memref<8x768xf32, #tpu.memory_space<hbm>>
    %dma_wait3A_681 = arith.constant 0 : i32
    %dma_wait3A_682 = tpu.memref_slice %arg5[%add3A_650, %dma_wait3A_681] : memref<8192x768xf32, #tpu.memory_space<hbm>> -> memref<8x768xf32, #tpu.memory_space<hbm>>
    tpu.wait_dma2 semaphore(%arg35 : memref<!tpu.dma_semaphore, #tpu.memory_space<semaphore_mem>>) src(%arg9 : memref<8x768xf32, #tpu.memory_space<vmem>>) dst(%dma_wait3A_682 : memref<8x768xf32, #tpu.memory_space<hbm>>)
    %dma_wait3A_683 = arith.constant 0 : i32
    %dma_wait3A_684 = tpu.memref_slice %arg5[%add3A_658, %dma_wait3A_683] : memref<8192x768xf32, #tpu.memory_space<hbm>> -> memref<8x768xf32, #tpu.memory_space<hbm>>
    %dma_wait3A_685 = arith.constant 0 : i32
    %dma_wait3A_686 = tpu.memref_slice %arg5[%add3A_658, %dma_wait3A_685] : memref<8192x768xf32, #tpu.memory_space<hbm>> -> memref<8x768xf32, #tpu.memory_space<hbm>>
    tpu.wait_dma2 semaphore(%arg38 : memref<!tpu.dma_semaphore, #tpu.memory_space<semaphore_mem>>) src(%arg12 : memref<8x768xf32, #tpu.memory_space<vmem>>) dst(%dma_wait3A_686 : memref<8x768xf32, #tpu.memory_space<hbm>>)
    %dma_wait3A_687 = arith.constant 0 : i32
    %dma_wait3A_688 = tpu.memref_slice %arg5[%add3A_666, %dma_wait3A_687] : memref<8192x768xf32, #tpu.memory_space<hbm>> -> memref<8x768xf32, #tpu.memory_space<hbm>>
    %dma_wait3A_689 = arith.constant 0 : i32
    %dma_wait3A_690 = tpu.memref_slice %arg5[%add3A_666, %dma_wait3A_689] : memref<8192x768xf32, #tpu.memory_space<hbm>> -> memref<8x768xf32, #tpu.memory_space<hbm>>
    tpu.wait_dma2 semaphore(%arg41 : memref<!tpu.dma_semaphore, #tpu.memory_space<semaphore_mem>>) src(%arg15 : memref<8x768xf32, #tpu.memory_space<vmem>>) dst(%dma_wait3A_690 : memref<8x768xf32, #tpu.memory_space<hbm>>)
    %dma_wait3A_691 = arith.constant 0 : i32
    %dma_wait3A_692 = tpu.memref_slice %arg5[%add3A_674, %dma_wait3A_691] : memref<8192x768xf32, #tpu.memory_space<hbm>> -> memref<8x768xf32, #tpu.memory_space<hbm>>
    %dma_wait3A_693 = arith.constant 0 : i32
    %dma_wait3A_694 = tpu.memref_slice %arg5[%add3A_674, %dma_wait3A_693] : memref<8192x768xf32, #tpu.memory_space<hbm>> -> memref<8x768xf32, #tpu.memory_space<hbm>>
    tpu.wait_dma2 semaphore(%arg44 : memref<!tpu.dma_semaphore, #tpu.memory_space<semaphore_mem>>) src(%arg18 : memref<8x768xf32, #tpu.memory_space<vmem>>) dst(%dma_wait3A_694 : memref<8x768xf32, #tpu.memory_space<hbm>>)
    %dma_start3A_695 = arith.constant 0 : i32
    %dma_start3A_696 = arith.constant 56 : i32
    %dma_start3A_697 = tpu.memref_slice %arg6[%dma_start3A_695, %dma_start3A_696] : memref<4x64xi32, #tpu.memory_space<vmem>> -> memref<1x8xi32, #tpu.memory_space<vmem>>
    %dma_start3A_698 = tpu.memref_squeeze %dma_start3A_697 : memref<1x8xi32, #tpu.memory_space<vmem>> -> memref<8xi32, #tpu.memory_space<vmem>>
    %dma_start3A_699 = arith.constant 0 : i32
    %dma_start3A_700 = arith.constant 0 : i32
    %dma_start3A_701 = tpu.memref_slice %arg3[%dma_start3A_699, %dma_start3A_700] : memref<100000x768xf32, #tpu.memory_space<hbm>> -> memref<100000x768xf32, #tpu.memory_space<hbm>>
    tpu.enqueue_indirect_dma source(%dma_start3A_701 : memref<100000x768xf32, #tpu.memory_space<hbm>>) target(%arg9 : memref<8x768xf32, #tpu.memory_space<vmem>>) offsets(%dma_start3A_698 : memref<8xi32, #tpu.memory_space<vmem>>) semaphore(%arg23 : memref<!tpu.dma_semaphore, #tpu.memory_space<semaphore_mem>>)
    %dma_start3A_702 = arith.constant 1 : i32
    %dma_start3A_703 = arith.constant 56 : i32
    %dma_start3A_704 = tpu.memref_slice %arg6[%dma_start3A_702, %dma_start3A_703] : memref<4x64xi32, #tpu.memory_space<vmem>> -> memref<1x8xi32, #tpu.memory_space<vmem>>
    %dma_start3A_705 = tpu.memref_squeeze %dma_start3A_704 : memref<1x8xi32, #tpu.memory_space<vmem>> -> memref<8xi32, #tpu.memory_space<vmem>>
    %dma_start3A_706 = arith.constant 0 : i32
    %dma_start3A_707 = arith.constant 0 : i32
    %dma_start3A_708 = tpu.memref_slice %arg3[%dma_start3A_706, %dma_start3A_707] : memref<100000x768xf32, #tpu.memory_space<hbm>> -> memref<100000x768xf32, #tpu.memory_space<hbm>>
    tpu.enqueue_indirect_dma source(%dma_start3A_708 : memref<100000x768xf32, #tpu.memory_space<hbm>>) target(%arg12 : memref<8x768xf32, #tpu.memory_space<vmem>>) offsets(%dma_start3A_705 : memref<8xi32, #tpu.memory_space<vmem>>) semaphore(%arg26 : memref<!tpu.dma_semaphore, #tpu.memory_space<semaphore_mem>>)
    %dma_start3A_709 = arith.constant 2 : i32
    %dma_start3A_710 = arith.constant 56 : i32
    %dma_start3A_711 = tpu.memref_slice %arg6[%dma_start3A_709, %dma_start3A_710] : memref<4x64xi32, #tpu.memory_space<vmem>> -> memref<1x8xi32, #tpu.memory_space<vmem>>
    %dma_start3A_712 = tpu.memref_squeeze %dma_start3A_711 : memref<1x8xi32, #tpu.memory_space<vmem>> -> memref<8xi32, #tpu.memory_space<vmem>>
    %dma_start3A_713 = arith.constant 0 : i32
    %dma_start3A_714 = arith.constant 0 : i32
    %dma_start3A_715 = tpu.memref_slice %arg3[%dma_start3A_713, %dma_start3A_714] : memref<100000x768xf32, #tpu.memory_space<hbm>> -> memref<100000x768xf32, #tpu.memory_space<hbm>>
    tpu.enqueue_indirect_dma source(%dma_start3A_715 : memref<100000x768xf32, #tpu.memory_space<hbm>>) target(%arg15 : memref<8x768xf32, #tpu.memory_space<vmem>>) offsets(%dma_start3A_712 : memref<8xi32, #tpu.memory_space<vmem>>) semaphore(%arg29 : memref<!tpu.dma_semaphore, #tpu.memory_space<semaphore_mem>>)
    %dma_start3A_716 = arith.constant 3 : i32
    %dma_start3A_717 = arith.constant 56 : i32
    %dma_start3A_718 = tpu.memref_slice %arg6[%dma_start3A_716, %dma_start3A_717] : memref<4x64xi32, #tpu.memory_space<vmem>> -> memref<1x8xi32, #tpu.memory_space<vmem>>
    %dma_start3A_719 = tpu.memref_squeeze %dma_start3A_718 : memref<1x8xi32, #tpu.memory_space<vmem>> -> memref<8xi32, #tpu.memory_space<vmem>>
    %dma_start3A_720 = arith.constant 0 : i32
    %dma_start3A_721 = arith.constant 0 : i32
    %dma_start3A_722 = tpu.memref_slice %arg3[%dma_start3A_720, %dma_start3A_721] : memref<100000x768xf32, #tpu.memory_space<hbm>> -> memref<100000x768xf32, #tpu.memory_space<hbm>>
    tpu.enqueue_indirect_dma source(%dma_start3A_722 : memref<100000x768xf32, #tpu.memory_space<hbm>>) target(%arg18 : memref<8x768xf32, #tpu.memory_space<vmem>>) offsets(%dma_start3A_719 : memref<8xi32, #tpu.memory_space<vmem>>) semaphore(%arg32 : memref<!tpu.dma_semaphore, #tpu.memory_space<semaphore_mem>>)
    %dma_wait3A_723 = arith.constant 0 : i32
    %dma_wait3A_724 = arith.constant 40 : i32
    %dma_wait3A_725 = tpu.memref_slice %arg6[%dma_wait3A_723, %dma_wait3A_724] : memref<4x64xi32, #tpu.memory_space<vmem>> -> memref<1x8xi32, #tpu.memory_space<vmem>>
    %dma_wait3A_726 = tpu.memref_squeeze %dma_wait3A_725 : memref<1x8xi32, #tpu.memory_space<vmem>> -> memref<8xi32, #tpu.memory_space<vmem>>
    %dma_wait3A_727 = arith.constant 0 : i32
    %dma_wait3A_728 = arith.constant 0 : i32
    %dma_wait3A_729 = tpu.memref_slice %arg3[%dma_wait3A_727, %dma_wait3A_728] : memref<100000x768xf32, #tpu.memory_space<hbm>> -> memref<100000x768xf32, #tpu.memory_space<hbm>>
    tpu.wait_indirect_dma semaphore(%arg24 : memref<!tpu.dma_semaphore, #tpu.memory_space<semaphore_mem>>) src(%dma_wait3A_729 : memref<100000x768xf32, #tpu.memory_space<hbm>>) dst(%arg10 : memref<8x768xf32, #tpu.memory_space<vmem>>)
    %dma_wait3A_730 = arith.constant 1 : i32
    %dma_wait3A_731 = arith.constant 40 : i32
    %dma_wait3A_732 = tpu.memref_slice %arg6[%dma_wait3A_730, %dma_wait3A_731] : memref<4x64xi32, #tpu.memory_space<vmem>> -> memref<1x8xi32, #tpu.memory_space<vmem>>
    %dma_wait3A_733 = tpu.memref_squeeze %dma_wait3A_732 : memref<1x8xi32, #tpu.memory_space<vmem>> -> memref<8xi32, #tpu.memory_space<vmem>>
    %dma_wait3A_734 = arith.constant 0 : i32
    %dma_wait3A_735 = arith.constant 0 : i32
    %dma_wait3A_736 = tpu.memref_slice %arg3[%dma_wait3A_734, %dma_wait3A_735] : memref<100000x768xf32, #tpu.memory_space<hbm>> -> memref<100000x768xf32, #tpu.memory_space<hbm>>
    tpu.wait_indirect_dma semaphore(%arg27 : memref<!tpu.dma_semaphore, #tpu.memory_space<semaphore_mem>>) src(%dma_wait3A_736 : memref<100000x768xf32, #tpu.memory_space<hbm>>) dst(%arg13 : memref<8x768xf32, #tpu.memory_space<vmem>>)
    %dma_wait3A_737 = arith.constant 2 : i32
    %dma_wait3A_738 = arith.constant 40 : i32
    %dma_wait3A_739 = tpu.memref_slice %arg6[%dma_wait3A_737, %dma_wait3A_738] : memref<4x64xi32, #tpu.memory_space<vmem>> -> memref<1x8xi32, #tpu.memory_space<vmem>>
    %dma_wait3A_740 = tpu.memref_squeeze %dma_wait3A_739 : memref<1x8xi32, #tpu.memory_space<vmem>> -> memref<8xi32, #tpu.memory_space<vmem>>
    %dma_wait3A_741 = arith.constant 0 : i32
    %dma_wait3A_742 = arith.constant 0 : i32
    %dma_wait3A_743 = tpu.memref_slice %arg3[%dma_wait3A_741, %dma_wait3A_742] : memref<100000x768xf32, #tpu.memory_space<hbm>> -> memref<100000x768xf32, #tpu.memory_space<hbm>>
    tpu.wait_indirect_dma semaphore(%arg30 : memref<!tpu.dma_semaphore, #tpu.memory_space<semaphore_mem>>) src(%dma_wait3A_743 : memref<100000x768xf32, #tpu.memory_space<hbm>>) dst(%arg16 : memref<8x768xf32, #tpu.memory_space<vmem>>)
    %dma_wait3A_744 = arith.constant 3 : i32
    %dma_wait3A_745 = arith.constant 40 : i32
    %dma_wait3A_746 = tpu.memref_slice %arg6[%dma_wait3A_744, %dma_wait3A_745] : memref<4x64xi32, #tpu.memory_space<vmem>> -> memref<1x8xi32, #tpu.memory_space<vmem>>
    %dma_wait3A_747 = tpu.memref_squeeze %dma_wait3A_746 : memref<1x8xi32, #tpu.memory_space<vmem>> -> memref<8xi32, #tpu.memory_space<vmem>>
    %dma_wait3A_748 = arith.constant 0 : i32
    %dma_wait3A_749 = arith.constant 0 : i32
    %dma_wait3A_750 = tpu.memref_slice %arg3[%dma_wait3A_748, %dma_wait3A_749] : memref<100000x768xf32, #tpu.memory_space<hbm>> -> memref<100000x768xf32, #tpu.memory_space<hbm>>
    tpu.wait_indirect_dma semaphore(%arg33 : memref<!tpu.dma_semaphore, #tpu.memory_space<semaphore_mem>>) src(%dma_wait3A_750 : memref<100000x768xf32, #tpu.memory_space<hbm>>) dst(%arg19 : memref<8x768xf32, #tpu.memory_space<vmem>>)
    %parallel_loop3A_751 = arith.constant 0 : i32
    %parallel_loop3A_752 = arith.constant 8 : i32
    %parallel_loop3A_753 = arith.constant 1 : i32
    scf.for %parallel_loop3A_960 = %parallel_loop3A_751 to %parallel_loop3A_752 step %parallel_loop3A_753  : i32 {
      %parallel_loop3A_961 = arith.constant 40 : i32
      %parallel_loop3A_962 = arith.addi %parallel_loop3A_961, %parallel_loop3A_960 : i32
      %parallel_loop3A_963 = arith.constant 0 : i32
      %parallel_loop3A_964 = arith.constant 768 : i32
      %parallel_loop3A_965 = arith.constant 16 : i32
      scf.for %parallel_loop3A_966 = %parallel_loop3A_963 to %parallel_loop3A_964 step %parallel_loop3A_965  : i32 {
        %parallel_loop3A_967 = arith.constant 0 : i32
        %parallel_loop3A_968 = tpu.memref_slice %arg7[%parallel_loop3A_962, %parallel_loop3A_967] : memref<64x768xf32, #tpu.memory_space<vmem>> -> memref<1x768xf32, #tpu.memory_space<vmem>>
        %parallel_loop3A_969 = tpu.memref_squeeze %parallel_loop3A_968 : memref<1x768xf32, #tpu.memory_space<vmem>> -> memref<768xf32, #tpu.memory_space<vmem>>
        %parallel_loop3A_970 = arith.index_cast %parallel_loop3A_966 : i32 to index
        %parallel_loop3A_971 = tpu.vector_load %parallel_loop3A_969[%parallel_loop3A_970] {strides = array<i32>} : memref<768xf32, #tpu.memory_space<vmem>>, vector<16xf32>,
        %parallel_loop3A_972 = vector.shape_cast %parallel_loop3A_971 : vector<16xf32> to vector<16xf32>
        %parallel_loop3A_973 = arith.constant 0 : i32
        %parallel_loop3A_974 = tpu.memref_slice %arg10[%parallel_loop3A_960, %parallel_loop3A_973] : memref<8x768xf32, #tpu.memory_space<vmem>> -> memref<1x768xf32, #tpu.memory_space<vmem>>
        %parallel_loop3A_975 = tpu.memref_squeeze %parallel_loop3A_974 : memref<1x768xf32, #tpu.memory_space<vmem>> -> memref<768xf32, #tpu.memory_space<vmem>>
        %parallel_loop3A_976 = arith.index_cast %parallel_loop3A_966 : i32 to index
        %parallel_loop3A_977 = tpu.vector_load %parallel_loop3A_975[%parallel_loop3A_976] {strides = array<i32>} : memref<768xf32, #tpu.memory_space<vmem>>, vector<16xf32>,
        %parallel_loop3A_978 = vector.shape_cast %parallel_loop3A_977 : vector<16xf32> to vector<16xf32>
        %parallel_loop3A_979 = arith.addf %parallel_loop3A_978, %parallel_loop3A_972 : vector<16xf32>
        %parallel_loop3A_980 = arith.constant 0 : i32
        %parallel_loop3A_981 = tpu.memref_slice %arg10[%parallel_loop3A_960, %parallel_loop3A_980] : memref<8x768xf32, #tpu.memory_space<vmem>> -> memref<1x768xf32, #tpu.memory_space<vmem>>
        %parallel_loop3A_982 = tpu.memref_squeeze %parallel_loop3A_981 : memref<1x768xf32, #tpu.memory_space<vmem>> -> memref<768xf32, #tpu.memory_space<vmem>>
        %parallel_loop3A_983 = arith.index_cast %parallel_loop3A_966 : i32 to index
        %parallel_loop3A_984 = tpu.vector_load %parallel_loop3A_982[%parallel_loop3A_983] {strides = array<i32>} : memref<768xf32, #tpu.memory_space<vmem>>, vector<16xf32>,
        %parallel_loop3A_985 = vector.shape_cast %parallel_loop3A_984 : vector<16xf32> to vector<16xf32>
        %parallel_loop3A_986 = vector.shape_cast %parallel_loop3A_979 : vector<16xf32> to vector<16xf32>
        tpu.vector_store %parallel_loop3A_982[%parallel_loop3A_983], %parallel_loop3A_986 {strides = array<i32>} : memref<768xf32, #tpu.memory_space<vmem>>, vector<16xf32>,
        %parallel_loop3A_987 = arith.constant 0 : i32
        %parallel_loop3A_988 = tpu.memref_slice %arg13[%parallel_loop3A_960, %parallel_loop3A_987] : memref<8x768xf32, #tpu.memory_space<vmem>> -> memref<1x768xf32, #tpu.memory_space<vmem>>
        %parallel_loop3A_989 = tpu.memref_squeeze %parallel_loop3A_988 : memref<1x768xf32, #tpu.memory_space<vmem>> -> memref<768xf32, #tpu.memory_space<vmem>>
        %parallel_loop3A_990 = arith.index_cast %parallel_loop3A_966 : i32 to index
        %parallel_loop3A_991 = tpu.vector_load %parallel_loop3A_989[%parallel_loop3A_990] {strides = array<i32>} : memref<768xf32, #tpu.memory_space<vmem>>, vector<16xf32>,
        %parallel_loop3A_992 = vector.shape_cast %parallel_loop3A_991 : vector<16xf32> to vector<16xf32>
        %parallel_loop3A_993 = arith.addf %parallel_loop3A_992, %parallel_loop3A_972 : vector<16xf32>
        %parallel_loop3A_994 = arith.constant 0 : i32
        %parallel_loop3A_995 = tpu.memref_slice %arg13[%parallel_loop3A_960, %parallel_loop3A_994] : memref<8x768xf32, #tpu.memory_space<vmem>> -> memref<1x768xf32, #tpu.memory_space<vmem>>
        %parallel_loop3A_996 = tpu.memref_squeeze %parallel_loop3A_995 : memref<1x768xf32, #tpu.memory_space<vmem>> -> memref<768xf32, #tpu.memory_space<vmem>>
        %parallel_loop3A_997 = arith.index_cast %parallel_loop3A_966 : i32 to index
        %parallel_loop3A_998 = tpu.vector_load %parallel_loop3A_996[%parallel_loop3A_997] {strides = array<i32>} : memref<768xf32, #tpu.memory_space<vmem>>, vector<16xf32>,
        %parallel_loop3A_999 = vector.shape_cast %parallel_loop3A_998 : vector<16xf32> to vector<16xf32>
        %parallel_loop3A_1000 = vector.shape_cast %parallel_loop3A_993 : vector<16xf32> to vector<16xf32>
        tpu.vector_store %parallel_loop3A_996[%parallel_loop3A_997], %parallel_loop3A_1000 {strides = array<i32>} : memref<768xf32, #tpu.memory_space<vmem>>, vector<16xf32>,
        %parallel_loop3A_1001 = arith.constant 0 : i32
        %parallel_loop3A_1002 = tpu.memref_slice %arg16[%parallel_loop3A_960, %parallel_loop3A_1001] : memref<8x768xf32, #tpu.memory_space<vmem>> -> memref<1x768xf32, #tpu.memory_space<vmem>>
        %parallel_loop3A_1003 = tpu.memref_squeeze %parallel_loop3A_1002 : memref<1x768xf32, #tpu.memory_space<vmem>> -> memref<768xf32, #tpu.memory_space<vmem>>
        %parallel_loop3A_1004 = arith.index_cast %parallel_loop3A_966 : i32 to index
        %parallel_loop3A_1005 = tpu.vector_load %parallel_loop3A_1003[%parallel_loop3A_1004] {strides = array<i32>} : memref<768xf32, #tpu.memory_space<vmem>>, vector<16xf32>,
        %parallel_loop3A_1006 = vector.shape_cast %parallel_loop3A_1005 : vector<16xf32> to vector<16xf32>
        %parallel_loop3A_1007 = arith.addf %parallel_loop3A_1006, %parallel_loop3A_972 : vector<16xf32>
        %parallel_loop3A_1008 = arith.constant 0 : i32
        %parallel_loop3A_1009 = tpu.memref_slice %arg16[%parallel_loop3A_960, %parallel_loop3A_1008] : memref<8x768xf32, #tpu.memory_space<vmem>> -> memref<1x768xf32, #tpu.memory_space<vmem>>
        %parallel_loop3A_1010 = tpu.memref_squeeze %parallel_loop3A_1009 : memref<1x768xf32, #tpu.memory_space<vmem>> -> memref<768xf32, #tpu.memory_space<vmem>>
        %parallel_loop3A_1011 = arith.index_cast %parallel_loop3A_966 : i32 to index
        %parallel_loop3A_1012 = tpu.vector_load %parallel_loop3A_1010[%parallel_loop3A_1011] {strides = array<i32>} : memref<768xf32, #tpu.memory_space<vmem>>, vector<16xf32>,
        %parallel_loop3A_1013 = vector.shape_cast %parallel_loop3A_1012 : vector<16xf32> to vector<16xf32>
        %parallel_loop3A_1014 = vector.shape_cast %parallel_loop3A_1007 : vector<16xf32> to vector<16xf32>
        tpu.vector_store %parallel_loop3A_1010[%parallel_loop3A_1011], %parallel_loop3A_1014 {strides = array<i32>} : memref<768xf32, #tpu.memory_space<vmem>>, vector<16xf32>,
        %parallel_loop3A_1015 = arith.constant 0 : i32
        %parallel_loop3A_1016 = tpu.memref_slice %arg19[%parallel_loop3A_960, %parallel_loop3A_1015] : memref<8x768xf32, #tpu.memory_space<vmem>> -> memref<1x768xf32, #tpu.memory_space<vmem>>
        %parallel_loop3A_1017 = tpu.memref_squeeze %parallel_loop3A_1016 : memref<1x768xf32, #tpu.memory_space<vmem>> -> memref<768xf32, #tpu.memory_space<vmem>>
        %parallel_loop3A_1018 = arith.index_cast %parallel_loop3A_966 : i32 to index
        %parallel_loop3A_1019 = tpu.vector_load %parallel_loop3A_1017[%parallel_loop3A_1018] {strides = array<i32>} : memref<768xf32, #tpu.memory_space<vmem>>, vector<16xf32>,
        %parallel_loop3A_1020 = vector.shape_cast %parallel_loop3A_1019 : vector<16xf32> to vector<16xf32>
        %parallel_loop3A_1021 = arith.addf %parallel_loop3A_1020, %parallel_loop3A_972 : vector<16xf32>
        %parallel_loop3A_1022 = arith.constant 0 : i32
        %parallel_loop3A_1023 = tpu.memref_slice %arg19[%parallel_loop3A_960, %parallel_loop3A_1022] : memref<8x768xf32, #tpu.memory_space<vmem>> -> memref<1x768xf32, #tpu.memory_space<vmem>>
        %parallel_loop3A_1024 = tpu.memref_squeeze %parallel_loop3A_1023 : memref<1x768xf32, #tpu.memory_space<vmem>> -> memref<768xf32, #tpu.memory_space<vmem>>
        %parallel_loop3A_1025 = arith.index_cast %parallel_loop3A_966 : i32 to index
        %parallel_loop3A_1026 = tpu.vector_load %parallel_loop3A_1024[%parallel_loop3A_1025] {strides = array<i32>} : memref<768xf32, #tpu.memory_space<vmem>>, vector<16xf32>,
        %parallel_loop3A_1027 = vector.shape_cast %parallel_loop3A_1026 : vector<16xf32> to vector<16xf32>
        %parallel_loop3A_1028 = vector.shape_cast %parallel_loop3A_1021 : vector<16xf32> to vector<16xf32>
        tpu.vector_store %parallel_loop3A_1024[%parallel_loop3A_1025], %parallel_loop3A_1028 {strides = array<i32>} : memref<768xf32, #tpu.memory_space<vmem>>, vector<16xf32>,
      } {sc.loop_unroll_factor = 8 : i64, sc.parallel_access}
    } {sc.loop_unroll_factor = 1 : i64, sc.parallel_access}
    %add3A_754 = arith.constant 0 : i32
    %add3A_755 = arith.addi %add3A_754, %mul3A_2 : i32
    %add3A_756 = arith.constant 40 : i32
    %add3A_757 = arith.addi %add3A_755, %add3A_756 : i32
    %dma_start3A_758 = arith.constant 0 : i32
    %dma_start3A_759 = tpu.memref_slice %arg5[%add3A_757, %dma_start3A_758] : memref<8192x768xf32, #tpu.memory_space<hbm>> -> memref<8x768xf32, #tpu.memory_space<hbm>>
    %dma_start3A_760 = arith.constant 0 : i32
    %dma_start3A_761 = tpu.memref_slice %arg5[%add3A_757, %dma_start3A_760] : memref<8192x768xf32, #tpu.memory_space<hbm>> -> memref<8x768xf32, #tpu.memory_space<hbm>>
    tpu.enqueue_dma source(%arg10 : memref<8x768xf32, #tpu.memory_space<vmem>>) target(%dma_start3A_761 : memref<8x768xf32, #tpu.memory_space<hbm>>) target_semaphore(%arg36 : memref<!tpu.dma_semaphore, #tpu.memory_space<semaphore_mem>>)
    %add3A_762 = arith.constant 2048 : i32
    %add3A_763 = arith.addi %add3A_762, %mul3A_2 : i32
    %add3A_764 = arith.constant 40 : i32
    %add3A_765 = arith.addi %add3A_763, %add3A_764 : i32
    %dma_start3A_766 = arith.constant 0 : i32
    %dma_start3A_767 = tpu.memref_slice %arg5[%add3A_765, %dma_start3A_766] : memref<8192x768xf32, #tpu.memory_space<hbm>> -> memref<8x768xf32, #tpu.memory_space<hbm>>
    %dma_start3A_768 = arith.constant 0 : i32
    %dma_start3A_769 = tpu.memref_slice %arg5[%add3A_765, %dma_start3A_768] : memref<8192x768xf32, #tpu.memory_space<hbm>> -> memref<8x768xf32, #tpu.memory_space<hbm>>
    tpu.enqueue_dma source(%arg13 : memref<8x768xf32, #tpu.memory_space<vmem>>) target(%dma_start3A_769 : memref<8x768xf32, #tpu.memory_space<hbm>>) target_semaphore(%arg39 : memref<!tpu.dma_semaphore, #tpu.memory_space<semaphore_mem>>)
    %add3A_770 = arith.constant 4096 : i32
    %add3A_771 = arith.addi %add3A_770, %mul3A_2 : i32
    %add3A_772 = arith.constant 40 : i32
    %add3A_773 = arith.addi %add3A_771, %add3A_772 : i32
    %dma_start3A_774 = arith.constant 0 : i32
    %dma_start3A_775 = tpu.memref_slice %arg5[%add3A_773, %dma_start3A_774] : memref<8192x768xf32, #tpu.memory_space<hbm>> -> memref<8x768xf32, #tpu.memory_space<hbm>>
    %dma_start3A_776 = arith.constant 0 : i32
    %dma_start3A_777 = tpu.memref_slice %arg5[%add3A_773, %dma_start3A_776] : memref<8192x768xf32, #tpu.memory_space<hbm>> -> memref<8x768xf32, #tpu.memory_space<hbm>>
    tpu.enqueue_dma source(%arg16 : memref<8x768xf32, #tpu.memory_space<vmem>>) target(%dma_start3A_777 : memref<8x768xf32, #tpu.memory_space<hbm>>) target_semaphore(%arg42 : memref<!tpu.dma_semaphore, #tpu.memory_space<semaphore_mem>>)
    %add3A_778 = arith.constant 6144 : i32
    %add3A_779 = arith.addi %add3A_778, %mul3A_2 : i32
    %add3A_780 = arith.constant 40 : i32
    %add3A_781 = arith.addi %add3A_779, %add3A_780 : i32
    %dma_start3A_782 = arith.constant 0 : i32
    %dma_start3A_783 = tpu.memref_slice %arg5[%add3A_781, %dma_start3A_782] : memref<8192x768xf32, #tpu.memory_space<hbm>> -> memref<8x768xf32, #tpu.memory_space<hbm>>
    %dma_start3A_784 = arith.constant 0 : i32
    %dma_start3A_785 = tpu.memref_slice %arg5[%add3A_781, %dma_start3A_784] : memref<8192x768xf32, #tpu.memory_space<hbm>> -> memref<8x768xf32, #tpu.memory_space<hbm>>
    tpu.enqueue_dma source(%arg19 : memref<8x768xf32, #tpu.memory_space<vmem>>) target(%dma_start3A_785 : memref<8x768xf32, #tpu.memory_space<hbm>>) target_semaphore(%arg45 : memref<!tpu.dma_semaphore, #tpu.memory_space<semaphore_mem>>)
    %dma_wait3A_786 = arith.constant 0 : i32
    %dma_wait3A_787 = arith.constant 48 : i32
    %dma_wait3A_788 = tpu.memref_slice %arg6[%dma_wait3A_786, %dma_wait3A_787] : memref<4x64xi32, #tpu.memory_space<vmem>> -> memref<1x8xi32, #tpu.memory_space<vmem>>
    %dma_wait3A_789 = tpu.memref_squeeze %dma_wait3A_788 : memref<1x8xi32, #tpu.memory_space<vmem>> -> memref<8xi32, #tpu.memory_space<vmem>>
    %dma_wait3A_790 = arith.constant 0 : i32
    %dma_wait3A_791 = arith.constant 0 : i32
    %dma_wait3A_792 = tpu.memref_slice %arg3[%dma_wait3A_790, %dma_wait3A_791] : memref<100000x768xf32, #tpu.memory_space<hbm>> -> memref<100000x768xf32, #tpu.memory_space<hbm>>
    tpu.wait_indirect_dma semaphore(%arg22 : memref<!tpu.dma_semaphore, #tpu.memory_space<semaphore_mem>>) src(%dma_wait3A_792 : memref<100000x768xf32, #tpu.memory_space<hbm>>) dst(%arg8 : memref<8x768xf32, #tpu.memory_space<vmem>>)
    %dma_wait3A_793 = arith.constant 1 : i32
    %dma_wait3A_794 = arith.constant 48 : i32
    %dma_wait3A_795 = tpu.memref_slice %arg6[%dma_wait3A_793, %dma_wait3A_794] : memref<4x64xi32, #tpu.memory_space<vmem>> -> memref<1x8xi32, #tpu.memory_space<vmem>>
    %dma_wait3A_796 = tpu.memref_squeeze %dma_wait3A_795 : memref<1x8xi32, #tpu.memory_space<vmem>> -> memref<8xi32, #tpu.memory_space<vmem>>
    %dma_wait3A_797 = arith.constant 0 : i32
    %dma_wait3A_798 = arith.constant 0 : i32
    %dma_wait3A_799 = tpu.memref_slice %arg3[%dma_wait3A_797, %dma_wait3A_798] : memref<100000x768xf32, #tpu.memory_space<hbm>> -> memref<100000x768xf32, #tpu.memory_space<hbm>>
    tpu.wait_indirect_dma semaphore(%arg25 : memref<!tpu.dma_semaphore, #tpu.memory_space<semaphore_mem>>) src(%dma_wait3A_799 : memref<100000x768xf32, #tpu.memory_space<hbm>>) dst(%arg11 : memref<8x768xf32, #tpu.memory_space<vmem>>)
    %dma_wait3A_800 = arith.constant 2 : i32
    %dma_wait3A_801 = arith.constant 48 : i32
    %dma_wait3A_802 = tpu.memref_slice %arg6[%dma_wait3A_800, %dma_wait3A_801] : memref<4x64xi32, #tpu.memory_space<vmem>> -> memref<1x8xi32, #tpu.memory_space<vmem>>
    %dma_wait3A_803 = tpu.memref_squeeze %dma_wait3A_802 : memref<1x8xi32, #tpu.memory_space<vmem>> -> memref<8xi32, #tpu.memory_space<vmem>>
    %dma_wait3A_804 = arith.constant 0 : i32
    %dma_wait3A_805 = arith.constant 0 : i32
    %dma_wait3A_806 = tpu.memref_slice %arg3[%dma_wait3A_804, %dma_wait3A_805] : memref<100000x768xf32, #tpu.memory_space<hbm>> -> memref<100000x768xf32, #tpu.memory_space<hbm>>
    tpu.wait_indirect_dma semaphore(%arg28 : memref<!tpu.dma_semaphore, #tpu.memory_space<semaphore_mem>>) src(%dma_wait3A_806 : memref<100000x768xf32, #tpu.memory_space<hbm>>) dst(%arg14 : memref<8x768xf32, #tpu.memory_space<vmem>>)
    %dma_wait3A_807 = arith.constant 3 : i32
    %dma_wait3A_808 = arith.constant 48 : i32
    %dma_wait3A_809 = tpu.memref_slice %arg6[%dma_wait3A_807, %dma_wait3A_808] : memref<4x64xi32, #tpu.memory_space<vmem>> -> memref<1x8xi32, #tpu.memory_space<vmem>>
    %dma_wait3A_810 = tpu.memref_squeeze %dma_wait3A_809 : memref<1x8xi32, #tpu.memory_space<vmem>> -> memref<8xi32, #tpu.memory_space<vmem>>
    %dma_wait3A_811 = arith.constant 0 : i32
    %dma_wait3A_812 = arith.constant 0 : i32
    %dma_wait3A_813 = tpu.memref_slice %arg3[%dma_wait3A_811, %dma_wait3A_812] : memref<100000x768xf32, #tpu.memory_space<hbm>> -> memref<100000x768xf32, #tpu.memory_space<hbm>>
    tpu.wait_indirect_dma semaphore(%arg31 : memref<!tpu.dma_semaphore, #tpu.memory_space<semaphore_mem>>) src(%dma_wait3A_813 : memref<100000x768xf32, #tpu.memory_space<hbm>>) dst(%arg17 : memref<8x768xf32, #tpu.memory_space<vmem>>)
    %parallel_loop3A_814 = arith.constant 0 : i32
    %parallel_loop3A_815 = arith.constant 8 : i32
    %parallel_loop3A_816 = arith.constant 1 : i32
    scf.for %parallel_loop3A_960 = %parallel_loop3A_814 to %parallel_loop3A_815 step %parallel_loop3A_816  : i32 {
      %parallel_loop3A_961 = arith.constant 48 : i32
      %parallel_loop3A_962 = arith.addi %parallel_loop3A_961, %parallel_loop3A_960 : i32
      %parallel_loop3A_963 = arith.constant 0 : i32
      %parallel_loop3A_964 = arith.constant 768 : i32
      %parallel_loop3A_965 = arith.constant 16 : i32
      scf.for %parallel_loop3A_966 = %parallel_loop3A_963 to %parallel_loop3A_964 step %parallel_loop3A_965  : i32 {
        %parallel_loop3A_967 = arith.constant 0 : i32
        %parallel_loop3A_968 = tpu.memref_slice %arg7[%parallel_loop3A_962, %parallel_loop3A_967] : memref<64x768xf32, #tpu.memory_space<vmem>> -> memref<1x768xf32, #tpu.memory_space<vmem>>
        %parallel_loop3A_969 = tpu.memref_squeeze %parallel_loop3A_968 : memref<1x768xf32, #tpu.memory_space<vmem>> -> memref<768xf32, #tpu.memory_space<vmem>>
        %parallel_loop3A_970 = arith.index_cast %parallel_loop3A_966 : i32 to index
        %parallel_loop3A_971 = tpu.vector_load %parallel_loop3A_969[%parallel_loop3A_970] {strides = array<i32>} : memref<768xf32, #tpu.memory_space<vmem>>, vector<16xf32>,
        %parallel_loop3A_972 = vector.shape_cast %parallel_loop3A_971 : vector<16xf32> to vector<16xf32>
        %parallel_loop3A_973 = arith.constant 0 : i32
        %parallel_loop3A_974 = tpu.memref_slice %arg8[%parallel_loop3A_960, %parallel_loop3A_973] : memref<8x768xf32, #tpu.memory_space<vmem>> -> memref<1x768xf32, #tpu.memory_space<vmem>>
        %parallel_loop3A_975 = tpu.memref_squeeze %parallel_loop3A_974 : memref<1x768xf32, #tpu.memory_space<vmem>> -> memref<768xf32, #tpu.memory_space<vmem>>
        %parallel_loop3A_976 = arith.index_cast %parallel_loop3A_966 : i32 to index
        %parallel_loop3A_977 = tpu.vector_load %parallel_loop3A_975[%parallel_loop3A_976] {strides = array<i32>} : memref<768xf32, #tpu.memory_space<vmem>>, vector<16xf32>,
        %parallel_loop3A_978 = vector.shape_cast %parallel_loop3A_977 : vector<16xf32> to vector<16xf32>
        %parallel_loop3A_979 = arith.addf %parallel_loop3A_978, %parallel_loop3A_972 : vector<16xf32>
        %parallel_loop3A_980 = arith.constant 0 : i32
        %parallel_loop3A_981 = tpu.memref_slice %arg8[%parallel_loop3A_960, %parallel_loop3A_980] : memref<8x768xf32, #tpu.memory_space<vmem>> -> memref<1x768xf32, #tpu.memory_space<vmem>>
        %parallel_loop3A_982 = tpu.memref_squeeze %parallel_loop3A_981 : memref<1x768xf32, #tpu.memory_space<vmem>> -> memref<768xf32, #tpu.memory_space<vmem>>
        %parallel_loop3A_983 = arith.index_cast %parallel_loop3A_966 : i32 to index
        %parallel_loop3A_984 = tpu.vector_load %parallel_loop3A_982[%parallel_loop3A_983] {strides = array<i32>} : memref<768xf32, #tpu.memory_space<vmem>>, vector<16xf32>,
        %parallel_loop3A_985 = vector.shape_cast %parallel_loop3A_984 : vector<16xf32> to vector<16xf32>
        %parallel_loop3A_986 = vector.shape_cast %parallel_loop3A_979 : vector<16xf32> to vector<16xf32>
        tpu.vector_store %parallel_loop3A_982[%parallel_loop3A_983], %parallel_loop3A_986 {strides = array<i32>} : memref<768xf32, #tpu.memory_space<vmem>>, vector<16xf32>,
        %parallel_loop3A_987 = arith.constant 0 : i32
        %parallel_loop3A_988 = tpu.memref_slice %arg11[%parallel_loop3A_960, %parallel_loop3A_987] : memref<8x768xf32, #tpu.memory_space<vmem>> -> memref<1x768xf32, #tpu.memory_space<vmem>>
        %parallel_loop3A_989 = tpu.memref_squeeze %parallel_loop3A_988 : memref<1x768xf32, #tpu.memory_space<vmem>> -> memref<768xf32, #tpu.memory_space<vmem>>
        %parallel_loop3A_990 = arith.index_cast %parallel_loop3A_966 : i32 to index
        %parallel_loop3A_991 = tpu.vector_load %parallel_loop3A_989[%parallel_loop3A_990] {strides = array<i32>} : memref<768xf32, #tpu.memory_space<vmem>>, vector<16xf32>,
        %parallel_loop3A_992 = vector.shape_cast %parallel_loop3A_991 : vector<16xf32> to vector<16xf32>
        %parallel_loop3A_993 = arith.addf %parallel_loop3A_992, %parallel_loop3A_972 : vector<16xf32>
        %parallel_loop3A_994 = arith.constant 0 : i32
        %parallel_loop3A_995 = tpu.memref_slice %arg11[%parallel_loop3A_960, %parallel_loop3A_994] : memref<8x768xf32, #tpu.memory_space<vmem>> -> memref<1x768xf32, #tpu.memory_space<vmem>>
        %parallel_loop3A_996 = tpu.memref_squeeze %parallel_loop3A_995 : memref<1x768xf32, #tpu.memory_space<vmem>> -> memref<768xf32, #tpu.memory_space<vmem>>
        %parallel_loop3A_997 = arith.index_cast %parallel_loop3A_966 : i32 to index
        %parallel_loop3A_998 = tpu.vector_load %parallel_loop3A_996[%parallel_loop3A_997] {strides = array<i32>} : memref<768xf32, #tpu.memory_space<vmem>>, vector<16xf32>,
        %parallel_loop3A_999 = vector.shape_cast %parallel_loop3A_998 : vector<16xf32> to vector<16xf32>
        %parallel_loop3A_1000 = vector.shape_cast %parallel_loop3A_993 : vector<16xf32> to vector<16xf32>
        tpu.vector_store %parallel_loop3A_996[%parallel_loop3A_997], %parallel_loop3A_1000 {strides = array<i32>} : memref<768xf32, #tpu.memory_space<vmem>>, vector<16xf32>,
        %parallel_loop3A_1001 = arith.constant 0 : i32
        %parallel_loop3A_1002 = tpu.memref_slice %arg14[%parallel_loop3A_960, %parallel_loop3A_1001] : memref<8x768xf32, #tpu.memory_space<vmem>> -> memref<1x768xf32, #tpu.memory_space<vmem>>
        %parallel_loop3A_1003 = tpu.memref_squeeze %parallel_loop3A_1002 : memref<1x768xf32, #tpu.memory_space<vmem>> -> memref<768xf32, #tpu.memory_space<vmem>>
        %parallel_loop3A_1004 = arith.index_cast %parallel_loop3A_966 : i32 to index
        %parallel_loop3A_1005 = tpu.vector_load %parallel_loop3A_1003[%parallel_loop3A_1004] {strides = array<i32>} : memref<768xf32, #tpu.memory_space<vmem>>, vector<16xf32>,
        %parallel_loop3A_1006 = vector.shape_cast %parallel_loop3A_1005 : vector<16xf32> to vector<16xf32>
        %parallel_loop3A_1007 = arith.addf %parallel_loop3A_1006, %parallel_loop3A_972 : vector<16xf32>
        %parallel_loop3A_1008 = arith.constant 0 : i32
        %parallel_loop3A_1009 = tpu.memref_slice %arg14[%parallel_loop3A_960, %parallel_loop3A_1008] : memref<8x768xf32, #tpu.memory_space<vmem>> -> memref<1x768xf32, #tpu.memory_space<vmem>>
        %parallel_loop3A_1010 = tpu.memref_squeeze %parallel_loop3A_1009 : memref<1x768xf32, #tpu.memory_space<vmem>> -> memref<768xf32, #tpu.memory_space<vmem>>
        %parallel_loop3A_1011 = arith.index_cast %parallel_loop3A_966 : i32 to index
        %parallel_loop3A_1012 = tpu.vector_load %parallel_loop3A_1010[%parallel_loop3A_1011] {strides = array<i32>} : memref<768xf32, #tpu.memory_space<vmem>>, vector<16xf32>,
        %parallel_loop3A_1013 = vector.shape_cast %parallel_loop3A_1012 : vector<16xf32> to vector<16xf32>
        %parallel_loop3A_1014 = vector.shape_cast %parallel_loop3A_1007 : vector<16xf32> to vector<16xf32>
        tpu.vector_store %parallel_loop3A_1010[%parallel_loop3A_1011], %parallel_loop3A_1014 {strides = array<i32>} : memref<768xf32, #tpu.memory_space<vmem>>, vector<16xf32>,
        %parallel_loop3A_1015 = arith.constant 0 : i32
        %parallel_loop3A_1016 = tpu.memref_slice %arg17[%parallel_loop3A_960, %parallel_loop3A_1015] : memref<8x768xf32, #tpu.memory_space<vmem>> -> memref<1x768xf32, #tpu.memory_space<vmem>>
        %parallel_loop3A_1017 = tpu.memref_squeeze %parallel_loop3A_1016 : memref<1x768xf32, #tpu.memory_space<vmem>> -> memref<768xf32, #tpu.memory_space<vmem>>
        %parallel_loop3A_1018 = arith.index_cast %parallel_loop3A_966 : i32 to index
        %parallel_loop3A_1019 = tpu.vector_load %parallel_loop3A_1017[%parallel_loop3A_1018] {strides = array<i32>} : memref<768xf32, #tpu.memory_space<vmem>>, vector<16xf32>,
        %parallel_loop3A_1020 = vector.shape_cast %parallel_loop3A_1019 : vector<16xf32> to vector<16xf32>
        %parallel_loop3A_1021 = arith.addf %parallel_loop3A_1020, %parallel_loop3A_972 : vector<16xf32>
        %parallel_loop3A_1022 = arith.constant 0 : i32
        %parallel_loop3A_1023 = tpu.memref_slice %arg17[%parallel_loop3A_960, %parallel_loop3A_1022] : memref<8x768xf32, #tpu.memory_space<vmem>> -> memref<1x768xf32, #tpu.memory_space<vmem>>
        %parallel_loop3A_1024 = tpu.memref_squeeze %parallel_loop3A_1023 : memref<1x768xf32, #tpu.memory_space<vmem>> -> memref<768xf32, #tpu.memory_space<vmem>>
        %parallel_loop3A_1025 = arith.index_cast %parallel_loop3A_966 : i32 to index
        %parallel_loop3A_1026 = tpu.vector_load %parallel_loop3A_1024[%parallel_loop3A_1025] {strides = array<i32>} : memref<768xf32, #tpu.memory_space<vmem>>, vector<16xf32>,
        %parallel_loop3A_1027 = vector.shape_cast %parallel_loop3A_1026 : vector<16xf32> to vector<16xf32>
        %parallel_loop3A_1028 = vector.shape_cast %parallel_loop3A_1021 : vector<16xf32> to vector<16xf32>
        tpu.vector_store %parallel_loop3A_1024[%parallel_loop3A_1025], %parallel_loop3A_1028 {strides = array<i32>} : memref<768xf32, #tpu.memory_space<vmem>>, vector<16xf32>,
      } {sc.loop_unroll_factor = 8 : i64, sc.parallel_access}
    } {sc.loop_unroll_factor = 1 : i64, sc.parallel_access}
    %add3A_817 = arith.constant 0 : i32
    %add3A_818 = arith.addi %add3A_817, %mul3A_2 : i32
    %add3A_819 = arith.constant 48 : i32
    %add3A_820 = arith.addi %add3A_818, %add3A_819 : i32
    %dma_start3A_821 = arith.constant 0 : i32
    %dma_start3A_822 = tpu.memref_slice %arg5[%add3A_820, %dma_start3A_821] : memref<8192x768xf32, #tpu.memory_space<hbm>> -> memref<8x768xf32, #tpu.memory_space<hbm>>
    %dma_start3A_823 = arith.constant 0 : i32
    %dma_start3A_824 = tpu.memref_slice %arg5[%add3A_820, %dma_start3A_823] : memref<8192x768xf32, #tpu.memory_space<hbm>> -> memref<8x768xf32, #tpu.memory_space<hbm>>
    tpu.enqueue_dma source(%arg8 : memref<8x768xf32, #tpu.memory_space<vmem>>) target(%dma_start3A_824 : memref<8x768xf32, #tpu.memory_space<hbm>>) target_semaphore(%arg34 : memref<!tpu.dma_semaphore, #tpu.memory_space<semaphore_mem>>)
    %add3A_825 = arith.constant 2048 : i32
    %add3A_826 = arith.addi %add3A_825, %mul3A_2 : i32
    %add3A_827 = arith.constant 48 : i32
    %add3A_828 = arith.addi %add3A_826, %add3A_827 : i32
    %dma_start3A_829 = arith.constant 0 : i32
    %dma_start3A_830 = tpu.memref_slice %arg5[%add3A_828, %dma_start3A_829] : memref<8192x768xf32, #tpu.memory_space<hbm>> -> memref<8x768xf32, #tpu.memory_space<hbm>>
    %dma_start3A_831 = arith.constant 0 : i32
    %dma_start3A_832 = tpu.memref_slice %arg5[%add3A_828, %dma_start3A_831] : memref<8192x768xf32, #tpu.memory_space<hbm>> -> memref<8x768xf32, #tpu.memory_space<hbm>>
    tpu.enqueue_dma source(%arg11 : memref<8x768xf32, #tpu.memory_space<vmem>>) target(%dma_start3A_832 : memref<8x768xf32, #tpu.memory_space<hbm>>) target_semaphore(%arg37 : memref<!tpu.dma_semaphore, #tpu.memory_space<semaphore_mem>>)
    %add3A_833 = arith.constant 4096 : i32
    %add3A_834 = arith.addi %add3A_833, %mul3A_2 : i32
    %add3A_835 = arith.constant 48 : i32
    %add3A_836 = arith.addi %add3A_834, %add3A_835 : i32
    %dma_start3A_837 = arith.constant 0 : i32
    %dma_start3A_838 = tpu.memref_slice %arg5[%add3A_836, %dma_start3A_837] : memref<8192x768xf32, #tpu.memory_space<hbm>> -> memref<8x768xf32, #tpu.memory_space<hbm>>
    %dma_start3A_839 = arith.constant 0 : i32
    %dma_start3A_840 = tpu.memref_slice %arg5[%add3A_836, %dma_start3A_839] : memref<8192x768xf32, #tpu.memory_space<hbm>> -> memref<8x768xf32, #tpu.memory_space<hbm>>
    tpu.enqueue_dma source(%arg14 : memref<8x768xf32, #tpu.memory_space<vmem>>) target(%dma_start3A_840 : memref<8x768xf32, #tpu.memory_space<hbm>>) target_semaphore(%arg40 : memref<!tpu.dma_semaphore, #tpu.memory_space<semaphore_mem>>)
    %add3A_841 = arith.constant 6144 : i32
    %add3A_842 = arith.addi %add3A_841, %mul3A_2 : i32
    %add3A_843 = arith.constant 48 : i32
    %add3A_844 = arith.addi %add3A_842, %add3A_843 : i32
    %dma_start3A_845 = arith.constant 0 : i32
    %dma_start3A_846 = tpu.memref_slice %arg5[%add3A_844, %dma_start3A_845] : memref<8192x768xf32, #tpu.memory_space<hbm>> -> memref<8x768xf32, #tpu.memory_space<hbm>>
    %dma_start3A_847 = arith.constant 0 : i32
    %dma_start3A_848 = tpu.memref_slice %arg5[%add3A_844, %dma_start3A_847] : memref<8192x768xf32, #tpu.memory_space<hbm>> -> memref<8x768xf32, #tpu.memory_space<hbm>>
    tpu.enqueue_dma source(%arg17 : memref<8x768xf32, #tpu.memory_space<vmem>>) target(%dma_start3A_848 : memref<8x768xf32, #tpu.memory_space<hbm>>) target_semaphore(%arg43 : memref<!tpu.dma_semaphore, #tpu.memory_space<semaphore_mem>>)
    %dma_wait3A_849 = arith.constant 0 : i32
    %dma_wait3A_850 = arith.constant 56 : i32
    %dma_wait3A_851 = tpu.memref_slice %arg6[%dma_wait3A_849, %dma_wait3A_850] : memref<4x64xi32, #tpu.memory_space<vmem>> -> memref<1x8xi32, #tpu.memory_space<vmem>>
    %dma_wait3A_852 = tpu.memref_squeeze %dma_wait3A_851 : memref<1x8xi32, #tpu.memory_space<vmem>> -> memref<8xi32, #tpu.memory_space<vmem>>
    %dma_wait3A_853 = arith.constant 0 : i32
    %dma_wait3A_854 = arith.constant 0 : i32
    %dma_wait3A_855 = tpu.memref_slice %arg3[%dma_wait3A_853, %dma_wait3A_854] : memref<100000x768xf32, #tpu.memory_space<hbm>> -> memref<100000x768xf32, #tpu.memory_space<hbm>>
    tpu.wait_indirect_dma semaphore(%arg23 : memref<!tpu.dma_semaphore, #tpu.memory_space<semaphore_mem>>) src(%dma_wait3A_855 : memref<100000x768xf32, #tpu.memory_space<hbm>>) dst(%arg9 : memref<8x768xf32, #tpu.memory_space<vmem>>)
    %dma_wait3A_856 = arith.constant 1 : i32
    %dma_wait3A_857 = arith.constant 56 : i32
    %dma_wait3A_858 = tpu.memref_slice %arg6[%dma_wait3A_856, %dma_wait3A_857] : memref<4x64xi32, #tpu.memory_space<vmem>> -> memref<1x8xi32, #tpu.memory_space<vmem>>
    %dma_wait3A_859 = tpu.memref_squeeze %dma_wait3A_858 : memref<1x8xi32, #tpu.memory_space<vmem>> -> memref<8xi32, #tpu.memory_space<vmem>>
    %dma_wait3A_860 = arith.constant 0 : i32
    %dma_wait3A_861 = arith.constant 0 : i32
    %dma_wait3A_862 = tpu.memref_slice %arg3[%dma_wait3A_860, %dma_wait3A_861] : memref<100000x768xf32, #tpu.memory_space<hbm>> -> memref<100000x768xf32, #tpu.memory_space<hbm>>
    tpu.wait_indirect_dma semaphore(%arg26 : memref<!tpu.dma_semaphore, #tpu.memory_space<semaphore_mem>>) src(%dma_wait3A_862 : memref<100000x768xf32, #tpu.memory_space<hbm>>) dst(%arg12 : memref<8x768xf32, #tpu.memory_space<vmem>>)
    %dma_wait3A_863 = arith.constant 2 : i32
    %dma_wait3A_864 = arith.constant 56 : i32
    %dma_wait3A_865 = tpu.memref_slice %arg6[%dma_wait3A_863, %dma_wait3A_864] : memref<4x64xi32, #tpu.memory_space<vmem>> -> memref<1x8xi32, #tpu.memory_space<vmem>>
    %dma_wait3A_866 = tpu.memref_squeeze %dma_wait3A_865 : memref<1x8xi32, #tpu.memory_space<vmem>> -> memref<8xi32, #tpu.memory_space<vmem>>
    %dma_wait3A_867 = arith.constant 0 : i32
    %dma_wait3A_868 = arith.constant 0 : i32
    %dma_wait3A_869 = tpu.memref_slice %arg3[%dma_wait3A_867, %dma_wait3A_868] : memref<100000x768xf32, #tpu.memory_space<hbm>> -> memref<100000x768xf32, #tpu.memory_space<hbm>>
    tpu.wait_indirect_dma semaphore(%arg29 : memref<!tpu.dma_semaphore, #tpu.memory_space<semaphore_mem>>) src(%dma_wait3A_869 : memref<100000x768xf32, #tpu.memory_space<hbm>>) dst(%arg15 : memref<8x768xf32, #tpu.memory_space<vmem>>)
    %dma_wait3A_870 = arith.constant 3 : i32
    %dma_wait3A_871 = arith.constant 56 : i32
    %dma_wait3A_872 = tpu.memref_slice %arg6[%dma_wait3A_870, %dma_wait3A_871] : memref<4x64xi32, #tpu.memory_space<vmem>> -> memref<1x8xi32, #tpu.memory_space<vmem>>
    %dma_wait3A_873 = tpu.memref_squeeze %dma_wait3A_872 : memref<1x8xi32, #tpu.memory_space<vmem>> -> memref<8xi32, #tpu.memory_space<vmem>>
    %dma_wait3A_874 = arith.constant 0 : i32
    %dma_wait3A_875 = arith.constant 0 : i32
    %dma_wait3A_876 = tpu.memref_slice %arg3[%dma_wait3A_874, %dma_wait3A_875] : memref<100000x768xf32, #tpu.memory_space<hbm>> -> memref<100000x768xf32, #tpu.memory_space<hbm>>
    tpu.wait_indirect_dma semaphore(%arg32 : memref<!tpu.dma_semaphore, #tpu.memory_space<semaphore_mem>>) src(%dma_wait3A_876 : memref<100000x768xf32, #tpu.memory_space<hbm>>) dst(%arg18 : memref<8x768xf32, #tpu.memory_space<vmem>>)
    %parallel_loop3A_877 = arith.constant 0 : i32
    %parallel_loop3A_878 = arith.constant 8 : i32
    %parallel_loop3A_879 = arith.constant 1 : i32
    scf.for %parallel_loop3A_960 = %parallel_loop3A_877 to %parallel_loop3A_878 step %parallel_loop3A_879  : i32 {
      %parallel_loop3A_961 = arith.constant 56 : i32
      %parallel_loop3A_962 = arith.addi %parallel_loop3A_961, %parallel_loop3A_960 : i32
      %parallel_loop3A_963 = arith.constant 0 : i32
      %parallel_loop3A_964 = arith.constant 768 : i32
      %parallel_loop3A_965 = arith.constant 16 : i32
      scf.for %parallel_loop3A_966 = %parallel_loop3A_963 to %parallel_loop3A_964 step %parallel_loop3A_965  : i32 {
        %parallel_loop3A_967 = arith.constant 0 : i32
        %parallel_loop3A_968 = tpu.memref_slice %arg7[%parallel_loop3A_962, %parallel_loop3A_967] : memref<64x768xf32, #tpu.memory_space<vmem>> -> memref<1x768xf32, #tpu.memory_space<vmem>>
        %parallel_loop3A_969 = tpu.memref_squeeze %parallel_loop3A_968 : memref<1x768xf32, #tpu.memory_space<vmem>> -> memref<768xf32, #tpu.memory_space<vmem>>
        %parallel_loop3A_970 = arith.index_cast %parallel_loop3A_966 : i32 to index
        %parallel_loop3A_971 = tpu.vector_load %parallel_loop3A_969[%parallel_loop3A_970] {strides = array<i32>} : memref<768xf32, #tpu.memory_space<vmem>>, vector<16xf32>,
        %parallel_loop3A_972 = vector.shape_cast %parallel_loop3A_971 : vector<16xf32> to vector<16xf32>
        %parallel_loop3A_973 = arith.constant 0 : i32
        %parallel_loop3A_974 = tpu.memref_slice %arg9[%parallel_loop3A_960, %parallel_loop3A_973] : memref<8x768xf32, #tpu.memory_space<vmem>> -> memref<1x768xf32, #tpu.memory_space<vmem>>
        %parallel_loop3A_975 = tpu.memref_squeeze %parallel_loop3A_974 : memref<1x768xf32, #tpu.memory_space<vmem>> -> memref<768xf32, #tpu.memory_space<vmem>>
        %parallel_loop3A_976 = arith.index_cast %parallel_loop3A_966 : i32 to index
        %parallel_loop3A_977 = tpu.vector_load %parallel_loop3A_975[%parallel_loop3A_976] {strides = array<i32>} : memref<768xf32, #tpu.memory_space<vmem>>, vector<16xf32>,
        %parallel_loop3A_978 = vector.shape_cast %parallel_loop3A_977 : vector<16xf32> to vector<16xf32>
        %parallel_loop3A_979 = arith.addf %parallel_loop3A_978, %parallel_loop3A_972 : vector<16xf32>
        %parallel_loop3A_980 = arith.constant 0 : i32
        %parallel_loop3A_981 = tpu.memref_slice %arg9[%parallel_loop3A_960, %parallel_loop3A_980] : memref<8x768xf32, #tpu.memory_space<vmem>> -> memref<1x768xf32, #tpu.memory_space<vmem>>
        %parallel_loop3A_982 = tpu.memref_squeeze %parallel_loop3A_981 : memref<1x768xf32, #tpu.memory_space<vmem>> -> memref<768xf32, #tpu.memory_space<vmem>>
        %parallel_loop3A_983 = arith.index_cast %parallel_loop3A_966 : i32 to index
        %parallel_loop3A_984 = tpu.vector_load %parallel_loop3A_982[%parallel_loop3A_983] {strides = array<i32>} : memref<768xf32, #tpu.memory_space<vmem>>, vector<16xf32>,
        %parallel_loop3A_985 = vector.shape_cast %parallel_loop3A_984 : vector<16xf32> to vector<16xf32>
        %parallel_loop3A_986 = vector.shape_cast %parallel_loop3A_979 : vector<16xf32> to vector<16xf32>
        tpu.vector_store %parallel_loop3A_982[%parallel_loop3A_983], %parallel_loop3A_986 {strides = array<i32>} : memref<768xf32, #tpu.memory_space<vmem>>, vector<16xf32>,
        %parallel_loop3A_987 = arith.constant 0 : i32
        %parallel_loop3A_988 = tpu.memref_slice %arg12[%parallel_loop3A_960, %parallel_loop3A_987] : memref<8x768xf32, #tpu.memory_space<vmem>> -> memref<1x768xf32, #tpu.memory_space<vmem>>
        %parallel_loop3A_989 = tpu.memref_squeeze %parallel_loop3A_988 : memref<1x768xf32, #tpu.memory_space<vmem>> -> memref<768xf32, #tpu.memory_space<vmem>>
        %parallel_loop3A_990 = arith.index_cast %parallel_loop3A_966 : i32 to index
        %parallel_loop3A_991 = tpu.vector_load %parallel_loop3A_989[%parallel_loop3A_990] {strides = array<i32>} : memref<768xf32, #tpu.memory_space<vmem>>, vector<16xf32>,
        %parallel_loop3A_992 = vector.shape_cast %parallel_loop3A_991 : vector<16xf32> to vector<16xf32>
        %parallel_loop3A_993 = arith.addf %parallel_loop3A_992, %parallel_loop3A_972 : vector<16xf32>
        %parallel_loop3A_994 = arith.constant 0 : i32
        %parallel_loop3A_995 = tpu.memref_slice %arg12[%parallel_loop3A_960, %parallel_loop3A_994] : memref<8x768xf32, #tpu.memory_space<vmem>> -> memref<1x768xf32, #tpu.memory_space<vmem>>
        %parallel_loop3A_996 = tpu.memref_squeeze %parallel_loop3A_995 : memref<1x768xf32, #tpu.memory_space<vmem>> -> memref<768xf32, #tpu.memory_space<vmem>>
        %parallel_loop3A_997 = arith.index_cast %parallel_loop3A_966 : i32 to index
        %parallel_loop3A_998 = tpu.vector_load %parallel_loop3A_996[%parallel_loop3A_997] {strides = array<i32>} : memref<768xf32, #tpu.memory_space<vmem>>, vector<16xf32>,
        %parallel_loop3A_999 = vector.shape_cast %parallel_loop3A_998 : vector<16xf32> to vector<16xf32>
        %parallel_loop3A_1000 = vector.shape_cast %parallel_loop3A_993 : vector<16xf32> to vector<16xf32>
        tpu.vector_store %parallel_loop3A_996[%parallel_loop3A_997], %parallel_loop3A_1000 {strides = array<i32>} : memref<768xf32, #tpu.memory_space<vmem>>, vector<16xf32>,
        %parallel_loop3A_1001 = arith.constant 0 : i32
        %parallel_loop3A_1002 = tpu.memref_slice %arg15[%parallel_loop3A_960, %parallel_loop3A_1001] : memref<8x768xf32, #tpu.memory_space<vmem>> -> memref<1x768xf32, #tpu.memory_space<vmem>>
        %parallel_loop3A_1003 = tpu.memref_squeeze %parallel_loop3A_1002 : memref<1x768xf32, #tpu.memory_space<vmem>> -> memref<768xf32, #tpu.memory_space<vmem>>
        %parallel_loop3A_1004 = arith.index_cast %parallel_loop3A_966 : i32 to index
        %parallel_loop3A_1005 = tpu.vector_load %parallel_loop3A_1003[%parallel_loop3A_1004] {strides = array<i32>} : memref<768xf32, #tpu.memory_space<vmem>>, vector<16xf32>,
        %parallel_loop3A_1006 = vector.shape_cast %parallel_loop3A_1005 : vector<16xf32> to vector<16xf32>
        %parallel_loop3A_1007 = arith.addf %parallel_loop3A_1006, %parallel_loop3A_972 : vector<16xf32>
        %parallel_loop3A_1008 = arith.constant 0 : i32
        %parallel_loop3A_1009 = tpu.memref_slice %arg15[%parallel_loop3A_960, %parallel_loop3A_1008] : memref<8x768xf32, #tpu.memory_space<vmem>> -> memref<1x768xf32, #tpu.memory_space<vmem>>
        %parallel_loop3A_1010 = tpu.memref_squeeze %parallel_loop3A_1009 : memref<1x768xf32, #tpu.memory_space<vmem>> -> memref<768xf32, #tpu.memory_space<vmem>>
        %parallel_loop3A_1011 = arith.index_cast %parallel_loop3A_966 : i32 to index
        %parallel_loop3A_1012 = tpu.vector_load %parallel_loop3A_1010[%parallel_loop3A_1011] {strides = array<i32>} : memref<768xf32, #tpu.memory_space<vmem>>, vector<16xf32>,
        %parallel_loop3A_1013 = vector.shape_cast %parallel_loop3A_1012 : vector<16xf32> to vector<16xf32>
        %parallel_loop3A_1014 = vector.shape_cast %parallel_loop3A_1007 : vector<16xf32> to vector<16xf32>
        tpu.vector_store %parallel_loop3A_1010[%parallel_loop3A_1011], %parallel_loop3A_1014 {strides = array<i32>} : memref<768xf32, #tpu.memory_space<vmem>>, vector<16xf32>,
        %parallel_loop3A_1015 = arith.constant 0 : i32
        %parallel_loop3A_1016 = tpu.memref_slice %arg18[%parallel_loop3A_960, %parallel_loop3A_1015] : memref<8x768xf32, #tpu.memory_space<vmem>> -> memref<1x768xf32, #tpu.memory_space<vmem>>
        %parallel_loop3A_1017 = tpu.memref_squeeze %parallel_loop3A_1016 : memref<1x768xf32, #tpu.memory_space<vmem>> -> memref<768xf32, #tpu.memory_space<vmem>>
        %parallel_loop3A_1018 = arith.index_cast %parallel_loop3A_966 : i32 to index
        %parallel_loop3A_1019 = tpu.vector_load %parallel_loop3A_1017[%parallel_loop3A_1018] {strides = array<i32>} : memref<768xf32, #tpu.memory_space<vmem>>, vector<16xf32>,
        %parallel_loop3A_1020 = vector.shape_cast %parallel_loop3A_1019 : vector<16xf32> to vector<16xf32>
        %parallel_loop3A_1021 = arith.addf %parallel_loop3A_1020, %parallel_loop3A_972 : vector<16xf32>
        %parallel_loop3A_1022 = arith.constant 0 : i32
        %parallel_loop3A_1023 = tpu.memref_slice %arg18[%parallel_loop3A_960, %parallel_loop3A_1022] : memref<8x768xf32, #tpu.memory_space<vmem>> -> memref<1x768xf32, #tpu.memory_space<vmem>>
        %parallel_loop3A_1024 = tpu.memref_squeeze %parallel_loop3A_1023 : memref<1x768xf32, #tpu.memory_space<vmem>> -> memref<768xf32, #tpu.memory_space<vmem>>
        %parallel_loop3A_1025 = arith.index_cast %parallel_loop3A_966 : i32 to index
        %parallel_loop3A_1026 = tpu.vector_load %parallel_loop3A_1024[%parallel_loop3A_1025] {strides = array<i32>} : memref<768xf32, #tpu.memory_space<vmem>>, vector<16xf32>,
        %parallel_loop3A_1027 = vector.shape_cast %parallel_loop3A_1026 : vector<16xf32> to vector<16xf32>
        %parallel_loop3A_1028 = vector.shape_cast %parallel_loop3A_1021 : vector<16xf32> to vector<16xf32>
        tpu.vector_store %parallel_loop3A_1024[%parallel_loop3A_1025], %parallel_loop3A_1028 {strides = array<i32>} : memref<768xf32, #tpu.memory_space<vmem>>, vector<16xf32>,
      } {sc.loop_unroll_factor = 8 : i64, sc.parallel_access}
    } {sc.loop_unroll_factor = 1 : i64, sc.parallel_access}
    %add3A_880 = arith.constant 0 : i32
    %add3A_881 = arith.addi %add3A_880, %mul3A_2 : i32
    %add3A_882 = arith.constant 56 : i32
    %add3A_883 = arith.addi %add3A_881, %add3A_882 : i32
    %dma_start3A_884 = arith.constant 0 : i32
    %dma_start3A_885 = tpu.memref_slice %arg5[%add3A_883, %dma_start3A_884] : memref<8192x768xf32, #tpu.memory_space<hbm>> -> memref<8x768xf32, #tpu.memory_space<hbm>>
    %dma_start3A_886 = arith.constant 0 : i32
    %dma_start3A_887 = tpu.memref_slice %arg5[%add3A_883, %dma_start3A_886] : memref<8192x768xf32, #tpu.memory_space<hbm>> -> memref<8x768xf32, #tpu.memory_space<hbm>>
    tpu.enqueue_dma source(%arg9 : memref<8x768xf32, #tpu.memory_space<vmem>>) target(%dma_start3A_887 : memref<8x768xf32, #tpu.memory_space<hbm>>) target_semaphore(%arg35 : memref<!tpu.dma_semaphore, #tpu.memory_space<semaphore_mem>>)
    %add3A_888 = arith.constant 2048 : i32
    %add3A_889 = arith.addi %add3A_888, %mul3A_2 : i32
    %add3A_890 = arith.constant 56 : i32
    %add3A_891 = arith.addi %add3A_889, %add3A_890 : i32
    %dma_start3A_892 = arith.constant 0 : i32
    %dma_start3A_893 = tpu.memref_slice %arg5[%add3A_891, %dma_start3A_892] : memref<8192x768xf32, #tpu.memory_space<hbm>> -> memref<8x768xf32, #tpu.memory_space<hbm>>
    %dma_start3A_894 = arith.constant 0 : i32
    %dma_start3A_895 = tpu.memref_slice %arg5[%add3A_891, %dma_start3A_894] : memref<8192x768xf32, #tpu.memory_space<hbm>> -> memref<8x768xf32, #tpu.memory_space<hbm>>
    tpu.enqueue_dma source(%arg12 : memref<8x768xf32, #tpu.memory_space<vmem>>) target(%dma_start3A_895 : memref<8x768xf32, #tpu.memory_space<hbm>>) target_semaphore(%arg38 : memref<!tpu.dma_semaphore, #tpu.memory_space<semaphore_mem>>)
    %add3A_896 = arith.constant 4096 : i32
    %add3A_897 = arith.addi %add3A_896, %mul3A_2 : i32
    %add3A_898 = arith.constant 56 : i32
    %add3A_899 = arith.addi %add3A_897, %add3A_898 : i32
    %dma_start3A_900 = arith.constant 0 : i32
    %dma_start3A_901 = tpu.memref_slice %arg5[%add3A_899, %dma_start3A_900] : memref<8192x768xf32, #tpu.memory_space<hbm>> -> memref<8x768xf32, #tpu.memory_space<hbm>>
    %dma_start3A_902 = arith.constant 0 : i32
    %dma_start3A_903 = tpu.memref_slice %arg5[%add3A_899, %dma_start3A_902] : memref<8192x768xf32, #tpu.memory_space<hbm>> -> memref<8x768xf32, #tpu.memory_space<hbm>>
    tpu.enqueue_dma source(%arg15 : memref<8x768xf32, #tpu.memory_space<vmem>>) target(%dma_start3A_903 : memref<8x768xf32, #tpu.memory_space<hbm>>) target_semaphore(%arg41 : memref<!tpu.dma_semaphore, #tpu.memory_space<semaphore_mem>>)
    %add3A_904 = arith.constant 6144 : i32
    %add3A_905 = arith.addi %add3A_904, %mul3A_2 : i32
    %add3A_906 = arith.constant 56 : i32
    %add3A_907 = arith.addi %add3A_905, %add3A_906 : i32
    %dma_start3A_908 = arith.constant 0 : i32
    %dma_start3A_909 = tpu.memref_slice %arg5[%add3A_907, %dma_start3A_908] : memref<8192x768xf32, #tpu.memory_space<hbm>> -> memref<8x768xf32, #tpu.memory_space<hbm>>
    %dma_start3A_910 = arith.constant 0 : i32
    %dma_start3A_911 = tpu.memref_slice %arg5[%add3A_907, %dma_start3A_910] : memref<8192x768xf32, #tpu.memory_space<hbm>> -> memref<8x768xf32, #tpu.memory_space<hbm>>
    tpu.enqueue_dma source(%arg18 : memref<8x768xf32, #tpu.memory_space<vmem>>) target(%dma_start3A_911 : memref<8x768xf32, #tpu.memory_space<hbm>>) target_semaphore(%arg44 : memref<!tpu.dma_semaphore, #tpu.memory_space<semaphore_mem>>)
    %dma_wait3A_912 = arith.constant 0 : i32
    %dma_wait3A_913 = tpu.memref_slice %arg5[%add3A_757, %dma_wait3A_912] : memref<8192x768xf32, #tpu.memory_space<hbm>> -> memref<8x768xf32, #tpu.memory_space<hbm>>
    %dma_wait3A_914 = arith.constant 0 : i32
    %dma_wait3A_915 = tpu.memref_slice %arg5[%add3A_757, %dma_wait3A_914] : memref<8192x768xf32, #tpu.memory_space<hbm>> -> memref<8x768xf32, #tpu.memory_space<hbm>>
    tpu.wait_dma2 semaphore(%arg36 : memref<!tpu.dma_semaphore, #tpu.memory_space<semaphore_mem>>) src(%arg10 : memref<8x768xf32, #tpu.memory_space<vmem>>) dst(%dma_wait3A_915 : memref<8x768xf32, #tpu.memory_space<hbm>>)
    %dma_wait3A_916 = arith.constant 0 : i32
    %dma_wait3A_917 = tpu.memref_slice %arg5[%add3A_820, %dma_wait3A_916] : memref<8192x768xf32, #tpu.memory_space<hbm>> -> memref<8x768xf32, #tpu.memory_space<hbm>>
    %dma_wait3A_918 = arith.constant 0 : i32
    %dma_wait3A_919 = tpu.memref_slice %arg5[%add3A_820, %dma_wait3A_918] : memref<8192x768xf32, #tpu.memory_space<hbm>> -> memref<8x768xf32, #tpu.memory_space<hbm>>
    tpu.wait_dma2 semaphore(%arg34 : memref<!tpu.dma_semaphore, #tpu.memory_space<semaphore_mem>>) src(%arg8 : memref<8x768xf32, #tpu.memory_space<vmem>>) dst(%dma_wait3A_919 : memref<8x768xf32, #tpu.memory_space<hbm>>)
    %dma_wait3A_920 = arith.constant 0 : i32
    %dma_wait3A_921 = tpu.memref_slice %arg5[%add3A_883, %dma_wait3A_920] : memref<8192x768xf32, #tpu.memory_space<hbm>> -> memref<8x768xf32, #tpu.memory_space<hbm>>
    %dma_wait3A_922 = arith.constant 0 : i32
    %dma_wait3A_923 = tpu.memref_slice %arg5[%add3A_883, %dma_wait3A_922] : memref<8192x768xf32, #tpu.memory_space<hbm>> -> memref<8x768xf32, #tpu.memory_space<hbm>>
    tpu.wait_dma2 semaphore(%arg35 : memref<!tpu.dma_semaphore, #tpu.memory_space<semaphore_mem>>) src(%arg9 : memref<8x768xf32, #tpu.memory_space<vmem>>) dst(%dma_wait3A_923 : memref<8x768xf32, #tpu.memory_space<hbm>>)
    %dma_wait3A_924 = arith.constant 0 : i32
    %dma_wait3A_925 = tpu.memref_slice %arg5[%add3A_765, %dma_wait3A_924] : memref<8192x768xf32, #tpu.memory_space<hbm>> -> memref<8x768xf32, #tpu.memory_space<hbm>>
    %dma_wait3A_926 = arith.constant 0 : i32
    %dma_wait3A_927 = tpu.memref_slice %arg5[%add3A_765, %dma_wait3A_926] : memref<8192x768xf32, #tpu.memory_space<hbm>> -> memref<8x768xf32, #tpu.memory_space<hbm>>
    tpu.wait_dma2 semaphore(%arg39 : memref<!tpu.dma_semaphore, #tpu.memory_space<semaphore_mem>>) src(%arg13 : memref<8x768xf32, #tpu.memory_space<vmem>>) dst(%dma_wait3A_927 : memref<8x768xf32, #tpu.memory_space<hbm>>)
    %dma_wait3A_928 = arith.constant 0 : i32
    %dma_wait3A_929 = tpu.memref_slice %arg5[%add3A_828, %dma_wait3A_928] : memref<8192x768xf32, #tpu.memory_space<hbm>> -> memref<8x768xf32, #tpu.memory_space<hbm>>
    %dma_wait3A_930 = arith.constant 0 : i32
    %dma_wait3A_931 = tpu.memref_slice %arg5[%add3A_828, %dma_wait3A_930] : memref<8192x768xf32, #tpu.memory_space<hbm>> -> memref<8x768xf32, #tpu.memory_space<hbm>>
    tpu.wait_dma2 semaphore(%arg37 : memref<!tpu.dma_semaphore, #tpu.memory_space<semaphore_mem>>) src(%arg11 : memref<8x768xf32, #tpu.memory_space<vmem>>) dst(%dma_wait3A_931 : memref<8x768xf32, #tpu.memory_space<hbm>>)
    %dma_wait3A_932 = arith.constant 0 : i32
    %dma_wait3A_933 = tpu.memref_slice %arg5[%add3A_891, %dma_wait3A_932] : memref<8192x768xf32, #tpu.memory_space<hbm>> -> memref<8x768xf32, #tpu.memory_space<hbm>>
    %dma_wait3A_934 = arith.constant 0 : i32
    %dma_wait3A_935 = tpu.memref_slice %arg5[%add3A_891, %dma_wait3A_934] : memref<8192x768xf32, #tpu.memory_space<hbm>> -> memref<8x768xf32, #tpu.memory_space<hbm>>
    tpu.wait_dma2 semaphore(%arg38 : memref<!tpu.dma_semaphore, #tpu.memory_space<semaphore_mem>>) src(%arg12 : memref<8x768xf32, #tpu.memory_space<vmem>>) dst(%dma_wait3A_935 : memref<8x768xf32, #tpu.memory_space<hbm>>)
    %dma_wait3A_936 = arith.constant 0 : i32
    %dma_wait3A_937 = tpu.memref_slice %arg5[%add3A_773, %dma_wait3A_936] : memref<8192x768xf32, #tpu.memory_space<hbm>> -> memref<8x768xf32, #tpu.memory_space<hbm>>
    %dma_wait3A_938 = arith.constant 0 : i32
    %dma_wait3A_939 = tpu.memref_slice %arg5[%add3A_773, %dma_wait3A_938] : memref<8192x768xf32, #tpu.memory_space<hbm>> -> memref<8x768xf32, #tpu.memory_space<hbm>>
    tpu.wait_dma2 semaphore(%arg42 : memref<!tpu.dma_semaphore, #tpu.memory_space<semaphore_mem>>) src(%arg16 : memref<8x768xf32, #tpu.memory_space<vmem>>) dst(%dma_wait3A_939 : memref<8x768xf32, #tpu.memory_space<hbm>>)
    %dma_wait3A_940 = arith.constant 0 : i32
    %dma_wait3A_941 = tpu.memref_slice %arg5[%add3A_836, %dma_wait3A_940] : memref<8192x768xf32, #tpu.memory_space<hbm>> -> memref<8x768xf32, #tpu.memory_space<hbm>>
    %dma_wait3A_942 = arith.constant 0 : i32
    %dma_wait3A_943 = tpu.memref_slice %arg5[%add3A_836, %dma_wait3A_942] : memref<8192x768xf32, #tpu.memory_space<hbm>> -> memref<8x768xf32, #tpu.memory_space<hbm>>
    tpu.wait_dma2 semaphore(%arg40 : memref<!tpu.dma_semaphore, #tpu.memory_space<semaphore_mem>>) src(%arg14 : memref<8x768xf32, #tpu.memory_space<vmem>>) dst(%dma_wait3A_943 : memref<8x768xf32, #tpu.memory_space<hbm>>)
    %dma_wait3A_944 = arith.constant 0 : i32
    %dma_wait3A_945 = tpu.memref_slice %arg5[%add3A_899, %dma_wait3A_944] : memref<8192x768xf32, #tpu.memory_space<hbm>> -> memref<8x768xf32, #tpu.memory_space<hbm>>
    %dma_wait3A_946 = arith.constant 0 : i32
    %dma_wait3A_947 = tpu.memref_slice %arg5[%add3A_899, %dma_wait3A_946] : memref<8192x768xf32, #tpu.memory_space<hbm>> -> memref<8x768xf32, #tpu.memory_space<hbm>>
    tpu.wait_dma2 semaphore(%arg41 : memref<!tpu.dma_semaphore, #tpu.memory_space<semaphore_mem>>) src(%arg15 : memref<8x768xf32, #tpu.memory_space<vmem>>) dst(%dma_wait3A_947 : memref<8x768xf32, #tpu.memory_space<hbm>>)
    %dma_wait3A_948 = arith.constant 0 : i32
    %dma_wait3A_949 = tpu.memref_slice %arg5[%add3A_781, %dma_wait3A_948] : memref<8192x768xf32, #tpu.memory_space<hbm>> -> memref<8x768xf32, #tpu.memory_space<hbm>>
    %dma_wait3A_950 = arith.constant 0 : i32
    %dma_wait3A_951 = tpu.memref_slice %arg5[%add3A_781, %dma_wait3A_950] : memref<8192x768xf32, #tpu.memory_space<hbm>> -> memref<8x768xf32, #tpu.memory_space<hbm>>
    tpu.wait_dma2 semaphore(%arg45 : memref<!tpu.dma_semaphore, #tpu.memory_space<semaphore_mem>>) src(%arg19 : memref<8x768xf32, #tpu.memory_space<vmem>>) dst(%dma_wait3A_951 : memref<8x768xf32, #tpu.memory_space<hbm>>)
    %dma_wait3A_952 = arith.constant 0 : i32
    %dma_wait3A_953 = tpu.memref_slice %arg5[%add3A_844, %dma_wait3A_952] : memref<8192x768xf32, #tpu.memory_space<hbm>> -> memref<8x768xf32, #tpu.memory_space<hbm>>
    %dma_wait3A_954 = arith.constant 0 : i32
    %dma_wait3A_955 = tpu.memref_slice %arg5[%add3A_844, %dma_wait3A_954] : memref<8192x768xf32, #tpu.memory_space<hbm>> -> memref<8x768xf32, #tpu.memory_space<hbm>>
    tpu.wait_dma2 semaphore(%arg43 : memref<!tpu.dma_semaphore, #tpu.memory_space<semaphore_mem>>) src(%arg17 : memref<8x768xf32, #tpu.memory_space<vmem>>) dst(%dma_wait3A_955 : memref<8x768xf32, #tpu.memory_space<hbm>>)
    %dma_wait3A_956 = arith.constant 0 : i32
    %dma_wait3A_957 = tpu.memref_slice %arg5[%add3A_907, %dma_wait3A_956] : memref<8192x768xf32, #tpu.memory_space<hbm>> -> memref<8x768xf32, #tpu.memory_space<hbm>>
    %dma_wait3A_958 = arith.constant 0 : i32
    %dma_wait3A_959 = tpu.memref_slice %arg5[%add3A_907, %dma_wait3A_958] : memref<8192x768xf32, #tpu.memory_space<hbm>> -> memref<8x768xf32, #tpu.memory_space<hbm>>
    tpu.wait_dma2 semaphore(%arg44 : memref<!tpu.dma_semaphore, #tpu.memory_space<semaphore_mem>>) src(%arg18 : memref<8x768xf32, #tpu.memory_space<vmem>>) dst(%dma_wait3A_959 : memref<8x768xf32, #tpu.memory_space<hbm>>)
    return
  }
}

</mosaic_0001>

<sc_bundles>
// kernel: kernel.3.cloned.1.call-start
scs
__scs_entry_jumppad:
0x0: {  	(pc) =	sbr.rel $0x88, $3  }
0x1: {  	(tag) =	ssettag $0x0;
	lr =	simm.s32 $0x1  }
0x2: {  	[smem:$0x3F9E] =	sst lr;
	_ =	strace $0xD0000000  }
0x3: {  	_ = 	snop  }
0x4: {  	_ = 	snop  }
0x5: {  	_ = 	snop  }
0x6: {  	_ = 	snop  }
0x7: {  	_ = 	snop  }
__scs_overlays_trampoline_lowered:
0x8: {  	[smem:$0x3FAD] =	sst s0  }
0x9: {  	[smem:$0x3FAE] =	sst s1  }
0xa: {  	[smem:$0x3FAF] =	sst s2  }
0xb: {  	[smem:$0x3FB0] =	sst s3  }
0xc: {  	[smem:$0x3FB1] =	sst s4  }
0xd: {  	[smem:$0x3FB2] =	sst s5  }
0xe: {  	[smem:$0x3FB3] =	sst s6  }
0xf: {  	[smem:$0x3FB4] =	sst s7  }
0x10: {  	[smem:$0x3FB5] =	sst s8  }
0x11: {  	[smem:$0x3FB6] =	sst s9;
	s0 =	simm.s32 @!p0 $0x0  }
0x12: {  	s1 =	sld [smem:$0x3F9C];
	s0 =	simm.s32 @p0 $0x1  }
0x13: {  	[smem:$0x3FB7] =	sst s0;
	s0 =	simm.s32 @!p1 $0x0  }
0x14: {  	s2 =	sld [smem:$0x3F9B];
	s0 =	simm.s32 @p1 $0x1  }
0x15: {  	[smem:$0x3FB8] =	sst s0;
	s0 =	simm.s32 @!p2 $0x0  }
0x16: {  	s3 =	sld [smem:$0x3FDB];
	s0 =	simm.s32 @p2 $0x1  }
0x17: {  	s4 =	simm.s32 $0x1BF5;
	[smem:$0x3FBA] =	sst s0  }
0x18: {  	s0 =	sld [smem:$0x3F9D];
	_ =	swait.ge [sflag:s4], $0x0  }
0x19: {  	s7 =	sld [smem:$0x3F9E]  }
0x1a: {  	s8 =	sadd.s32 $0xFFFFE003, lr  }
0x1b: {  	s9 =	sadd.s32 $0xFFFFFEF7, lr;
	s5 =	simm.s32 $0xFFFFFFFF;
	p2 =	slt.u32 s8, $0xFFFFF086  }
0x1c: {  	p1 =	slt.u32 s9, $0xF7A;
	s5 =	simm.s32 @!p2 $0x0  }
0x1d: {  	s5 =	simm.s32 @p1 $0x1;
	p0 =	seq.s32 s7, s2  }
0x1e: {  	s7 =	smul.u32 @!p0 $0xF7A, s2;
	p2 =	seq.s32 @!p0 s5, $0x0  }
0x1f: {  	s9 =	smul.u32 $0xF7A, s1;
	s8 =	simm.s32 @!p0 $0x1BF5;
	p2 =	por !p2, p0  }
0x20: {  	[sflag:s8] =	ssyncset.s32 @!p0 $0xFFFFF086;
	s6 =	sadd.s32 @!p0 s3, s7;
	s7 =	simm.s32 @!p0 $0x108  }
0x21: {  	s3 =	sadd.s32 s3, s9;
	s6 =	sadd.s32 @!p0 $0x88, s6;
	s7 =	simm.s32 @p2 $0x1082  }
0x22: {  	[simem:s7], [sflag:s8] =	dma.local @!p0 [hbm:s6], $0xF7A  }
0x23: {  	s9 =	sor.u32 $0xD0000000, s2;
	s6 =	simm.s32 $0x108;
	_ =	swait.ge @!p0 [sflag:s8], $0x0  }
0x24: {  	s3 =	sadd.s32 $0x88, s3;
	s6 =	simm.s32 @!p1 $0x1082;
	[sflag:s4] =	ssyncset.s32 $0xFFFFF086  }
0x25: {  	[simem:s6], [sflag:s4] =	dma.local [hbm:s3], $0xF7A  }
0x26: {  	[smem:$0x3F9E] =	sst s1;
	(tag) =	ssettag s2;
	_ =	strace s9  }
0x27: {  	s1 =	sld [smem:$0x3FAE]  }
0x28: {  	s2 =	sld [smem:$0x3FAF]  }
0x29: {  	s4 =	sld [smem:$0x3FB1]  }
0x2a: {  	p0 =	seq.s32 s5, $0x0;
	s5 =	sld [smem:$0x3FB2]  }
0x2b: {  	s6 =	sld [smem:$0x3FB3]  }
0x2c: {  	s7 =	sld [smem:$0x3FB4]  }
0x2d: {  	s3 =	simm.s32 $0x108;
	s8 =	sld [smem:$0x3FB5]  }
0x2e: {  	s3 =	simm.s32 @!p0 $0x1082;
	s9 =	sld [smem:$0x3FB6]  }
0x2f: {  	lr =	sadd.s32 s0, s3;
	s0 =	sld [smem:$0x3FAD]  }
0x30: {  	s3 =	sld [smem:$0x3FB0]  }
0x31: {  	[smem:$0x3FB9] =	sst s10  }
0x32: {  	s10 =	sld [smem:$0x3FB7];
	_ =	sdelay $0x3  }
0x33: {  	p0 =	seq.s32 s10, $0x1;
	s10 =	sld [smem:$0x3FB9];
	_ =	sdelay $0x3  }
0x34: {  	[smem:$0x3FB9] =	sst s10  }
0x35: {  	s10 =	sld [smem:$0x3FB8];
	_ =	sdelay $0x3  }
0x36: {  	p1 =	seq.s32 s10, $0x1;
	s10 =	sld [smem:$0x3FB9];
	_ =	sdelay $0x3  }
0x37: {  	[smem:$0x3FB9] =	sst s10  }
0x38: {  	s10 =	sld [smem:$0x3FBA]  }
0x39: {  	_ = 	snop;
	(pc) =	sbr.ind lr, $3  }
0x3a: {  	_ = 	snop  }
0x3b: {  	_ = 	snop  }
0x3c: {  	p2 =	seq.s32 s10, $0x1;
	s10 =	sld [smem:$0x3FB9]  }
0x3d: {  	_ =	shalt  }
0x3e: {  	_ =	shalt  }
0x3f: {  	_ =	shalt  }
0x40: {  	_ =	shalt  }
0x41: {  	_ =	shalt  }
0x42: {  	_ =	shalt  }
0x43: {  	_ =	shalt  }
0x44: {  	_ =	shalt  }
0x45: {  	_ =	shalt  }
0x46: {  	_ =	shalt  }
0x47: {  	_ =	shalt  }
0x48: {  	_ =	shalt  }
0x49: {  	_ =	shalt  }
0x4a: {  	_ =	shalt  }
0x4b: {  	_ =	shalt  }
0x4c: {  	_ =	shalt  }
0x4d: {  	_ =	shalt  }
0x4e: {  	_ =	shalt  }
0x4f: {  	_ =	shalt  }
0x50: {  	_ =	shalt  }
0x51: {  	_ =	shalt  }
0x52: {  	_ =	shalt  }
0x53: {  	_ =	shalt  }
0x54: {  	_ =	shalt  }
0x55: {  	_ =	shalt  }
0x56: {  	_ =	shalt  }
0x57: {  	_ =	shalt  }
0x58: {  	_ =	shalt  }
0x59: {  	_ =	shalt  }
0x5a: {  	_ =	shalt  }
0x5b: {  	_ =	shalt  }
0x5c: {  	_ =	shalt  }
0x5d: {  	_ =	shalt  }
0x5e: {  	_ =	shalt  }
0x5f: {  	_ =	shalt  }
0x60: {  	_ =	shalt  }
0x61: {  	_ =	shalt  }
0x62: {  	_ =	shalt  }
0x63: {  	_ =	shalt  }
0x64: {  	_ =	shalt  }
0x65: {  	_ =	shalt  }
0x66: {  	_ =	shalt  }
0x67: {  	_ =	shalt  }
0x68: {  	_ =	shalt  }
0x69: {  	_ =	shalt  }
0x6a: {  	_ =	shalt  }
0x6b: {  	_ =	shalt  }
0x6c: {  	_ =	shalt  }
0x6d: {  	_ =	shalt  }
0x6e: {  	_ =	shalt  }
0x6f: {  	_ =	shalt  }
0x70: {  	_ =	shalt  }
0x71: {  	_ =	shalt  }
0x72: {  	_ =	shalt  }
0x73: {  	_ =	shalt  }
0x74: {  	_ =	shalt  }
0x75: {  	_ =	shalt  }
0x76: {  	_ =	shalt  }
0x77: {  	_ =	shalt  }
0x78: {  	_ =	shalt  }
0x79: {  	_ =	shalt  }
0x7a: {  	_ =	shalt  }
0x7b: {  	_ =	shalt  }
0x7c: {  	_ =	shalt  }
0x7d: {  	_ =	shalt  }
0x7e: {  	_ =	shalt  }
0x7f: {  	_ =	shalt  }
0x80: {  	_ =	shalt  }
0x81: {  	_ =	shalt  }
0x82: {  	_ =	shalt  }
0x83: {  	_ =	shalt  }
0x84: {  	_ =	shalt  }
0x85: {  	_ =	shalt  }
0x86: {  	_ =	shalt  }
0x87: {  	_ =	shalt  }
.Lfunc_end0:
.L_simem_size_0:
called_computation_lowered:
.L_overlay_start_0:
0x88: {  	s2 =	sld [smem:$0x3FD9]  }
0x89: {  	s3 =	sld [smem:$0x3FFE];
	_ =	sdelay $0x1  }
0x8a: {  	s1 =	srdreg.scid  }
0x8b: {  	s0 =	sand.u32 $0x1, s1  }
0x8c: {  	s18 =	sshll.u32 s0, $0xA;
	s2 =	sadd.s32 s3, s2  }
0x8d: {  	s2 =	sadd.s32 s2, s18  }
0x8e: {  	[smem:$0x3FC5] =	sst s2  }
0x8f: {  	_ = 	snop  }
0x90: {  	s2 =	sld [smem:$0x3FC9]  }
0x91: {  	s19 =	sld [smem:$0x3FC8]  }
0x92: {  	s4 =	sld [smem:$0x3FC7]  }
0x93: {  	s5 =	sld [smem:$0x3FD0];
	(tm) =	ssettm $0x1  }
0x94: {  	s6 =	sld [smem:$0x3FFB];
	_ =	sdelay $0x3  }
0x95: {  	_ =	strace s6  }
0x96: {  	s6 =	sld [smem:$0x3FFC];
	_ =	sdelay $0x3  }
0x97: {  	_ =	strace s6  }
0x98: {  	s6 =	sld [smem:$0x3FFD];
	_ =	sdelay $0x3  }
0x99: {  	_ =	strace s6  }
0x9a: {  	_ =	strace $0x8FFFFFFF  }
0x9b: {  	s20 =	sld [smem:$0x3FDB];
	_ =	sdelay $0x1  }
0x9c: {  	s7 =	simm.s32 $_scs_section_size  }
0x9d: {  	s8 =	simm.s32 $_size__tile_overlayer_lowered;
	s9 =	simm.s32 $_tile_overlayer_lowered  }
0x9e: {  	s23 =	simm.s32 $0x1BFF;
	s22 =	sshll.u32 s9, $0x1;
	s6 =	sadd.s32 s7, s20  }
0x9f: {  	s10 =	simm.s32 $0x0;
	s21 =	sshll.u32 s8, $0x1;
	s8 =	sadd.s32 s22, s6  }
0xa0: {  	[timem:s10], [sflag:s23] =	dma.local [hbm:s8], s21  }
0xa1: {  	_ =	swait.ge [sflag:s23], s21  }
0xa2: {  	s7 =	ssub.s32 $0x0, s21;
	[sflag:s23] =	ssyncset.done $0x0  }
0xa3: {  	[sflag:s23] =	ssyncadd.s32 s7;
	_ =	sdelay $0x1  }
0xa4: {  	s24 =	simm.s32 $0x1B8B  }
0xa5: {  	_ =	swait.ge [sflag:s24], $0x1  }
0xa6: {  	[sflag:s24] =	ssyncset.done $0x0  }
0xa7: {  	s25 =	simm.s32 $0x1B8E;
	[sflag:s24] =	ssyncadd.s32 $0xFFFFFFFF  }
0xa8: {  	s26 =	simm.s32 $execute0_lowered;
	[smem:$0x3FD2] =	sst s25  }
0xa9: {  	s7 =	sshll.u32 s26, $0x1;
	_ =	strace $0x80000046;
	[dreg:$0x1] =	wrdreg $0xFFFFFFFF  }
0xaa: {  	s28 =	simm.s32 $_size_execute0_lowered;
	s6 =	sadd.s32 s6, s7;
	[dreg:$0x0] =	wrdreg $0x0  }
0xab: {  	s7 =	sshll.u32 s28, $0x1;
	[dreg:$0x2] =	wrdreg s6  }
0xac: {  	[dreg:$0x3] =	wrdreg s7  }
0xad: {  	[dreg:$0x4] =	wrdreg $0xC0  }
0xae: {  	_ =	task [dreg:s10], $0x5FFFF  }
0xaf: {  	[dreg:$0x1] =	wrdreg $0xFFFFFFFF  }
0xb0: {  	[dreg:$0x0] =	wrdreg $0x60  }
0xb1: {  	[dreg:$0x2] =	wrdreg s2  }
0xb2: {  	[dreg:$0x3] =	wrdreg s19  }
0xb3: {  	[dreg:$0x4] =	wrdreg s4  }
0xb4: {  	[dreg:$0x5] =	wrdreg s5  }
0xb5: {  	[dreg:$0x6] =	wrdreg $0x9  }
0xb6: {  	_ =	task.clear_ibuf [dreg:s10], $0x7FFFF;
	_ =	strace $0x90000046  }
0xb7: {  	s29 =	simm.s32 $0x9;
	_ =	strace $0x80000048  }
0xb8: {  	_ =	swait.ge [sflag:s29], $0x1  }
0xb9: {  	[sflag:s29] =	ssyncadd.s32 $0xFFFFFFFF  }
0xba: {  	_ =	strace $0x90000048  }
0xbb: {  	_ =	sfence  }
0xbc: {  	s30 =	sld [smem:$0x0];
	_ =	sdelay $0x2  }
0xbd: {  	s31 =	sshll.u32 s1, $0xD;
	s1 =	sshrl.u32 s1, $0x2  }
0xbe: {  	s3 =	sand.u32 $0x4000, s31;
	s1 =	sadd.s32 s1, s30  }
0xbf: {  	s0 =	sor.u32 s3, s0;
	s1 =	sshll.u32 s1, $0x11  }
0xc0: {  	s0 =	sor.u32 s1, s0  }
0xc1: {  	s0 =	sadd.s32 $0x8F2B, s0  }
0xc2: {  	[sflag:s0] =	ssyncadd.remote.s32 $0x1  }
0xc3: {  	_ =	sfence.sel $0xFFFF  }
0xc4: {  	[dreg:$0x0] =	wrdreg $0xFFFFFFFF;
	(pc) =	sbr.abs _section_cstart, $3  }
0xc5: {  	[dreg:$0x1] =	wrdreg $0xFFFFFFFF  }
0xc6: {  	_ =	task.clear_ibuf [dreg:s10], $0x2FFFF;
	_ =	strace $0x9FFFFFFF  }
0xc7: {  	(tm) =	ssettm $0x7FFFFFFF  }
tec
execute0_lowered:
.L_overlay_start_1:
0x0: {  	(tag) =	ssettag $0x1  }
0x1: {  	s0 =	rddreg [dreg:$0x0]  }
0x2: {  	s1 =	rddreg [dreg:$0x1]  }
0x3: {  	s2 =	rddreg [dreg:$0x2];
	s5 =	srdreg.scid  }
0x4: {  	s4 =	rddreg [dreg:$0x3];
	s6 =	stileid.u32;
	s5 =	sand.u32 $0x1, s5  }
0x5: {  	s3 =	simm.s32 $0x0;
	s6 =	sshll.u32 s6, $0x7;
	s7 =	sshll.u32 s5, $0x6  }
0x6: {  	[smem:$0x7FF] =	sst s3;
	s6 =	sor.u32 s7, s6  }
0x7: {  	_ =	strace $0x80000047;
	s8 =	sshrl.u32 s6, $0x3;
	s6 =	sshll.u32 s6, $0x2  }
0x8: {  	s5 =	ssub.s32 $0x2, s5;
	s10 =	smul.u32 $0x300, s8;
	s11 =	sand.u32 $0x1E00, s6  }
0x9: {  	s9 =	sshrl.u32 s5, $0x1;
	s6 =	sor.u32 s7, s6;
	s26 =	sor.u32 s7, s11  }
0xa: {  	s6 =	sshrl.u32 s6, $0x3;
	s2 =	sadd.s32 s2, s10;
	s11 =	sshrl.u32 s26, $0x3  }
0xb: {  	s13 =	sor.u32 $0x20, s6;
	[dreg:$0x5] =	wrdreg s2;
	s12 =	sadd.s32 s0, s11  }
0xc: {  	s6 =	sor.u32 $0x30, s6;
	s2 =	sadd.s32 s0, s13;
	[dreg:$0x6] =	wrdreg s12  }
0xd: {  	s5 =	ssub.s32 s5, s9;
	s0 =	sadd.s32 s0, s6;
	[dreg:$0x8] =	wrdreg s2  }
0xe: {  	s6 =	smax.u32 s5, $0x1;
	[dreg:$0x9] =	wrdreg s0  }
0xf: {  	s7 =	sadd.s32 $0x10, s12;
	[dreg:$0x18] =	wrdreg s6  }
0x10: {  	s2 =	sadd.s32 s4, s10;
	[dreg:$0x7] =	wrdreg s7  }
0x11: {  	s15 =	sadd.s32 $0x30000, s2;
	[dreg:$0xa] =	wrdreg s2  }
0x12: {  	s16 =	sadd.s32 $0x60000, s2;
	[dreg:$0xb] =	wrdreg s15  }
0x13: {  	s17 =	sadd.s32 $0x90000, s2;
	[dreg:$0xc] =	wrdreg s16  }
0x14: {  	s18 =	sadd.s32 $0x300, s2;
	[dreg:$0xd] =	wrdreg s17  }
0x15: {  	s19 =	sadd.s32 $0x30300, s2;
	[dreg:$0xe] =	wrdreg s18  }
0x16: {  	s20 =	sadd.s32 $0x60300, s2;
	[dreg:$0xf] =	wrdreg s19  }
0x17: {  	s21 =	sadd.s32 $0x90300, s2;
	[dreg:$0x10] =	wrdreg s20  }
0x18: {  	s22 =	sadd.s32 $0x600, s2;
	[dreg:$0x11] =	wrdreg s21  }
0x19: {  	s7 =	sadd.s32 $0x30600, s2;
	[dreg:$0x12] =	wrdreg s22  }
0x1a: {  	s14 =	smul.u32 $0x1800, s8;
	s8 =	sadd.s32 $0x60600, s2;
	[dreg:$0x19] =	wrdreg s7  }
0x1b: {  	s28 =	simm.s32 $0x19A00;
	s10 =	sadd.s32 $0x90600, s2;
	[dreg:$0x1a] =	wrdreg s8  }
0x1c: {  	s29 =	simm.s32 $0xDA00;
	s12 =	sadd.s32 $0x30900, s2;
	[dreg:$0x1b] =	wrdreg s10  }
0x1d: {  	s0 =	sshrl.u32 s14, $0x3;
	s13 =	sadd.s32 $0x60900, s2;
	[dreg:$0x1c] =	wrdreg s12  }
0x1e: {  	s0 =	sadd.s32 s4, s0;
	s14 =	sadd.s32 $0x90900, s2;
	[dreg:$0x1d] =	wrdreg s13  }
0x1f: {  	s30 =	simm.s32 $0x12200;
	s23 =	sadd.s32 $0x900, s0;
	[dreg:$0x1e] =	wrdreg s14  }
0x20: {  	s31 =	simm.s32 $0x16A00;
	s24 =	sadd.s32 $0xC00, s0;
	[dreg:$0x13] =	wrdreg s23  }
0x21: {  	s9 =	sadd.s32 $0x100, s1;
	s25 =	sadd.s32 $0xF00, s0;
	[dreg:$0x14] =	wrdreg s24  }
0x22: {  	s11 =	sadd.s32 $0x200, s1;
	s26 =	sadd.s32 $0x1200, s0;
	[dreg:$0x15] =	wrdreg s25  }
0x23: {  	s5 =	simm.s32 $0x10;
	s0 =	sadd.s32 $0x1500, s0;
	[dreg:$0x16] =	wrdreg s26  }
0x24: {  	s6 =	simm.s32 $0x13A00;
	s15 =	sadd.s32 $0x30C00, s2;
	[dreg:$0x17] =	wrdreg s0  }
0x25: {  	s4 =	simm.s32 $0xF200;
	s16 =	sadd.s32 $0x60C00, s2;
	[dreg:$0x1f] =	wrdreg s15  }
0x26: {  	s17 =	sadd.s32 $0x90C00, s2;
	s18 =	sadd.s32 $0x30F00, s2;
	[smem:$0x7F3] =	sst s16  }
0x27: {  	s19 =	sadd.s32 $0x60F00, s2;
	s20 =	sadd.s32 $0x90F00, s2;
	[smem:$0x7F4] =	sst s17  }
0x28: {  	s21 =	sadd.s32 $0x31200, s2;
	s22 =	sadd.s32 $0x61200, s2;
	[smem:$0x7F5] =	sst s18  }
0x29: {  	s7 =	simm.s32 $0x1B200;
	s8 =	simm.s32 $0x18200;
	[smem:$0x7F6] =	sst s19  }
0x2a: {  	s12 =	simm.s32 $0x1CA00;
	s14 =	simm.s32 $0x4;
	[smem:$0x7F7] =	sst s20  }
0x2b: {  	s10 =	simm.s32 $0x13;
	s13 =	simm.s32 $0x0;
	[smem:$0x7F8] =	sst s21  }
0x2c: {  	[smem:$0x7F9] =	sst s22;
	s23 =	sadd.s32 $0x91200, s2;
	s24 =	sadd.s32 $0x31500, s2  }
0x2d: {  	s25 =	sadd.s32 $0x61500, s2;
	s26 =	sadd.s32 $0x91500, s2;
	[smem:$0x7FA] =	sst s23  }
0x2e: {  	s19 =	simm.s32 $0x2;
	s15 =	simm.s32 $0x7;
	[smem:$0x7FB] =	sst s24  }
0x2f: {  	v0 =	vlaneseq.u32;
	s17 =	simm.s32 $0xA;
	s18 =	simm.s32 $0xD;
	[smem:$0x7FC] =	sst s25  }
0x30: {  	v1 =	vshrl.u32 v0, $0x3;
	s21 =	simm.s32 $0x16;
	s22 =	simm.s32 $0x19;
	[smem:$0x7FD] =	sst s26  }
0x31: {  	vm0 =	vmmov $0xffff;
	v0 =	vand.u32 $0x7, v0;
	v1 =	vmul.u32 $0x8, v1;
	s24 =	simm.s32 $0xC200;
	s25 =	simm.s32 $0x10A00;
	s26 =	simm.s32 $0x15200  }
.LBB2_1:
0x32: {  	s0 =	rddreg [dreg:$0x5];
	s2 =	simm.s32 $0x200  }
0x33: {  	[tilespmem:s2], [sflag:$0x1] =	stream.linear.gather [hbm4b:s0+s3], $0xC000, $0x38;
	[tilespmem:$0x1E200] =	vst v63  }
0x34: {  	s16 =	rddreg [dreg:$0x6]  }
0x35: {  	[tilespmem:s3], [sflag:$0x2] =	stream.linear.gather [hbm4b:s16+s3], $0x40, $0x38;
	[tilespmem:$0x1E200] =	vst v63  }
0x36: {  	s20 =	rddreg [dreg:$0x7];
	s23 =	simm.s32 $0x80  }
0x37: {  	[tilespmem:s23], [sflag:$0x2] =	stream.linear.gather [hbm4b:s20+s3], $0x40, $0x38;
	[tilespmem:$0x1E200] =	vst v63  }
0x38: {  	s2 =	rddreg [dreg:$0x8];
	s16 =	simm.s32 $0x100  }
0x39: {  	[tilespmem:s16], [sflag:$0x2] =	stream.linear.gather [hbm4b:s2+s3], $0x40, $0x38;
	[tilespmem:$0x1E200] =	vst v63  }
0x3a: {  	s20 =	rddreg [dreg:$0x9];
	s23 =	simm.s32 $0x180  }
0x3b: {  	[tilespmem:s23], [sflag:$0x2] =	stream.linear.gather [hbm4b:s20+s3], $0x40, $0x38;
	[tilespmem:$0x1E200] =	vst v63  }
0x3c: {  	_ =	swait.ge [sflag:s19], $0x40  }
0x3d: {  	[sflag:s19] =	ssyncset.done $0x0  }
0x3e: {  	[sflag:s19] =	ssyncadd.s32 $0xFFFFFFC0  }
0x3f: {  	_ =	swait.ge [sflag:s19], $0x40  }
0x40: {  	[sflag:s19] =	ssyncset.done $0x0  }
0x41: {  	[sflag:s19] =	ssyncadd.s32 $0xFFFFFFC0  }
0x42: {  	_ =	swait.ge [sflag:s19], $0x40  }
0x43: {  	[sflag:s19] =	ssyncset.done $0x0  }
0x44: {  	[sflag:s19] =	ssyncadd.s32 $0xFFFFFFC0  }
0x45: {  	_ =	swait.ge [sflag:s19], $0x40  }
0x46: {  	[sflag:s19] =	ssyncset.done $0x0  }
0x47: {  	[sflag:s19] =	ssyncadd.s32 $0xFFFFFFC0  }
0x48: {  	v2 =	vld.msk [tilespmem:$0x0], $0xff;
	_ =	sdelay $0x4  }
0x49: {  	v3 =	vshrl.u32 v2, $0x3  }
0x4a: {  	v3 =	vmul.u32 $0x30, v3  }
0x4b: {  	v2 =	vand.u32 $0x7, v2  }
0x4c: {  	v2 =	vor.u32 v2, v3  }
0x4d: {  	v2 =	vperm.xlane v2, v0;
	_ =	sdelay $0x1  }
0x4e: {  	v2 =	vadd.s32 v1, v2;
	_ =	sdelay $0x4  }
0x4f: {  	[tilespmem:s24], [sflag:$0x3] =	stream.indirect_vreg.gather [hbm4b:s1+s3], $0x80, v2, vm0, $0xb8;
	[tilespmem:$0x1E200] =	vst v63  }
0x50: {  	s16 =	simm.s32 $0xCA00  }
0x51: {  	[tilespmem:s16], [sflag:$0x3] =	stream.indirect_vreg.gather [hbm4b:s9+s3], $0x80, v2, vm0, $0xb8;
	[tilespmem:$0x1E200] =	vst v63  }
0x52: {  	s20 =	simm.s32 $0xD200  }
0x53: {  	[tilespmem:s20], [sflag:$0x3] =	stream.indirect_vreg.gather [hbm4b:s11+s3], $0x80, v2, vm0, $0xb8;
	[tilespmem:$0x1E200] =	vst v63  }
0x54: {  	v2 =	vld.msk [tilespmem:$0x80], $0xff;
	_ =	sdelay $0x4  }
0x55: {  	v3 =	vshrl.u32 v2, $0x3  }
0x56: {  	v3 =	vmul.u32 $0x30, v3  }
0x57: {  	v2 =	vand.u32 $0x7, v2  }
0x58: {  	v2 =	vor.u32 v2, v3  }
0x59: {  	v2 =	vperm.xlane v2, v0;
	_ =	sdelay $0x1  }
0x5a: {  	v2 =	vadd.s32 v1, v2;
	_ =	sdelay $0x4  }
0x5b: {  	[tilespmem:s25], [sflag:$0x6] =	stream.indirect_vreg.gather [hbm4b:s1+s3], $0x80, v2, vm0, $0xb8;
	[tilespmem:$0x1E200] =	vst v63  }
0x5c: {  	s23 =	simm.s32 $0x11200  }
0x5d: {  	[tilespmem:s23], [sflag:$0x6] =	stream.indirect_vreg.gather [hbm4b:s9+s3], $0x80, v2, vm0, $0xb8;
	[tilespmem:$0x1E200] =	vst v63  }
0x5e: {  	s24 =	simm.s32 $0x11A00  }
0x5f: {  	[tilespmem:s24], [sflag:$0x6] =	stream.indirect_vreg.gather [hbm4b:s11+s3], $0x80, v2, vm0, $0xb8;
	[tilespmem:$0x1E200] =	vst v63  }
0x60: {  	v2 =	vld.msk [tilespmem:$0x100], $0xff;
	_ =	sdelay $0x4  }
0x61: {  	v3 =	vshrl.u32 v2, $0x3  }
0x62: {  	v3 =	vmul.u32 $0x30, v3  }
0x63: {  	v2 =	vand.u32 $0x7, v2  }
0x64: {  	v2 =	vor.u32 v2, v3  }
0x65: {  	v2 =	vperm.xlane v2, v0;
	_ =	sdelay $0x1  }
0x66: {  	v2 =	vadd.s32 v1, v2;
	_ =	sdelay $0x4  }
0x67: {  	[tilespmem:s26], [sflag:$0x9] =	stream.indirect_vreg.gather [hbm4b:s1+s3], $0x80, v2, vm0, $0xb8;
	[tilespmem:$0x1E200] =	vst v63  }
0x68: {  	s25 =	simm.s32 $0x15A00  }
0x69: {  	[tilespmem:s25], [sflag:$0x9] =	stream.indirect_vreg.gather [hbm4b:s9+s3], $0x80, v2, vm0, $0xb8;
	[tilespmem:$0x1E200] =	vst v63  }
0x6a: {  	s26 =	simm.s32 $0x16200  }
0x6b: {  	[tilespmem:s26], [sflag:$0x9] =	stream.indirect_vreg.gather [hbm4b:s11+s3], $0x80, v2, vm0, $0xb8;
	[tilespmem:$0x1E200] =	vst v63  }
0x6c: {  	v2 =	vld.msk [tilespmem:$0x180], $0xff;
	_ =	sdelay $0x4  }
0x6d: {  	v3 =	vshrl.u32 v2, $0x3  }
0x6e: {  	v3 =	vmul.u32 $0x30, v3  }
0x6f: {  	v2 =	vand.u32 $0x7, v2  }
0x70: {  	v2 =	vor.u32 v2, v3  }
0x71: {  	v2 =	vperm.xlane v2, v0;
	_ =	sdelay $0x1  }
0x72: {  	v2 =	vadd.s32 v1, v2;
	_ =	sdelay $0x4  }
0x73: {  	[tilespmem:s28], [sflag:$0xC] =	stream.indirect_vreg.gather [hbm4b:s1+s3], $0x80, v2, vm0, $0xb8;
	[tilespmem:$0x1E200] =	vst v63  }
0x74: {  	s28 =	simm.s32 $0x1A200  }
0x75: {  	[tilespmem:s28], [sflag:$0xC] =	stream.indirect_vreg.gather [hbm4b:s9+s3], $0x80, v2, vm0, $0xb8;
	[tilespmem:$0x1E200] =	vst v63  }
0x76: {  	s2 =	simm.s32 $0x1AA00  }
0x77: {  	[tilespmem:s2], [sflag:$0xC] =	stream.indirect_vreg.gather [hbm4b:s11+s3], $0x80, v2, vm0, $0xb8;
	[tilespmem:$0x1E200] =	vst v63  }
0x78: {  	v2 =	vld.msk [tilespmem:$0x8], $0xff;
	_ =	sdelay $0x4  }
0x79: {  	v3 =	vshrl.u32 v2, $0x3  }
0x7a: {  	v3 =	vmul.u32 $0x30, v3  }
0x7b: {  	v2 =	vand.u32 $0x7, v2  }
0x7c: {  	v2 =	vor.u32 v2, v3  }
0x7d: {  	v2 =	vperm.xlane v2, v0;
	_ =	sdelay $0x1  }
0x7e: {  	v2 =	vadd.s32 v1, v2;
	_ =	sdelay $0x4  }
0x7f: {  	[tilespmem:s29], [sflag:$0x4] =	stream.indirect_vreg.gather [hbm4b:s1+s3], $0x80, v2, vm0, $0xb8;
	[tilespmem:$0x1E200] =	vst v63  }
0x80: {  	s16 =	simm.s32 $0xE200  }
0x81: {  	[tilespmem:s16], [sflag:$0x4] =	stream.indirect_vreg.gather [hbm4b:s9+s3], $0x80, v2, vm0, $0xb8;
	[tilespmem:$0x1E200] =	vst v63  }
0x82: {  	s20 =	simm.s32 $0xEA00  }
0x83: {  	[tilespmem:s20], [sflag:$0x4] =	stream.indirect_vreg.gather [hbm4b:s11+s3], $0x80, v2, vm0, $0xb8;
	[tilespmem:$0x1E200] =	vst v63  }
0x84: {  	v2 =	vld.msk [tilespmem:$0x88], $0xff;
	_ =	sdelay $0x4  }
0x85: {  	v3 =	vshrl.u32 v2, $0x3  }
0x86: {  	v3 =	vmul.u32 $0x30, v3  }
0x87: {  	v2 =	vand.u32 $0x7, v2  }
0x88: {  	v2 =	vor.u32 v2, v3  }
0x89: {  	v2 =	vperm.xlane v2, v0;
	_ =	sdelay $0x1  }
0x8a: {  	v2 =	vadd.s32 v1, v2;
	_ =	sdelay $0x4  }
0x8b: {  	[tilespmem:s30], [sflag:$0x7] =	stream.indirect_vreg.gather [hbm4b:s1+s3], $0x80, v2, vm0, $0xb8;
	[tilespmem:$0x1E200] =	vst v63  }
0x8c: {  	s23 =	simm.s32 $0x12A00  }
0x8d: {  	[tilespmem:s23], [sflag:$0x7] =	stream.indirect_vreg.gather [hbm4b:s9+s3], $0x80, v2, vm0, $0xb8;
	[tilespmem:$0x1E200] =	vst v63  }
0x8e: {  	s24 =	simm.s32 $0x13200  }
0x8f: {  	[tilespmem:s24], [sflag:$0x7] =	stream.indirect_vreg.gather [hbm4b:s11+s3], $0x80, v2, vm0, $0xb8;
	[tilespmem:$0x1E200] =	vst v63  }
0x90: {  	v2 =	vld.msk [tilespmem:$0x108], $0xff;
	_ =	sdelay $0x4  }
0x91: {  	v3 =	vshrl.u32 v2, $0x3  }
0x92: {  	v3 =	vmul.u32 $0x30, v3  }
0x93: {  	v2 =	vand.u32 $0x7, v2  }
0x94: {  	v2 =	vor.u32 v2, v3  }
0x95: {  	v2 =	vperm.xlane v2, v0;
	_ =	sdelay $0x1  }
0x96: {  	v2 =	vadd.s32 v1, v2;
	_ =	sdelay $0x4  }
0x97: {  	[tilespmem:s31], [sflag:$0xA] =	stream.indirect_vreg.gather [hbm4b:s1+s3], $0x80, v2, vm0, $0xb8;
	[tilespmem:$0x1E200] =	vst v63  }
0x98: {  	s25 =	simm.s32 $0x17200  }
0x99: {  	[tilespmem:s25], [sflag:$0xA] =	stream.indirect_vreg.gather [hbm4b:s9+s3], $0x80, v2, vm0, $0xb8;
	[tilespmem:$0x1E200] =	vst v63  }
0x9a: {  	s26 =	simm.s32 $0x17A00  }
0x9b: {  	[tilespmem:s26], [sflag:$0xA] =	stream.indirect_vreg.gather [hbm4b:s11+s3], $0x80, v2, vm0, $0xb8;
	[tilespmem:$0x1E200] =	vst v63  }
0x9c: {  	v2 =	vld.msk [tilespmem:$0x188], $0xff;
	_ =	sdelay $0x4  }
0x9d: {  	v3 =	vshrl.u32 v2, $0x3  }
0x9e: {  	v3 =	vmul.u32 $0x30, v3  }
0x9f: {  	v2 =	vand.u32 $0x7, v2  }
0xa0: {  	v2 =	vor.u32 v2, v3  }
0xa1: {  	v2 =	vperm.xlane v2, v0;
	_ =	sdelay $0x1  }
0xa2: {  	v2 =	vadd.s32 v1, v2;
	_ =	sdelay $0x4  }
0xa3: {  	[tilespmem:s7], [sflag:$0xD] =	stream.indirect_vreg.gather [hbm4b:s1+s3], $0x80, v2, vm0, $0xb8;
	[tilespmem:$0x1E200] =	vst v63  }
0xa4: {  	s28 =	simm.s32 $0x1BA00  }
0xa5: {  	[tilespmem:s28], [sflag:$0xD] =	stream.indirect_vreg.gather [hbm4b:s9+s3], $0x80, v2, vm0, $0xb8;
	[tilespmem:$0x1E200] =	vst v63  }
0xa6: {  	s29 =	simm.s32 $0x1C200;
	s30 =	simm.s32 $0x1  }
0xa7: {  	[tilespmem:s29], [sflag:$0xD] =	stream.indirect_vreg.gather [hbm4b:s11+s3], $0x80, v2, vm0, $0xb8;
	[tilespmem:$0x1E200] =	vst v63  }
0xa8: {  	_ =	swait.ge [sflag:s30], $0xC000  }
0xa9: {  	[sflag:s30] =	ssyncset.done $0x0  }
0xaa: {  	[sflag:s30] =	ssyncadd.s32 $0xFFFF4000  }
0xab: {  	v2 =	vld.msk [tilespmem:$0x10], $0xff;
	_ =	sdelay $0x4  }
0xac: {  	v3 =	vshrl.u32 v2, $0x3  }
0xad: {  	v3 =	vmul.u32 $0x30, v3  }
0xae: {  	v2 =	vand.u32 $0x7, v2  }
0xaf: {  	v2 =	vor.u32 v2, v3  }
0xb0: {  	v2 =	vperm.xlane v2, v0;
	_ =	sdelay $0x1  }
0xb1: {  	v2 =	vadd.s32 v1, v2;
	_ =	sdelay $0x4  }
0xb2: {  	[tilespmem:s4], [sflag:$0x5] =	stream.indirect_vreg.gather [hbm4b:s1+s3], $0x80, v2, vm0, $0xb8;
	[tilespmem:$0x1E200] =	vst v63  }
0xb3: {  	s2 =	simm.s32 $0xFA00  }
0xb4: {  	[tilespmem:s2], [sflag:$0x5] =	stream.indirect_vreg.gather [hbm4b:s9+s3], $0x80, v2, vm0, $0xb8;
	[tilespmem:$0x1E200] =	vst v63  }
0xb5: {  	s4 =	simm.s32 $0x10200  }
0xb6: {  	[tilespmem:s4], [sflag:$0x5] =	stream.indirect_vreg.gather [hbm4b:s11+s3], $0x80, v2, vm0, $0xb8;
	[tilespmem:$0x1E200] =	vst v63  }
0xb7: {  	v2 =	vld.msk [tilespmem:$0x90], $0xff;
	_ =	sdelay $0x4  }
0xb8: {  	v3 =	vshrl.u32 v2, $0x3  }
0xb9: {  	v3 =	vmul.u32 $0x30, v3  }
0xba: {  	v2 =	vand.u32 $0x7, v2  }
0xbb: {  	v2 =	vor.u32 v2, v3  }
0xbc: {  	v2 =	vperm.xlane v2, v0;
	_ =	sdelay $0x1  }
0xbd: {  	v2 =	vadd.s32 v1, v2;
	_ =	sdelay $0x4  }
0xbe: {  	[tilespmem:s6], [sflag:$0x8] =	stream.indirect_vreg.gather [hbm4b:s1+s3], $0x80, v2, vm0, $0xb8;
	[tilespmem:$0x1E200] =	vst v63  }
0xbf: {  	s7 =	simm.s32 $0x14200  }
0xc0: {  	[tilespmem:s7], [sflag:$0x8] =	stream.indirect_vreg.gather [hbm4b:s9+s3], $0x80, v2, vm0, $0xb8;
	[tilespmem:$0x1E200] =	vst v63  }
0xc1: {  	s16 =	simm.s32 $0x14A00  }
0xc2: {  	[tilespmem:s16], [sflag:$0x8] =	stream.indirect_vreg.gather [hbm4b:s11+s3], $0x80, v2, vm0, $0xb8;
	[tilespmem:$0x1E200] =	vst v63  }
0xc3: {  	v2 =	vld.msk [tilespmem:$0x110], $0xff;
	_ =	sdelay $0x4  }
0xc4: {  	v3 =	vshrl.u32 v2, $0x3  }
0xc5: {  	v3 =	vmul.u32 $0x30, v3  }
0xc6: {  	v2 =	vand.u32 $0x7, v2  }
0xc7: {  	v2 =	vor.u32 v2, v3  }
0xc8: {  	v2 =	vperm.xlane v2, v0;
	_ =	sdelay $0x1  }
0xc9: {  	v2 =	vadd.s32 v1, v2;
	_ =	sdelay $0x4  }
0xca: {  	[tilespmem:s8], [sflag:$0xB] =	stream.indirect_vreg.gather [hbm4b:s1+s3], $0x80, v2, vm0, $0xb8;
	[tilespmem:$0x1E200] =	vst v63  }
0xcb: {  	s20 =	simm.s32 $0x18A00  }
0xcc: {  	[tilespmem:s20], [sflag:$0xB] =	stream.indirect_vreg.gather [hbm4b:s9+s3], $0x80, v2, vm0, $0xb8;
	[tilespmem:$0x1E200] =	vst v63  }
0xcd: {  	s23 =	simm.s32 $0x19200  }
0xce: {  	[tilespmem:s23], [sflag:$0xB] =	stream.indirect_vreg.gather [hbm4b:s11+s3], $0x80, v2, vm0, $0xb8;
	[tilespmem:$0x1E200] =	vst v63  }
0xcf: {  	v2 =	vld.msk [tilespmem:$0x190], $0xff;
	_ =	sdelay $0x4  }
0xd0: {  	v3 =	vshrl.u32 v2, $0x3  }
0xd1: {  	v3 =	vmul.u32 $0x30, v3  }
0xd2: {  	v2 =	vand.u32 $0x7, v2  }
0xd3: {  	v2 =	vor.u32 v2, v3  }
0xd4: {  	v2 =	vperm.xlane v2, v0;
	_ =	sdelay $0x1  }
0xd5: {  	v2 =	vadd.s32 v1, v2;
	_ =	sdelay $0x4  }
0xd6: {  	[tilespmem:s12], [sflag:$0xE] =	stream.indirect_vreg.gather [hbm4b:s1+s3], $0x80, v2, vm0, $0xb8;
	[tilespmem:$0x1E200] =	vst v63  }
0xd7: {  	s24 =	simm.s32 $0x1D200  }
0xd8: {  	[tilespmem:s24], [sflag:$0xE] =	stream.indirect_vreg.gather [hbm4b:s9+s3], $0x80, v2, vm0, $0xb8;
	[tilespmem:$0x1E200] =	vst v63  }
0xd9: {  	s25 =	simm.s32 $0x1DA00;
	s26 =	simm.s32 $0x3  }
0xda: {  	[tilespmem:s25], [sflag:$0xE] =	stream.indirect_vreg.gather [hbm4b:s11+s3], $0x80, v2, vm0, $0xb8;
	[tilespmem:$0x1E200] =	vst v63  }
0xdb: {  	_ =	swait.ge [sflag:s26], $0x1800  }
0xdc: {  	[sflag:s26] =	ssyncset.done $0x0  }
0xdd: {  	s28 =	simm.s32 $0x6;
	[sflag:s26] =	ssyncadd.s32 $0xFFFFE800  }
0xde: {  	_ =	swait.ge [sflag:s28], $0x1800  }
0xdf: {  	[sflag:s28] =	ssyncset.done $0x0  }
0xe0: {  	s29 =	simm.s32 $0x9;
	[sflag:s28] =	ssyncadd.s32 $0xFFFFE800  }
0xe1: {  	_ =	swait.ge [sflag:s29], $0x1800  }
0xe2: {  	[sflag:s29] =	ssyncset.done $0x0  }
0xe3: {  	s30 =	simm.s32 $0xC;
	[sflag:s29] =	ssyncadd.s32 $0xFFFFE800  }
0xe4: {  	s31 =	simm.s32 $0x19A40;
	s16 =	simm.s32 $0x240;
	_ =	swait.ge [sflag:s30], $0x1800  }
0xe5: {  	s20 =	simm.s32 $0x15240;
	s24 =	simm.s32 $0xC240;
	[sflag:s30] =	ssyncset.done $0x0  }
0xe6: {  	s25 =	simm.s32 $0x10A40;
	s26 =	simm.s32 $0x0;
	[sflag:s30] =	ssyncadd.s32 $0xFFFFE800  }
.LBB2_2:
0xe7: {  	v2 =	vld [tilespmem:s16+$0x30]  }
0xe8: {  	v3 =	vld [tilespmem:s24+$0x30]  }
0xe9: {  	v4 =	vld [tilespmem:s24+$0xFFFFFFC0]  }
0xea: {  	v5 =	vld [tilespmem:s16+$0xFFFFFFD0]  }
0xeb: {  	v6 =	vld [tilespmem:s24+$0xFFFFFFD0]  }
0xec: {  	v7 =	vld [tilespmem:s16+$0xFFFFFFE0]  }
0xed: {  	v8 =	vld [tilespmem:s24+$0xFFFFFFE0]  }
0xee: {  	v9 =	vld [tilespmem:s16+$0xFFFFFFF0]  }
0xef: {  	v10 =	vld [tilespmem:s24+$0xFFFFFFF0]  }
0xf0: {  	v11 =	vld [tilespmem:s16+$0x0]  }
0xf1: {  	v12 =	vld [tilespmem:s24+$0x0]  }
0xf2: {  	v13 =	vld [tilespmem:s16+$0x10]  }
0xf3: {  	v14 =	vld [tilespmem:s24+$0x10]  }
0xf4: {  	v15 =	vld [tilespmem:s16+$0x20];
	s0 =	sadd.s32 $0x400, s16  }
0xf5: {  	s30 =	sadd.s32 $0x400, s24;
	v20 =	vld [tilespmem:s0+$0x30]  }
0xf6: {  	v21 =	vld [tilespmem:s30+$0xFFFFFFC0]  }
0xf7: {  	v22 =	vld [tilespmem:s0+$0xFFFFFFD0]  }
0xf8: {  	v23 =	vld [tilespmem:s30+$0xFFFFFFD0];
	v3 =	vadd.f32 v3, v2  }
0xf9: {  	v58 =	vld [tilespmem:s30+$0xFFFFFFF0]  }
0xfa: {  	[tilespmem:s24+$0x30] =	vst v3;
	v3 =	vadd.f32 v6, v5;
	v6 =	vld [tilespmem:s24+$0x20]  }
0xfb: {  	v17 =	vadd.f32 v8, v7;
	v16 =	vld [tilespmem:s25+$0x30]  }
0xfc: {  	v8 =	vld [tilespmem:s16+$0xFFFFFFC0];
	[tilespmem:s24+$0xFFFFFFD0] =	vst v3;
	v3 =	vadd.f32 v10, v9  }
0xfd: {  	[tilespmem:s24+$0xFFFFFFE0] =	vst v17;
	v10 =	vadd.f32 v12, v11;
	v12 =	vld [tilespmem:s25+$0xFFFFFFD0]  }
0xfe: {  	[tilespmem:s24+$0xFFFFFFF0] =	vst v3;
	v3 =	vadd.f32 v14, v13;
	v14 =	vld [tilespmem:s25+$0xFFFFFFE0]  }
0xff: {  	[tilespmem:s24+$0x0] =	vst v10;
	v10 =	vld [tilespmem:s25+$0xFFFFFFF0];
	v6 =	vadd.f32 v6, v15  }
0x100: {  	v16 =	vadd.f32 v16, v2;
	[tilespmem:s24+$0x10] =	vst v3;
	v3 =	vld [tilespmem:s25+$0x0]  }
0x101: {  	v4 =	vadd.f32 v4, v8;
	v53 =	vld [tilespmem:s25+$0x10];
	[tilespmem:s24+$0x20] =	vst v6  }
0x102: {  	[tilespmem:s25+$0x30] =	vst v16;
	v6 =	vadd.f32 v12, v5;
	v12 =	vld [tilespmem:s25+$0x20]  }
0x103: {  	[tilespmem:s24+$0xFFFFFFC0] =	vst v4;
	v16 =	vld [tilespmem:s20+$0x30];
	v4 =	vadd.f32 v14, v7  }
0x104: {  	v14 =	vld [tilespmem:s25+$0xFFFFFFC0];
	[tilespmem:s25+$0xFFFFFFD0] =	vst v6;
	v6 =	vadd.f32 v10, v9  }
0x105: {  	v10 =	vld [tilespmem:s20+$0xFFFFFFD0];
	[tilespmem:s25+$0xFFFFFFE0] =	vst v4;
	v3 =	vadd.f32 v3, v11  }
0x106: {  	v4 =	vld [tilespmem:s20+$0xFFFFFFE0];
	[tilespmem:s25+$0xFFFFFFF0] =	vst v6;
	v6 =	vadd.f32 v53, v13  }
0x107: {  	v54 =	vld [tilespmem:s20+$0xFFFFFFF0];
	[tilespmem:s25+$0x0] =	vst v3;
	v3 =	vadd.f32 v12, v15  }
0x108: {  	v12 =	vadd.f32 v16, v2;
	v55 =	vld [tilespmem:s20+$0x0];
	[tilespmem:s25+$0x10] =	vst v6  }
0x109: {  	v6 =	vadd.f32 v14, v8;
	v14 =	vld [tilespmem:s20+$0x10];
	[tilespmem:s25+$0x20] =	vst v3  }
0x10a: {  	[tilespmem:s20+$0x30] =	vst v12;
	v3 =	vadd.f32 v10, v5;
	v10 =	vld [tilespmem:s20+$0x20]  }
0x10b: {  	[tilespmem:s25+$0xFFFFFFC0] =	vst v6;
	v12 =	vld [tilespmem:s31+$0x30];
	v4 =	vadd.f32 v4, v7  }
0x10c: {  	v6 =	vld [tilespmem:s20+$0xFFFFFFC0];
	[tilespmem:s20+$0xFFFFFFD0] =	vst v3;
	v3 =	vadd.f32 v54, v9  }
0x10d: {  	v56 =	vld [tilespmem:s31+$0xFFFFFFD0];
	[tilespmem:s20+$0xFFFFFFE0] =	vst v4;
	v4 =	vadd.f32 v55, v11  }
0x10e: {  	v57 =	vld [tilespmem:s31+$0xFFFFFFE0];
	[tilespmem:s20+$0xFFFFFFF0] =	vst v3  }
0x10f: {  	v3 =	vadd.f32 v14, v13;
	v14 =	vld [tilespmem:s31+$0xFFFFFFF0];
	[tilespmem:s20+$0x0] =	vst v4;
	v4 =	vadd.f32 v10, v15  }
0x110: {  	v10 =	vld [tilespmem:s31+$0x0]  }
0x111: {  	[tilespmem:s20+$0x20] =	vst v4;
	v4 =	vld [tilespmem:s30+$0x30]  }
0x112: {  	[tilespmem:s20+$0x10] =	vst v3;
	v3 =	vld [tilespmem:s0+$0xFFFFFFE0]  }
0x113: {  	v2 =	vadd.f32 v12, v2;
	v12 =	vld [tilespmem:s30+$0xFFFFFFE0]  }
0x114: {  	v18 =	vld [tilespmem:s31+$0x10];
	v5 =	vadd.f32 v56, v5  }
0x115: {  	v19 =	vld [tilespmem:s31+$0x20];
	[tilespmem:s31+$0x30] =	vst v2;
	v2 =	vadd.f32 v6, v8  }
0x116: {  	[tilespmem:s31+$0xFFFFFFD0] =	vst v5;
	v5 =	vld [tilespmem:s0+$0x0];
	v24 =	vadd.f32 v4, v20  }
0x117: {  	[tilespmem:s20+$0xFFFFFFC0] =	vst v2;
	v2 =	vadd.f32 v57, v7;
	v6 =	vadd.f32 v14, v9;
	v9 =	vld [tilespmem:s30+$0x0]  }
0x118: {  	s2 =	sadd.s32 $0x400, s25;
	v14 =	vld [tilespmem:s30+$0x20];
	[tilespmem:s30+$0x30] =	vst v24  }
0x119: {  	v12 =	vadd.f32 v12, v3;
	[tilespmem:s31+$0xFFFFFFE0] =	vst v2;
	v59 =	vld [tilespmem:s2+$0x30]  }
0x11a: {  	v4 =	vld [tilespmem:s0+$0xFFFFFFF0];
	v2 =	vadd.f32 v10, v11;
	[tilespmem:s31+$0xFFFFFFF0] =	vst v6  }
0x11b: {  	v7 =	vadd.f32 v18, v13;
	v6 =	vld [tilespmem:s0+$0x10];
	[tilespmem:s30+$0xFFFFFFE0] =	vst v12  }
0x11c: {  	v10 =	vld [tilespmem:s30+$0x10];
	[tilespmem:s31+$0x0] =	vst v2;
	v2 =	vadd.f32 v19, v15  }
0x11d: {  	v13 =	vadd.f32 v23, v22;
	[tilespmem:s31+$0x10] =	vst v7;
	v7 =	vld [tilespmem:s0+$0x20]  }
0x11e: {  	[tilespmem:s31+$0x20] =	vst v2;
	v2 =	vld [tilespmem:s0+$0xFFFFFFC0];
	v11 =	vadd.f32 v59, v20  }
0x11f: {  	[tilespmem:s30+$0xFFFFFFD0] =	vst v13;
	v9 =	vadd.f32 v9, v5  }
0x120: {  	s7 =	sadd.s32 $0x400, s20;
	v12 =	vld [tilespmem:s2+$0xFFFFFFD0];
	[tilespmem:s2+$0x30] =	vst v11;
	v11 =	vadd.f32 v58, v4  }
0x121: {  	v10 =	vadd.f32 v10, v6;
	[tilespmem:s30+$0x0] =	vst v9;
	v13 =	vld [tilespmem:s7+$0x30]  }
0x122: {  	v14 =	vadd.f32 v14, v7;
	[tilespmem:s30+$0xFFFFFFF0] =	vst v11;
	v11 =	vld [tilespmem:s2+$0xFFFFFFE0]  }
0x123: {  	[tilespmem:s30+$0x10] =	vst v10;
	v10 =	vadd.f32 v21, v2;
	v9 =	vld [tilespmem:s2+$0xFFFFFFF0]  }
0x124: {  	v15 =	vld [tilespmem:s2+$0x0];
	[tilespmem:s30+$0x20] =	vst v14  }
0x125: {  	v60 =	vld [tilespmem:s2+$0x10];
	[tilespmem:s30+$0xFFFFFFC0] =	vst v10;
	v10 =	vadd.f32 v12, v22  }
0x126: {  	v12 =	vld [tilespmem:s2+$0x20];
	v13 =	vadd.f32 v13, v20  }
0x127: {  	v14 =	vld [tilespmem:s2+$0xFFFFFFC0];
	[tilespmem:s2+$0xFFFFFFD0] =	vst v10;
	v11 =	vadd.f32 v11, v3  }
0x128: {  	s28 =	sadd.s32 $0x400, s31;
	[tilespmem:s7+$0x30] =	vst v13;
	v9 =	vadd.f32 v9, v4;
	v13 =	vld [tilespmem:s7+$0xFFFFFFD0]  }
0x129: {  	v10 =	vld [tilespmem:s28+$0x30];
	[tilespmem:s2+$0xFFFFFFE0] =	vst v11;
	v11 =	vadd.f32 v15, v5  }
0x12a: {  	v15 =	vld [tilespmem:s7+$0xFFFFFFE0];
	[tilespmem:s2+$0xFFFFFFF0] =	vst v9;
	v9 =	vadd.f32 v60, v6  }
0x12b: {  	v61 =	vld [tilespmem:s7+$0xFFFFFFF0];
	[tilespmem:s2+$0x0] =	vst v11;
	v11 =	vadd.f32 v12, v7  }
0x12c: {  	v12 =	vadd.f32 v14, v2;
	v14 =	vld [tilespmem:s7+$0x0];
	[tilespmem:s2+$0x10] =	vst v9  }
0x12d: {  	v9 =	vld [tilespmem:s7+$0x10];
	[tilespmem:s2+$0x20] =	vst v11;
	v11 =	vadd.f32 v13, v22  }
0x12e: {  	[tilespmem:s2+$0xFFFFFFC0] =	vst v12;
	v10 =	vadd.f32 v10, v20;
	v13 =	vld [tilespmem:s7+$0x20]  }
0x12f: {  	v62 =	vld [tilespmem:s7+$0xFFFFFFC0];
	v12 =	vadd.f32 v15, v3;
	[tilespmem:s7+$0xFFFFFFD0] =	vst v11  }
0x130: {  	v15 =	vld [tilespmem:s31+$0xFFFFFFC0];
	[tilespmem:s28+$0x30] =	vst v10;
	v10 =	vadd.f32 v61, v4  }
0x131: {  	v63 =	vld [tilespmem:s28+$0xFFFFFFD0];
	[tilespmem:s7+$0xFFFFFFE0] =	vst v12;
	v11 =	vadd.f32 v14, v5  }
0x132: {  	v12 =	vld [tilespmem:s28+$0xFFFFFFE0];
	[tilespmem:s7+$0xFFFFFFF0] =	vst v10;
	v10 =	vadd.f32 v9, v6  }
0x133: {  	v9 =	vld [tilespmem:s28+$0xFFFFFFF0];
	[tilespmem:s7+$0x0] =	vst v11;
	v13 =	vadd.f32 v13, v7  }
0x134: {  	v17 =	vadd.f32 v62, v2;
	v11 =	vld [tilespmem:s28+$0x0];
	[tilespmem:s7+$0x10] =	vst v10  }
0x135: {  	v14 =	vadd.f32 v15, v8;
	v10 =	vld [tilespmem:s28+$0x10];
	[tilespmem:s7+$0x20] =	vst v13  }
0x136: {  	s29 =	simm.s32 $0x80;
	s23 =	smov.u32 s31;
	s0 =	sadd.s32 $0x400, s0;
	[tilespmem:s7+$0xFFFFFFC0] =	vst v17;
	v8 =	vadd.f32 v63, v22;
	v13 =	vld [tilespmem:s28+$0x20]  }
.LBB2_3:
0x137: {  	v15 =	vld [tilespmem:s0+$0x30];
	v3 =	vadd.f32 v12, v3;
	s30 =	sadd.s32 $0x400, s30;
	[tilespmem:s23+$0xFFFFFFC0] =	vst v14;
	s23 =	smov.u32 s28  }
0x138: {  	s29 =	sadd.s32 $0x80, s29;
	v12 =	vld [tilespmem:s30+$0x30];
	[tilespmem:s28+$0xFFFFFFD0] =	vst v8;
	v4 =	vadd.f32 v9, v4  }
0x139: {  	p0 =	slt.u32 s29, $0x280;
	v9 =	vld [tilespmem:s30+$0xFFFFFFC0];
	[tilespmem:s28+$0xFFFFFFE0] =	vst v3;
	v3 =	vadd.f32 v11, v5  }
0x13a: {  	v8 =	vld [tilespmem:s0+$0xFFFFFFD0];
	[tilespmem:s28+$0xFFFFFFF0] =	vst v4;
	v4 =	vadd.f32 v10, v6  }
0x13b: {  	v5 =	vld [tilespmem:s30+$0xFFFFFFD0];
	[tilespmem:s28+$0x0] =	vst v3;
	v6 =	vadd.f32 v13, v7  }
0x13c: {  	v3 =	vld [tilespmem:s0+$0xFFFFFFE0];
	[tilespmem:s28+$0x10] =	vst v4  }
0x13d: {  	v7 =	vld [tilespmem:s30+$0xFFFFFFE0];
	v10 =	vadd.f32 v12, v15;
	[tilespmem:s28+$0x20] =	vst v6  }
0x13e: {  	v4 =	vld [tilespmem:s0+$0xFFFFFFF0]  }
0x13f: {  	s2 =	sadd.s32 $0x400, s2;
	v11 =	vld [tilespmem:s30+$0xFFFFFFF0];
	[tilespmem:s30+$0x30] =	vst v10  }
0x140: {  	v6 =	vadd.f32 v5, v8;
	v10 =	vld [tilespmem:s2+$0x30]  }
0x141: {  	v5 =	vld [tilespmem:s0+$0x0]  }
0x142: {  	[tilespmem:s30+$0xFFFFFFD0] =	vst v6;
	v7 =	vadd.f32 v7, v3;
	v12 =	vld [tilespmem:s30+$0x0]  }
0x143: {  	v6 =	vld [tilespmem:s0+$0x10]  }
0x144: {  	[tilespmem:s30+$0xFFFFFFE0] =	vst v7;
	v11 =	vadd.f32 v11, v4;
	v13 =	vld [tilespmem:s30+$0x10]  }
0x145: {  	v7 =	vld [tilespmem:s0+$0x20];
	v10 =	vadd.f32 v10, v15  }
0x146: {  	[tilespmem:s30+$0xFFFFFFF0] =	vst v11;
	v11 =	vld [tilespmem:s30+$0x20]  }
0x147: {  	s7 =	sadd.s32 $0x400, s7;
	v16 =	vld [tilespmem:s0+$0xFFFFFFC0];
	v12 =	vadd.f32 v12, v5;
	[tilespmem:s2+$0x30] =	vst v10  }
0x148: {  	v10 =	vld [tilespmem:s7+$0x30]  }
0x149: {  	v14 =	vld [tilespmem:s2+$0xFFFFFFD0];
	[tilespmem:s30+$0x0] =	vst v12;
	v12 =	vadd.f32 v13, v6  }
0x14a: {  	v13 =	vld [tilespmem:s2+$0xFFFFFFE0]  }
0x14b: {  	v17 =	vld [tilespmem:s2+$0xFFFFFFF0];
	[tilespmem:s30+$0x10] =	vst v12;
	v11 =	vadd.f32 v11, v7  }
0x14c: {  	v9 =	vadd.f32 v9, v16;
	v12 =	vld [tilespmem:s2+$0x0]  }
0x14d: {  	v18 =	vld [tilespmem:s2+$0x10];
	[tilespmem:s30+$0x20] =	vst v11;
	v10 =	vadd.f32 v10, v15  }
0x14e: {  	[tilespmem:s30+$0xFFFFFFC0] =	vst v9;
	v9 =	vadd.f32 v14, v8;
	v11 =	vld [tilespmem:s2+$0x20]  }
0x14f: {  	s28 =	sadd.s32 $0x400, s28;
	v14 =	vld [tilespmem:s2+$0xFFFFFFC0];
	v13 =	vadd.f32 v13, v3;
	[tilespmem:s7+$0x30] =	vst v10  }
0x150: {  	[tilespmem:s2+$0xFFFFFFD0] =	vst v9;
	v9 =	vadd.f32 v17, v4;
	v10 =	vld [tilespmem:s28+$0x30]  }
0x151: {  	v17 =	vld [tilespmem:s7+$0xFFFFFFD0];
	[tilespmem:s2+$0xFFFFFFE0] =	vst v13;
	v12 =	vadd.f32 v12, v5  }
0x152: {  	v13 =	vld [tilespmem:s7+$0xFFFFFFE0];
	[tilespmem:s2+$0xFFFFFFF0] =	vst v9;
	v9 =	vadd.f32 v18, v6  }
0x153: {  	v18 =	vld [tilespmem:s7+$0xFFFFFFF0];
	[tilespmem:s2+$0x0] =	vst v12;
	v11 =	vadd.f32 v11, v7  }
0x154: {  	v12 =	vadd.f32 v14, v16;
	v14 =	vld [tilespmem:s7+$0x0];
	[tilespmem:s2+$0x10] =	vst v9  }
0x155: {  	v9 =	vld [tilespmem:s7+$0x10];
	[tilespmem:s2+$0x20] =	vst v11;
	v10 =	vadd.f32 v10, v15  }
0x156: {  	[tilespmem:s2+$0xFFFFFFC0] =	vst v12;
	v11 =	vadd.f32 v17, v8;
	v15 =	vld [tilespmem:s7+$0x20]  }
0x157: {  	v17 =	vld [tilespmem:s7+$0xFFFFFFC0];
	v12 =	vadd.f32 v13, v3;
	[tilespmem:s28+$0x30] =	vst v10  }
0x158: {  	[tilespmem:s7+$0xFFFFFFD0] =	vst v11;
	v10 =	vadd.f32 v18, v4;
	v13 =	vld [tilespmem:s23+$0xFFFFFFC0]  }
0x159: {  	v18 =	vld [tilespmem:s28+$0xFFFFFFD0];
	[tilespmem:s7+$0xFFFFFFE0] =	vst v12;
	v11 =	vadd.f32 v14, v5  }
.Ltmp0:
0x15a: {  	v12 =	vld [tilespmem:s28+$0xFFFFFFE0];
	[tilespmem:s7+$0xFFFFFFF0] =	vst v10;
	v10 =	vadd.f32 v9, v6;
	(pc) =	sbr.rel @p0 .LBB2_3-.Ltmp0, $4  }
0x15b: {  	v9 =	vld [tilespmem:s28+$0xFFFFFFF0];
	[tilespmem:s7+$0x0] =	vst v11;
	v14 =	vadd.f32 v15, v7  }
0x15c: {  	v15 =	vadd.f32 v17, v16;
	v11 =	vld [tilespmem:s28+$0x0];
	[tilespmem:s7+$0x10] =	vst v10  }
0x15d: {  	v10 =	vld [tilespmem:s28+$0x10];
	[tilespmem:s7+$0x20] =	vst v14;
	v14 =	vadd.f32 v13, v2;
	v2 =	vmov v16  }
0x15e: {  	s0 =	sadd.s32 $0x400, s0;
	[tilespmem:s7+$0xFFFFFFC0] =	vst v15;
	v8 =	vadd.f32 v18, v8;
	v13 =	vld [tilespmem:s28+$0x20]  }
0x15f: {  	v3 =	vadd.f32 v12, v3;
	[tilespmem:s23+$0xFFFFFFC0] =	vst v14;
	v62 =	vld [tilespmem:s28+$0xFFFFFFC0]  }
0x160: {  	s26 =	sadd.s32 $0x1, s26;
	[tilespmem:s28+$0xFFFFFFD0] =	vst v8;
	v4 =	vadd.f32 v9, v4  }
0x161: {  	p0 =	sne.s32 s26, $0x8;
	[tilespmem:s28+$0xFFFFFFE0] =	vst v3;
	v3 =	vadd.f32 v11, v5  }
.Ltmp1:
0x162: {  	[tilespmem:s28+$0xFFFFFFF0] =	vst v4;
	v63 =	vadd.f32 v10, v6;
	(pc) =	sbr.rel @p0 .LBB2_2-.Ltmp1, $4  }
0x163: {  	[tilespmem:s28+$0x0] =	vst v3;
	v3 =	vadd.f32 v13, v7  }
0x164: {  	[tilespmem:s28+$0x10] =	vst v63;
	v2 =	vadd.f32 v62, v2  }
0x165: {  	s16 =	sadd.s32 $0x80, s16;
	s24 =	sadd.s32 $0x80, s24;
	[tilespmem:s28+$0x20] =	vst v3  }
0x166: {  	s25 =	sadd.s32 $0x80, s25;
	s20 =	sadd.s32 $0x80, s20;
	s31 =	sadd.s32 $0x80, s31;
	[tilespmem:s28+$0xFFFFFFC0] =	vst v2  }
0x167: {  	s16 =	simm.s32 $0x0;
	s0 =	rddreg [dreg:$0xa];
	s2 =	simm.s32 $0xC200  }
0x168: {  	[hbm4b:s0+s16] =	stream.linear.scatter [tilespmem:s2], [sflag:$0xF], $0x1800, $0x38;
	[tilespmem:$0x1E200] =	vst v63  }
0x169: {  	s28 =	rddreg [dreg:$0xb];
	s7 =	simm.s32 $0x10A00  }
0x16a: {  	[hbm4b:s28+s16] =	stream.linear.scatter [tilespmem:s7], [sflag:$0x12], $0x1800, $0x38;
	[tilespmem:$0x1E200] =	vst v63  }
0x16b: {  	s29 =	rddreg [dreg:$0xc];
	s20 =	simm.s32 $0x15200  }
0x16c: {  	[hbm4b:s29+s16] =	stream.linear.scatter [tilespmem:s20], [sflag:$0x15], $0x1800, $0x38;
	[tilespmem:$0x1E200] =	vst v63  }
0x16d: {  	s30 =	rddreg [dreg:$0xd];
	s23 =	simm.s32 $0x19A00;
	s31 =	simm.s32 $0xF  }
0x16e: {  	[hbm4b:s30+s16] =	stream.linear.scatter [tilespmem:s23], [sflag:$0x18], $0x1800, $0x38;
	[tilespmem:$0x1E200] =	vst v63  }
0x16f: {  	_ =	swait.ge [sflag:s31], $0x1800  }
0x170: {  	[sflag:s31] =	ssyncset.done $0x0  }
0x171: {  	s4 =	simm.s32 $0x12;
	[sflag:s31] =	ssyncadd.s32 $0xFFFFE800  }
0x172: {  	_ =	swait.ge [sflag:s4], $0x1800  }
0x173: {  	[sflag:s4] =	ssyncset.done $0x0  }
0x174: {  	s6 =	simm.s32 $0x15;
	[sflag:s4] =	ssyncadd.s32 $0xFFFFE800  }
0x175: {  	_ =	swait.ge [sflag:s6], $0x1800  }
0x176: {  	[sflag:s6] =	ssyncset.done $0x0  }
0x177: {  	s8 =	simm.s32 $0x18;
	[sflag:s6] =	ssyncadd.s32 $0xFFFFE800  }
0x178: {  	_ =	swait.ge [sflag:s8], $0x1800  }
0x179: {  	[sflag:s8] =	ssyncset.done $0x0  }
0x17a: {  	[sflag:s8] =	ssyncadd.s32 $0xFFFFE800  }
0x17b: {  	v2 =	vld.msk [tilespmem:$0x18], $0xff;
	_ =	sdelay $0x4  }
0x17c: {  	v3 =	vshrl.u32 v2, $0x3  }
0x17d: {  	v3 =	vmul.u32 $0x30, v3  }
0x17e: {  	v2 =	vand.u32 $0x7, v2  }
0x17f: {  	v2 =	vor.u32 v2, v3  }
0x180: {  	v2 =	vperm.xlane v2, v0;
	_ =	sdelay $0x1  }
0x181: {  	v2 =	vadd.s32 v1, v2;
	_ =	sdelay $0x4  }
0x182: {  	[tilespmem:s2], [sflag:$0x3] =	stream.indirect_vreg.gather [hbm4b:s1+s16], $0x80, v2, vm0, $0xb8;
	[tilespmem:$0x1E200] =	vst v63  }
0x183: {  	s12 =	simm.s32 $0xCA00  }
0x184: {  	[tilespmem:s12], [sflag:$0x3] =	stream.indirect_vreg.gather [hbm4b:s9+s16], $0x80, v2, vm0, $0xb8;
	[tilespmem:$0x1E200] =	vst v63  }
0x185: {  	s24 =	simm.s32 $0xD200  }
0x186: {  	[tilespmem:s24], [sflag:$0x3] =	stream.indirect_vreg.gather [hbm4b:s11+s16], $0x80, v2, vm0, $0xb8;
	[tilespmem:$0x1E200] =	vst v63  }
0x187: {  	v2 =	vld.msk [tilespmem:$0x98], $0xff;
	_ =	sdelay $0x4  }
0x188: {  	v3 =	vshrl.u32 v2, $0x3  }
0x189: {  	v3 =	vmul.u32 $0x30, v3  }
0x18a: {  	v2 =	vand.u32 $0x7, v2  }
0x18b: {  	v2 =	vor.u32 v2, v3  }
0x18c: {  	v2 =	vperm.xlane v2, v0;
	_ =	sdelay $0x1  }
0x18d: {  	v2 =	vadd.s32 v1, v2;
	_ =	sdelay $0x4  }
0x18e: {  	[tilespmem:s7], [sflag:$0x6] =	stream.indirect_vreg.gather [hbm4b:s1+s16], $0x80, v2, vm0, $0xb8;
	[tilespmem:$0x1E200] =	vst v63  }
0x18f: {  	s25 =	simm.s32 $0x11200  }
0x190: {  	[tilespmem:s25], [sflag:$0x6] =	stream.indirect_vreg.gather [hbm4b:s9+s16], $0x80, v2, vm0, $0xb8;
	[tilespmem:$0x1E200] =	vst v63  }
0x191: {  	s26 =	simm.s32 $0x11A00  }
0x192: {  	[tilespmem:s26], [sflag:$0x6] =	stream.indirect_vreg.gather [hbm4b:s11+s16], $0x80, v2, vm0, $0xb8;
	[tilespmem:$0x1E200] =	vst v63  }
0x193: {  	v2 =	vld.msk [tilespmem:$0x118], $0xff;
	_ =	sdelay $0x4  }
0x194: {  	v3 =	vshrl.u32 v2, $0x3  }
0x195: {  	v3 =	vmul.u32 $0x30, v3  }
0x196: {  	v2 =	vand.u32 $0x7, v2  }
0x197: {  	v2 =	vor.u32 v2, v3  }
0x198: {  	v2 =	vperm.xlane v2, v0;
	_ =	sdelay $0x1  }
0x199: {  	v2 =	vadd.s32 v1, v2;
	_ =	sdelay $0x4  }
0x19a: {  	[tilespmem:s20], [sflag:$0x9] =	stream.indirect_vreg.gather [hbm4b:s1+s16], $0x80, v2, vm0, $0xb8;
	[tilespmem:$0x1E200] =	vst v63  }
0x19b: {  	s28 =	simm.s32 $0x15A00  }
0x19c: {  	[tilespmem:s28], [sflag:$0x9] =	stream.indirect_vreg.gather [hbm4b:s9+s16], $0x80, v2, vm0, $0xb8;
	[tilespmem:$0x1E200] =	vst v63  }
0x19d: {  	s29 =	simm.s32 $0x16200  }
0x19e: {  	[tilespmem:s29], [sflag:$0x9] =	stream.indirect_vreg.gather [hbm4b:s11+s16], $0x80, v2, vm0, $0xb8;
	[tilespmem:$0x1E200] =	vst v63  }
0x19f: {  	v2 =	vld.msk [tilespmem:$0x198], $0xff;
	_ =	sdelay $0x4  }
0x1a0: {  	v3 =	vshrl.u32 v2, $0x3  }
0x1a1: {  	v3 =	vmul.u32 $0x30, v3  }
0x1a2: {  	v2 =	vand.u32 $0x7, v2  }
0x1a3: {  	v2 =	vor.u32 v2, v3  }
0x1a4: {  	v2 =	vperm.xlane v2, v0;
	_ =	sdelay $0x1  }
0x1a5: {  	v2 =	vadd.s32 v1, v2;
	_ =	sdelay $0x4  }
0x1a6: {  	[tilespmem:s23], [sflag:$0xC] =	stream.indirect_vreg.gather [hbm4b:s1+s16], $0x80, v2, vm0, $0xb8;
	[tilespmem:$0x1E200] =	vst v63  }
0x1a7: {  	s30 =	simm.s32 $0x1A200  }
0x1a8: {  	[tilespmem:s30], [sflag:$0xC] =	stream.indirect_vreg.gather [hbm4b:s9+s16], $0x80, v2, vm0, $0xb8;
	[tilespmem:$0x1E200] =	vst v63  }
0x1a9: {  	s31 =	simm.s32 $0x1AA00  }
0x1aa: {  	[tilespmem:s31], [sflag:$0xC] =	stream.indirect_vreg.gather [hbm4b:s11+s16], $0x80, v2, vm0, $0xb8;
	[tilespmem:$0x1E200] =	vst v63  }
0x1ab: {  	_ =	swait.ge [sflag:s14], $0x1800  }
0x1ac: {  	[sflag:s14] =	ssyncset.done $0x0  }
0x1ad: {  	[sflag:s14] =	ssyncadd.s32 $0xFFFFE800  }
0x1ae: {  	_ =	swait.ge [sflag:s15], $0x1800  }
0x1af: {  	[sflag:s15] =	ssyncset.done $0x0  }
0x1b0: {  	[sflag:s15] =	ssyncadd.s32 $0xFFFFE800  }
0x1b1: {  	_ =	swait.ge [sflag:s17], $0x1800  }
0x1b2: {  	[sflag:s17] =	ssyncset.done $0x0  }
0x1b3: {  	[sflag:s17] =	ssyncadd.s32 $0xFFFFE800  }
0x1b4: {  	s24 =	simm.s32 $0x1A70;
	_ =	swait.ge [sflag:s18], $0x1800  }
0x1b5: {  	s25 =	simm.s32 $0xDA40;
	s26 =	simm.s32 $0x1B240;
	[sflag:s18] =	ssyncset.done $0x0  }
0x1b6: {  	s20 =	simm.s32 $0x12240;
	s23 =	simm.s32 $0x16A40;
	[sflag:s18] =	ssyncadd.s32 $0xFFFFE800  }
.LBB2_6:
0x1b7: {  	v2 =	vld [tilespmem:s24+$0x0]  }
0x1b8: {  	v3 =	vld [tilespmem:s25+$0x30]  }
0x1b9: {  	v4 =	vld [tilespmem:s25+$0xFFFFFFC0]  }
0x1ba: {  	v5 =	vld [tilespmem:s24+$0xFFFFFFA0]  }
0x1bb: {  	v6 =	vld [tilespmem:s25+$0xFFFFFFD0]  }
0x1bc: {  	v7 =	vld [tilespmem:s24+$0xFFFFFFB0]  }
0x1bd: {  	v8 =	vld [tilespmem:s25+$0xFFFFFFE0]  }
0x1be: {  	v9 =	vld [tilespmem:s24+$0xFFFFFFC0]  }
0x1bf: {  	v10 =	vld [tilespmem:s25+$0xFFFFFFF0]  }
0x1c0: {  	v11 =	vld [tilespmem:s24+$0xFFFFFFD0]  }
0x1c1: {  	v12 =	vld [tilespmem:s25+$0x0]  }
0x1c2: {  	v13 =	vld [tilespmem:s24+$0xFFFFFFE0]  }
0x1c3: {  	v14 =	vld [tilespmem:s25+$0x10]  }
0x1c4: {  	v15 =	vld [tilespmem:s24+$0xFFFFFFF0];
	s0 =	sadd.s32 $0x400, s24  }
0x1c5: {  	s30 =	sadd.s32 $0x400, s25;
	v20 =	vld [tilespmem:s0+$0x0]  }
0x1c6: {  	v21 =	vld [tilespmem:s30+$0xFFFFFFC0]  }
0x1c7: {  	v22 =	vld [tilespmem:s0+$0xFFFFFFA0]  }
0x1c8: {  	v23 =	vld [tilespmem:s30+$0xFFFFFFD0];
	v3 =	vadd.f32 v3, v2  }
0x1c9: {  	v58 =	vld [tilespmem:s30+$0xFFFFFFF0]  }
0x1ca: {  	[tilespmem:s25+$0x30] =	vst v3;
	v3 =	vadd.f32 v6, v5;
	v6 =	vld [tilespmem:s25+$0x20]  }
0x1cb: {  	v17 =	vadd.f32 v8, v7;
	v16 =	vld [tilespmem:s20+$0x30]  }
0x1cc: {  	v8 =	vld [tilespmem:s24+$0xFFFFFF90];
	[tilespmem:s25+$0xFFFFFFD0] =	vst v3;
	v3 =	vadd.f32 v10, v9  }
0x1cd: {  	[tilespmem:s25+$0xFFFFFFE0] =	vst v17;
	v10 =	vadd.f32 v12, v11;
	v12 =	vld [tilespmem:s20+$0xFFFFFFD0]  }
0x1ce: {  	[tilespmem:s25+$0xFFFFFFF0] =	vst v3;
	v3 =	vadd.f32 v14, v13;
	v14 =	vld [tilespmem:s20+$0xFFFFFFE0]  }
0x1cf: {  	[tilespmem:s25+$0x0] =	vst v10;
	v10 =	vld [tilespmem:s20+$0xFFFFFFF0];
	v6 =	vadd.f32 v6, v15  }
0x1d0: {  	v16 =	vadd.f32 v16, v2;
	[tilespmem:s25+$0x10] =	vst v3;
	v3 =	vld [tilespmem:s20+$0x0]  }
0x1d1: {  	v4 =	vadd.f32 v4, v8;
	v53 =	vld [tilespmem:s20+$0x10];
	[tilespmem:s25+$0x20] =	vst v6  }
0x1d2: {  	[tilespmem:s20+$0x30] =	vst v16;
	v6 =	vadd.f32 v12, v5;
	v12 =	vld [tilespmem:s20+$0x20]  }
0x1d3: {  	[tilespmem:s25+$0xFFFFFFC0] =	vst v4;
	v16 =	vld [tilespmem:s23+$0x30];
	v4 =	vadd.f32 v14, v7  }
0x1d4: {  	v14 =	vld [tilespmem:s20+$0xFFFFFFC0];
	[tilespmem:s20+$0xFFFFFFD0] =	vst v6;
	v6 =	vadd.f32 v10, v9  }
0x1d5: {  	v10 =	vld [tilespmem:s23+$0xFFFFFFD0];
	[tilespmem:s20+$0xFFFFFFE0] =	vst v4;
	v3 =	vadd.f32 v3, v11  }
0x1d6: {  	v4 =	vld [tilespmem:s23+$0xFFFFFFE0];
	[tilespmem:s20+$0xFFFFFFF0] =	vst v6;
	v6 =	vadd.f32 v53, v13  }
0x1d7: {  	v54 =	vld [tilespmem:s23+$0xFFFFFFF0];
	[tilespmem:s20+$0x0] =	vst v3;
	v3 =	vadd.f32 v12, v15  }
0x1d8: {  	v12 =	vadd.f32 v16, v2;
	v55 =	vld [tilespmem:s23+$0x0];
	[tilespmem:s20+$0x10] =	vst v6  }
0x1d9: {  	v6 =	vadd.f32 v14, v8;
	v14 =	vld [tilespmem:s23+$0x10];
	[tilespmem:s20+$0x20] =	vst v3  }
0x1da: {  	[tilespmem:s23+$0x30] =	vst v12;
	v3 =	vadd.f32 v10, v5;
	v10 =	vld [tilespmem:s23+$0x20]  }
0x1db: {  	[tilespmem:s20+$0xFFFFFFC0] =	vst v6;
	v12 =	vld [tilespmem:s26+$0x30];
	v4 =	vadd.f32 v4, v7  }
0x1dc: {  	v6 =	vld [tilespmem:s23+$0xFFFFFFC0];
	[tilespmem:s23+$0xFFFFFFD0] =	vst v3;
	v3 =	vadd.f32 v54, v9  }
0x1dd: {  	v56 =	vld [tilespmem:s26+$0xFFFFFFD0];
	[tilespmem:s23+$0xFFFFFFE0] =	vst v4;
	v4 =	vadd.f32 v55, v11  }
0x1de: {  	v57 =	vld [tilespmem:s26+$0xFFFFFFE0];
	[tilespmem:s23+$0xFFFFFFF0] =	vst v3  }
0x1df: {  	v3 =	vadd.f32 v14, v13;
	v14 =	vld [tilespmem:s26+$0xFFFFFFF0];
	[tilespmem:s23+$0x0] =	vst v4;
	v4 =	vadd.f32 v10, v15  }
0x1e0: {  	v10 =	vld [tilespmem:s26+$0x0]  }
0x1e1: {  	[tilespmem:s23+$0x20] =	vst v4;
	v4 =	vld [tilespmem:s30+$0x30]  }
0x1e2: {  	[tilespmem:s23+$0x10] =	vst v3;
	v3 =	vld [tilespmem:s0+$0xFFFFFFB0]  }
0x1e3: {  	v2 =	vadd.f32 v12, v2;
	v12 =	vld [tilespmem:s30+$0xFFFFFFE0]  }
0x1e4: {  	v18 =	vld [tilespmem:s26+$0x10];
	v5 =	vadd.f32 v56, v5  }
0x1e5: {  	v19 =	vld [tilespmem:s26+$0x20];
	[tilespmem:s26+$0x30] =	vst v2;
	v2 =	vadd.f32 v6, v8  }
0x1e6: {  	[tilespmem:s26+$0xFFFFFFD0] =	vst v5;
	v5 =	vld [tilespmem:s0+$0xFFFFFFD0];
	v24 =	vadd.f32 v4, v20  }
0x1e7: {  	[tilespmem:s23+$0xFFFFFFC0] =	vst v2;
	v2 =	vadd.f32 v57, v7;
	v6 =	vadd.f32 v14, v9;
	v9 =	vld [tilespmem:s30+$0x0]  }
0x1e8: {  	s2 =	sadd.s32 $0x400, s20;
	v14 =	vld [tilespmem:s30+$0x20];
	[tilespmem:s30+$0x30] =	vst v24  }
0x1e9: {  	v12 =	vadd.f32 v12, v3;
	[tilespmem:s26+$0xFFFFFFE0] =	vst v2;
	v59 =	vld [tilespmem:s2+$0x30]  }
0x1ea: {  	v4 =	vld [tilespmem:s0+$0xFFFFFFC0];
	v2 =	vadd.f32 v10, v11;
	[tilespmem:s26+$0xFFFFFFF0] =	vst v6  }
0x1eb: {  	v7 =	vadd.f32 v18, v13;
	v6 =	vld [tilespmem:s0+$0xFFFFFFE0];
	[tilespmem:s30+$0xFFFFFFE0] =	vst v12  }
0x1ec: {  	v10 =	vld [tilespmem:s30+$0x10];
	[tilespmem:s26+$0x0] =	vst v2;
	v2 =	vadd.f32 v19, v15  }
0x1ed: {  	v13 =	vadd.f32 v23, v22;
	[tilespmem:s26+$0x10] =	vst v7;
	v7 =	vld [tilespmem:s0+$0xFFFFFFF0]  }
0x1ee: {  	[tilespmem:s26+$0x20] =	vst v2;
	v2 =	vld [tilespmem:s0+$0xFFFFFF90];
	v11 =	vadd.f32 v59, v20  }
0x1ef: {  	[tilespmem:s30+$0xFFFFFFD0] =	vst v13;
	v9 =	vadd.f32 v9, v5  }
0x1f0: {  	s7 =	sadd.s32 $0x400, s23;
	v12 =	vld [tilespmem:s2+$0xFFFFFFD0];
	[tilespmem:s2+$0x30] =	vst v11;
	v11 =	vadd.f32 v58, v4  }
0x1f1: {  	v10 =	vadd.f32 v10, v6;
	[tilespmem:s30+$0x0] =	vst v9;
	v13 =	vld [tilespmem:s7+$0x30]  }
0x1f2: {  	v14 =	vadd.f32 v14, v7;
	[tilespmem:s30+$0xFFFFFFF0] =	vst v11;
	v11 =	vld [tilespmem:s2+$0xFFFFFFE0]  }
0x1f3: {  	[tilespmem:s30+$0x10] =	vst v10;
	v10 =	vadd.f32 v21, v2;
	v9 =	vld [tilespmem:s2+$0xFFFFFFF0]  }
0x1f4: {  	v15 =	vld [tilespmem:s2+$0x0];
	[tilespmem:s30+$0x20] =	vst v14  }
0x1f5: {  	v60 =	vld [tilespmem:s2+$0x10];
	[tilespmem:s30+$0xFFFFFFC0] =	vst v10;
	v10 =	vadd.f32 v12, v22  }
0x1f6: {  	v12 =	vld [tilespmem:s2+$0x20];
	v13 =	vadd.f32 v13, v20  }
0x1f7: {  	v14 =	vld [tilespmem:s2+$0xFFFFFFC0];
	[tilespmem:s2+$0xFFFFFFD0] =	vst v10;
	v11 =	vadd.f32 v11, v3  }
0x1f8: {  	s28 =	sadd.s32 $0x400, s26;
	[tilespmem:s7+$0x30] =	vst v13;
	v9 =	vadd.f32 v9, v4;
	v13 =	vld [tilespmem:s7+$0xFFFFFFD0]  }
0x1f9: {  	v10 =	vld [tilespmem:s28+$0x30];
	[tilespmem:s2+$0xFFFFFFE0] =	vst v11;
	v11 =	vadd.f32 v15, v5  }
0x1fa: {  	v15 =	vld [tilespmem:s7+$0xFFFFFFE0];
	[tilespmem:s2+$0xFFFFFFF0] =	vst v9;
	v9 =	vadd.f32 v60, v6  }
0x1fb: {  	v61 =	vld [tilespmem:s7+$0xFFFFFFF0];
	[tilespmem:s2+$0x0] =	vst v11;
	v11 =	vadd.f32 v12, v7  }
0x1fc: {  	v12 =	vadd.f32 v14, v2;
	v14 =	vld [tilespmem:s7+$0x0];
	[tilespmem:s2+$0x10] =	vst v9  }
0x1fd: {  	v9 =	vld [tilespmem:s7+$0x10];
	[tilespmem:s2+$0x20] =	vst v11;
	v11 =	vadd.f32 v13, v22  }
0x1fe: {  	[tilespmem:s2+$0xFFFFFFC0] =	vst v12;
	v10 =	vadd.f32 v10, v20;
	v13 =	vld [tilespmem:s7+$0x20]  }
0x1ff: {  	v62 =	vld [tilespmem:s7+$0xFFFFFFC0];
	v12 =	vadd.f32 v15, v3;
	[tilespmem:s7+$0xFFFFFFD0] =	vst v11  }
0x200: {  	v15 =	vld [tilespmem:s26+$0xFFFFFFC0];
	[tilespmem:s28+$0x30] =	vst v10;
	v10 =	vadd.f32 v61, v4  }
0x201: {  	v63 =	vld [tilespmem:s28+$0xFFFFFFD0];
	[tilespmem:s7+$0xFFFFFFE0] =	vst v12;
	v11 =	vadd.f32 v14, v5  }
0x202: {  	v12 =	vld [tilespmem:s28+$0xFFFFFFE0];
	[tilespmem:s7+$0xFFFFFFF0] =	vst v10;
	v10 =	vadd.f32 v9, v6  }
0x203: {  	v9 =	vld [tilespmem:s28+$0xFFFFFFF0];
	[tilespmem:s7+$0x0] =	vst v11;
	v13 =	vadd.f32 v13, v7  }
0x204: {  	v17 =	vadd.f32 v62, v2;
	v11 =	vld [tilespmem:s28+$0x0];
	[tilespmem:s7+$0x10] =	vst v10  }
0x205: {  	v14 =	vadd.f32 v15, v8;
	v10 =	vld [tilespmem:s28+$0x10];
	[tilespmem:s7+$0x20] =	vst v13  }
0x206: {  	s29 =	simm.s32 $0x80;
	s31 =	smov.u32 s26;
	s0 =	sadd.s32 $0x400, s0;
	[tilespmem:s7+$0xFFFFFFC0] =	vst v17;
	v8 =	vadd.f32 v63, v22;
	v13 =	vld [tilespmem:s28+$0x20]  }
.LBB2_7:
0x207: {  	v15 =	vld [tilespmem:s0+$0x0];
	v3 =	vadd.f32 v12, v3;
	s30 =	sadd.s32 $0x400, s30;
	[tilespmem:s31+$0xFFFFFFC0] =	vst v14;
	s31 =	smov.u32 s28  }
0x208: {  	s29 =	sadd.s32 $0x80, s29;
	v12 =	vld [tilespmem:s30+$0x30];
	[tilespmem:s28+$0xFFFFFFD0] =	vst v8;
	v4 =	vadd.f32 v9, v4  }
0x209: {  	p0 =	slt.u32 s29, $0x280;
	v9 =	vld [tilespmem:s30+$0xFFFFFFC0];
	[tilespmem:s28+$0xFFFFFFE0] =	vst v3;
	v3 =	vadd.f32 v11, v5  }
0x20a: {  	v8 =	vld [tilespmem:s0+$0xFFFFFFA0];
	[tilespmem:s28+$0xFFFFFFF0] =	vst v4;
	v4 =	vadd.f32 v10, v6  }
0x20b: {  	v5 =	vld [tilespmem:s30+$0xFFFFFFD0];
	[tilespmem:s28+$0x0] =	vst v3;
	v6 =	vadd.f32 v13, v7  }
0x20c: {  	v3 =	vld [tilespmem:s0+$0xFFFFFFB0];
	[tilespmem:s28+$0x10] =	vst v4  }
0x20d: {  	v7 =	vld [tilespmem:s30+$0xFFFFFFE0];
	v10 =	vadd.f32 v12, v15;
	[tilespmem:s28+$0x20] =	vst v6  }
0x20e: {  	v4 =	vld [tilespmem:s0+$0xFFFFFFC0]  }
0x20f: {  	s2 =	sadd.s32 $0x400, s2;
	v11 =	vld [tilespmem:s30+$0xFFFFFFF0];
	[tilespmem:s30+$0x30] =	vst v10  }
0x210: {  	v6 =	vadd.f32 v5, v8;
	v10 =	vld [tilespmem:s2+$0x30]  }
0x211: {  	v5 =	vld [tilespmem:s0+$0xFFFFFFD0]  }
0x212: {  	[tilespmem:s30+$0xFFFFFFD0] =	vst v6;
	v7 =	vadd.f32 v7, v3;
	v12 =	vld [tilespmem:s30+$0x0]  }
0x213: {  	v6 =	vld [tilespmem:s0+$0xFFFFFFE0]  }
0x214: {  	[tilespmem:s30+$0xFFFFFFE0] =	vst v7;
	v11 =	vadd.f32 v11, v4;
	v13 =	vld [tilespmem:s30+$0x10]  }
0x215: {  	v7 =	vld [tilespmem:s0+$0xFFFFFFF0];
	v10 =	vadd.f32 v10, v15  }
0x216: {  	[tilespmem:s30+$0xFFFFFFF0] =	vst v11;
	v11 =	vld [tilespmem:s30+$0x20]  }
0x217: {  	s7 =	sadd.s32 $0x400, s7;
	v16 =	vld [tilespmem:s0+$0xFFFFFF90];
	v12 =	vadd.f32 v12, v5;
	[tilespmem:s2+$0x30] =	vst v10  }
0x218: {  	v10 =	vld [tilespmem:s7+$0x30]  }
0x219: {  	v14 =	vld [tilespmem:s2+$0xFFFFFFD0];
	[tilespmem:s30+$0x0] =	vst v12;
	v12 =	vadd.f32 v13, v6  }
0x21a: {  	v13 =	vld [tilespmem:s2+$0xFFFFFFE0]  }
0x21b: {  	v17 =	vld [tilespmem:s2+$0xFFFFFFF0];
	[tilespmem:s30+$0x10] =	vst v12;
	v11 =	vadd.f32 v11, v7  }
0x21c: {  	v9 =	vadd.f32 v9, v16;
	v12 =	vld [tilespmem:s2+$0x0]  }
0x21d: {  	v18 =	vld [tilespmem:s2+$0x10];
	[tilespmem:s30+$0x20] =	vst v11;
	v10 =	vadd.f32 v10, v15  }
0x21e: {  	[tilespmem:s30+$0xFFFFFFC0] =	vst v9;
	v9 =	vadd.f32 v14, v8;
	v11 =	vld [tilespmem:s2+$0x20]  }
0x21f: {  	s28 =	sadd.s32 $0x400, s28;
	v14 =	vld [tilespmem:s2+$0xFFFFFFC0];
	v13 =	vadd.f32 v13, v3;
	[tilespmem:s7+$0x30] =	vst v10  }
0x220: {  	[tilespmem:s2+$0xFFFFFFD0] =	vst v9;
	v9 =	vadd.f32 v17, v4;
	v10 =	vld [tilespmem:s28+$0x30]  }
0x221: {  	v17 =	vld [tilespmem:s7+$0xFFFFFFD0];
	[tilespmem:s2+$0xFFFFFFE0] =	vst v13;
	v12 =	vadd.f32 v12, v5  }
0x222: {  	v13 =	vld [tilespmem:s7+$0xFFFFFFE0];
	[tilespmem:s2+$0xFFFFFFF0] =	vst v9;
	v9 =	vadd.f32 v18, v6  }
0x223: {  	v18 =	vld [tilespmem:s7+$0xFFFFFFF0];
	[tilespmem:s2+$0x0] =	vst v12;
	v11 =	vadd.f32 v11, v7  }
0x224: {  	v12 =	vadd.f32 v14, v16;
	v14 =	vld [tilespmem:s7+$0x0];
	[tilespmem:s2+$0x10] =	vst v9  }
0x225: {  	v9 =	vld [tilespmem:s7+$0x10];
	[tilespmem:s2+$0x20] =	vst v11;
	v10 =	vadd.f32 v10, v15  }
0x226: {  	[tilespmem:s2+$0xFFFFFFC0] =	vst v12;
	v11 =	vadd.f32 v17, v8;
	v15 =	vld [tilespmem:s7+$0x20]  }
0x227: {  	v17 =	vld [tilespmem:s7+$0xFFFFFFC0];
	v12 =	vadd.f32 v13, v3;
	[tilespmem:s28+$0x30] =	vst v10  }
0x228: {  	[tilespmem:s7+$0xFFFFFFD0] =	vst v11;
	v10 =	vadd.f32 v18, v4;
	v13 =	vld [tilespmem:s31+$0xFFFFFFC0]  }
0x229: {  	v18 =	vld [tilespmem:s28+$0xFFFFFFD0];
	[tilespmem:s7+$0xFFFFFFE0] =	vst v12;
	v11 =	vadd.f32 v14, v5  }
.Ltmp2:
0x22a: {  	v12 =	vld [tilespmem:s28+$0xFFFFFFE0];
	[tilespmem:s7+$0xFFFFFFF0] =	vst v10;
	v10 =	vadd.f32 v9, v6;
	(pc) =	sbr.rel @p0 .LBB2_7-.Ltmp2, $4  }
0x22b: {  	v9 =	vld [tilespmem:s28+$0xFFFFFFF0];
	[tilespmem:s7+$0x0] =	vst v11;
	v14 =	vadd.f32 v15, v7  }
0x22c: {  	v15 =	vadd.f32 v17, v16;
	v11 =	vld [tilespmem:s28+$0x0];
	[tilespmem:s7+$0x10] =	vst v10  }
0x22d: {  	v10 =	vld [tilespmem:s28+$0x10];
	[tilespmem:s7+$0x20] =	vst v14;
	v14 =	vadd.f32 v13, v2;
	v2 =	vmov v16  }
0x22e: {  	s0 =	sadd.s32 $0x400, s0;
	[tilespmem:s7+$0xFFFFFFC0] =	vst v15;
	v8 =	vadd.f32 v18, v8;
	v13 =	vld [tilespmem:s28+$0x20]  }
0x22f: {  	v3 =	vadd.f32 v12, v3;
	[tilespmem:s31+$0xFFFFFFC0] =	vst v14;
	v62 =	vld [tilespmem:s28+$0xFFFFFFC0]  }
0x230: {  	s16 =	sadd.s32 $0x1, s16;
	[tilespmem:s28+$0xFFFFFFD0] =	vst v8;
	v4 =	vadd.f32 v9, v4  }
0x231: {  	p0 =	sne.s32 s16, $0x8;
	[tilespmem:s28+$0xFFFFFFE0] =	vst v3;
	v3 =	vadd.f32 v11, v5  }
.Ltmp3:
0x232: {  	[tilespmem:s28+$0xFFFFFFF0] =	vst v4;
	v63 =	vadd.f32 v10, v6;
	(pc) =	sbr.rel @p0 .LBB2_6-.Ltmp3, $4  }
0x233: {  	[tilespmem:s28+$0x0] =	vst v3;
	v3 =	vadd.f32 v13, v7  }
0x234: {  	[tilespmem:s28+$0x10] =	vst v63;
	v2 =	vadd.f32 v62, v2  }
0x235: {  	s24 =	sadd.s32 $0x80, s24;
	s25 =	sadd.s32 $0x80, s25;
	[tilespmem:s28+$0x20] =	vst v3  }
0x236: {  	s20 =	sadd.s32 $0x80, s20;
	s23 =	sadd.s32 $0x80, s23;
	s26 =	sadd.s32 $0x80, s26;
	[tilespmem:s28+$0xFFFFFFC0] =	vst v2  }
0x237: {  	s16 =	simm.s32 $0x0;
	s0 =	rddreg [dreg:$0xe];
	s2 =	simm.s32 $0xDA00  }
0x238: {  	[hbm4b:s0+s16] =	stream.linear.scatter [tilespmem:s2], [sflag:$0x10], $0x1800, $0x38;
	[tilespmem:$0x1E200] =	vst v63  }
0x239: {  	s29 =	rddreg [dreg:$0xf];
	s7 =	simm.s32 $0x12200  }
0x23a: {  	[hbm4b:s29+s16] =	stream.linear.scatter [tilespmem:s7], [sflag:$0x13], $0x1800, $0x38;
	[tilespmem:$0x1E200] =	vst v63  }
0x23b: {  	s30 =	rddreg [dreg:$0x10];
	s20 =	simm.s32 $0x16A00  }
0x23c: {  	[hbm4b:s30+s16] =	stream.linear.scatter [tilespmem:s20], [sflag:$0x16], $0x1800, $0x38;
	[tilespmem:$0x1E200] =	vst v63  }
0x23d: {  	s31 =	rddreg [dreg:$0x11];
	s23 =	simm.s32 $0x1B200  }
0x23e: {  	[hbm4b:s31+s16] =	stream.linear.scatter [tilespmem:s23], [sflag:$0x19], $0x1800, $0x38;
	[tilespmem:$0x1E200] =	vst v63  }
0x23f: {  	_ =	swait.ge [sflag:s5], $0x1800  }
0x240: {  	[sflag:s5] =	ssyncset.done $0x0  }
0x241: {  	[sflag:s5] =	ssyncadd.s32 $0xFFFFE800  }
0x242: {  	_ =	swait.ge [sflag:s10], $0x1800  }
0x243: {  	[sflag:s10] =	ssyncset.done $0x0  }
0x244: {  	[sflag:s10] =	ssyncadd.s32 $0xFFFFE800  }
0x245: {  	_ =	swait.ge [sflag:s21], $0x1800  }
0x246: {  	[sflag:s21] =	ssyncset.done $0x0  }
0x247: {  	[sflag:s21] =	ssyncadd.s32 $0xFFFFE800  }
0x248: {  	_ =	swait.ge [sflag:s22], $0x1800  }
0x249: {  	[sflag:s22] =	ssyncset.done $0x0  }
0x24a: {  	[sflag:s22] =	ssyncadd.s32 $0xFFFFE800  }
0x24b: {  	v2 =	vld.msk [tilespmem:$0x20], $0xff;
	_ =	sdelay $0x4  }
0x24c: {  	v3 =	vshrl.u32 v2, $0x3  }
0x24d: {  	v3 =	vmul.u32 $0x30, v3  }
0x24e: {  	v2 =	vand.u32 $0x7, v2  }
0x24f: {  	v2 =	vor.u32 v2, v3  }
0x250: {  	v2 =	vperm.xlane v2, v0;
	_ =	sdelay $0x1  }
0x251: {  	v2 =	vadd.s32 v1, v2;
	_ =	sdelay $0x4  }
0x252: {  	[tilespmem:s2], [sflag:$0x4] =	stream.indirect_vreg.gather [hbm4b:s1+s16], $0x80, v2, vm0, $0xb8;
	[tilespmem:$0x1E200] =	vst v63  }
0x253: {  	s4 =	simm.s32 $0xE200  }
0x254: {  	[tilespmem:s4], [sflag:$0x4] =	stream.indirect_vreg.gather [hbm4b:s9+s16], $0x80, v2, vm0, $0xb8;
	[tilespmem:$0x1E200] =	vst v63  }
0x255: {  	s6 =	simm.s32 $0xEA00  }
0x256: {  	[tilespmem:s6], [sflag:$0x4] =	stream.indirect_vreg.gather [hbm4b:s11+s16], $0x80, v2, vm0, $0xb8;
	[tilespmem:$0x1E200] =	vst v63  }
0x257: {  	v2 =	vld.msk [tilespmem:$0xA0], $0xff;
	_ =	sdelay $0x4  }
0x258: {  	v3 =	vshrl.u32 v2, $0x3  }
0x259: {  	v3 =	vmul.u32 $0x30, v3  }
0x25a: {  	v2 =	vand.u32 $0x7, v2  }
0x25b: {  	v2 =	vor.u32 v2, v3  }
0x25c: {  	v2 =	vperm.xlane v2, v0;
	_ =	sdelay $0x1  }
0x25d: {  	v2 =	vadd.s32 v1, v2;
	_ =	sdelay $0x4  }
0x25e: {  	[tilespmem:s7], [sflag:$0x7] =	stream.indirect_vreg.gather [hbm4b:s1+s16], $0x80, v2, vm0, $0xb8;
	[tilespmem:$0x1E200] =	vst v63  }
0x25f: {  	s8 =	simm.s32 $0x12A00  }
0x260: {  	[tilespmem:s8], [sflag:$0x7] =	stream.indirect_vreg.gather [hbm4b:s9+s16], $0x80, v2, vm0, $0xb8;
	[tilespmem:$0x1E200] =	vst v63  }
0x261: {  	s12 =	simm.s32 $0x13200  }
0x262: {  	[tilespmem:s12], [sflag:$0x7] =	stream.indirect_vreg.gather [hbm4b:s11+s16], $0x80, v2, vm0, $0xb8;
	[tilespmem:$0x1E200] =	vst v63  }
0x263: {  	v2 =	vld.msk [tilespmem:$0x120], $0xff;
	_ =	sdelay $0x4  }
0x264: {  	v3 =	vshrl.u32 v2, $0x3  }
0x265: {  	v3 =	vmul.u32 $0x30, v3  }
0x266: {  	v2 =	vand.u32 $0x7, v2  }
0x267: {  	v2 =	vor.u32 v2, v3  }
0x268: {  	v2 =	vperm.xlane v2, v0;
	_ =	sdelay $0x1  }
0x269: {  	v2 =	vadd.s32 v1, v2;
	_ =	sdelay $0x4  }
0x26a: {  	[tilespmem:s20], [sflag:$0xA] =	stream.indirect_vreg.gather [hbm4b:s1+s16], $0x80, v2, vm0, $0xb8;
	[tilespmem:$0x1E200] =	vst v63  }
0x26b: {  	s20 =	simm.s32 $0x17200  }
0x26c: {  	[tilespmem:s20], [sflag:$0xA] =	stream.indirect_vreg.gather [hbm4b:s9+s16], $0x80, v2, vm0, $0xb8;
	[tilespmem:$0x1E200] =	vst v63  }
0x26d: {  	s24 =	simm.s32 $0x17A00  }
0x26e: {  	[tilespmem:s24], [sflag:$0xA] =	stream.indirect_vreg.gather [hbm4b:s11+s16], $0x80, v2, vm0, $0xb8;
	[tilespmem:$0x1E200] =	vst v63  }
0x26f: {  	v2 =	vld.msk [tilespmem:$0x1A0], $0xff;
	_ =	sdelay $0x4  }
0x270: {  	v3 =	vshrl.u32 v2, $0x3  }
0x271: {  	v3 =	vmul.u32 $0x30, v3  }
0x272: {  	v2 =	vand.u32 $0x7, v2  }
0x273: {  	v2 =	vor.u32 v2, v3  }
0x274: {  	v2 =	vperm.xlane v2, v0;
	_ =	sdelay $0x1  }
0x275: {  	v2 =	vadd.s32 v1, v2;
	_ =	sdelay $0x4  }
0x276: {  	[tilespmem:s23], [sflag:$0xD] =	stream.indirect_vreg.gather [hbm4b:s1+s16], $0x80, v2, vm0, $0xb8;
	[tilespmem:$0x1E200] =	vst v63  }
0x277: {  	s25 =	simm.s32 $0x1BA00  }
0x278: {  	[tilespmem:s25], [sflag:$0xD] =	stream.indirect_vreg.gather [hbm4b:s9+s16], $0x80, v2, vm0, $0xb8;
	[tilespmem:$0x1E200] =	vst v63  }
0x279: {  	s26 =	simm.s32 $0x1C200;
	s28 =	simm.s32 $0x5  }
0x27a: {  	[tilespmem:s26], [sflag:$0xD] =	stream.indirect_vreg.gather [hbm4b:s11+s16], $0x80, v2, vm0, $0xb8;
	[tilespmem:$0x1E200] =	vst v63  }
0x27b: {  	_ =	swait.ge [sflag:s28], $0x1800  }
0x27c: {  	[sflag:s28] =	ssyncset.done $0x0  }
0x27d: {  	s29 =	simm.s32 $0x8;
	[sflag:s28] =	ssyncadd.s32 $0xFFFFE800  }
0x27e: {  	_ =	swait.ge [sflag:s29], $0x1800  }
0x27f: {  	[sflag:s29] =	ssyncset.done $0x0  }
0x280: {  	s30 =	simm.s32 $0xB;
	[sflag:s29] =	ssyncadd.s32 $0xFFFFE800  }
0x281: {  	_ =	swait.ge [sflag:s30], $0x1800  }
0x282: {  	[sflag:s30] =	ssyncset.done $0x0  }
0x283: {  	s31 =	simm.s32 $0xE;
	[sflag:s30] =	ssyncadd.s32 $0xFFFFE800  }
0x284: {  	s20 =	simm.s32 $0x13A40;
	_ =	swait.ge [sflag:s31], $0x1800  }
0x285: {  	s24 =	simm.s32 $0x3270;
	s23 =	simm.s32 $0x18240;
	[sflag:s31] =	ssyncset.done $0x0  }
0x286: {  	s25 =	simm.s32 $0xF240;
	s26 =	simm.s32 $0x1CA40;
	[sflag:s31] =	ssyncadd.s32 $0xFFFFE800  }
.LBB2_10:
0x287: {  	v2 =	vld [tilespmem:s24+$0x0]  }
0x288: {  	v3 =	vld [tilespmem:s25+$0x30]  }
0x289: {  	v4 =	vld [tilespmem:s25+$0xFFFFFFC0]  }
0x28a: {  	v5 =	vld [tilespmem:s24+$0xFFFFFFA0]  }
0x28b: {  	v6 =	vld [tilespmem:s25+$0xFFFFFFD0]  }
0x28c: {  	v7 =	vld [tilespmem:s24+$0xFFFFFFB0]  }
0x28d: {  	v8 =	vld [tilespmem:s25+$0xFFFFFFE0]  }
0x28e: {  	v9 =	vld [tilespmem:s24+$0xFFFFFFC0]  }
0x28f: {  	v10 =	vld [tilespmem:s25+$0xFFFFFFF0]  }
0x290: {  	v11 =	vld [tilespmem:s24+$0xFFFFFFD0]  }
0x291: {  	v12 =	vld [tilespmem:s25+$0x0]  }
0x292: {  	v13 =	vld [tilespmem:s24+$0xFFFFFFE0]  }
0x293: {  	v14 =	vld [tilespmem:s25+$0x10]  }
0x294: {  	v15 =	vld [tilespmem:s24+$0xFFFFFFF0];
	s0 =	sadd.s32 $0x400, s24  }
0x295: {  	s30 =	sadd.s32 $0x400, s25;
	v20 =	vld [tilespmem:s0+$0x0]  }
0x296: {  	v21 =	vld [tilespmem:s30+$0xFFFFFFC0]  }
0x297: {  	v22 =	vld [tilespmem:s0+$0xFFFFFFA0]  }
0x298: {  	v23 =	vld [tilespmem:s30+$0xFFFFFFD0];
	v3 =	vadd.f32 v3, v2  }
0x299: {  	v58 =	vld [tilespmem:s30+$0xFFFFFFF0]  }
0x29a: {  	[tilespmem:s25+$0x30] =	vst v3;
	v3 =	vadd.f32 v6, v5;
	v6 =	vld [tilespmem:s25+$0x20]  }
0x29b: {  	v17 =	vadd.f32 v8, v7;
	v16 =	vld [tilespmem:s20+$0x30]  }
0x29c: {  	v8 =	vld [tilespmem:s24+$0xFFFFFF90];
	[tilespmem:s25+$0xFFFFFFD0] =	vst v3;
	v3 =	vadd.f32 v10, v9  }
0x29d: {  	[tilespmem:s25+$0xFFFFFFE0] =	vst v17;
	v10 =	vadd.f32 v12, v11;
	v12 =	vld [tilespmem:s20+$0xFFFFFFD0]  }
0x29e: {  	[tilespmem:s25+$0xFFFFFFF0] =	vst v3;
	v3 =	vadd.f32 v14, v13;
	v14 =	vld [tilespmem:s20+$0xFFFFFFE0]  }
0x29f: {  	[tilespmem:s25+$0x0] =	vst v10;
	v10 =	vld [tilespmem:s20+$0xFFFFFFF0];
	v6 =	vadd.f32 v6, v15  }
0x2a0: {  	v16 =	vadd.f32 v16, v2;
	[tilespmem:s25+$0x10] =	vst v3;
	v3 =	vld [tilespmem:s20+$0x0]  }
0x2a1: {  	v4 =	vadd.f32 v4, v8;
	v53 =	vld [tilespmem:s20+$0x10];
	[tilespmem:s25+$0x20] =	vst v6  }
0x2a2: {  	[tilespmem:s20+$0x30] =	vst v16;
	v6 =	vadd.f32 v12, v5;
	v12 =	vld [tilespmem:s20+$0x20]  }
0x2a3: {  	[tilespmem:s25+$0xFFFFFFC0] =	vst v4;
	v16 =	vld [tilespmem:s23+$0x30];
	v4 =	vadd.f32 v14, v7  }
0x2a4: {  	v14 =	vld [tilespmem:s20+$0xFFFFFFC0];
	[tilespmem:s20+$0xFFFFFFD0] =	vst v6;
	v6 =	vadd.f32 v10, v9  }
0x2a5: {  	v10 =	vld [tilespmem:s23+$0xFFFFFFD0];
	[tilespmem:s20+$0xFFFFFFE0] =	vst v4;
	v3 =	vadd.f32 v3, v11  }
0x2a6: {  	v4 =	vld [tilespmem:s23+$0xFFFFFFE0];
	[tilespmem:s20+$0xFFFFFFF0] =	vst v6;
	v6 =	vadd.f32 v53, v13  }
0x2a7: {  	v54 =	vld [tilespmem:s23+$0xFFFFFFF0];
	[tilespmem:s20+$0x0] =	vst v3;
	v3 =	vadd.f32 v12, v15  }
0x2a8: {  	v12 =	vadd.f32 v16, v2;
	v55 =	vld [tilespmem:s23+$0x0];
	[tilespmem:s20+$0x10] =	vst v6  }
0x2a9: {  	v6 =	vadd.f32 v14, v8;
	v14 =	vld [tilespmem:s23+$0x10];
	[tilespmem:s20+$0x20] =	vst v3  }
0x2aa: {  	[tilespmem:s23+$0x30] =	vst v12;
	v3 =	vadd.f32 v10, v5;
	v10 =	vld [tilespmem:s23+$0x20]  }
0x2ab: {  	[tilespmem:s20+$0xFFFFFFC0] =	vst v6;
	v12 =	vld [tilespmem:s26+$0x30];
	v4 =	vadd.f32 v4, v7  }
0x2ac: {  	v6 =	vld [tilespmem:s23+$0xFFFFFFC0];
	[tilespmem:s23+$0xFFFFFFD0] =	vst v3;
	v3 =	vadd.f32 v54, v9  }
0x2ad: {  	v56 =	vld [tilespmem:s26+$0xFFFFFFD0];
	[tilespmem:s23+$0xFFFFFFE0] =	vst v4;
	v4 =	vadd.f32 v55, v11  }
0x2ae: {  	v57 =	vld [tilespmem:s26+$0xFFFFFFE0];
	[tilespmem:s23+$0xFFFFFFF0] =	vst v3  }
0x2af: {  	v3 =	vadd.f32 v14, v13;
	v14 =	vld [tilespmem:s26+$0xFFFFFFF0];
	[tilespmem:s23+$0x0] =	vst v4;
	v4 =	vadd.f32 v10, v15  }
0x2b0: {  	v10 =	vld [tilespmem:s26+$0x0]  }
0x2b1: {  	[tilespmem:s23+$0x20] =	vst v4;
	v4 =	vld [tilespmem:s30+$0x30]  }
0x2b2: {  	[tilespmem:s23+$0x10] =	vst v3;
	v3 =	vld [tilespmem:s0+$0xFFFFFFB0]  }
0x2b3: {  	v2 =	vadd.f32 v12, v2;
	v12 =	vld [tilespmem:s30+$0xFFFFFFE0]  }
0x2b4: {  	v18 =	vld [tilespmem:s26+$0x10];
	v5 =	vadd.f32 v56, v5  }
0x2b5: {  	v19 =	vld [tilespmem:s26+$0x20];
	[tilespmem:s26+$0x30] =	vst v2;
	v2 =	vadd.f32 v6, v8  }
0x2b6: {  	[tilespmem:s26+$0xFFFFFFD0] =	vst v5;
	v5 =	vld [tilespmem:s0+$0xFFFFFFD0];
	v24 =	vadd.f32 v4, v20  }
0x2b7: {  	[tilespmem:s23+$0xFFFFFFC0] =	vst v2;
	v2 =	vadd.f32 v57, v7;
	v6 =	vadd.f32 v14, v9;
	v9 =	vld [tilespmem:s30+$0x0]  }
0x2b8: {  	s2 =	sadd.s32 $0x400, s20;
	v14 =	vld [tilespmem:s30+$0x20];
	[tilespmem:s30+$0x30] =	vst v24  }
0x2b9: {  	v12 =	vadd.f32 v12, v3;
	[tilespmem:s26+$0xFFFFFFE0] =	vst v2;
	v59 =	vld [tilespmem:s2+$0x30]  }
0x2ba: {  	v4 =	vld [tilespmem:s0+$0xFFFFFFC0];
	v2 =	vadd.f32 v10, v11;
	[tilespmem:s26+$0xFFFFFFF0] =	vst v6  }
0x2bb: {  	v7 =	vadd.f32 v18, v13;
	v6 =	vld [tilespmem:s0+$0xFFFFFFE0];
	[tilespmem:s30+$0xFFFFFFE0] =	vst v12  }
0x2bc: {  	v10 =	vld [tilespmem:s30+$0x10];
	[tilespmem:s26+$0x0] =	vst v2;
	v2 =	vadd.f32 v19, v15  }
0x2bd: {  	v13 =	vadd.f32 v23, v22;
	[tilespmem:s26+$0x10] =	vst v7;
	v7 =	vld [tilespmem:s0+$0xFFFFFFF0]  }
0x2be: {  	[tilespmem:s26+$0x20] =	vst v2;
	v2 =	vld [tilespmem:s0+$0xFFFFFF90];
	v11 =	vadd.f32 v59, v20  }
0x2bf: {  	[tilespmem:s30+$0xFFFFFFD0] =	vst v13;
	v9 =	vadd.f32 v9, v5  }
0x2c0: {  	s7 =	sadd.s32 $0x400, s23;
	v12 =	vld [tilespmem:s2+$0xFFFFFFD0];
	[tilespmem:s2+$0x30] =	vst v11;
	v11 =	vadd.f32 v58, v4  }
0x2c1: {  	v10 =	vadd.f32 v10, v6;
	[tilespmem:s30+$0x0] =	vst v9;
	v13 =	vld [tilespmem:s7+$0x30]  }
0x2c2: {  	v14 =	vadd.f32 v14, v7;
	[tilespmem:s30+$0xFFFFFFF0] =	vst v11;
	v11 =	vld [tilespmem:s2+$0xFFFFFFE0]  }
0x2c3: {  	[tilespmem:s30+$0x10] =	vst v10;
	v10 =	vadd.f32 v21, v2;
	v9 =	vld [tilespmem:s2+$0xFFFFFFF0]  }
0x2c4: {  	v15 =	vld [tilespmem:s2+$0x0];
	[tilespmem:s30+$0x20] =	vst v14  }
0x2c5: {  	v60 =	vld [tilespmem:s2+$0x10];
	[tilespmem:s30+$0xFFFFFFC0] =	vst v10;
	v10 =	vadd.f32 v12, v22  }
0x2c6: {  	v12 =	vld [tilespmem:s2+$0x20];
	v13 =	vadd.f32 v13, v20  }
0x2c7: {  	v14 =	vld [tilespmem:s2+$0xFFFFFFC0];
	[tilespmem:s2+$0xFFFFFFD0] =	vst v10;
	v11 =	vadd.f32 v11, v3  }
0x2c8: {  	s28 =	sadd.s32 $0x400, s26;
	[tilespmem:s7+$0x30] =	vst v13;
	v9 =	vadd.f32 v9, v4;
	v13 =	vld [tilespmem:s7+$0xFFFFFFD0]  }
0x2c9: {  	v10 =	vld [tilespmem:s28+$0x30];
	[tilespmem:s2+$0xFFFFFFE0] =	vst v11;
	v11 =	vadd.f32 v15, v5  }
0x2ca: {  	v15 =	vld [tilespmem:s7+$0xFFFFFFE0];
	[tilespmem:s2+$0xFFFFFFF0] =	vst v9;
	v9 =	vadd.f32 v60, v6  }
0x2cb: {  	v61 =	vld [tilespmem:s7+$0xFFFFFFF0];
	[tilespmem:s2+$0x0] =	vst v11;
	v11 =	vadd.f32 v12, v7  }
0x2cc: {  	v12 =	vadd.f32 v14, v2;
	v14 =	vld [tilespmem:s7+$0x0];
	[tilespmem:s2+$0x10] =	vst v9  }
0x2cd: {  	v9 =	vld [tilespmem:s7+$0x10];
	[tilespmem:s2+$0x20] =	vst v11;
	v11 =	vadd.f32 v13, v22  }
0x2ce: {  	[tilespmem:s2+$0xFFFFFFC0] =	vst v12;
	v10 =	vadd.f32 v10, v20;
	v13 =	vld [tilespmem:s7+$0x20]  }
0x2cf: {  	v62 =	vld [tilespmem:s7+$0xFFFFFFC0];
	v12 =	vadd.f32 v15, v3;
	[tilespmem:s7+$0xFFFFFFD0] =	vst v11  }
0x2d0: {  	v15 =	vld [tilespmem:s26+$0xFFFFFFC0];
	[tilespmem:s28+$0x30] =	vst v10;
	v10 =	vadd.f32 v61, v4  }
0x2d1: {  	v63 =	vld [tilespmem:s28+$0xFFFFFFD0];
	[tilespmem:s7+$0xFFFFFFE0] =	vst v12;
	v11 =	vadd.f32 v14, v5  }
0x2d2: {  	v12 =	vld [tilespmem:s28+$0xFFFFFFE0];
	[tilespmem:s7+$0xFFFFFFF0] =	vst v10;
	v10 =	vadd.f32 v9, v6  }
0x2d3: {  	v9 =	vld [tilespmem:s28+$0xFFFFFFF0];
	[tilespmem:s7+$0x0] =	vst v11;
	v13 =	vadd.f32 v13, v7  }
0x2d4: {  	v17 =	vadd.f32 v62, v2;
	v11 =	vld [tilespmem:s28+$0x0];
	[tilespmem:s7+$0x10] =	vst v10  }
0x2d5: {  	v14 =	vadd.f32 v15, v8;
	v10 =	vld [tilespmem:s28+$0x10];
	[tilespmem:s7+$0x20] =	vst v13  }
0x2d6: {  	s29 =	simm.s32 $0x80;
	s31 =	smov.u32 s26;
	s0 =	sadd.s32 $0x400, s0;
	[tilespmem:s7+$0xFFFFFFC0] =	vst v17;
	v8 =	vadd.f32 v63, v22;
	v13 =	vld [tilespmem:s28+$0x20]  }
.LBB2_11:
0x2d7: {  	v15 =	vld [tilespmem:s0+$0x0];
	v3 =	vadd.f32 v12, v3;
	s30 =	sadd.s32 $0x400, s30;
	[tilespmem:s31+$0xFFFFFFC0] =	vst v14;
	s31 =	smov.u32 s28  }
0x2d8: {  	s29 =	sadd.s32 $0x80, s29;
	v12 =	vld [tilespmem:s30+$0x30];
	[tilespmem:s28+$0xFFFFFFD0] =	vst v8;
	v4 =	vadd.f32 v9, v4  }
0x2d9: {  	p0 =	slt.u32 s29, $0x280;
	v9 =	vld [tilespmem:s30+$0xFFFFFFC0];
	[tilespmem:s28+$0xFFFFFFE0] =	vst v3;
	v3 =	vadd.f32 v11, v5  }
0x2da: {  	v8 =	vld [tilespmem:s0+$0xFFFFFFA0];
	[tilespmem:s28+$0xFFFFFFF0] =	vst v4;
	v4 =	vadd.f32 v10, v6  }
0x2db: {  	v5 =	vld [tilespmem:s30+$0xFFFFFFD0];
	[tilespmem:s28+$0x0] =	vst v3;
	v6 =	vadd.f32 v13, v7  }
0x2dc: {  	v3 =	vld [tilespmem:s0+$0xFFFFFFB0];
	[tilespmem:s28+$0x10] =	vst v4  }
0x2dd: {  	v7 =	vld [tilespmem:s30+$0xFFFFFFE0];
	v10 =	vadd.f32 v12, v15;
	[tilespmem:s28+$0x20] =	vst v6  }
0x2de: {  	v4 =	vld [tilespmem:s0+$0xFFFFFFC0]  }
0x2df: {  	s2 =	sadd.s32 $0x400, s2;
	v11 =	vld [tilespmem:s30+$0xFFFFFFF0];
	[tilespmem:s30+$0x30] =	vst v10  }
0x2e0: {  	v6 =	vadd.f32 v5, v8;
	v10 =	vld [tilespmem:s2+$0x30]  }
0x2e1: {  	v5 =	vld [tilespmem:s0+$0xFFFFFFD0]  }
0x2e2: {  	[tilespmem:s30+$0xFFFFFFD0] =	vst v6;
	v7 =	vadd.f32 v7, v3;
	v12 =	vld [tilespmem:s30+$0x0]  }
0x2e3: {  	v6 =	vld [tilespmem:s0+$0xFFFFFFE0]  }
0x2e4: {  	[tilespmem:s30+$0xFFFFFFE0] =	vst v7;
	v11 =	vadd.f32 v11, v4;
	v13 =	vld [tilespmem:s30+$0x10]  }
0x2e5: {  	v7 =	vld [tilespmem:s0+$0xFFFFFFF0];
	v10 =	vadd.f32 v10, v15  }
0x2e6: {  	[tilespmem:s30+$0xFFFFFFF0] =	vst v11;
	v11 =	vld [tilespmem:s30+$0x20]  }
0x2e7: {  	s7 =	sadd.s32 $0x400, s7;
	v16 =	vld [tilespmem:s0+$0xFFFFFF90];
	v12 =	vadd.f32 v12, v5;
	[tilespmem:s2+$0x30] =	vst v10  }
0x2e8: {  	v10 =	vld [tilespmem:s7+$0x30]  }
0x2e9: {  	v14 =	vld [tilespmem:s2+$0xFFFFFFD0];
	[tilespmem:s30+$0x0] =	vst v12;
	v12 =	vadd.f32 v13, v6  }
0x2ea: {  	v13 =	vld [tilespmem:s2+$0xFFFFFFE0]  }
0x2eb: {  	v17 =	vld [tilespmem:s2+$0xFFFFFFF0];
	[tilespmem:s30+$0x10] =	vst v12;
	v11 =	vadd.f32 v11, v7  }
0x2ec: {  	v9 =	vadd.f32 v9, v16;
	v12 =	vld [tilespmem:s2+$0x0]  }
0x2ed: {  	v18 =	vld [tilespmem:s2+$0x10];
	[tilespmem:s30+$0x20] =	vst v11;
	v10 =	vadd.f32 v10, v15  }
0x2ee: {  	[tilespmem:s30+$0xFFFFFFC0] =	vst v9;
	v9 =	vadd.f32 v14, v8;
	v11 =	vld [tilespmem:s2+$0x20]  }
0x2ef: {  	s28 =	sadd.s32 $0x400, s28;
	v14 =	vld [tilespmem:s2+$0xFFFFFFC0];
	v13 =	vadd.f32 v13, v3;
	[tilespmem:s7+$0x30] =	vst v10  }
0x2f0: {  	[tilespmem:s2+$0xFFFFFFD0] =	vst v9;
	v9 =	vadd.f32 v17, v4;
	v10 =	vld [tilespmem:s28+$0x30]  }
0x2f1: {  	v17 =	vld [tilespmem:s7+$0xFFFFFFD0];
	[tilespmem:s2+$0xFFFFFFE0] =	vst v13;
	v12 =	vadd.f32 v12, v5  }
0x2f2: {  	v13 =	vld [tilespmem:s7+$0xFFFFFFE0];
	[tilespmem:s2+$0xFFFFFFF0] =	vst v9;
	v9 =	vadd.f32 v18, v6  }
0x2f3: {  	v18 =	vld [tilespmem:s7+$0xFFFFFFF0];
	[tilespmem:s2+$0x0] =	vst v12;
	v11 =	vadd.f32 v11, v7  }
0x2f4: {  	v12 =	vadd.f32 v14, v16;
	v14 =	vld [tilespmem:s7+$0x0];
	[tilespmem:s2+$0x10] =	vst v9  }
0x2f5: {  	v9 =	vld [tilespmem:s7+$0x10];
	[tilespmem:s2+$0x20] =	vst v11;
	v10 =	vadd.f32 v10, v15  }
0x2f6: {  	[tilespmem:s2+$0xFFFFFFC0] =	vst v12;
	v11 =	vadd.f32 v17, v8;
	v15 =	vld [tilespmem:s7+$0x20]  }
0x2f7: {  	v17 =	vld [tilespmem:s7+$0xFFFFFFC0];
	v12 =	vadd.f32 v13, v3;
	[tilespmem:s28+$0x30] =	vst v10  }
0x2f8: {  	[tilespmem:s7+$0xFFFFFFD0] =	vst v11;
	v10 =	vadd.f32 v18, v4;
	v13 =	vld [tilespmem:s31+$0xFFFFFFC0]  }
0x2f9: {  	v18 =	vld [tilespmem:s28+$0xFFFFFFD0];
	[tilespmem:s7+$0xFFFFFFE0] =	vst v12;
	v11 =	vadd.f32 v14, v5  }
.Ltmp4:
0x2fa: {  	v12 =	vld [tilespmem:s28+$0xFFFFFFE0];
	[tilespmem:s7+$0xFFFFFFF0] =	vst v10;
	v10 =	vadd.f32 v9, v6;
	(pc) =	sbr.rel @p0 .LBB2_11-.Ltmp4, $4  }
0x2fb: {  	v9 =	vld [tilespmem:s28+$0xFFFFFFF0];
	[tilespmem:s7+$0x0] =	vst v11;
	v14 =	vadd.f32 v15, v7  }
0x2fc: {  	v15 =	vadd.f32 v17, v16;
	v11 =	vld [tilespmem:s28+$0x0];
	[tilespmem:s7+$0x10] =	vst v10  }
0x2fd: {  	v10 =	vld [tilespmem:s28+$0x10];
	[tilespmem:s7+$0x20] =	vst v14;
	v14 =	vadd.f32 v13, v2;
	v2 =	vmov v16  }
0x2fe: {  	s0 =	sadd.s32 $0x400, s0;
	[tilespmem:s7+$0xFFFFFFC0] =	vst v15;
	v8 =	vadd.f32 v18, v8;
	v13 =	vld [tilespmem:s28+$0x20]  }
0x2ff: {  	v3 =	vadd.f32 v12, v3;
	[tilespmem:s31+$0xFFFFFFC0] =	vst v14;
	v62 =	vld [tilespmem:s28+$0xFFFFFFC0]  }
0x300: {  	s16 =	sadd.s32 $0x1, s16;
	[tilespmem:s28+$0xFFFFFFD0] =	vst v8;
	v4 =	vadd.f32 v9, v4  }
0x301: {  	p0 =	sne.s32 s16, $0x8;
	[tilespmem:s28+$0xFFFFFFE0] =	vst v3;
	v3 =	vadd.f32 v11, v5  }
.Ltmp5:
0x302: {  	[tilespmem:s28+$0xFFFFFFF0] =	vst v4;
	v63 =	vadd.f32 v10, v6;
	(pc) =	sbr.rel @p0 .LBB2_10-.Ltmp5, $4  }
0x303: {  	[tilespmem:s28+$0x0] =	vst v3;
	v3 =	vadd.f32 v13, v7  }
0x304: {  	[tilespmem:s28+$0x10] =	vst v63;
	v2 =	vadd.f32 v62, v2  }
0x305: {  	s24 =	sadd.s32 $0x80, s24;
	s25 =	sadd.s32 $0x80, s25;
	[tilespmem:s28+$0x20] =	vst v3  }
0x306: {  	s20 =	sadd.s32 $0x80, s20;
	s23 =	sadd.s32 $0x80, s23;
	s26 =	sadd.s32 $0x80, s26;
	[tilespmem:s28+$0xFFFFFFC0] =	vst v2  }
0x307: {  	s16 =	simm.s32 $0x0;
	s0 =	rddreg [dreg:$0x12];
	s2 =	simm.s32 $0xF200  }
0x308: {  	[hbm4b:s0+s16] =	stream.linear.scatter [tilespmem:s2], [sflag:$0x11], $0x1800, $0x38;
	[tilespmem:$0x1E200] =	vst v63  }
0x309: {  	s23 =	rddreg [dreg:$0x19];
	s7 =	simm.s32 $0x13A00  }
0x30a: {  	[hbm4b:s23+s16] =	stream.linear.scatter [tilespmem:s7], [sflag:$0x14], $0x1800, $0x38;
	[tilespmem:$0x1E200] =	vst v63  }
0x30b: {  	s24 =	rddreg [dreg:$0x1a];
	s20 =	simm.s32 $0x18200  }
0x30c: {  	[hbm4b:s24+s16] =	stream.linear.scatter [tilespmem:s20], [sflag:$0x17], $0x1800, $0x38;
	[tilespmem:$0x1E200] =	vst v63  }
0x30d: {  	s25 =	rddreg [dreg:$0x1b];
	s26 =	simm.s32 $0x11;
	s23 =	simm.s32 $0x1CA00  }
0x30e: {  	[hbm4b:s25+s16] =	stream.linear.scatter [tilespmem:s23], [sflag:$0x1A], $0x1800, $0x38;
	[tilespmem:$0x1E200] =	vst v63  }
0x30f: {  	_ =	swait.ge [sflag:s26], $0x1800  }
0x310: {  	[sflag:s26] =	ssyncset.done $0x0  }
0x311: {  	s29 =	simm.s32 $0x14;
	[sflag:s26] =	ssyncadd.s32 $0xFFFFE800  }
0x312: {  	_ =	swait.ge [sflag:s29], $0x1800  }
0x313: {  	[sflag:s29] =	ssyncset.done $0x0  }
0x314: {  	s30 =	simm.s32 $0x17;
	[sflag:s29] =	ssyncadd.s32 $0xFFFFE800  }
0x315: {  	_ =	swait.ge [sflag:s30], $0x1800  }
0x316: {  	[sflag:s30] =	ssyncset.done $0x0  }
0x317: {  	s31 =	simm.s32 $0x1A;
	[sflag:s30] =	ssyncadd.s32 $0xFFFFE800  }
0x318: {  	_ =	swait.ge [sflag:s31], $0x1800  }
0x319: {  	[sflag:s31] =	ssyncset.done $0x0  }
0x31a: {  	[sflag:s31] =	ssyncadd.s32 $0xFFFFE800  }
0x31b: {  	v2 =	vld.msk [tilespmem:$0x28], $0xff;
	_ =	sdelay $0x4  }
0x31c: {  	v3 =	vshrl.u32 v2, $0x3  }
0x31d: {  	v3 =	vmul.u32 $0x30, v3  }
0x31e: {  	v2 =	vand.u32 $0x7, v2  }
0x31f: {  	v2 =	vor.u32 v2, v3  }
0x320: {  	v2 =	vperm.xlane v2, v0;
	_ =	sdelay $0x1  }
0x321: {  	v2 =	vadd.s32 v1, v2;
	_ =	sdelay $0x4  }
0x322: {  	[tilespmem:s2], [sflag:$0x5] =	stream.indirect_vreg.gather [hbm4b:s1+s16], $0x80, v2, vm0, $0xb8;
	[tilespmem:$0x1E200] =	vst v63  }
0x323: {  	s2 =	simm.s32 $0xFA00  }
0x324: {  	[tilespmem:s2], [sflag:$0x5] =	stream.indirect_vreg.gather [hbm4b:s9+s16], $0x80, v2, vm0, $0xb8;
	[tilespmem:$0x1E200] =	vst v63  }
0x325: {  	s6 =	simm.s32 $0x10200  }
0x326: {  	[tilespmem:s6], [sflag:$0x5] =	stream.indirect_vreg.gather [hbm4b:s11+s16], $0x80, v2, vm0, $0xb8;
	[tilespmem:$0x1E200] =	vst v63  }
0x327: {  	v2 =	vld.msk [tilespmem:$0xA8], $0xff;
	_ =	sdelay $0x4  }
0x328: {  	v3 =	vshrl.u32 v2, $0x3  }
0x329: {  	v3 =	vmul.u32 $0x30, v3  }
0x32a: {  	v2 =	vand.u32 $0x7, v2  }
0x32b: {  	v2 =	vor.u32 v2, v3  }
0x32c: {  	v2 =	vperm.xlane v2, v0;
	_ =	sdelay $0x1  }
0x32d: {  	v2 =	vadd.s32 v1, v2;
	_ =	sdelay $0x4  }
0x32e: {  	[tilespmem:s7], [sflag:$0x8] =	stream.indirect_vreg.gather [hbm4b:s1+s16], $0x80, v2, vm0, $0xb8;
	[tilespmem:$0x1E200] =	vst v63  }
0x32f: {  	s7 =	simm.s32 $0x14200  }
0x330: {  	[tilespmem:s7], [sflag:$0x8] =	stream.indirect_vreg.gather [hbm4b:s9+s16], $0x80, v2, vm0, $0xb8;
	[tilespmem:$0x1E200] =	vst v63  }
0x331: {  	s8 =	simm.s32 $0x14A00  }
0x332: {  	[tilespmem:s8], [sflag:$0x8] =	stream.indirect_vreg.gather [hbm4b:s11+s16], $0x80, v2, vm0, $0xb8;
	[tilespmem:$0x1E200] =	vst v63  }
0x333: {  	v2 =	vld.msk [tilespmem:$0x128], $0xff;
	_ =	sdelay $0x4  }
0x334: {  	v3 =	vshrl.u32 v2, $0x3  }
0x335: {  	v3 =	vmul.u32 $0x30, v3  }
0x336: {  	v2 =	vand.u32 $0x7, v2  }
0x337: {  	v2 =	vor.u32 v2, v3  }
0x338: {  	v2 =	vperm.xlane v2, v0;
	_ =	sdelay $0x1  }
0x339: {  	v2 =	vadd.s32 v1, v2;
	_ =	sdelay $0x4  }
0x33a: {  	[tilespmem:s20], [sflag:$0xB] =	stream.indirect_vreg.gather [hbm4b:s1+s16], $0x80, v2, vm0, $0xb8;
	[tilespmem:$0x1E200] =	vst v63  }
0x33b: {  	s12 =	simm.s32 $0x18A00  }
0x33c: {  	[tilespmem:s12], [sflag:$0xB] =	stream.indirect_vreg.gather [hbm4b:s9+s16], $0x80, v2, vm0, $0xb8;
	[tilespmem:$0x1E200] =	vst v63  }
0x33d: {  	s20 =	simm.s32 $0x19200  }
0x33e: {  	[tilespmem:s20], [sflag:$0xB] =	stream.indirect_vreg.gather [hbm4b:s11+s16], $0x80, v2, vm0, $0xb8;
	[tilespmem:$0x1E200] =	vst v63  }
0x33f: {  	v2 =	vld.msk [tilespmem:$0x1A8], $0xff;
	_ =	sdelay $0x4  }
0x340: {  	v3 =	vshrl.u32 v2, $0x3  }
0x341: {  	v3 =	vmul.u32 $0x30, v3  }
0x342: {  	v2 =	vand.u32 $0x7, v2  }
0x343: {  	v2 =	vor.u32 v2, v3  }
0x344: {  	v2 =	vperm.xlane v2, v0;
	_ =	sdelay $0x1  }
0x345: {  	v2 =	vadd.s32 v1, v2;
	_ =	sdelay $0x4  }
0x346: {  	[tilespmem:s23], [sflag:$0xE] =	stream.indirect_vreg.gather [hbm4b:s1+s16], $0x80, v2, vm0, $0xb8;
	[tilespmem:$0x1E200] =	vst v63  }
0x347: {  	s24 =	simm.s32 $0x1D200  }
0x348: {  	[tilespmem:s24], [sflag:$0xE] =	stream.indirect_vreg.gather [hbm4b:s9+s16], $0x80, v2, vm0, $0xb8;
	[tilespmem:$0x1E200] =	vst v63  }
0x349: {  	s25 =	simm.s32 $0x1DA00;
	s26 =	simm.s32 $0x3  }
0x34a: {  	[tilespmem:s25], [sflag:$0xE] =	stream.indirect_vreg.gather [hbm4b:s11+s16], $0x80, v2, vm0, $0xb8;
	[tilespmem:$0x1E200] =	vst v63  }
0x34b: {  	_ =	swait.ge [sflag:s26], $0x1800  }
0x34c: {  	[sflag:s26] =	ssyncset.done $0x0  }
0x34d: {  	s29 =	simm.s32 $0x6;
	[sflag:s26] =	ssyncadd.s32 $0xFFFFE800  }
0x34e: {  	_ =	swait.ge [sflag:s29], $0x1800  }
0x34f: {  	[sflag:s29] =	ssyncset.done $0x0  }
0x350: {  	s30 =	simm.s32 $0x9;
	[sflag:s29] =	ssyncadd.s32 $0xFFFFE800  }
0x351: {  	_ =	swait.ge [sflag:s30], $0x1800  }
0x352: {  	s4 =	simm.s32 $0xF200;
	s28 =	simm.s32 $0x19A00;
	[sflag:s30] =	ssyncset.done $0x0  }
0x353: {  	s31 =	simm.s32 $0xC;
	s6 =	simm.s32 $0x13A00;
	[sflag:s30] =	ssyncadd.s32 $0xFFFFE800  }
0x354: {  	s8 =	simm.s32 $0x18200;
	s12 =	simm.s32 $0x1CA00;
	_ =	swait.ge [sflag:s31], $0x1800  }
0x355: {  	s20 =	simm.s32 $0x0;
	s24 =	simm.s32 $0xC200;
	[sflag:s31] =	ssyncset.done $0x0  }
0x356: {  	s25 =	simm.s32 $0x10A00;
	s26 =	simm.s32 $0x15200;
	[sflag:s31] =	ssyncadd.s32 $0xFFFFE800  }
.LBB2_14:
0x357: {  	s23 =	sshra.s32 s16, $0x2  }
0x358: {  	v2 =	vld [tilespmem:s23+$0x4A70]  }
0x359: {  	v3 =	vld [tilespmem:s23+$0x19A70]  }
0x35a: {  	v4 =	vld [tilespmem:s23+$0x4A00]  }
0x35b: {  	v5 =	vld [tilespmem:s23+$0xC200]  }
0x35c: {  	v6 =	vld [tilespmem:s23+$0x10A00]  }
0x35d: {  	v7 =	vld [tilespmem:s23+$0x15200]  }
0x35e: {  	v8 =	vld [tilespmem:s23+$0x19A00]  }
0x35f: {  	v9 =	vld [tilespmem:s23+$0x4A10]  }
0x360: {  	v10 =	vld [tilespmem:s23+$0xC210]  }
0x361: {  	v11 =	vld [tilespmem:s23+$0x10A10]  }
0x362: {  	v12 =	vld [tilespmem:s23+$0x15210]  }
0x363: {  	v13 =	vld [tilespmem:s23+$0x19A10]  }
0x364: {  	v14 =	vld [tilespmem:s23+$0x4A20];
	v3 =	vadd.f32 v3, v2  }
0x365: {  	v15 =	vld [tilespmem:s23+$0xC220];
	v5 =	vadd.f32 v5, v4  }
0x366: {  	v63 =	vld [tilespmem:s23+$0x19A30];
	[tilespmem:s23+$0x19A70] =	vst v3;
	v3 =	vadd.f32 v6, v4  }
0x367: {  	v6 =	vld [tilespmem:s23+$0x10A20];
	[tilespmem:s23+$0xC200] =	vst v5;
	v5 =	vadd.f32 v7, v4  }
0x368: {  	v7 =	vld [tilespmem:s23+$0x15220];
	[tilespmem:s23+$0x10A00] =	vst v3;
	v3 =	vadd.f32 v8, v4  }
0x369: {  	v4 =	vld [tilespmem:s23+$0x19A20];
	[tilespmem:s23+$0x15200] =	vst v5;
	v5 =	vadd.f32 v10, v9  }
0x36a: {  	v8 =	vld [tilespmem:s23+$0x4A30];
	[tilespmem:s23+$0x19A00] =	vst v3;
	v3 =	vadd.f32 v11, v9  }
0x36b: {  	v10 =	vld [tilespmem:s23+$0xC230];
	[tilespmem:s23+$0xC210] =	vst v5;
	v5 =	vadd.f32 v12, v9  }
0x36c: {  	v11 =	vld [tilespmem:s23+$0x10A30];
	[tilespmem:s23+$0x10A10] =	vst v3;
	v3 =	vadd.f32 v13, v9  }
0x36d: {  	v9 =	vld [tilespmem:s23+$0x15230];
	[tilespmem:s23+$0x15210] =	vst v5;
	v5 =	vadd.f32 v15, v14  }
0x36e: {  	[tilespmem:s23+$0x19A10] =	vst v3;
	v3 =	vadd.f32 v6, v14;
	v6 =	vld [tilespmem:s23+$0x4A40]  }
0x36f: {  	[tilespmem:s23+$0xC220] =	vst v5;
	v5 =	vadd.f32 v7, v14;
	v7 =	vld [tilespmem:s23+$0xC240]  }
0x370: {  	[tilespmem:s23+$0x10A20] =	vst v3;
	v3 =	vadd.f32 v4, v14;
	v4 =	vld [tilespmem:s23+$0x10A40]  }
0x371: {  	[tilespmem:s23+$0x15220] =	vst v5;
	v5 =	vadd.f32 v10, v8;
	v10 =	vld [tilespmem:s23+$0x15240]  }
0x372: {  	[tilespmem:s23+$0x19A20] =	vst v3;
	v3 =	vadd.f32 v11, v8;
	v11 =	vld [tilespmem:s23+$0x19A40]  }
0x373: {  	[tilespmem:s23+$0xC230] =	vst v5;
	v5 =	vadd.f32 v9, v8;
	v9 =	vld [tilespmem:s23+$0x4A50]  }
0x374: {  	[tilespmem:s23+$0x10A30] =	vst v3;
	v3 =	vadd.f32 v63, v8;
	v8 =	vld [tilespmem:s23+$0xC250]  }
0x375: {  	[tilespmem:s23+$0x15230] =	vst v5;
	v5 =	vadd.f32 v7, v6;
	v7 =	vld [tilespmem:s23+$0x10A50]  }
0x376: {  	[tilespmem:s23+$0x19A30] =	vst v3;
	v3 =	vadd.f32 v4, v6;
	v4 =	vld [tilespmem:s23+$0x15250]  }
0x377: {  	[tilespmem:s23+$0xC240] =	vst v5;
	v5 =	vadd.f32 v10, v6;
	v10 =	vld [tilespmem:s23+$0x19A50]  }
0x378: {  	v6 =	vadd.f32 v11, v6;
	v11 =	vld [tilespmem:s23+$0xC260];
	[tilespmem:s23+$0x10A40] =	vst v3  }
0x379: {  	v3 =	vld [tilespmem:s23+$0x4A60];
	[tilespmem:s23+$0x15240] =	vst v5;
	v5 =	vadd.f32 v8, v9  }
0x37a: {  	[tilespmem:s23+$0x19A40] =	vst v6;
	v6 =	vadd.f32 v7, v9;
	v8 =	vld [tilespmem:s23+$0x10A60]  }
0x37b: {  	[tilespmem:s23+$0xC250] =	vst v5;
	v4 =	vadd.f32 v4, v9;
	v5 =	vld [tilespmem:s23+$0x15260]  }
0x37c: {  	[tilespmem:s23+$0x10A50] =	vst v6;
	v7 =	vadd.f32 v10, v9;
	v6 =	vld [tilespmem:s23+$0x19A60]  }
0x37d: {  	[tilespmem:s23+$0x15250] =	vst v4;
	v4 =	vld [tilespmem:s23+$0xC270]  }
0x37e: {  	s0 =	simm.s32 $0x0;
	s2 =	sadd.s32 $0x1000, s16;
	[tilespmem:s23+$0x19A50] =	vst v7;
	v9 =	vadd.f32 v11, v3;
	v7 =	vld [tilespmem:s23+$0x10A70]  }
.LBB2_15:
0x37f: {  	s7 =	sshra.s32 s2, $0x2;
	v8 =	vadd.f32 v8, v3;
	v10 =	vld [tilespmem:s23+$0x15270]  }
0x380: {  	s0 =	sadd.s32 $0x80, s0;
	v11 =	vld [tilespmem:s7+$0x4A70];
	[tilespmem:s23+$0xC260] =	vst v9;
	v5 =	vadd.f32 v5, v3  }
0x381: {  	p0 =	slt.u32 s0, $0x280;
	v9 =	vld [tilespmem:s7+$0x19A70];
	[tilespmem:s23+$0x10A60] =	vst v8;
	v3 =	vadd.f32 v6, v3  }
0x382: {  	v6 =	vld [tilespmem:s7+$0x4A00];
	[tilespmem:s23+$0x15260] =	vst v5;
	v4 =	vadd.f32 v4, v2  }
0x383: {  	v5 =	vld [tilespmem:s7+$0xC200];
	[tilespmem:s23+$0x19A60] =	vst v3;
	v3 =	vadd.f32 v7, v2  }
0x384: {  	v7 =	vld [tilespmem:s7+$0x10A00];
	[tilespmem:s23+$0xC270] =	vst v4;
	v4 =	vadd.f32 v10, v2  }
0x385: {  	v8 =	vld [tilespmem:s7+$0x15200];
	[tilespmem:s23+$0x10A70] =	vst v3;
	v2 =	vmov v11  }
0x386: {  	v3 =	vld [tilespmem:s7+$0x19A00];
	v9 =	vadd.f32 v9, v2;
	[tilespmem:s23+$0x15270] =	vst v4;
	s23 =	smov.u32 s7  }
0x387: {  	v4 =	vld [tilespmem:s23+$0x4A10]  }
0x388: {  	v5 =	vadd.f32 v5, v6;
	v10 =	vld [tilespmem:s23+$0xC210];
	[tilespmem:s23+$0x19A70] =	vst v9  }
0x389: {  	v7 =	vadd.f32 v7, v6;
	v9 =	vld [tilespmem:s23+$0x10A10]  }
0x38a: {  	[tilespmem:s23+$0xC200] =	vst v5;
	v5 =	vadd.f32 v8, v6;
	v8 =	vld [tilespmem:s23+$0x15210]  }
0x38b: {  	[tilespmem:s23+$0x10A00] =	vst v7;
	v3 =	vadd.f32 v3, v6;
	v6 =	vld [tilespmem:s23+$0x19A10]  }
0x38c: {  	[tilespmem:s23+$0x15200] =	vst v5;
	v5 =	vld [tilespmem:s23+$0x4A20]  }
0x38d: {  	[tilespmem:s23+$0x19A00] =	vst v3;
	v3 =	vadd.f32 v10, v4;
	v7 =	vld [tilespmem:s23+$0xC220]  }
0x38e: {  	v9 =	vadd.f32 v9, v4;
	v10 =	vld [tilespmem:s23+$0x10A20]  }
0x38f: {  	[tilespmem:s23+$0xC210] =	vst v3;
	v3 =	vadd.f32 v8, v4;
	v8 =	vld [tilespmem:s23+$0x15220]  }
0x390: {  	[tilespmem:s23+$0x10A10] =	vst v9;
	v4 =	vadd.f32 v6, v4;
	v6 =	vld [tilespmem:s23+$0x19A20]  }
0x391: {  	[tilespmem:s23+$0x15210] =	vst v3;
	v3 =	vld [tilespmem:s23+$0x4A30]  }
0x392: {  	[tilespmem:s23+$0x19A10] =	vst v4;
	v4 =	vadd.f32 v7, v5;
	v7 =	vld [tilespmem:s23+$0xC230]  }
0x393: {  	v9 =	vadd.f32 v10, v5;
	v10 =	vld [tilespmem:s23+$0x10A30]  }
0x394: {  	[tilespmem:s23+$0xC220] =	vst v4;
	v4 =	vadd.f32 v8, v5;
	v8 =	vld [tilespmem:s23+$0x15230]  }
0x395: {  	[tilespmem:s23+$0x10A20] =	vst v9;
	v5 =	vadd.f32 v6, v5;
	v6 =	vld [tilespmem:s23+$0x19A30]  }
0x396: {  	[tilespmem:s23+$0x15220] =	vst v4;
	v4 =	vld [tilespmem:s23+$0x4A40]  }
0x397: {  	[tilespmem:s23+$0x19A20] =	vst v5;
	v5 =	vadd.f32 v7, v3;
	v7 =	vld [tilespmem:s23+$0xC240]  }
0x398: {  	v9 =	vadd.f32 v10, v3;
	v10 =	vld [tilespmem:s23+$0x10A40]  }
0x399: {  	[tilespmem:s23+$0xC230] =	vst v5;
	v5 =	vadd.f32 v8, v3;
	v8 =	vld [tilespmem:s23+$0x15240]  }
0x39a: {  	[tilespmem:s23+$0x10A30] =	vst v9;
	v3 =	vadd.f32 v6, v3;
	v6 =	vld [tilespmem:s23+$0x19A40]  }
0x39b: {  	[tilespmem:s23+$0x15230] =	vst v5;
	v9 =	vld [tilespmem:s23+$0x4A50]  }
0x39c: {  	[tilespmem:s23+$0x19A30] =	vst v3;
	v3 =	vadd.f32 v7, v4;
	v5 =	vld [tilespmem:s23+$0xC250]  }
0x39d: {  	v7 =	vadd.f32 v10, v4;
	v10 =	vld [tilespmem:s23+$0x10A50]  }
0x39e: {  	[tilespmem:s23+$0xC240] =	vst v3;
	v3 =	vadd.f32 v8, v4;
	v11 =	vld [tilespmem:s23+$0x15250]  }
0x39f: {  	[tilespmem:s23+$0x10A40] =	vst v7;
	v4 =	vadd.f32 v6, v4;
	v6 =	vld [tilespmem:s23+$0x19A50]  }
0x3a0: {  	[tilespmem:s23+$0x15240] =	vst v3;
	v3 =	vld [tilespmem:s23+$0x4A60]  }
0x3a1: {  	[tilespmem:s23+$0x19A40] =	vst v4;
	v4 =	vadd.f32 v5, v9;
	v7 =	vld [tilespmem:s23+$0xC260]  }
.Ltmp6:
0x3a2: {  	v10 =	vadd.f32 v10, v9;
	v8 =	vld [tilespmem:s23+$0x10A60];
	(pc) =	sbr.rel @p0 .LBB2_15-.Ltmp6, $4  }
0x3a3: {  	[tilespmem:s23+$0xC250] =	vst v4;
	v4 =	vadd.f32 v11, v9;
	v5 =	vld [tilespmem:s23+$0x15260]  }
0x3a4: {  	[tilespmem:s23+$0x10A50] =	vst v10;
	v9 =	vadd.f32 v6, v9;
	v6 =	vld [tilespmem:s23+$0x19A60]  }
0x3a5: {  	[tilespmem:s23+$0x15250] =	vst v4;
	v4 =	vld [tilespmem:s23+$0xC270]  }
0x3a6: {  	s2 =	sadd.s32 $0x1000, s2;
	[tilespmem:s23+$0x19A50] =	vst v9;
	v9 =	vadd.f32 v7, v3;
	v7 =	vld [tilespmem:s23+$0x10A70]  }
0x3a7: {  	v8 =	vadd.f32 v8, v3;
	v10 =	vld [tilespmem:s23+$0x15270]  }
0x3a8: {  	s20 =	sadd.s32 $0x1, s20;
	[tilespmem:s23+$0xC260] =	vst v9;
	v5 =	vadd.f32 v5, v3  }
0x3a9: {  	p0 =	sne.s32 s20, $0x8;
	[tilespmem:s23+$0x10A60] =	vst v8;
	v3 =	vadd.f32 v6, v3  }
.Ltmp7:
0x3aa: {  	[tilespmem:s23+$0x15260] =	vst v5;
	v4 =	vadd.f32 v4, v2;
	(pc) =	sbr.rel @p0 .LBB2_14-.Ltmp7, $4  }
0x3ab: {  	[tilespmem:s23+$0x19A60] =	vst v3;
	v3 =	vadd.f32 v7, v2  }
0x3ac: {  	[tilespmem:s23+$0xC270] =	vst v4;
	v2 =	vadd.f32 v10, v2  }
0x3ad: {  	[tilespmem:s23+$0x10A70] =	vst v3  }
0x3ae: {  	s16 =	sadd.s32 $0x200, s16;
	[tilespmem:s23+$0x15270] =	vst v2  }
0x3af: {  	s16 =	simm.s32 $0x0;
	s0 =	rddreg [dreg:$0x13]  }
0x3b0: {  	[hbm4b:s0+s16] =	stream.linear.scatter [tilespmem:s24], [sflag:$0xF], $0x1800, $0x38;
	[tilespmem:$0x1E200] =	vst v63  }
0x3b1: {  	s7 =	rddreg [dreg:$0x1c]  }
0x3b2: {  	[hbm4b:s7+s16] =	stream.linear.scatter [tilespmem:s25], [sflag:$0x12], $0x1800, $0x38;
	[tilespmem:$0x1E200] =	vst v63  }
0x3b3: {  	s20 =	rddreg [dreg:$0x1d]  }
0x3b4: {  	[hbm4b:s20+s16] =	stream.linear.scatter [tilespmem:s26], [sflag:$0x15], $0x1800, $0x38;
	[tilespmem:$0x1E200] =	vst v63  }
0x3b5: {  	s23 =	rddreg [dreg:$0x1e];
	s2 =	simm.s32 $0xF  }
0x3b6: {  	[hbm4b:s23+s16] =	stream.linear.scatter [tilespmem:s28], [sflag:$0x18], $0x1800, $0x38;
	[tilespmem:$0x1E200] =	vst v63  }
0x3b7: {  	_ =	swait.ge [sflag:s2], $0x1800  }
0x3b8: {  	[sflag:s2] =	ssyncset.done $0x0  }
0x3b9: {  	s7 =	simm.s32 $0x12;
	[sflag:s2] =	ssyncadd.s32 $0xFFFFE800  }
0x3ba: {  	_ =	swait.ge [sflag:s7], $0x1800  }
0x3bb: {  	[sflag:s7] =	ssyncset.done $0x0  }
0x3bc: {  	s20 =	simm.s32 $0x15;
	[sflag:s7] =	ssyncadd.s32 $0xFFFFE800  }
0x3bd: {  	_ =	swait.ge [sflag:s20], $0x1800  }
0x3be: {  	[sflag:s20] =	ssyncset.done $0x0  }
0x3bf: {  	s23 =	simm.s32 $0x18;
	[sflag:s20] =	ssyncadd.s32 $0xFFFFE800  }
0x3c0: {  	_ =	swait.ge [sflag:s23], $0x1800  }
0x3c1: {  	[sflag:s23] =	ssyncset.done $0x0  }
0x3c2: {  	[sflag:s23] =	ssyncadd.s32 $0xFFFFE800  }
0x3c3: {  	v2 =	vld.msk [tilespmem:$0x30], $0xff;
	_ =	sdelay $0x4  }
0x3c4: {  	v3 =	vshrl.u32 v2, $0x3  }
0x3c5: {  	v3 =	vmul.u32 $0x30, v3  }
0x3c6: {  	v2 =	vand.u32 $0x7, v2  }
0x3c7: {  	v2 =	vor.u32 v2, v3  }
0x3c8: {  	v2 =	vperm.xlane v2, v0;
	_ =	sdelay $0x1  }
0x3c9: {  	v2 =	vadd.s32 v1, v2;
	_ =	sdelay $0x4  }
0x3ca: {  	[tilespmem:s24], [sflag:$0x3] =	stream.indirect_vreg.gather [hbm4b:s1+s16], $0x80, v2, vm0, $0xb8;
	[tilespmem:$0x1E200] =	vst v63  }
0x3cb: {  	s2 =	simm.s32 $0xCA00  }
0x3cc: {  	[tilespmem:s2], [sflag:$0x3] =	stream.indirect_vreg.gather [hbm4b:s9+s16], $0x80, v2, vm0, $0xb8;
	[tilespmem:$0x1E200] =	vst v63  }
0x3cd: {  	s7 =	simm.s32 $0xD200  }
0x3ce: {  	[tilespmem:s7], [sflag:$0x3] =	stream.indirect_vreg.gather [hbm4b:s11+s16], $0x80, v2, vm0, $0xb8;
	[tilespmem:$0x1E200] =	vst v63  }
0x3cf: {  	v2 =	vld.msk [tilespmem:$0xB0], $0xff;
	_ =	sdelay $0x4  }
0x3d0: {  	v3 =	vshrl.u32 v2, $0x3  }
0x3d1: {  	v3 =	vmul.u32 $0x30, v3  }
0x3d2: {  	v2 =	vand.u32 $0x7, v2  }
0x3d3: {  	v2 =	vor.u32 v2, v3  }
0x3d4: {  	v2 =	vperm.xlane v2, v0;
	_ =	sdelay $0x1  }
0x3d5: {  	v2 =	vadd.s32 v1, v2;
	_ =	sdelay $0x4  }
0x3d6: {  	[tilespmem:s25], [sflag:$0x6] =	stream.indirect_vreg.gather [hbm4b:s1+s16], $0x80, v2, vm0, $0xb8;
	[tilespmem:$0x1E200] =	vst v63  }
0x3d7: {  	s20 =	simm.s32 $0x11200  }
0x3d8: {  	[tilespmem:s20], [sflag:$0x6] =	stream.indirect_vreg.gather [hbm4b:s9+s16], $0x80, v2, vm0, $0xb8;
	[tilespmem:$0x1E200] =	vst v63  }
0x3d9: {  	s23 =	simm.s32 $0x11A00  }
0x3da: {  	[tilespmem:s23], [sflag:$0x6] =	stream.indirect_vreg.gather [hbm4b:s11+s16], $0x80, v2, vm0, $0xb8;
	[tilespmem:$0x1E200] =	vst v63  }
0x3db: {  	v2 =	vld.msk [tilespmem:$0x130], $0xff;
	_ =	sdelay $0x4  }
0x3dc: {  	v3 =	vshrl.u32 v2, $0x3  }
0x3dd: {  	v3 =	vmul.u32 $0x30, v3  }
0x3de: {  	v2 =	vand.u32 $0x7, v2  }
0x3df: {  	v2 =	vor.u32 v2, v3  }
0x3e0: {  	v2 =	vperm.xlane v2, v0;
	_ =	sdelay $0x1  }
0x3e1: {  	v2 =	vadd.s32 v1, v2;
	_ =	sdelay $0x4  }
0x3e2: {  	[tilespmem:s26], [sflag:$0x9] =	stream.indirect_vreg.gather [hbm4b:s1+s16], $0x80, v2, vm0, $0xb8;
	[tilespmem:$0x1E200] =	vst v63  }
0x3e3: {  	s2 =	simm.s32 $0x15A00  }
0x3e4: {  	[tilespmem:s2], [sflag:$0x9] =	stream.indirect_vreg.gather [hbm4b:s9+s16], $0x80, v2, vm0, $0xb8;
	[tilespmem:$0x1E200] =	vst v63  }
0x3e5: {  	s7 =	simm.s32 $0x16200  }
0x3e6: {  	[tilespmem:s7], [sflag:$0x9] =	stream.indirect_vreg.gather [hbm4b:s11+s16], $0x80, v2, vm0, $0xb8;
	[tilespmem:$0x1E200] =	vst v63  }
0x3e7: {  	v2 =	vld.msk [tilespmem:$0x1B0], $0xff;
	_ =	sdelay $0x4  }
0x3e8: {  	v3 =	vshrl.u32 v2, $0x3  }
0x3e9: {  	v3 =	vmul.u32 $0x30, v3  }
0x3ea: {  	v2 =	vand.u32 $0x7, v2  }
0x3eb: {  	v2 =	vor.u32 v2, v3  }
0x3ec: {  	v2 =	vperm.xlane v2, v0;
	_ =	sdelay $0x1  }
0x3ed: {  	v2 =	vadd.s32 v1, v2;
	_ =	sdelay $0x4  }
0x3ee: {  	[tilespmem:s28], [sflag:$0xC] =	stream.indirect_vreg.gather [hbm4b:s1+s16], $0x80, v2, vm0, $0xb8;
	[tilespmem:$0x1E200] =	vst v63  }
0x3ef: {  	s20 =	simm.s32 $0x1A200  }
0x3f0: {  	[tilespmem:s20], [sflag:$0xC] =	stream.indirect_vreg.gather [hbm4b:s9+s16], $0x80, v2, vm0, $0xb8;
	[tilespmem:$0x1E200] =	vst v63  }
0x3f1: {  	s23 =	simm.s32 $0x1AA00  }
0x3f2: {  	[tilespmem:s23], [sflag:$0xC] =	stream.indirect_vreg.gather [hbm4b:s11+s16], $0x80, v2, vm0, $0xb8;
	[tilespmem:$0x1E200] =	vst v63  }
0x3f3: {  	_ =	swait.ge [sflag:s14], $0x1800  }
0x3f4: {  	[sflag:s14] =	ssyncset.done $0x0  }
0x3f5: {  	[sflag:s14] =	ssyncadd.s32 $0xFFFFE800  }
0x3f6: {  	_ =	swait.ge [sflag:s15], $0x1800  }
0x3f7: {  	[sflag:s15] =	ssyncset.done $0x0  }
0x3f8: {  	[sflag:s15] =	ssyncadd.s32 $0xFFFFE800  }
0x3f9: {  	_ =	swait.ge [sflag:s17], $0x1800  }
0x3fa: {  	[sflag:s17] =	ssyncset.done $0x0  }
0x3fb: {  	[sflag:s17] =	ssyncadd.s32 $0xFFFFE800  }
0x3fc: {  	_ =	swait.ge [sflag:s18], $0x1800  }
0x3fd: {  	s29 =	simm.s32 $0xDA00;
	s30 =	simm.s32 $0x12200;
	[sflag:s18] =	ssyncset.done $0x0  }
0x3fe: {  	s31 =	simm.s32 $0x16A00;
	s20 =	simm.s32 $0x0;
	[sflag:s18] =	ssyncadd.s32 $0xFFFFE800  }
.LBB2_18:
0x3ff: {  	s23 =	sshra.s32 s16, $0x2  }
0x400: {  	v2 =	vld [tilespmem:s23+$0x6270]  }
0x401: {  	v3 =	vld [tilespmem:s23+$0x1B270]  }
0x402: {  	v4 =	vld [tilespmem:s23+$0x6200]  }
0x403: {  	v5 =	vld [tilespmem:s23+$0xDA00]  }
0x404: {  	v6 =	vld [tilespmem:s23+$0x12200]  }
0x405: {  	v7 =	vld [tilespmem:s23+$0x16A00]  }
0x406: {  	v8 =	vld [tilespmem:s23+$0x1B200]  }
0x407: {  	v9 =	vld [tilespmem:s23+$0x6210]  }
0x408: {  	v10 =	vld [tilespmem:s23+$0xDA10]  }
0x409: {  	v11 =	vld [tilespmem:s23+$0x12210]  }
0x40a: {  	v12 =	vld [tilespmem:s23+$0x16A10]  }
0x40b: {  	v13 =	vld [tilespmem:s23+$0x1B210]  }
0x40c: {  	v14 =	vld [tilespmem:s23+$0x6220];
	v3 =	vadd.f32 v3, v2  }
0x40d: {  	v15 =	vld [tilespmem:s23+$0xDA20];
	v5 =	vadd.f32 v5, v4  }
0x40e: {  	v63 =	vld [tilespmem:s23+$0x1B230];
	[tilespmem:s23+$0x1B270] =	vst v3;
	v3 =	vadd.f32 v6, v4  }
0x40f: {  	v6 =	vld [tilespmem:s23+$0x12220];
	[tilespmem:s23+$0xDA00] =	vst v5;
	v5 =	vadd.f32 v7, v4  }
0x410: {  	v7 =	vld [tilespmem:s23+$0x16A20];
	[tilespmem:s23+$0x12200] =	vst v3;
	v3 =	vadd.f32 v8, v4  }
0x411: {  	v4 =	vld [tilespmem:s23+$0x1B220];
	[tilespmem:s23+$0x16A00] =	vst v5;
	v5 =	vadd.f32 v10, v9  }
0x412: {  	v8 =	vld [tilespmem:s23+$0x6230];
	[tilespmem:s23+$0x1B200] =	vst v3;
	v3 =	vadd.f32 v11, v9  }
0x413: {  	v10 =	vld [tilespmem:s23+$0xDA30];
	[tilespmem:s23+$0xDA10] =	vst v5;
	v5 =	vadd.f32 v12, v9  }
0x414: {  	v11 =	vld [tilespmem:s23+$0x12230];
	[tilespmem:s23+$0x12210] =	vst v3;
	v3 =	vadd.f32 v13, v9  }
0x415: {  	v9 =	vld [tilespmem:s23+$0x16A30];
	[tilespmem:s23+$0x16A10] =	vst v5;
	v5 =	vadd.f32 v15, v14  }
0x416: {  	[tilespmem:s23+$0x1B210] =	vst v3;
	v3 =	vadd.f32 v6, v14;
	v6 =	vld [tilespmem:s23+$0x6240]  }
0x417: {  	[tilespmem:s23+$0xDA20] =	vst v5;
	v5 =	vadd.f32 v7, v14;
	v7 =	vld [tilespmem:s23+$0xDA40]  }
0x418: {  	[tilespmem:s23+$0x12220] =	vst v3;
	v3 =	vadd.f32 v4, v14;
	v4 =	vld [tilespmem:s23+$0x12240]  }
0x419: {  	[tilespmem:s23+$0x16A20] =	vst v5;
	v5 =	vadd.f32 v10, v8;
	v10 =	vld [tilespmem:s23+$0x16A40]  }
0x41a: {  	[tilespmem:s23+$0x1B220] =	vst v3;
	v3 =	vadd.f32 v11, v8;
	v11 =	vld [tilespmem:s23+$0x1B240]  }
0x41b: {  	[tilespmem:s23+$0xDA30] =	vst v5;
	v5 =	vadd.f32 v9, v8;
	v9 =	vld [tilespmem:s23+$0x6250]  }
0x41c: {  	[tilespmem:s23+$0x12230] =	vst v3;
	v3 =	vadd.f32 v63, v8;
	v8 =	vld [tilespmem:s23+$0xDA50]  }
0x41d: {  	[tilespmem:s23+$0x16A30] =	vst v5;
	v5 =	vadd.f32 v7, v6;
	v7 =	vld [tilespmem:s23+$0x12250]  }
0x41e: {  	[tilespmem:s23+$0x1B230] =	vst v3;
	v3 =	vadd.f32 v4, v6;
	v4 =	vld [tilespmem:s23+$0x16A50]  }
0x41f: {  	[tilespmem:s23+$0xDA40] =	vst v5;
	v5 =	vadd.f32 v10, v6;
	v10 =	vld [tilespmem:s23+$0x1B250]  }
0x420: {  	v6 =	vadd.f32 v11, v6;
	v11 =	vld [tilespmem:s23+$0xDA60];
	[tilespmem:s23+$0x12240] =	vst v3  }
0x421: {  	v3 =	vld [tilespmem:s23+$0x6260];
	[tilespmem:s23+$0x16A40] =	vst v5;
	v5 =	vadd.f32 v8, v9  }
0x422: {  	[tilespmem:s23+$0x1B240] =	vst v6;
	v6 =	vadd.f32 v7, v9;
	v8 =	vld [tilespmem:s23+$0x12260]  }
0x423: {  	[tilespmem:s23+$0xDA50] =	vst v5;
	v4 =	vadd.f32 v4, v9;
	v5 =	vld [tilespmem:s23+$0x16A60]  }
0x424: {  	[tilespmem:s23+$0x12250] =	vst v6;
	v7 =	vadd.f32 v10, v9;
	v6 =	vld [tilespmem:s23+$0x1B260]  }
0x425: {  	[tilespmem:s23+$0x16A50] =	vst v4;
	v4 =	vld [tilespmem:s23+$0xDA70]  }
0x426: {  	s0 =	simm.s32 $0x0;
	s2 =	sadd.s32 $0x1000, s16;
	[tilespmem:s23+$0x1B250] =	vst v7;
	v9 =	vadd.f32 v11, v3;
	v7 =	vld [tilespmem:s23+$0x12270]  }
.LBB2_19:
0x427: {  	s7 =	sshra.s32 s2, $0x2;
	v8 =	vadd.f32 v8, v3;
	v10 =	vld [tilespmem:s23+$0x16A70]  }
0x428: {  	s0 =	sadd.s32 $0x80, s0;
	v11 =	vld [tilespmem:s7+$0x6270];
	[tilespmem:s23+$0xDA60] =	vst v9;
	v5 =	vadd.f32 v5, v3  }
0x429: {  	p0 =	slt.u32 s0, $0x280;
	v9 =	vld [tilespmem:s7+$0x1B270];
	[tilespmem:s23+$0x12260] =	vst v8;
	v3 =	vadd.f32 v6, v3  }
0x42a: {  	v6 =	vld [tilespmem:s7+$0x6200];
	[tilespmem:s23+$0x16A60] =	vst v5;
	v4 =	vadd.f32 v4, v2  }
0x42b: {  	v5 =	vld [tilespmem:s7+$0xDA00];
	[tilespmem:s23+$0x1B260] =	vst v3;
	v3 =	vadd.f32 v7, v2  }
0x42c: {  	v7 =	vld [tilespmem:s7+$0x12200];
	[tilespmem:s23+$0xDA70] =	vst v4;
	v4 =	vadd.f32 v10, v2  }
0x42d: {  	v8 =	vld [tilespmem:s7+$0x16A00];
	[tilespmem:s23+$0x12270] =	vst v3;
	v2 =	vmov v11  }
0x42e: {  	v3 =	vld [tilespmem:s7+$0x1B200];
	v9 =	vadd.f32 v9, v2;
	[tilespmem:s23+$0x16A70] =	vst v4;
	s23 =	smov.u32 s7  }
0x42f: {  	v4 =	vld [tilespmem:s23+$0x6210]  }
0x430: {  	v5 =	vadd.f32 v5, v6;
	v10 =	vld [tilespmem:s23+$0xDA10];
	[tilespmem:s23+$0x1B270] =	vst v9  }
0x431: {  	v7 =	vadd.f32 v7, v6;
	v9 =	vld [tilespmem:s23+$0x12210]  }
0x432: {  	[tilespmem:s23+$0xDA00] =	vst v5;
	v5 =	vadd.f32 v8, v6;
	v8 =	vld [tilespmem:s23+$0x16A10]  }
0x433: {  	[tilespmem:s23+$0x12200] =	vst v7;
	v3 =	vadd.f32 v3, v6;
	v6 =	vld [tilespmem:s23+$0x1B210]  }
0x434: {  	[tilespmem:s23+$0x16A00] =	vst v5;
	v5 =	vld [tilespmem:s23+$0x6220]  }
0x435: {  	[tilespmem:s23+$0x1B200] =	vst v3;
	v3 =	vadd.f32 v10, v4;
	v7 =	vld [tilespmem:s23+$0xDA20]  }
0x436: {  	v9 =	vadd.f32 v9, v4;
	v10 =	vld [tilespmem:s23+$0x12220]  }
0x437: {  	[tilespmem:s23+$0xDA10] =	vst v3;
	v3 =	vadd.f32 v8, v4;
	v8 =	vld [tilespmem:s23+$0x16A20]  }
0x438: {  	[tilespmem:s23+$0x12210] =	vst v9;
	v4 =	vadd.f32 v6, v4;
	v6 =	vld [tilespmem:s23+$0x1B220]  }
0x439: {  	[tilespmem:s23+$0x16A10] =	vst v3;
	v3 =	vld [tilespmem:s23+$0x6230]  }
0x43a: {  	[tilespmem:s23+$0x1B210] =	vst v4;
	v4 =	vadd.f32 v7, v5;
	v7 =	vld [tilespmem:s23+$0xDA30]  }
0x43b: {  	v9 =	vadd.f32 v10, v5;
	v10 =	vld [tilespmem:s23+$0x12230]  }
0x43c: {  	[tilespmem:s23+$0xDA20] =	vst v4;
	v4 =	vadd.f32 v8, v5;
	v8 =	vld [tilespmem:s23+$0x16A30]  }
0x43d: {  	[tilespmem:s23+$0x12220] =	vst v9;
	v5 =	vadd.f32 v6, v5;
	v6 =	vld [tilespmem:s23+$0x1B230]  }
0x43e: {  	[tilespmem:s23+$0x16A20] =	vst v4;
	v4 =	vld [tilespmem:s23+$0x6240]  }
0x43f: {  	[tilespmem:s23+$0x1B220] =	vst v5;
	v5 =	vadd.f32 v7, v3;
	v7 =	vld [tilespmem:s23+$0xDA40]  }
0x440: {  	v9 =	vadd.f32 v10, v3;
	v10 =	vld [tilespmem:s23+$0x12240]  }
0x441: {  	[tilespmem:s23+$0xDA30] =	vst v5;
	v5 =	vadd.f32 v8, v3;
	v8 =	vld [tilespmem:s23+$0x16A40]  }
0x442: {  	[tilespmem:s23+$0x12230] =	vst v9;
	v3 =	vadd.f32 v6, v3;
	v6 =	vld [tilespmem:s23+$0x1B240]  }
0x443: {  	[tilespmem:s23+$0x16A30] =	vst v5;
	v9 =	vld [tilespmem:s23+$0x6250]  }
0x444: {  	[tilespmem:s23+$0x1B230] =	vst v3;
	v3 =	vadd.f32 v7, v4;
	v5 =	vld [tilespmem:s23+$0xDA50]  }
0x445: {  	v7 =	vadd.f32 v10, v4;
	v10 =	vld [tilespmem:s23+$0x12250]  }
0x446: {  	[tilespmem:s23+$0xDA40] =	vst v3;
	v3 =	vadd.f32 v8, v4;
	v11 =	vld [tilespmem:s23+$0x16A50]  }
0x447: {  	[tilespmem:s23+$0x12240] =	vst v7;
	v4 =	vadd.f32 v6, v4;
	v6 =	vld [tilespmem:s23+$0x1B250]  }
0x448: {  	[tilespmem:s23+$0x16A40] =	vst v3;
	v3 =	vld [tilespmem:s23+$0x6260]  }
0x449: {  	[tilespmem:s23+$0x1B240] =	vst v4;
	v4 =	vadd.f32 v5, v9;
	v7 =	vld [tilespmem:s23+$0xDA60]  }
.Ltmp8:
0x44a: {  	v10 =	vadd.f32 v10, v9;
	v8 =	vld [tilespmem:s23+$0x12260];
	(pc) =	sbr.rel @p0 .LBB2_19-.Ltmp8, $4  }
0x44b: {  	[tilespmem:s23+$0xDA50] =	vst v4;
	v4 =	vadd.f32 v11, v9;
	v5 =	vld [tilespmem:s23+$0x16A60]  }
0x44c: {  	[tilespmem:s23+$0x12250] =	vst v10;
	v9 =	vadd.f32 v6, v9;
	v6 =	vld [tilespmem:s23+$0x1B260]  }
0x44d: {  	[tilespmem:s23+$0x16A50] =	vst v4;
	v4 =	vld [tilespmem:s23+$0xDA70]  }
0x44e: {  	s2 =	sadd.s32 $0x1000, s2;
	[tilespmem:s23+$0x1B250] =	vst v9;
	v9 =	vadd.f32 v7, v3;
	v7 =	vld [tilespmem:s23+$0x12270]  }
0x44f: {  	v8 =	vadd.f32 v8, v3;
	v10 =	vld [tilespmem:s23+$0x16A70]  }
0x450: {  	s20 =	sadd.s32 $0x1, s20;
	[tilespmem:s23+$0xDA60] =	vst v9;
	v5 =	vadd.f32 v5, v3  }
0x451: {  	p0 =	sne.s32 s20, $0x8;
	[tilespmem:s23+$0x12260] =	vst v8;
	v3 =	vadd.f32 v6, v3  }
.Ltmp9:
0x452: {  	[tilespmem:s23+$0x16A60] =	vst v5;
	v4 =	vadd.f32 v4, v2;
	(pc) =	sbr.rel @p0 .LBB2_18-.Ltmp9, $4  }
0x453: {  	[tilespmem:s23+$0x1B260] =	vst v3;
	v3 =	vadd.f32 v7, v2  }
0x454: {  	[tilespmem:s23+$0xDA70] =	vst v4;
	v2 =	vadd.f32 v10, v2  }
0x455: {  	[tilespmem:s23+$0x12270] =	vst v3  }
0x456: {  	s16 =	sadd.s32 $0x200, s16;
	[tilespmem:s23+$0x16A70] =	vst v2  }
0x457: {  	s0 =	rddreg [dreg:$0x14]  }
0x458: {  	s16 =	simm.s32 $0x0;
	s23 =	rddreg [dreg:$0x1f]  }
0x459: {  	[hbm4b:s0+s16] =	stream.linear.scatter [tilespmem:s29], [sflag:$0x10], $0x1800, $0x38;
	[tilespmem:$0x1E200] =	vst v63  }
0x45a: {  	s2 =	sld [smem:$0x7F3]  }
0x45b: {  	[hbm4b:s23+s16] =	stream.linear.scatter [tilespmem:s30], [sflag:$0x13], $0x1800, $0x38;
	[tilespmem:$0x1E200] =	vst v63  }
0x45c: {  	s7 =	sld [smem:$0x7F4]  }
0x45d: {  	[hbm4b:s2+s16] =	stream.linear.scatter [tilespmem:s31], [sflag:$0x16], $0x1800, $0x38;
	[tilespmem:$0x1E200] =	vst v63  }
0x45e: {  	s2 =	simm.s32 $0x1B200  }
0x45f: {  	[hbm4b:s7+s16] =	stream.linear.scatter [tilespmem:s2], [sflag:$0x19], $0x1800, $0x38;
	[tilespmem:$0x1E200] =	vst v63  }
0x460: {  	_ =	swait.ge [sflag:s5], $0x1800  }
0x461: {  	[sflag:s5] =	ssyncset.done $0x0  }
0x462: {  	[sflag:s5] =	ssyncadd.s32 $0xFFFFE800  }
0x463: {  	_ =	swait.ge [sflag:s10], $0x1800  }
0x464: {  	[sflag:s10] =	ssyncset.done $0x0  }
0x465: {  	[sflag:s10] =	ssyncadd.s32 $0xFFFFE800  }
0x466: {  	_ =	swait.ge [sflag:s21], $0x1800  }
0x467: {  	[sflag:s21] =	ssyncset.done $0x0  }
0x468: {  	[sflag:s21] =	ssyncadd.s32 $0xFFFFE800  }
0x469: {  	_ =	swait.ge [sflag:s22], $0x1800  }
0x46a: {  	[sflag:s22] =	ssyncset.done $0x0  }
0x46b: {  	[sflag:s22] =	ssyncadd.s32 $0xFFFFE800  }
0x46c: {  	v2 =	vld.msk [tilespmem:$0x38], $0xff;
	_ =	sdelay $0x4  }
0x46d: {  	v3 =	vshrl.u32 v2, $0x3  }
0x46e: {  	v3 =	vmul.u32 $0x30, v3  }
0x46f: {  	v2 =	vand.u32 $0x7, v2  }
0x470: {  	v2 =	vor.u32 v2, v3  }
0x471: {  	v2 =	vperm.xlane v2, v0;
	_ =	sdelay $0x1  }
0x472: {  	v2 =	vadd.s32 v1, v2;
	_ =	sdelay $0x4  }
0x473: {  	[tilespmem:s29], [sflag:$0x4] =	stream.indirect_vreg.gather [hbm4b:s1+s16], $0x80, v2, vm0, $0xb8;
	[tilespmem:$0x1E200] =	vst v63  }
0x474: {  	s20 =	simm.s32 $0xE200  }
0x475: {  	[tilespmem:s20], [sflag:$0x4] =	stream.indirect_vreg.gather [hbm4b:s9+s16], $0x80, v2, vm0, $0xb8;
	[tilespmem:$0x1E200] =	vst v63  }
0x476: {  	s23 =	simm.s32 $0xEA00  }
0x477: {  	[tilespmem:s23], [sflag:$0x4] =	stream.indirect_vreg.gather [hbm4b:s11+s16], $0x80, v2, vm0, $0xb8;
	[tilespmem:$0x1E200] =	vst v63  }
0x478: {  	v2 =	vld.msk [tilespmem:$0xB8], $0xff;
	_ =	sdelay $0x4  }
0x479: {  	v3 =	vshrl.u32 v2, $0x3  }
0x47a: {  	v3 =	vmul.u32 $0x30, v3  }
0x47b: {  	v2 =	vand.u32 $0x7, v2  }
0x47c: {  	v2 =	vor.u32 v2, v3  }
0x47d: {  	v2 =	vperm.xlane v2, v0;
	_ =	sdelay $0x1  }
0x47e: {  	v2 =	vadd.s32 v1, v2;
	_ =	sdelay $0x4  }
0x47f: {  	[tilespmem:s30], [sflag:$0x7] =	stream.indirect_vreg.gather [hbm4b:s1+s16], $0x80, v2, vm0, $0xb8;
	[tilespmem:$0x1E200] =	vst v63  }
0x480: {  	s7 =	simm.s32 $0x12A00  }
0x481: {  	[tilespmem:s7], [sflag:$0x7] =	stream.indirect_vreg.gather [hbm4b:s9+s16], $0x80, v2, vm0, $0xb8;
	[tilespmem:$0x1E200] =	vst v63  }
0x482: {  	s20 =	simm.s32 $0x13200  }
0x483: {  	[tilespmem:s20], [sflag:$0x7] =	stream.indirect_vreg.gather [hbm4b:s11+s16], $0x80, v2, vm0, $0xb8;
	[tilespmem:$0x1E200] =	vst v63  }
0x484: {  	v2 =	vld.msk [tilespmem:$0x138], $0xff;
	_ =	sdelay $0x4  }
0x485: {  	v3 =	vshrl.u32 v2, $0x3  }
0x486: {  	v3 =	vmul.u32 $0x30, v3  }
0x487: {  	v2 =	vand.u32 $0x7, v2  }
0x488: {  	v2 =	vor.u32 v2, v3  }
0x489: {  	v2 =	vperm.xlane v2, v0;
	_ =	sdelay $0x1  }
0x48a: {  	v2 =	vadd.s32 v1, v2;
	_ =	sdelay $0x4  }
0x48b: {  	[tilespmem:s31], [sflag:$0xA] =	stream.indirect_vreg.gather [hbm4b:s1+s16], $0x80, v2, vm0, $0xb8;
	[tilespmem:$0x1E200] =	vst v63  }
0x48c: {  	s23 =	simm.s32 $0x17200  }
0x48d: {  	[tilespmem:s23], [sflag:$0xA] =	stream.indirect_vreg.gather [hbm4b:s9+s16], $0x80, v2, vm0, $0xb8;
	[tilespmem:$0x1E200] =	vst v63  }
0x48e: {  	s7 =	simm.s32 $0x17A00  }
0x48f: {  	[tilespmem:s7], [sflag:$0xA] =	stream.indirect_vreg.gather [hbm4b:s11+s16], $0x80, v2, vm0, $0xb8;
	[tilespmem:$0x1E200] =	vst v63  }
0x490: {  	v2 =	vld.msk [tilespmem:$0x1B8], $0xff;
	_ =	sdelay $0x4  }
0x491: {  	v3 =	vshrl.u32 v2, $0x3  }
0x492: {  	v3 =	vmul.u32 $0x30, v3  }
0x493: {  	v2 =	vand.u32 $0x7, v2  }
0x494: {  	v2 =	vor.u32 v2, v3  }
0x495: {  	v2 =	vperm.xlane v2, v0;
	_ =	sdelay $0x1  }
0x496: {  	v2 =	vadd.s32 v1, v2;
	_ =	sdelay $0x4  }
0x497: {  	[tilespmem:s2], [sflag:$0xD] =	stream.indirect_vreg.gather [hbm4b:s1+s16], $0x80, v2, vm0, $0xb8;
	[tilespmem:$0x1E200] =	vst v63  }
0x498: {  	s20 =	simm.s32 $0x1BA00  }
0x499: {  	[tilespmem:s20], [sflag:$0xD] =	stream.indirect_vreg.gather [hbm4b:s9+s16], $0x80, v2, vm0, $0xb8;
	[tilespmem:$0x1E200] =	vst v63  }
0x49a: {  	s23 =	simm.s32 $0x1C200;
	s2 =	simm.s32 $0x5  }
0x49b: {  	[tilespmem:s23], [sflag:$0xD] =	stream.indirect_vreg.gather [hbm4b:s11+s16], $0x80, v2, vm0, $0xb8;
	[tilespmem:$0x1E200] =	vst v63  }
0x49c: {  	_ =	swait.ge [sflag:s2], $0x1800  }
0x49d: {  	[sflag:s2] =	ssyncset.done $0x0  }
0x49e: {  	s7 =	simm.s32 $0x8;
	[sflag:s2] =	ssyncadd.s32 $0xFFFFE800  }
0x49f: {  	_ =	swait.ge [sflag:s7], $0x1800  }
0x4a0: {  	[sflag:s7] =	ssyncset.done $0x0  }
0x4a1: {  	s20 =	simm.s32 $0xB;
	[sflag:s7] =	ssyncadd.s32 $0xFFFFE800  }
0x4a2: {  	_ =	swait.ge [sflag:s20], $0x1800  }
0x4a3: {  	[sflag:s20] =	ssyncset.done $0x0  }
0x4a4: {  	s23 =	simm.s32 $0xE;
	[sflag:s20] =	ssyncadd.s32 $0xFFFFE800  }
0x4a5: {  	_ =	swait.ge [sflag:s23], $0x1800  }
0x4a6: {  	[sflag:s23] =	ssyncset.done $0x0  }
0x4a7: {  	s20 =	simm.s32 $0x0;
	[sflag:s23] =	ssyncadd.s32 $0xFFFFE800  }
.LBB2_22:
0x4a8: {  	s23 =	sshra.s32 s16, $0x2  }
0x4a9: {  	v2 =	vld [tilespmem:s23+$0x7A70]  }
0x4aa: {  	v3 =	vld [tilespmem:s23+$0x1CA70]  }
0x4ab: {  	v4 =	vld [tilespmem:s23+$0x7A00]  }
0x4ac: {  	v5 =	vld [tilespmem:s23+$0xF200]  }
0x4ad: {  	v6 =	vld [tilespmem:s23+$0x13A00]  }
0x4ae: {  	v7 =	vld [tilespmem:s23+$0x18200]  }
0x4af: {  	v8 =	vld [tilespmem:s23+$0x1CA00]  }
0x4b0: {  	v9 =	vld [tilespmem:s23+$0x7A10]  }
0x4b1: {  	v10 =	vld [tilespmem:s23+$0xF210]  }
0x4b2: {  	v11 =	vld [tilespmem:s23+$0x13A10]  }
0x4b3: {  	v12 =	vld [tilespmem:s23+$0x18210]  }
0x4b4: {  	v13 =	vld [tilespmem:s23+$0x1CA10]  }
0x4b5: {  	v14 =	vld [tilespmem:s23+$0x7A20];
	v3 =	vadd.f32 v3, v2  }
0x4b6: {  	v15 =	vld [tilespmem:s23+$0xF220];
	v5 =	vadd.f32 v5, v4  }
0x4b7: {  	v63 =	vld [tilespmem:s23+$0x1CA30];
	[tilespmem:s23+$0x1CA70] =	vst v3;
	v3 =	vadd.f32 v6, v4  }
0x4b8: {  	v6 =	vld [tilespmem:s23+$0x13A20];
	[tilespmem:s23+$0xF200] =	vst v5;
	v5 =	vadd.f32 v7, v4  }
0x4b9: {  	v7 =	vld [tilespmem:s23+$0x18220];
	[tilespmem:s23+$0x13A00] =	vst v3;
	v3 =	vadd.f32 v8, v4  }
0x4ba: {  	v4 =	vld [tilespmem:s23+$0x1CA20];
	[tilespmem:s23+$0x18200] =	vst v5;
	v5 =	vadd.f32 v10, v9  }
0x4bb: {  	v8 =	vld [tilespmem:s23+$0x7A30];
	[tilespmem:s23+$0x1CA00] =	vst v3;
	v3 =	vadd.f32 v11, v9  }
0x4bc: {  	v10 =	vld [tilespmem:s23+$0xF230];
	[tilespmem:s23+$0xF210] =	vst v5;
	v5 =	vadd.f32 v12, v9  }
0x4bd: {  	v11 =	vld [tilespmem:s23+$0x13A30];
	[tilespmem:s23+$0x13A10] =	vst v3;
	v3 =	vadd.f32 v13, v9  }
0x4be: {  	v9 =	vld [tilespmem:s23+$0x18230];
	[tilespmem:s23+$0x18210] =	vst v5;
	v5 =	vadd.f32 v15, v14  }
0x4bf: {  	[tilespmem:s23+$0x1CA10] =	vst v3;
	v3 =	vadd.f32 v6, v14;
	v6 =	vld [tilespmem:s23+$0x7A40]  }
0x4c0: {  	[tilespmem:s23+$0xF220] =	vst v5;
	v5 =	vadd.f32 v7, v14;
	v7 =	vld [tilespmem:s23+$0xF240]  }
0x4c1: {  	[tilespmem:s23+$0x13A20] =	vst v3;
	v3 =	vadd.f32 v4, v14;
	v4 =	vld [tilespmem:s23+$0x13A40]  }
0x4c2: {  	[tilespmem:s23+$0x18220] =	vst v5;
	v5 =	vadd.f32 v10, v8;
	v10 =	vld [tilespmem:s23+$0x18240]  }
0x4c3: {  	[tilespmem:s23+$0x1CA20] =	vst v3;
	v3 =	vadd.f32 v11, v8;
	v11 =	vld [tilespmem:s23+$0x1CA40]  }
0x4c4: {  	[tilespmem:s23+$0xF230] =	vst v5;
	v5 =	vadd.f32 v9, v8;
	v9 =	vld [tilespmem:s23+$0x7A50]  }
0x4c5: {  	[tilespmem:s23+$0x13A30] =	vst v3;
	v3 =	vadd.f32 v63, v8;
	v8 =	vld [tilespmem:s23+$0xF250]  }
0x4c6: {  	[tilespmem:s23+$0x18230] =	vst v5;
	v5 =	vadd.f32 v7, v6;
	v7 =	vld [tilespmem:s23+$0x13A50]  }
0x4c7: {  	[tilespmem:s23+$0x1CA30] =	vst v3;
	v3 =	vadd.f32 v4, v6;
	v4 =	vld [tilespmem:s23+$0x18250]  }
0x4c8: {  	[tilespmem:s23+$0xF240] =	vst v5;
	v5 =	vadd.f32 v10, v6;
	v10 =	vld [tilespmem:s23+$0x1CA50]  }
0x4c9: {  	v6 =	vadd.f32 v11, v6;
	v11 =	vld [tilespmem:s23+$0xF260];
	[tilespmem:s23+$0x13A40] =	vst v3  }
0x4ca: {  	v3 =	vld [tilespmem:s23+$0x7A60];
	[tilespmem:s23+$0x18240] =	vst v5;
	v5 =	vadd.f32 v8, v9  }
0x4cb: {  	[tilespmem:s23+$0x1CA40] =	vst v6;
	v6 =	vadd.f32 v7, v9;
	v8 =	vld [tilespmem:s23+$0x13A60]  }
0x4cc: {  	[tilespmem:s23+$0xF250] =	vst v5;
	v4 =	vadd.f32 v4, v9;
	v5 =	vld [tilespmem:s23+$0x18260]  }
0x4cd: {  	[tilespmem:s23+$0x13A50] =	vst v6;
	v7 =	vadd.f32 v10, v9;
	v6 =	vld [tilespmem:s23+$0x1CA60]  }
0x4ce: {  	[tilespmem:s23+$0x18250] =	vst v4;
	v4 =	vld [tilespmem:s23+$0xF270]  }
0x4cf: {  	s0 =	simm.s32 $0x0;
	s2 =	sadd.s32 $0x1000, s16;
	[tilespmem:s23+$0x1CA50] =	vst v7;
	v9 =	vadd.f32 v11, v3;
	v7 =	vld [tilespmem:s23+$0x13A70]  }
.LBB2_23:
0x4d0: {  	s7 =	sshra.s32 s2, $0x2;
	v8 =	vadd.f32 v8, v3;
	v10 =	vld [tilespmem:s23+$0x18270]  }
0x4d1: {  	s0 =	sadd.s32 $0x80, s0;
	v11 =	vld [tilespmem:s7+$0x7A70];
	[tilespmem:s23+$0xF260] =	vst v9;
	v5 =	vadd.f32 v5, v3  }
0x4d2: {  	p0 =	slt.u32 s0, $0x280;
	v9 =	vld [tilespmem:s7+$0x1CA70];
	[tilespmem:s23+$0x13A60] =	vst v8;
	v3 =	vadd.f32 v6, v3  }
0x4d3: {  	v6 =	vld [tilespmem:s7+$0x7A00];
	[tilespmem:s23+$0x18260] =	vst v5;
	v4 =	vadd.f32 v4, v2  }
0x4d4: {  	v5 =	vld [tilespmem:s7+$0xF200];
	[tilespmem:s23+$0x1CA60] =	vst v3;
	v3 =	vadd.f32 v7, v2  }
0x4d5: {  	v7 =	vld [tilespmem:s7+$0x13A00];
	[tilespmem:s23+$0xF270] =	vst v4;
	v4 =	vadd.f32 v10, v2  }
0x4d6: {  	v8 =	vld [tilespmem:s7+$0x18200];
	[tilespmem:s23+$0x13A70] =	vst v3;
	v2 =	vmov v11  }
0x4d7: {  	v3 =	vld [tilespmem:s7+$0x1CA00];
	v9 =	vadd.f32 v9, v2;
	[tilespmem:s23+$0x18270] =	vst v4;
	s23 =	smov.u32 s7  }
0x4d8: {  	v4 =	vld [tilespmem:s23+$0x7A10]  }
0x4d9: {  	v5 =	vadd.f32 v5, v6;
	v10 =	vld [tilespmem:s23+$0xF210];
	[tilespmem:s23+$0x1CA70] =	vst v9  }
0x4da: {  	v7 =	vadd.f32 v7, v6;
	v9 =	vld [tilespmem:s23+$0x13A10]  }
0x4db: {  	[tilespmem:s23+$0xF200] =	vst v5;
	v5 =	vadd.f32 v8, v6;
	v8 =	vld [tilespmem:s23+$0x18210]  }
0x4dc: {  	[tilespmem:s23+$0x13A00] =	vst v7;
	v3 =	vadd.f32 v3, v6;
	v6 =	vld [tilespmem:s23+$0x1CA10]  }
0x4dd: {  	[tilespmem:s23+$0x18200] =	vst v5;
	v5 =	vld [tilespmem:s23+$0x7A20]  }
0x4de: {  	[tilespmem:s23+$0x1CA00] =	vst v3;
	v3 =	vadd.f32 v10, v4;
	v7 =	vld [tilespmem:s23+$0xF220]  }
0x4df: {  	v9 =	vadd.f32 v9, v4;
	v10 =	vld [tilespmem:s23+$0x13A20]  }
0x4e0: {  	[tilespmem:s23+$0xF210] =	vst v3;
	v3 =	vadd.f32 v8, v4;
	v8 =	vld [tilespmem:s23+$0x18220]  }
0x4e1: {  	[tilespmem:s23+$0x13A10] =	vst v9;
	v4 =	vadd.f32 v6, v4;
	v6 =	vld [tilespmem:s23+$0x1CA20]  }
0x4e2: {  	[tilespmem:s23+$0x18210] =	vst v3;
	v3 =	vld [tilespmem:s23+$0x7A30]  }
0x4e3: {  	[tilespmem:s23+$0x1CA10] =	vst v4;
	v4 =	vadd.f32 v7, v5;
	v7 =	vld [tilespmem:s23+$0xF230]  }
0x4e4: {  	v9 =	vadd.f32 v10, v5;
	v10 =	vld [tilespmem:s23+$0x13A30]  }
0x4e5: {  	[tilespmem:s23+$0xF220] =	vst v4;
	v4 =	vadd.f32 v8, v5;
	v8 =	vld [tilespmem:s23+$0x18230]  }
0x4e6: {  	[tilespmem:s23+$0x13A20] =	vst v9;
	v5 =	vadd.f32 v6, v5;
	v6 =	vld [tilespmem:s23+$0x1CA30]  }
0x4e7: {  	[tilespmem:s23+$0x18220] =	vst v4;
	v4 =	vld [tilespmem:s23+$0x7A40]  }
0x4e8: {  	[tilespmem:s23+$0x1CA20] =	vst v5;
	v5 =	vadd.f32 v7, v3;
	v7 =	vld [tilespmem:s23+$0xF240]  }
0x4e9: {  	v9 =	vadd.f32 v10, v3;
	v10 =	vld [tilespmem:s23+$0x13A40]  }
0x4ea: {  	[tilespmem:s23+$0xF230] =	vst v5;
	v5 =	vadd.f32 v8, v3;
	v8 =	vld [tilespmem:s23+$0x18240]  }
0x4eb: {  	[tilespmem:s23+$0x13A30] =	vst v9;
	v3 =	vadd.f32 v6, v3;
	v6 =	vld [tilespmem:s23+$0x1CA40]  }
0x4ec: {  	[tilespmem:s23+$0x18230] =	vst v5;
	v9 =	vld [tilespmem:s23+$0x7A50]  }
0x4ed: {  	[tilespmem:s23+$0x1CA30] =	vst v3;
	v3 =	vadd.f32 v7, v4;
	v5 =	vld [tilespmem:s23+$0xF250]  }
0x4ee: {  	v7 =	vadd.f32 v10, v4;
	v10 =	vld [tilespmem:s23+$0x13A50]  }
0x4ef: {  	[tilespmem:s23+$0xF240] =	vst v3;
	v3 =	vadd.f32 v8, v4;
	v11 =	vld [tilespmem:s23+$0x18250]  }
0x4f0: {  	[tilespmem:s23+$0x13A40] =	vst v7;
	v4 =	vadd.f32 v6, v4;
	v6 =	vld [tilespmem:s23+$0x1CA50]  }
0x4f1: {  	[tilespmem:s23+$0x18240] =	vst v3;
	v3 =	vld [tilespmem:s23+$0x7A60]  }
0x4f2: {  	[tilespmem:s23+$0x1CA40] =	vst v4;
	v4 =	vadd.f32 v5, v9;
	v7 =	vld [tilespmem:s23+$0xF260]  }
.Ltmp10:
0x4f3: {  	v10 =	vadd.f32 v10, v9;
	v8 =	vld [tilespmem:s23+$0x13A60];
	(pc) =	sbr.rel @p0 .LBB2_23-.Ltmp10, $4  }
0x4f4: {  	[tilespmem:s23+$0xF250] =	vst v4;
	v4 =	vadd.f32 v11, v9;
	v5 =	vld [tilespmem:s23+$0x18260]  }
0x4f5: {  	[tilespmem:s23+$0x13A50] =	vst v10;
	v9 =	vadd.f32 v6, v9;
	v6 =	vld [tilespmem:s23+$0x1CA60]  }
0x4f6: {  	[tilespmem:s23+$0x18250] =	vst v4;
	v4 =	vld [tilespmem:s23+$0xF270]  }
0x4f7: {  	s2 =	sadd.s32 $0x1000, s2;
	[tilespmem:s23+$0x1CA50] =	vst v9;
	v9 =	vadd.f32 v7, v3;
	v7 =	vld [tilespmem:s23+$0x13A70]  }
0x4f8: {  	v8 =	vadd.f32 v8, v3;
	v10 =	vld [tilespmem:s23+$0x18270]  }
0x4f9: {  	s20 =	sadd.s32 $0x1, s20;
	[tilespmem:s23+$0xF260] =	vst v9;
	v5 =	vadd.f32 v5, v3  }
0x4fa: {  	p0 =	sne.s32 s20, $0x8;
	[tilespmem:s23+$0x13A60] =	vst v8;
	v3 =	vadd.f32 v6, v3  }
.Ltmp11:
0x4fb: {  	[tilespmem:s23+$0x18260] =	vst v5;
	v4 =	vadd.f32 v4, v2;
	(pc) =	sbr.rel @p0 .LBB2_22-.Ltmp11, $4  }
0x4fc: {  	[tilespmem:s23+$0x1CA60] =	vst v3;
	v3 =	vadd.f32 v7, v2  }
0x4fd: {  	[tilespmem:s23+$0xF270] =	vst v4;
	v2 =	vadd.f32 v10, v2  }
0x4fe: {  	[tilespmem:s23+$0x13A70] =	vst v3  }
0x4ff: {  	s16 =	sadd.s32 $0x200, s16;
	[tilespmem:s23+$0x18270] =	vst v2  }
0x500: {  	s0 =	rddreg [dreg:$0x15]  }
0x501: {  	s16 =	simm.s32 $0x0;
	s7 =	sld [smem:$0x7F5]  }
0x502: {  	[hbm4b:s0+s16] =	stream.linear.scatter [tilespmem:s4], [sflag:$0x11], $0x1800, $0x38;
	[tilespmem:$0x1E200] =	vst v63  }
0x503: {  	s20 =	sld [smem:$0x7F6]  }
0x504: {  	[hbm4b:s7+s16] =	stream.linear.scatter [tilespmem:s6], [sflag:$0x14], $0x1800, $0x38;
	[tilespmem:$0x1E200] =	vst v63  }
0x505: {  	s23 =	sld [smem:$0x7F7]  }
0x506: {  	[hbm4b:s20+s16] =	stream.linear.scatter [tilespmem:s8], [sflag:$0x17], $0x1800, $0x38;
	[tilespmem:$0x1E200] =	vst v63  }
0x507: {  	s2 =	simm.s32 $0x3  }
0x508: {  	[hbm4b:s23+s16] =	stream.linear.scatter [tilespmem:s12], [sflag:$0x1A], $0x1800, $0x38;
	[tilespmem:$0x1E200] =	vst v63  }
0x509: {  	_ =	swait.ge [sflag:s2], $0x1800  }
0x50a: {  	[sflag:s2] =	ssyncset.done $0x0  }
0x50b: {  	s7 =	simm.s32 $0x6;
	[sflag:s2] =	ssyncadd.s32 $0xFFFFE800  }
0x50c: {  	_ =	swait.ge [sflag:s7], $0x1800  }
0x50d: {  	[sflag:s7] =	ssyncset.done $0x0  }
0x50e: {  	s20 =	simm.s32 $0x9;
	[sflag:s7] =	ssyncadd.s32 $0xFFFFE800  }
0x50f: {  	_ =	swait.ge [sflag:s20], $0x1800  }
0x510: {  	[sflag:s20] =	ssyncset.done $0x0  }
0x511: {  	s23 =	simm.s32 $0xC;
	[sflag:s20] =	ssyncadd.s32 $0xFFFFE800  }
0x512: {  	_ =	swait.ge [sflag:s23], $0x1800  }
0x513: {  	[sflag:s23] =	ssyncset.done $0x0  }
0x514: {  	s20 =	simm.s32 $0x0;
	[sflag:s23] =	ssyncadd.s32 $0xFFFFE800  }
.LBB2_26:
0x515: {  	s23 =	sshra.s32 s16, $0x2  }
0x516: {  	v2 =	vld [tilespmem:s23+$0x9270]  }
0x517: {  	v3 =	vld [tilespmem:s23+$0x19A70]  }
0x518: {  	v4 =	vld [tilespmem:s23+$0x9200]  }
0x519: {  	v5 =	vld [tilespmem:s23+$0xC200]  }
0x51a: {  	v6 =	vld [tilespmem:s23+$0x10A00]  }
0x51b: {  	v7 =	vld [tilespmem:s23+$0x15200]  }
0x51c: {  	v8 =	vld [tilespmem:s23+$0x19A00]  }
0x51d: {  	v9 =	vld [tilespmem:s23+$0x9210]  }
0x51e: {  	v10 =	vld [tilespmem:s23+$0xC210]  }
0x51f: {  	v11 =	vld [tilespmem:s23+$0x10A10]  }
0x520: {  	v12 =	vld [tilespmem:s23+$0x15210]  }
0x521: {  	v13 =	vld [tilespmem:s23+$0x19A10]  }
0x522: {  	v14 =	vld [tilespmem:s23+$0x9220];
	v3 =	vadd.f32 v3, v2  }
0x523: {  	v15 =	vld [tilespmem:s23+$0xC220];
	v5 =	vadd.f32 v5, v4  }
0x524: {  	v63 =	vld [tilespmem:s23+$0x19A30];
	[tilespmem:s23+$0x19A70] =	vst v3;
	v3 =	vadd.f32 v6, v4  }
0x525: {  	v6 =	vld [tilespmem:s23+$0x10A20];
	[tilespmem:s23+$0xC200] =	vst v5;
	v5 =	vadd.f32 v7, v4  }
0x526: {  	v7 =	vld [tilespmem:s23+$0x15220];
	[tilespmem:s23+$0x10A00] =	vst v3;
	v3 =	vadd.f32 v8, v4  }
0x527: {  	v4 =	vld [tilespmem:s23+$0x19A20];
	[tilespmem:s23+$0x15200] =	vst v5;
	v5 =	vadd.f32 v10, v9  }
0x528: {  	v8 =	vld [tilespmem:s23+$0x9230];
	[tilespmem:s23+$0x19A00] =	vst v3;
	v3 =	vadd.f32 v11, v9  }
0x529: {  	v10 =	vld [tilespmem:s23+$0xC230];
	[tilespmem:s23+$0xC210] =	vst v5;
	v5 =	vadd.f32 v12, v9  }
0x52a: {  	v11 =	vld [tilespmem:s23+$0x10A30];
	[tilespmem:s23+$0x10A10] =	vst v3;
	v3 =	vadd.f32 v13, v9  }
0x52b: {  	v9 =	vld [tilespmem:s23+$0x15230];
	[tilespmem:s23+$0x15210] =	vst v5;
	v5 =	vadd.f32 v15, v14  }
0x52c: {  	[tilespmem:s23+$0x19A10] =	vst v3;
	v3 =	vadd.f32 v6, v14;
	v6 =	vld [tilespmem:s23+$0x9240]  }
0x52d: {  	[tilespmem:s23+$0xC220] =	vst v5;
	v5 =	vadd.f32 v7, v14;
	v7 =	vld [tilespmem:s23+$0xC240]  }
0x52e: {  	[tilespmem:s23+$0x10A20] =	vst v3;
	v3 =	vadd.f32 v4, v14;
	v4 =	vld [tilespmem:s23+$0x10A40]  }
0x52f: {  	[tilespmem:s23+$0x15220] =	vst v5;
	v5 =	vadd.f32 v10, v8;
	v10 =	vld [tilespmem:s23+$0x15240]  }
0x530: {  	[tilespmem:s23+$0x19A20] =	vst v3;
	v3 =	vadd.f32 v11, v8;
	v11 =	vld [tilespmem:s23+$0x19A40]  }
0x531: {  	[tilespmem:s23+$0xC230] =	vst v5;
	v5 =	vadd.f32 v9, v8;
	v9 =	vld [tilespmem:s23+$0x9250]  }
0x532: {  	[tilespmem:s23+$0x10A30] =	vst v3;
	v3 =	vadd.f32 v63, v8;
	v8 =	vld [tilespmem:s23+$0xC250]  }
0x533: {  	[tilespmem:s23+$0x15230] =	vst v5;
	v5 =	vadd.f32 v7, v6;
	v7 =	vld [tilespmem:s23+$0x10A50]  }
0x534: {  	[tilespmem:s23+$0x19A30] =	vst v3;
	v3 =	vadd.f32 v4, v6;
	v4 =	vld [tilespmem:s23+$0x15250]  }
0x535: {  	[tilespmem:s23+$0xC240] =	vst v5;
	v5 =	vadd.f32 v10, v6;
	v10 =	vld [tilespmem:s23+$0x19A50]  }
0x536: {  	v6 =	vadd.f32 v11, v6;
	v11 =	vld [tilespmem:s23+$0xC260];
	[tilespmem:s23+$0x10A40] =	vst v3  }
0x537: {  	v3 =	vld [tilespmem:s23+$0x9260];
	[tilespmem:s23+$0x15240] =	vst v5;
	v5 =	vadd.f32 v8, v9  }
0x538: {  	[tilespmem:s23+$0x19A40] =	vst v6;
	v6 =	vadd.f32 v7, v9;
	v8 =	vld [tilespmem:s23+$0x10A60]  }
0x539: {  	[tilespmem:s23+$0xC250] =	vst v5;
	v4 =	vadd.f32 v4, v9;
	v5 =	vld [tilespmem:s23+$0x15260]  }
0x53a: {  	[tilespmem:s23+$0x10A50] =	vst v6;
	v7 =	vadd.f32 v10, v9;
	v6 =	vld [tilespmem:s23+$0x19A60]  }
0x53b: {  	[tilespmem:s23+$0x15250] =	vst v4;
	v4 =	vld [tilespmem:s23+$0xC270]  }
0x53c: {  	s0 =	simm.s32 $0x0;
	s2 =	sadd.s32 $0x1000, s16;
	[tilespmem:s23+$0x19A50] =	vst v7;
	v9 =	vadd.f32 v11, v3;
	v7 =	vld [tilespmem:s23+$0x10A70]  }
.LBB2_27:
0x53d: {  	s7 =	sshra.s32 s2, $0x2;
	v8 =	vadd.f32 v8, v3;
	v10 =	vld [tilespmem:s23+$0x15270]  }
0x53e: {  	s0 =	sadd.s32 $0x80, s0;
	v11 =	vld [tilespmem:s7+$0x9270];
	[tilespmem:s23+$0xC260] =	vst v9;
	v5 =	vadd.f32 v5, v3  }
0x53f: {  	p0 =	slt.u32 s0, $0x280;
	v9 =	vld [tilespmem:s7+$0x19A70];
	[tilespmem:s23+$0x10A60] =	vst v8;
	v3 =	vadd.f32 v6, v3  }
0x540: {  	v6 =	vld [tilespmem:s7+$0x9200];
	[tilespmem:s23+$0x15260] =	vst v5;
	v4 =	vadd.f32 v4, v2  }
0x541: {  	v5 =	vld [tilespmem:s7+$0xC200];
	[tilespmem:s23+$0x19A60] =	vst v3;
	v3 =	vadd.f32 v7, v2  }
0x542: {  	v7 =	vld [tilespmem:s7+$0x10A00];
	[tilespmem:s23+$0xC270] =	vst v4;
	v4 =	vadd.f32 v10, v2  }
0x543: {  	v8 =	vld [tilespmem:s7+$0x15200];
	[tilespmem:s23+$0x10A70] =	vst v3;
	v2 =	vmov v11  }
0x544: {  	v3 =	vld [tilespmem:s7+$0x19A00];
	v9 =	vadd.f32 v9, v2;
	[tilespmem:s23+$0x15270] =	vst v4;
	s23 =	smov.u32 s7  }
0x545: {  	v4 =	vld [tilespmem:s23+$0x9210]  }
0x546: {  	v5 =	vadd.f32 v5, v6;
	v10 =	vld [tilespmem:s23+$0xC210];
	[tilespmem:s23+$0x19A70] =	vst v9  }
0x547: {  	v7 =	vadd.f32 v7, v6;
	v9 =	vld [tilespmem:s23+$0x10A10]  }
0x548: {  	[tilespmem:s23+$0xC200] =	vst v5;
	v5 =	vadd.f32 v8, v6;
	v8 =	vld [tilespmem:s23+$0x15210]  }
0x549: {  	[tilespmem:s23+$0x10A00] =	vst v7;
	v3 =	vadd.f32 v3, v6;
	v6 =	vld [tilespmem:s23+$0x19A10]  }
0x54a: {  	[tilespmem:s23+$0x15200] =	vst v5;
	v5 =	vld [tilespmem:s23+$0x9220]  }
0x54b: {  	[tilespmem:s23+$0x19A00] =	vst v3;
	v3 =	vadd.f32 v10, v4;
	v7 =	vld [tilespmem:s23+$0xC220]  }
0x54c: {  	v9 =	vadd.f32 v9, v4;
	v10 =	vld [tilespmem:s23+$0x10A20]  }
0x54d: {  	[tilespmem:s23+$0xC210] =	vst v3;
	v3 =	vadd.f32 v8, v4;
	v8 =	vld [tilespmem:s23+$0x15220]  }
0x54e: {  	[tilespmem:s23+$0x10A10] =	vst v9;
	v4 =	vadd.f32 v6, v4;
	v6 =	vld [tilespmem:s23+$0x19A20]  }
0x54f: {  	[tilespmem:s23+$0x15210] =	vst v3;
	v3 =	vld [tilespmem:s23+$0x9230]  }
0x550: {  	[tilespmem:s23+$0x19A10] =	vst v4;
	v4 =	vadd.f32 v7, v5;
	v7 =	vld [tilespmem:s23+$0xC230]  }
0x551: {  	v9 =	vadd.f32 v10, v5;
	v10 =	vld [tilespmem:s23+$0x10A30]  }
0x552: {  	[tilespmem:s23+$0xC220] =	vst v4;
	v4 =	vadd.f32 v8, v5;
	v8 =	vld [tilespmem:s23+$0x15230]  }
0x553: {  	[tilespmem:s23+$0x10A20] =	vst v9;
	v5 =	vadd.f32 v6, v5;
	v6 =	vld [tilespmem:s23+$0x19A30]  }
0x554: {  	[tilespmem:s23+$0x15220] =	vst v4;
	v4 =	vld [tilespmem:s23+$0x9240]  }
0x555: {  	[tilespmem:s23+$0x19A20] =	vst v5;
	v5 =	vadd.f32 v7, v3;
	v7 =	vld [tilespmem:s23+$0xC240]  }
0x556: {  	v9 =	vadd.f32 v10, v3;
	v10 =	vld [tilespmem:s23+$0x10A40]  }
0x557: {  	[tilespmem:s23+$0xC230] =	vst v5;
	v5 =	vadd.f32 v8, v3;
	v8 =	vld [tilespmem:s23+$0x15240]  }
0x558: {  	[tilespmem:s23+$0x10A30] =	vst v9;
	v3 =	vadd.f32 v6, v3;
	v6 =	vld [tilespmem:s23+$0x19A40]  }
0x559: {  	[tilespmem:s23+$0x15230] =	vst v5;
	v9 =	vld [tilespmem:s23+$0x9250]  }
0x55a: {  	[tilespmem:s23+$0x19A30] =	vst v3;
	v3 =	vadd.f32 v7, v4;
	v5 =	vld [tilespmem:s23+$0xC250]  }
0x55b: {  	v7 =	vadd.f32 v10, v4;
	v10 =	vld [tilespmem:s23+$0x10A50]  }
0x55c: {  	[tilespmem:s23+$0xC240] =	vst v3;
	v3 =	vadd.f32 v8, v4;
	v11 =	vld [tilespmem:s23+$0x15250]  }
0x55d: {  	[tilespmem:s23+$0x10A40] =	vst v7;
	v4 =	vadd.f32 v6, v4;
	v6 =	vld [tilespmem:s23+$0x19A50]  }
0x55e: {  	[tilespmem:s23+$0x15240] =	vst v3;
	v3 =	vld [tilespmem:s23+$0x9260]  }
0x55f: {  	[tilespmem:s23+$0x19A40] =	vst v4;
	v4 =	vadd.f32 v5, v9;
	v7 =	vld [tilespmem:s23+$0xC260]  }
.Ltmp12:
0x560: {  	v10 =	vadd.f32 v10, v9;
	v8 =	vld [tilespmem:s23+$0x10A60];
	(pc) =	sbr.rel @p0 .LBB2_27-.Ltmp12, $4  }
0x561: {  	[tilespmem:s23+$0xC250] =	vst v4;
	v4 =	vadd.f32 v11, v9;
	v5 =	vld [tilespmem:s23+$0x15260]  }
0x562: {  	[tilespmem:s23+$0x10A50] =	vst v10;
	v9 =	vadd.f32 v6, v9;
	v6 =	vld [tilespmem:s23+$0x19A60]  }
0x563: {  	[tilespmem:s23+$0x15250] =	vst v4;
	v4 =	vld [tilespmem:s23+$0xC270]  }
0x564: {  	s2 =	sadd.s32 $0x1000, s2;
	[tilespmem:s23+$0x19A50] =	vst v9;
	v9 =	vadd.f32 v7, v3;
	v7 =	vld [tilespmem:s23+$0x10A70]  }
0x565: {  	v8 =	vadd.f32 v8, v3;
	v10 =	vld [tilespmem:s23+$0x15270]  }
0x566: {  	s20 =	sadd.s32 $0x1, s20;
	[tilespmem:s23+$0xC260] =	vst v9;
	v5 =	vadd.f32 v5, v3  }
0x567: {  	p0 =	sne.s32 s20, $0x8;
	[tilespmem:s23+$0x10A60] =	vst v8;
	v3 =	vadd.f32 v6, v3  }
.Ltmp13:
0x568: {  	[tilespmem:s23+$0x15260] =	vst v5;
	v4 =	vadd.f32 v4, v2;
	(pc) =	sbr.rel @p0 .LBB2_26-.Ltmp13, $4  }
0x569: {  	[tilespmem:s23+$0x19A60] =	vst v3;
	v3 =	vadd.f32 v7, v2  }
0x56a: {  	[tilespmem:s23+$0xC270] =	vst v4;
	v2 =	vadd.f32 v10, v2  }
0x56b: {  	[tilespmem:s23+$0x10A70] =	vst v3  }
0x56c: {  	s16 =	sadd.s32 $0x200, s16;
	[tilespmem:s23+$0x15270] =	vst v2  }
0x56d: {  	s0 =	rddreg [dreg:$0x16]  }
0x56e: {  	s16 =	simm.s32 $0x0;
	s7 =	sld [smem:$0x7F8]  }
0x56f: {  	[hbm4b:s0+s16] =	stream.linear.scatter [tilespmem:s24], [sflag:$0xF], $0x1800, $0x38;
	[tilespmem:$0x1E200] =	vst v63  }
0x570: {  	s20 =	sld [smem:$0x7F9]  }
0x571: {  	[hbm4b:s7+s16] =	stream.linear.scatter [tilespmem:s25], [sflag:$0x12], $0x1800, $0x38;
	[tilespmem:$0x1E200] =	vst v63  }
0x572: {  	s23 =	sld [smem:$0x7FA]  }
0x573: {  	[hbm4b:s20+s16] =	stream.linear.scatter [tilespmem:s26], [sflag:$0x15], $0x1800, $0x38;
	[tilespmem:$0x1E200] =	vst v63  }
0x574: {  	_ = 	snop  }
0x575: {  	[hbm4b:s23+s16] =	stream.linear.scatter [tilespmem:s28], [sflag:$0x18], $0x1800, $0x38;
	[tilespmem:$0x1E200] =	vst v63  }
0x576: {  	_ =	swait.ge [sflag:s14], $0x1800  }
0x577: {  	[sflag:s14] =	ssyncset.done $0x0  }
0x578: {  	[sflag:s14] =	ssyncadd.s32 $0xFFFFE800  }
0x579: {  	_ =	swait.ge [sflag:s15], $0x1800  }
0x57a: {  	[sflag:s15] =	ssyncset.done $0x0  }
0x57b: {  	[sflag:s15] =	ssyncadd.s32 $0xFFFFE800  }
0x57c: {  	_ =	swait.ge [sflag:s17], $0x1800  }
0x57d: {  	[sflag:s17] =	ssyncset.done $0x0  }
0x57e: {  	[sflag:s17] =	ssyncadd.s32 $0xFFFFE800  }
0x57f: {  	_ =	swait.ge [sflag:s18], $0x1800  }
0x580: {  	[sflag:s18] =	ssyncset.done $0x0  }
0x581: {  	s20 =	simm.s32 $0x0;
	[sflag:s18] =	ssyncadd.s32 $0xFFFFE800  }
.LBB2_30:
0x582: {  	s23 =	sshra.s32 s16, $0x2  }
0x583: {  	v2 =	vld [tilespmem:s23+$0xAA70]  }
0x584: {  	v3 =	vld [tilespmem:s23+$0x1B270]  }
0x585: {  	v4 =	vld [tilespmem:s23+$0xAA00]  }
0x586: {  	v5 =	vld [tilespmem:s23+$0xDA00]  }
0x587: {  	v6 =	vld [tilespmem:s23+$0x12200]  }
0x588: {  	v7 =	vld [tilespmem:s23+$0x16A00]  }
0x589: {  	v8 =	vld [tilespmem:s23+$0x1B200]  }
0x58a: {  	v9 =	vld [tilespmem:s23+$0xAA10]  }
0x58b: {  	v10 =	vld [tilespmem:s23+$0xDA10]  }
0x58c: {  	v11 =	vld [tilespmem:s23+$0x12210]  }
0x58d: {  	v12 =	vld [tilespmem:s23+$0x16A10]  }
0x58e: {  	v13 =	vld [tilespmem:s23+$0x1B210]  }
0x58f: {  	v14 =	vld [tilespmem:s23+$0xAA20];
	v3 =	vadd.f32 v3, v2  }
0x590: {  	v15 =	vld [tilespmem:s23+$0xDA20];
	v5 =	vadd.f32 v5, v4  }
0x591: {  	v63 =	vld [tilespmem:s23+$0x1B230];
	[tilespmem:s23+$0x1B270] =	vst v3;
	v3 =	vadd.f32 v6, v4  }
0x592: {  	v6 =	vld [tilespmem:s23+$0x12220];
	[tilespmem:s23+$0xDA00] =	vst v5;
	v5 =	vadd.f32 v7, v4  }
0x593: {  	v7 =	vld [tilespmem:s23+$0x16A20];
	[tilespmem:s23+$0x12200] =	vst v3;
	v3 =	vadd.f32 v8, v4  }
0x594: {  	v4 =	vld [tilespmem:s23+$0x1B220];
	[tilespmem:s23+$0x16A00] =	vst v5;
	v5 =	vadd.f32 v10, v9  }
0x595: {  	v8 =	vld [tilespmem:s23+$0xAA30];
	[tilespmem:s23+$0x1B200] =	vst v3;
	v3 =	vadd.f32 v11, v9  }
0x596: {  	v10 =	vld [tilespmem:s23+$0xDA30];
	[tilespmem:s23+$0xDA10] =	vst v5;
	v5 =	vadd.f32 v12, v9  }
0x597: {  	v11 =	vld [tilespmem:s23+$0x12230];
	[tilespmem:s23+$0x12210] =	vst v3;
	v3 =	vadd.f32 v13, v9  }
0x598: {  	v9 =	vld [tilespmem:s23+$0x16A30];
	[tilespmem:s23+$0x16A10] =	vst v5;
	v5 =	vadd.f32 v15, v14  }
0x599: {  	[tilespmem:s23+$0x1B210] =	vst v3;
	v3 =	vadd.f32 v6, v14;
	v6 =	vld [tilespmem:s23+$0xAA40]  }
0x59a: {  	[tilespmem:s23+$0xDA20] =	vst v5;
	v5 =	vadd.f32 v7, v14;
	v7 =	vld [tilespmem:s23+$0xDA40]  }
0x59b: {  	[tilespmem:s23+$0x12220] =	vst v3;
	v3 =	vadd.f32 v4, v14;
	v4 =	vld [tilespmem:s23+$0x12240]  }
0x59c: {  	[tilespmem:s23+$0x16A20] =	vst v5;
	v5 =	vadd.f32 v10, v8;
	v10 =	vld [tilespmem:s23+$0x16A40]  }
0x59d: {  	[tilespmem:s23+$0x1B220] =	vst v3;
	v3 =	vadd.f32 v11, v8;
	v11 =	vld [tilespmem:s23+$0x1B240]  }
0x59e: {  	[tilespmem:s23+$0xDA30] =	vst v5;
	v5 =	vadd.f32 v9, v8;
	v9 =	vld [tilespmem:s23+$0xAA50]  }
0x59f: {  	[tilespmem:s23+$0x12230] =	vst v3;
	v3 =	vadd.f32 v63, v8;
	v8 =	vld [tilespmem:s23+$0xDA50]  }
0x5a0: {  	[tilespmem:s23+$0x16A30] =	vst v5;
	v5 =	vadd.f32 v7, v6;
	v7 =	vld [tilespmem:s23+$0x12250]  }
0x5a1: {  	[tilespmem:s23+$0x1B230] =	vst v3;
	v3 =	vadd.f32 v4, v6;
	v4 =	vld [tilespmem:s23+$0x16A50]  }
0x5a2: {  	[tilespmem:s23+$0xDA40] =	vst v5;
	v5 =	vadd.f32 v10, v6;
	v10 =	vld [tilespmem:s23+$0x1B250]  }
0x5a3: {  	v6 =	vadd.f32 v11, v6;
	v11 =	vld [tilespmem:s23+$0xDA60];
	[tilespmem:s23+$0x12240] =	vst v3  }
0x5a4: {  	v3 =	vld [tilespmem:s23+$0xAA60];
	[tilespmem:s23+$0x16A40] =	vst v5;
	v5 =	vadd.f32 v8, v9  }
0x5a5: {  	[tilespmem:s23+$0x1B240] =	vst v6;
	v6 =	vadd.f32 v7, v9;
	v8 =	vld [tilespmem:s23+$0x12260]  }
0x5a6: {  	[tilespmem:s23+$0xDA50] =	vst v5;
	v4 =	vadd.f32 v4, v9;
	v5 =	vld [tilespmem:s23+$0x16A60]  }
0x5a7: {  	[tilespmem:s23+$0x12250] =	vst v6;
	v7 =	vadd.f32 v10, v9;
	v6 =	vld [tilespmem:s23+$0x1B260]  }
0x5a8: {  	[tilespmem:s23+$0x16A50] =	vst v4;
	v4 =	vld [tilespmem:s23+$0xDA70]  }
0x5a9: {  	s0 =	simm.s32 $0x0;
	s2 =	sadd.s32 $0x1000, s16;
	[tilespmem:s23+$0x1B250] =	vst v7;
	v9 =	vadd.f32 v11, v3;
	v7 =	vld [tilespmem:s23+$0x12270]  }
.LBB2_31:
0x5aa: {  	s7 =	sshra.s32 s2, $0x2;
	v8 =	vadd.f32 v8, v3;
	v10 =	vld [tilespmem:s23+$0x16A70]  }
0x5ab: {  	s0 =	sadd.s32 $0x80, s0;
	v11 =	vld [tilespmem:s7+$0xAA70];
	[tilespmem:s23+$0xDA60] =	vst v9;
	v5 =	vadd.f32 v5, v3  }
0x5ac: {  	p0 =	slt.u32 s0, $0x280;
	v9 =	vld [tilespmem:s7+$0x1B270];
	[tilespmem:s23+$0x12260] =	vst v8;
	v3 =	vadd.f32 v6, v3  }
0x5ad: {  	v6 =	vld [tilespmem:s7+$0xAA00];
	[tilespmem:s23+$0x16A60] =	vst v5;
	v4 =	vadd.f32 v4, v2  }
0x5ae: {  	v5 =	vld [tilespmem:s7+$0xDA00];
	[tilespmem:s23+$0x1B260] =	vst v3;
	v3 =	vadd.f32 v7, v2  }
0x5af: {  	v7 =	vld [tilespmem:s7+$0x12200];
	[tilespmem:s23+$0xDA70] =	vst v4;
	v4 =	vadd.f32 v10, v2  }
0x5b0: {  	v8 =	vld [tilespmem:s7+$0x16A00];
	[tilespmem:s23+$0x12270] =	vst v3;
	v2 =	vmov v11  }
0x5b1: {  	v3 =	vld [tilespmem:s7+$0x1B200];
	v9 =	vadd.f32 v9, v2;
	[tilespmem:s23+$0x16A70] =	vst v4;
	s23 =	smov.u32 s7  }
0x5b2: {  	v4 =	vld [tilespmem:s23+$0xAA10]  }
0x5b3: {  	v5 =	vadd.f32 v5, v6;
	v10 =	vld [tilespmem:s23+$0xDA10];
	[tilespmem:s23+$0x1B270] =	vst v9  }
0x5b4: {  	v7 =	vadd.f32 v7, v6;
	v9 =	vld [tilespmem:s23+$0x12210]  }
0x5b5: {  	[tilespmem:s23+$0xDA00] =	vst v5;
	v5 =	vadd.f32 v8, v6;
	v8 =	vld [tilespmem:s23+$0x16A10]  }
0x5b6: {  	[tilespmem:s23+$0x12200] =	vst v7;
	v3 =	vadd.f32 v3, v6;
	v6 =	vld [tilespmem:s23+$0x1B210]  }
0x5b7: {  	[tilespmem:s23+$0x16A00] =	vst v5;
	v5 =	vld [tilespmem:s23+$0xAA20]  }
0x5b8: {  	[tilespmem:s23+$0x1B200] =	vst v3;
	v3 =	vadd.f32 v10, v4;
	v7 =	vld [tilespmem:s23+$0xDA20]  }
0x5b9: {  	v9 =	vadd.f32 v9, v4;
	v10 =	vld [tilespmem:s23+$0x12220]  }
0x5ba: {  	[tilespmem:s23+$0xDA10] =	vst v3;
	v3 =	vadd.f32 v8, v4;
	v8 =	vld [tilespmem:s23+$0x16A20]  }
0x5bb: {  	[tilespmem:s23+$0x12210] =	vst v9;
	v4 =	vadd.f32 v6, v4;
	v6 =	vld [tilespmem:s23+$0x1B220]  }
0x5bc: {  	[tilespmem:s23+$0x16A10] =	vst v3;
	v3 =	vld [tilespmem:s23+$0xAA30]  }
0x5bd: {  	[tilespmem:s23+$0x1B210] =	vst v4;
	v4 =	vadd.f32 v7, v5;
	v7 =	vld [tilespmem:s23+$0xDA30]  }
0x5be: {  	v9 =	vadd.f32 v10, v5;
	v10 =	vld [tilespmem:s23+$0x12230]  }
0x5bf: {  	[tilespmem:s23+$0xDA20] =	vst v4;
	v4 =	vadd.f32 v8, v5;
	v8 =	vld [tilespmem:s23+$0x16A30]  }
0x5c0: {  	[tilespmem:s23+$0x12220] =	vst v9;
	v5 =	vadd.f32 v6, v5;
	v6 =	vld [tilespmem:s23+$0x1B230]  }
0x5c1: {  	[tilespmem:s23+$0x16A20] =	vst v4;
	v4 =	vld [tilespmem:s23+$0xAA40]  }
0x5c2: {  	[tilespmem:s23+$0x1B220] =	vst v5;
	v5 =	vadd.f32 v7, v3;
	v7 =	vld [tilespmem:s23+$0xDA40]  }
0x5c3: {  	v9 =	vadd.f32 v10, v3;
	v10 =	vld [tilespmem:s23+$0x12240]  }
0x5c4: {  	[tilespmem:s23+$0xDA30] =	vst v5;
	v5 =	vadd.f32 v8, v3;
	v8 =	vld [tilespmem:s23+$0x16A40]  }
0x5c5: {  	[tilespmem:s23+$0x12230] =	vst v9;
	v3 =	vadd.f32 v6, v3;
	v6 =	vld [tilespmem:s23+$0x1B240]  }
0x5c6: {  	[tilespmem:s23+$0x16A30] =	vst v5;
	v9 =	vld [tilespmem:s23+$0xAA50]  }
0x5c7: {  	[tilespmem:s23+$0x1B230] =	vst v3;
	v3 =	vadd.f32 v7, v4;
	v5 =	vld [tilespmem:s23+$0xDA50]  }
0x5c8: {  	v7 =	vadd.f32 v10, v4;
	v10 =	vld [tilespmem:s23+$0x12250]  }
0x5c9: {  	[tilespmem:s23+$0xDA40] =	vst v3;
	v3 =	vadd.f32 v8, v4;
	v11 =	vld [tilespmem:s23+$0x16A50]  }
0x5ca: {  	[tilespmem:s23+$0x12240] =	vst v7;
	v4 =	vadd.f32 v6, v4;
	v6 =	vld [tilespmem:s23+$0x1B250]  }
0x5cb: {  	[tilespmem:s23+$0x16A40] =	vst v3;
	v3 =	vld [tilespmem:s23+$0xAA60]  }
0x5cc: {  	[tilespmem:s23+$0x1B240] =	vst v4;
	v4 =	vadd.f32 v5, v9;
	v7 =	vld [tilespmem:s23+$0xDA60]  }
.Ltmp14:
0x5cd: {  	v10 =	vadd.f32 v10, v9;
	v8 =	vld [tilespmem:s23+$0x12260];
	(pc) =	sbr.rel @p0 .LBB2_31-.Ltmp14, $4  }
0x5ce: {  	[tilespmem:s23+$0xDA50] =	vst v4;
	v4 =	vadd.f32 v11, v9;
	v5 =	vld [tilespmem:s23+$0x16A60]  }
0x5cf: {  	[tilespmem:s23+$0x12250] =	vst v10;
	v9 =	vadd.f32 v6, v9;
	v6 =	vld [tilespmem:s23+$0x1B260]  }
0x5d0: {  	[tilespmem:s23+$0x16A50] =	vst v4;
	v4 =	vld [tilespmem:s23+$0xDA70]  }
0x5d1: {  	s2 =	sadd.s32 $0x1000, s2;
	[tilespmem:s23+$0x1B250] =	vst v9;
	v9 =	vadd.f32 v7, v3;
	v7 =	vld [tilespmem:s23+$0x12270]  }
0x5d2: {  	v8 =	vadd.f32 v8, v3;
	v10 =	vld [tilespmem:s23+$0x16A70]  }
0x5d3: {  	s20 =	sadd.s32 $0x1, s20;
	[tilespmem:s23+$0xDA60] =	vst v9;
	v5 =	vadd.f32 v5, v3  }
0x5d4: {  	p0 =	sne.s32 s20, $0x8;
	[tilespmem:s23+$0x12260] =	vst v8;
	v3 =	vadd.f32 v6, v3  }
.Ltmp15:
0x5d5: {  	[tilespmem:s23+$0x16A60] =	vst v5;
	v4 =	vadd.f32 v4, v2;
	(pc) =	sbr.rel @p0 .LBB2_30-.Ltmp15, $4  }
0x5d6: {  	[tilespmem:s23+$0x1B260] =	vst v3;
	v3 =	vadd.f32 v7, v2  }
0x5d7: {  	[tilespmem:s23+$0xDA70] =	vst v4;
	v2 =	vadd.f32 v10, v2  }
0x5d8: {  	[tilespmem:s23+$0x12270] =	vst v3  }
0x5d9: {  	s16 =	sadd.s32 $0x200, s16;
	[tilespmem:s23+$0x16A70] =	vst v2  }
0x5da: {  	s0 =	rddreg [dreg:$0x17]  }
0x5db: {  	s7 =	sld [smem:$0x7FB]  }
0x5dc: {  	[hbm4b:s0+s3] =	stream.linear.scatter [tilespmem:s29], [sflag:$0x10], $0x1800, $0x38;
	[tilespmem:$0x1E200] =	vst v63  }
0x5dd: {  	s16 =	sld [smem:$0x7FC]  }
0x5de: {  	[hbm4b:s7+s3] =	stream.linear.scatter [tilespmem:s30], [sflag:$0x13], $0x1800, $0x38;
	[tilespmem:$0x1E200] =	vst v63  }
0x5df: {  	s20 =	sld [smem:$0x7FD]  }
0x5e0: {  	[hbm4b:s16+s3] =	stream.linear.scatter [tilespmem:s31], [sflag:$0x16], $0x1800, $0x38;
	[tilespmem:$0x1E200] =	vst v63  }
0x5e1: {  	s23 =	simm.s32 $0x11;
	s7 =	simm.s32 $0x1B200  }
0x5e2: {  	[hbm4b:s20+s3] =	stream.linear.scatter [tilespmem:s7], [sflag:$0x19], $0x1800, $0x38;
	[tilespmem:$0x1E200] =	vst v63  }
0x5e3: {  	_ =	swait.ge [sflag:s23], $0x1800  }
0x5e4: {  	[sflag:s23] =	ssyncset.done $0x0  }
0x5e5: {  	s2 =	simm.s32 $0xF;
	[sflag:s23] =	ssyncadd.s32 $0xFFFFE800  }
0x5e6: {  	_ =	swait.ge [sflag:s2], $0x1800  }
0x5e7: {  	[sflag:s2] =	ssyncset.done $0x0  }
0x5e8: {  	[sflag:s2] =	ssyncadd.s32 $0xFFFFE800  }
0x5e9: {  	_ =	swait.ge [sflag:s5], $0x1800  }
0x5ea: {  	[sflag:s5] =	ssyncset.done $0x0  }
0x5eb: {  	s16 =	simm.s32 $0x14;
	[sflag:s5] =	ssyncadd.s32 $0xFFFFE800  }
0x5ec: {  	_ =	swait.ge [sflag:s16], $0x1800  }
0x5ed: {  	[sflag:s16] =	ssyncset.done $0x0  }
0x5ee: {  	s20 =	simm.s32 $0x12;
	[sflag:s16] =	ssyncadd.s32 $0xFFFFE800  }
0x5ef: {  	_ =	swait.ge [sflag:s20], $0x1800  }
0x5f0: {  	[sflag:s20] =	ssyncset.done $0x0  }
0x5f1: {  	[sflag:s20] =	ssyncadd.s32 $0xFFFFE800  }
0x5f2: {  	_ =	swait.ge [sflag:s10], $0x1800  }
0x5f3: {  	[sflag:s10] =	ssyncset.done $0x0  }
0x5f4: {  	s23 =	simm.s32 $0x17;
	[sflag:s10] =	ssyncadd.s32 $0xFFFFE800  }
0x5f5: {  	_ =	swait.ge [sflag:s23], $0x1800  }
0x5f6: {  	[sflag:s23] =	ssyncset.done $0x0  }
0x5f7: {  	s2 =	simm.s32 $0x15;
	[sflag:s23] =	ssyncadd.s32 $0xFFFFE800  }
0x5f8: {  	_ =	swait.ge [sflag:s2], $0x1800  }
0x5f9: {  	[sflag:s2] =	ssyncset.done $0x0  }
0x5fa: {  	[sflag:s2] =	ssyncadd.s32 $0xFFFFE800  }
0x5fb: {  	_ =	swait.ge [sflag:s21], $0x1800  }
0x5fc: {  	[sflag:s21] =	ssyncset.done $0x0  }
0x5fd: {  	s16 =	simm.s32 $0x1A;
	[sflag:s21] =	ssyncadd.s32 $0xFFFFE800  }
0x5fe: {  	_ =	swait.ge [sflag:s16], $0x1800  }
0x5ff: {  	[sflag:s16] =	ssyncset.done $0x0  }
0x600: {  	s20 =	simm.s32 $0x18;
	[sflag:s16] =	ssyncadd.s32 $0xFFFFE800  }
0x601: {  	_ =	swait.ge [sflag:s20], $0x1800  }
0x602: {  	[sflag:s20] =	ssyncset.done $0x0  }
0x603: {  	[sflag:s20] =	ssyncadd.s32 $0xFFFFE800  }
0x604: {  	_ =	swait.ge [sflag:s22], $0x1800  }
0x605: {  	s13 =	sadd.s32 $0x1, s13;
	s23 =	rddreg [dreg:$0x18]  }
0x606: {  	p0 =	sne.s32 s13, s23  }
.Ltmp16:
0x607: {  	_ = 	snop;
	(pc) =	sbr.rel @p0 .LBB2_1-.Ltmp16, $3  }
0x608: {  	_ =	sdelay $0x1  }
0x609: {  	[sflag:s22] =	ssyncset.done $0x0  }
0x60a: {  	[sflag:s22] =	ssyncadd.s32 $0xFFFFE800  }
0x60b: {  	_ =	sfence.sel $0x180000  }
0x60c: {  	[bflag:$0x0] =	sbarrier.arrive $0xFFFF  }
0x60d: {  	_ =	strace $0x90000047  }
0x60e: {  	s0 =	stileid.u32;
	[bflag:$0x2] =	sbarrier.arrive $0xFFFF  }
0x60f: {  	p0 =	sne.s32 s0, $0x0;
	s0 =	rddreg [dreg:$0x4]  }
0x610: {  	s0 =	sadd.s32 @!p0 $0x100000, s0  }
0x611: {  	[sflag:s0] =	ssyncadd.tile.s32 @!p0 $0x1;
	_ =	shalt  }
.Lfunc_end2:
_tile_overlayer_lowered:
.L_overlay_start_2:
0x612: {  	(tag) =	ssettag $0x2  }
0x613: {  	s0 =	rddreg [dreg:$0x0];
	s2 =	stileid.u32  }
0x614: {  	s1 =	rddreg [dreg:$0x1];
	p0 =	sne.s32 s2, $0x0  }
0x615: {  	s3 =	rddreg [dreg:$0x2];
	[bflag:$0x3] =	sbarrier.arrive $0xFFFF;
	s2 =	simm.s32 @!p0 $0x1C1B  }
0x616: {  	[timem:s3], [sflag:s2] =	dma.local @!p0 [hbm:s0], s1  }
0x617: {  	s0 =	simm.s32 @!p0 $0x1B  }
0x618: {  	_ =	swait.ge @!p0 [sflag:s0], s1  }
0x619: {  	s1 =	ssub.s32 @!p0 $0x0, s1;
	[sflag:s0] =	ssyncset.done @!p0 $0x0  }
0x61a: {  	[sflag:s0] =	ssyncadd.s32 @!p0 s1  }
0x61b: {  	[bflag:$0x3] =	sbarrier.arrive $0xFFFF  }
0x61c: {  	_ =	shalt  }

</sc_bundles>
